<compile_context>
chip_gen: v7x
topology: tpu7x:2x2x1
jax: 0.10.2.dev20260603
libtpu: 0.0.44.dev20260713+nightly
codegen_flags: <defaults>
</compile_context>

<pallas_src>
import functools

import jax
import jax.numpy as jnp
from jax import lax
from jax.experimental import pallas as pl
from jax.experimental.pallas import tpu as pltpu
from jax.experimental.pallas import tpu_sc as plsc

B, T = 16384, 200
NBINS = 128
HIDDEN = 256
FEAT = 128

_info = plsc.get_sparse_core_info()
_NC, _NS = _info.num_cores, _info.num_subcores
_NW = _NC * _NS
_SB = 256
_ROWS_PER_W = B // _NW
_NSB = _ROWS_PER_W // _SB
_UNROLL = 8


def _sc_histogram(tokens, zeros2d):
    mesh = plsc.VectorSubcoreMesh(core_axis_name="c", subcore_axis_name="s")

    @functools.partial(
        pl.kernel,
        mesh=mesh,
        out_type=jax.ShapeDtypeStruct((B, NBINS), jnp.float32),
        scratch_types=[
            pltpu.VMEM((_SB, T), jnp.int32),
            pltpu.VMEM((_SB, NBINS), jnp.float32),
        ],
        compiler_params=pltpu.CompilerParams(needs_layout_passes=False),
    )
    def hist_kernel(tok_hbm, zero_hbm, counts_hbm, tok_v, hist_v):
        wid = lax.axis_index("s") * _NC + lax.axis_index("c")
        lane = lax.iota(jnp.int32, 16)
        ones = jnp.ones((16,), jnp.float32)

        for sb in range(_NSB):
            base = (wid * _NSB + sb) * _SB
            pltpu.sync_copy(tok_hbm.at[pl.ds(base, _SB)], tok_v)
            pltpu.sync_copy(zero_hbm, hist_v)

            for blk in range(_SB // 16):
                rows = blk * 16 + lane

                @plsc.parallel_loop(0, T, unroll=_UNROLL)
                def t_body(t):
                    v = plsc.load_gather(tok_v, [rows, t + jnp.zeros((16,), jnp.int32)])
                    p = jnp.bitwise_and(v, NBINS - 1)
                    plsc.addupdate_scatter(hist_v, [rows, p], ones)

            pltpu.sync_copy(hist_v, counts_hbm.at[pl.ds(base, _SB)])

    return hist_kernel(tokens, zeros2d)


_R = 512


def _tc_mlp(tokens, counts, harmony, w1p, w1r, w1h, b1, w2, b2):
    def mlp_body(tok_ref, counts_ref, har_ref, w1p_ref, w1r_ref, w1h_ref,
                 b1_ref, w2_ref, b2_ref, out_ref):
        tf = tok_ref[...].astype(jnp.float32)
        mean = jnp.sum(tf, axis=1, keepdims=True) * (1.0 / T)
        d = tf - mean
        var = jnp.sum(d * d, axis=1, keepdims=True) * (1.0 / (T - 1))
        std = jnp.sqrt(var)
        cn = counts_ref[...] * (1.0 / T)
        h = jnp.dot(cn, w1p_ref[...], preferred_element_type=jnp.float32)
        h += mean * w1r_ref[0:1, :]
        h += std * w1r_ref[1:2, :]
        h += jnp.dot(har_ref[...], w1h_ref[...], preferred_element_type=jnp.float32)
        h += b1_ref[...]
        h = jnp.maximum(h, 0.0)
        out_ref[...] = (
            jnp.dot(h, w2_ref[...], preferred_element_type=jnp.float32) + b2_ref[...]
        )

    return pl.pallas_call(
        mlp_body,
        grid=(B // _R,),
        in_specs=[
            pl.BlockSpec((_R, T), lambda i: (i, 0)),
            pl.BlockSpec((_R, NBINS), lambda i: (i, 0)),
            pl.BlockSpec((_R, 12), lambda i: (i, 0)),
            pl.BlockSpec((NBINS, HIDDEN), lambda i: (0, 0)),
            pl.BlockSpec((2, HIDDEN), lambda i: (0, 0)),
            pl.BlockSpec((12, HIDDEN), lambda i: (0, 0)),
            pl.BlockSpec((1, HIDDEN), lambda i: (0, 0)),
            pl.BlockSpec((HIDDEN, FEAT), lambda i: (0, 0)),
            pl.BlockSpec((1, FEAT), lambda i: (0, 0)),
        ],
        out_specs=pl.BlockSpec((_R, FEAT), lambda i: (i, 0)),
        out_shape=jax.ShapeDtypeStruct((B, FEAT), jnp.float32),
    )(tokens, counts, harmony, w1p, w1r, w1h, b1, w2, b2)


def kernel(midi_tokens, W1, b1, W2, b2):
    zeros2d = jnp.zeros((_SB, NBINS), jnp.float32)
    counts = _sc_histogram(midi_tokens, zeros2d)
    harmony = jax.random.uniform(jax.random.key(42), (B, 12), dtype=jnp.float32)
    return _tc_mlp(
        midi_tokens,
        counts,
        harmony,
        W1[:NBINS],
        W1[NBINS:NBINS + 2],
        W1[NBINS + 10:NBINS + 22],
        b1.reshape(1, HIDDEN),
        W2,
        b2.reshape(1, FEAT),
    )

# --- scband reference (transcript-rebuilt; emitter-appended) ---
"""Pipeline reference for scband-midistatistical-features-15152644621094 (READ-ONLY COPY).

The authoritative reference and input builder live on the scoring server;
editing this copy changes nothing except your own understanding.
"""

import jax, jax.numpy as jnp
import numpy as np

B, T = 16384, 200
VOCAB = 390
STATS_DIM = 128 + 10 + 12  # actual concatenated dim in forward (see notes)
HIDDEN = 256
FEAT = 128


def setup_inputs(seed: int = 0) -> dict:
    key = jax.random.key(seed)
    k1, k2, k3, k4, k5 = jax.random.split(key, 5)
    midi_tokens = jax.random.randint(k1, (B, T), 0, VOCAB, dtype=jnp.int32)
    W1 = jax.random.normal(k2, (STATS_DIM, HIDDEN), dtype=jnp.float32) * 0.02
    b1 = jnp.zeros((HIDDEN,), dtype=jnp.float32)
    W2 = jax.random.normal(k3, (HIDDEN, FEAT), dtype=jnp.float32) * 0.02
    b2 = jnp.zeros((FEAT,), dtype=jnp.float32)
    return {"midi_tokens": midi_tokens, "W1": W1, "b1": b1, "W2": W2, "b2": b2}


def _pitch_distribution(midi_tokens):
    # torch.histc(v, bins=128, min=0, max=127) on integer pitch values 0..127
    # maps each integer v to bin v (127 clamps into last bin) == bincount.
    pv = jnp.mod(midi_tokens, 128).astype(jnp.int32)
    counts = jax.vmap(lambda t: jnp.bincount(t, length=128))(pv).astype(jnp.float32)
    return counts / (jnp.sum(counts, axis=-1, keepdims=True) + 1e-08)


def _rhythm_features(midi_tokens):
    tf = midi_tokens.astype(jnp.float32)
    mean = jnp.mean(tf, axis=-1)
    std = jnp.std(tf, axis=-1, ddof=1)  # torch .std() is unbiased
    r = jnp.zeros((midi_tokens.shape[0], 10), dtype=jnp.float32)
    r = r.at[:, 0].set(mean)
    r = r.at[:, 1].set(std)
    return r


def _harmony_features(midi_tokens):
    # original uses torch.rand(12) per batch row; deterministic fixed-key analog
    return jax.random.uniform(jax.random.key(42), (midi_tokens.shape[0], 12), dtype=jnp.float32)


def reference(midi_tokens, W1, b1, W2, b2):
    pitch_dist = _pitch_distribution(midi_tokens)
    rhythm = _rhythm_features(midi_tokens)
    harmony = _harmony_features(midi_tokens)
    stats = jnp.concatenate([pitch_dist, rhythm, harmony], axis=-1)
    h = jax.nn.relu(stats @ W1 + b1)
    out = h @ W2 + b2
    return out

if __name__ == "__main__":
    import jax
    _d = setup_inputs()
    print(jax.jit(kernel)(*tuple(_d.values())))

</pallas_src>

<mosaic_0001>
#map = affine_map<(d0, d1) -> (0, 0)>
module attributes {stable_mosaic.version = 14 : i64} {
  func.func @hist_kernel(%arg0: i32, %arg1: i32, %arg2: memref<16384x200xi32, #tpu.memory_space<hbm>>, %arg3: memref<256x128xf32, #tpu.memory_space<hbm>>, %arg4: memref<16384x128xf32, #tpu.memory_space<hbm>>, %arg5: memref<256x200xi32, #tpu.memory_space<vmem>>, %arg6: memref<256x128xf32, #tpu.memory_space<vmem>>) attributes {dimension_semantics = [#tpu.dimension_semantics<core_parallel>, #tpu.dimension_semantics<subcore_parallel>], iteration_bounds = array<i64: 2, 16>, scalar_prefetch = 0 : i64, scratch_operands = 2 : i64, tpu.core_type = #tpu.core_type<sc_vector_subcore>, window_params = [{transform_indices = #map}, {transform_indices = #map}, {transform_indices = #map}]} {
    %mul3A = arith.constant 2 : i32
    %mul3A_0 = arith.muli %arg1, %mul3A : i32
    %add3A = arith.addi %mul3A_0, %arg0 : i32
    %iota3A = tpu.iota {dimensions = array<i32: 0>} : vector<16xi32>
    %broadcast_in_dim3A = arith.constant 1.000000e+00 : f32
    %broadcast_in_dim3A_1 = vector.broadcast %broadcast_in_dim3A : f32 to vector<16xf32>
    %mul3A_2 = arith.constant 2 : i32
    %mul3A_3 = arith.muli %add3A, %mul3A_2 : i32
    %add3A_4 = arith.constant 0 : i32
    %add3A_5 = arith.addi %mul3A_3, %add3A_4 : i32
    %mul3A_6 = arith.constant 256 : i32
    %mul3A_7 = arith.muli %add3A_5, %mul3A_6 : i32
    "tpu.region"() ({
      %run_scoped3A = tpu.sem_alloc : memref<!tpu.dma_semaphore, #tpu.memory_space<semaphore_mem>>
      %dma_start3A = arith.constant 0 : i32
      %dma_start3A_205 = tpu.memref_slice %arg2[%mul3A_7, %dma_start3A] : memref<16384x200xi32, #tpu.memory_space<hbm>> -> memref<256x200xi32, #tpu.memory_space<hbm>>
      %dma_start3A_206 = arith.constant 0 : i32
      %dma_start3A_207 = tpu.memref_slice %arg2[%mul3A_7, %dma_start3A_206] : memref<16384x200xi32, #tpu.memory_space<hbm>> -> memref<256x200xi32, #tpu.memory_space<hbm>>
      tpu.enqueue_dma source(%dma_start3A_207 : memref<256x200xi32, #tpu.memory_space<hbm>>) target(%arg5 : memref<256x200xi32, #tpu.memory_space<vmem>>) target_semaphore(%run_scoped3A : memref<!tpu.dma_semaphore, #tpu.memory_space<semaphore_mem>>)
      %dma_wait3A = arith.constant 0 : i32
      %dma_wait3A_208 = tpu.memref_slice %arg2[%mul3A_7, %dma_wait3A] : memref<16384x200xi32, #tpu.memory_space<hbm>> -> memref<256x200xi32, #tpu.memory_space<hbm>>
      %dma_wait3A_209 = arith.constant 0 : i32
      %dma_wait3A_210 = tpu.memref_slice %arg2[%mul3A_7, %dma_wait3A_209] : memref<16384x200xi32, #tpu.memory_space<hbm>> -> memref<256x200xi32, #tpu.memory_space<hbm>>
      tpu.wait_dma2 semaphore(%run_scoped3A : memref<!tpu.dma_semaphore, #tpu.memory_space<semaphore_mem>>) src(%dma_wait3A_210 : memref<256x200xi32, #tpu.memory_space<hbm>>) dst(%arg5 : memref<256x200xi32, #tpu.memory_space<vmem>>)
      tpu.yield
    }) : () -> ()
    "tpu.region"() ({
      %run_scoped3A = tpu.sem_alloc : memref<!tpu.dma_semaphore, #tpu.memory_space<semaphore_mem>>
      tpu.enqueue_dma source(%arg3 : memref<256x128xf32, #tpu.memory_space<hbm>>) target(%arg6 : memref<256x128xf32, #tpu.memory_space<vmem>>) target_semaphore(%run_scoped3A : memref<!tpu.dma_semaphore, #tpu.memory_space<semaphore_mem>>)
      tpu.wait_dma2 semaphore(%run_scoped3A : memref<!tpu.dma_semaphore, #tpu.memory_space<semaphore_mem>>) src(%arg3 : memref<256x128xf32, #tpu.memory_space<hbm>>) dst(%arg6 : memref<256x128xf32, #tpu.memory_space<vmem>>)
      tpu.yield
    }) : () -> ()
    %add3A_8 = arith.constant 0 : i32
    %add3A_9 = vector.broadcast %add3A_8 : i32 to vector<16xi32>
    %add3A_10 = arith.addi %add3A_9, %iota3A : vector<16xi32>
    %parallel_loop3A = arith.constant 0 : i32
    %parallel_loop3A_11 = arith.constant 200 : i32
    %parallel_loop3A_12 = arith.constant 1 : i32
    scf.for %parallel_loop3A_205 = %parallel_loop3A to %parallel_loop3A_11 step %parallel_loop3A_12  : i32 {
      %parallel_loop3A_206 = arith.constant 0 : i32
      %parallel_loop3A_207 = vector.broadcast %parallel_loop3A_206 : i32 to vector<16xi32>
      %parallel_loop3A_208 = vector.broadcast %parallel_loop3A_205 : i32 to vector<16xi32>
      %parallel_loop3A_209 = arith.addi %parallel_loop3A_208, %parallel_loop3A_207 : vector<16xi32>
      %parallel_loop3A_210 = tpu.vector_load_idx %arg5[%add3A_10, %parallel_loop3A_209] : memref<256x200xi32, #tpu.memory_space<vmem>>[vector<16xi32>, vector<16xi32>], vector<16xi32>,
      %parallel_loop3A_211 = arith.constant 127 : i32
      %parallel_loop3A_212 = vector.broadcast %parallel_loop3A_211 : i32 to vector<16xi32>
      %parallel_loop3A_213 = arith.andi %parallel_loop3A_210, %parallel_loop3A_212 : vector<16xi32>
      tpu.vector_store_idx %arg6[%add3A_10, %parallel_loop3A_213], %broadcast_in_dim3A_1 {add = true} : memref<256x128xf32, #tpu.memory_space<vmem>>[vector<16xi32>, vector<16xi32>], vector<16xf32>,
    } {sc.loop_unroll_factor = 8 : i64, sc.parallel_access}
    %add3A_13 = arith.constant 16 : i32
    %add3A_14 = vector.broadcast %add3A_13 : i32 to vector<16xi32>
    %add3A_15 = arith.addi %add3A_14, %iota3A : vector<16xi32>
    %parallel_loop3A_16 = arith.constant 0 : i32
    %parallel_loop3A_17 = arith.constant 200 : i32
    %parallel_loop3A_18 = arith.constant 1 : i32
    scf.for %parallel_loop3A_205 = %parallel_loop3A_16 to %parallel_loop3A_17 step %parallel_loop3A_18  : i32 {
      %parallel_loop3A_206 = arith.constant 0 : i32
      %parallel_loop3A_207 = vector.broadcast %parallel_loop3A_206 : i32 to vector<16xi32>
      %parallel_loop3A_208 = vector.broadcast %parallel_loop3A_205 : i32 to vector<16xi32>
      %parallel_loop3A_209 = arith.addi %parallel_loop3A_208, %parallel_loop3A_207 : vector<16xi32>
      %parallel_loop3A_210 = tpu.vector_load_idx %arg5[%add3A_15, %parallel_loop3A_209] : memref<256x200xi32, #tpu.memory_space<vmem>>[vector<16xi32>, vector<16xi32>], vector<16xi32>,
      %parallel_loop3A_211 = arith.constant 127 : i32
      %parallel_loop3A_212 = vector.broadcast %parallel_loop3A_211 : i32 to vector<16xi32>
      %parallel_loop3A_213 = arith.andi %parallel_loop3A_210, %parallel_loop3A_212 : vector<16xi32>
      tpu.vector_store_idx %arg6[%add3A_15, %parallel_loop3A_213], %broadcast_in_dim3A_1 {add = true} : memref<256x128xf32, #tpu.memory_space<vmem>>[vector<16xi32>, vector<16xi32>], vector<16xf32>,
    } {sc.loop_unroll_factor = 8 : i64, sc.parallel_access}
    %add3A_19 = arith.constant 32 : i32
    %add3A_20 = vector.broadcast %add3A_19 : i32 to vector<16xi32>
    %add3A_21 = arith.addi %add3A_20, %iota3A : vector<16xi32>
    %parallel_loop3A_22 = arith.constant 0 : i32
    %parallel_loop3A_23 = arith.constant 200 : i32
    %parallel_loop3A_24 = arith.constant 1 : i32
    scf.for %parallel_loop3A_205 = %parallel_loop3A_22 to %parallel_loop3A_23 step %parallel_loop3A_24  : i32 {
      %parallel_loop3A_206 = arith.constant 0 : i32
      %parallel_loop3A_207 = vector.broadcast %parallel_loop3A_206 : i32 to vector<16xi32>
      %parallel_loop3A_208 = vector.broadcast %parallel_loop3A_205 : i32 to vector<16xi32>
      %parallel_loop3A_209 = arith.addi %parallel_loop3A_208, %parallel_loop3A_207 : vector<16xi32>
      %parallel_loop3A_210 = tpu.vector_load_idx %arg5[%add3A_21, %parallel_loop3A_209] : memref<256x200xi32, #tpu.memory_space<vmem>>[vector<16xi32>, vector<16xi32>], vector<16xi32>,
      %parallel_loop3A_211 = arith.constant 127 : i32
      %parallel_loop3A_212 = vector.broadcast %parallel_loop3A_211 : i32 to vector<16xi32>
      %parallel_loop3A_213 = arith.andi %parallel_loop3A_210, %parallel_loop3A_212 : vector<16xi32>
      tpu.vector_store_idx %arg6[%add3A_21, %parallel_loop3A_213], %broadcast_in_dim3A_1 {add = true} : memref<256x128xf32, #tpu.memory_space<vmem>>[vector<16xi32>, vector<16xi32>], vector<16xf32>,
    } {sc.loop_unroll_factor = 8 : i64, sc.parallel_access}
    %add3A_25 = arith.constant 48 : i32
    %add3A_26 = vector.broadcast %add3A_25 : i32 to vector<16xi32>
    %add3A_27 = arith.addi %add3A_26, %iota3A : vector<16xi32>
    %parallel_loop3A_28 = arith.constant 0 : i32
    %parallel_loop3A_29 = arith.constant 200 : i32
    %parallel_loop3A_30 = arith.constant 1 : i32
    scf.for %parallel_loop3A_205 = %parallel_loop3A_28 to %parallel_loop3A_29 step %parallel_loop3A_30  : i32 {
      %parallel_loop3A_206 = arith.constant 0 : i32
      %parallel_loop3A_207 = vector.broadcast %parallel_loop3A_206 : i32 to vector<16xi32>
      %parallel_loop3A_208 = vector.broadcast %parallel_loop3A_205 : i32 to vector<16xi32>
      %parallel_loop3A_209 = arith.addi %parallel_loop3A_208, %parallel_loop3A_207 : vector<16xi32>
      %parallel_loop3A_210 = tpu.vector_load_idx %arg5[%add3A_27, %parallel_loop3A_209] : memref<256x200xi32, #tpu.memory_space<vmem>>[vector<16xi32>, vector<16xi32>], vector<16xi32>,
      %parallel_loop3A_211 = arith.constant 127 : i32
      %parallel_loop3A_212 = vector.broadcast %parallel_loop3A_211 : i32 to vector<16xi32>
      %parallel_loop3A_213 = arith.andi %parallel_loop3A_210, %parallel_loop3A_212 : vector<16xi32>
      tpu.vector_store_idx %arg6[%add3A_27, %parallel_loop3A_213], %broadcast_in_dim3A_1 {add = true} : memref<256x128xf32, #tpu.memory_space<vmem>>[vector<16xi32>, vector<16xi32>], vector<16xf32>,
    } {sc.loop_unroll_factor = 8 : i64, sc.parallel_access}
    %add3A_31 = arith.constant 64 : i32
    %add3A_32 = vector.broadcast %add3A_31 : i32 to vector<16xi32>
    %add3A_33 = arith.addi %add3A_32, %iota3A : vector<16xi32>
    %parallel_loop3A_34 = arith.constant 0 : i32
    %parallel_loop3A_35 = arith.constant 200 : i32
    %parallel_loop3A_36 = arith.constant 1 : i32
    scf.for %parallel_loop3A_205 = %parallel_loop3A_34 to %parallel_loop3A_35 step %parallel_loop3A_36  : i32 {
      %parallel_loop3A_206 = arith.constant 0 : i32
      %parallel_loop3A_207 = vector.broadcast %parallel_loop3A_206 : i32 to vector<16xi32>
      %parallel_loop3A_208 = vector.broadcast %parallel_loop3A_205 : i32 to vector<16xi32>
      %parallel_loop3A_209 = arith.addi %parallel_loop3A_208, %parallel_loop3A_207 : vector<16xi32>
      %parallel_loop3A_210 = tpu.vector_load_idx %arg5[%add3A_33, %parallel_loop3A_209] : memref<256x200xi32, #tpu.memory_space<vmem>>[vector<16xi32>, vector<16xi32>], vector<16xi32>,
      %parallel_loop3A_211 = arith.constant 127 : i32
      %parallel_loop3A_212 = vector.broadcast %parallel_loop3A_211 : i32 to vector<16xi32>
      %parallel_loop3A_213 = arith.andi %parallel_loop3A_210, %parallel_loop3A_212 : vector<16xi32>
      tpu.vector_store_idx %arg6[%add3A_33, %parallel_loop3A_213], %broadcast_in_dim3A_1 {add = true} : memref<256x128xf32, #tpu.memory_space<vmem>>[vector<16xi32>, vector<16xi32>], vector<16xf32>,
    } {sc.loop_unroll_factor = 8 : i64, sc.parallel_access}
    %add3A_37 = arith.constant 80 : i32
    %add3A_38 = vector.broadcast %add3A_37 : i32 to vector<16xi32>
    %add3A_39 = arith.addi %add3A_38, %iota3A : vector<16xi32>
    %parallel_loop3A_40 = arith.constant 0 : i32
    %parallel_loop3A_41 = arith.constant 200 : i32
    %parallel_loop3A_42 = arith.constant 1 : i32
    scf.for %parallel_loop3A_205 = %parallel_loop3A_40 to %parallel_loop3A_41 step %parallel_loop3A_42  : i32 {
      %parallel_loop3A_206 = arith.constant 0 : i32
      %parallel_loop3A_207 = vector.broadcast %parallel_loop3A_206 : i32 to vector<16xi32>
      %parallel_loop3A_208 = vector.broadcast %parallel_loop3A_205 : i32 to vector<16xi32>
      %parallel_loop3A_209 = arith.addi %parallel_loop3A_208, %parallel_loop3A_207 : vector<16xi32>
      %parallel_loop3A_210 = tpu.vector_load_idx %arg5[%add3A_39, %parallel_loop3A_209] : memref<256x200xi32, #tpu.memory_space<vmem>>[vector<16xi32>, vector<16xi32>], vector<16xi32>,
      %parallel_loop3A_211 = arith.constant 127 : i32
      %parallel_loop3A_212 = vector.broadcast %parallel_loop3A_211 : i32 to vector<16xi32>
      %parallel_loop3A_213 = arith.andi %parallel_loop3A_210, %parallel_loop3A_212 : vector<16xi32>
      tpu.vector_store_idx %arg6[%add3A_39, %parallel_loop3A_213], %broadcast_in_dim3A_1 {add = true} : memref<256x128xf32, #tpu.memory_space<vmem>>[vector<16xi32>, vector<16xi32>], vector<16xf32>,
    } {sc.loop_unroll_factor = 8 : i64, sc.parallel_access}
    %add3A_43 = arith.constant 96 : i32
    %add3A_44 = vector.broadcast %add3A_43 : i32 to vector<16xi32>
    %add3A_45 = arith.addi %add3A_44, %iota3A : vector<16xi32>
    %parallel_loop3A_46 = arith.constant 0 : i32
    %parallel_loop3A_47 = arith.constant 200 : i32
    %parallel_loop3A_48 = arith.constant 1 : i32
    scf.for %parallel_loop3A_205 = %parallel_loop3A_46 to %parallel_loop3A_47 step %parallel_loop3A_48  : i32 {
      %parallel_loop3A_206 = arith.constant 0 : i32
      %parallel_loop3A_207 = vector.broadcast %parallel_loop3A_206 : i32 to vector<16xi32>
      %parallel_loop3A_208 = vector.broadcast %parallel_loop3A_205 : i32 to vector<16xi32>
      %parallel_loop3A_209 = arith.addi %parallel_loop3A_208, %parallel_loop3A_207 : vector<16xi32>
      %parallel_loop3A_210 = tpu.vector_load_idx %arg5[%add3A_45, %parallel_loop3A_209] : memref<256x200xi32, #tpu.memory_space<vmem>>[vector<16xi32>, vector<16xi32>], vector<16xi32>,
      %parallel_loop3A_211 = arith.constant 127 : i32
      %parallel_loop3A_212 = vector.broadcast %parallel_loop3A_211 : i32 to vector<16xi32>
      %parallel_loop3A_213 = arith.andi %parallel_loop3A_210, %parallel_loop3A_212 : vector<16xi32>
      tpu.vector_store_idx %arg6[%add3A_45, %parallel_loop3A_213], %broadcast_in_dim3A_1 {add = true} : memref<256x128xf32, #tpu.memory_space<vmem>>[vector<16xi32>, vector<16xi32>], vector<16xf32>,
    } {sc.loop_unroll_factor = 8 : i64, sc.parallel_access}
    %add3A_49 = arith.constant 112 : i32
    %add3A_50 = vector.broadcast %add3A_49 : i32 to vector<16xi32>
    %add3A_51 = arith.addi %add3A_50, %iota3A : vector<16xi32>
    %parallel_loop3A_52 = arith.constant 0 : i32
    %parallel_loop3A_53 = arith.constant 200 : i32
    %parallel_loop3A_54 = arith.constant 1 : i32
    scf.for %parallel_loop3A_205 = %parallel_loop3A_52 to %parallel_loop3A_53 step %parallel_loop3A_54  : i32 {
      %parallel_loop3A_206 = arith.constant 0 : i32
      %parallel_loop3A_207 = vector.broadcast %parallel_loop3A_206 : i32 to vector<16xi32>
      %parallel_loop3A_208 = vector.broadcast %parallel_loop3A_205 : i32 to vector<16xi32>
      %parallel_loop3A_209 = arith.addi %parallel_loop3A_208, %parallel_loop3A_207 : vector<16xi32>
      %parallel_loop3A_210 = tpu.vector_load_idx %arg5[%add3A_51, %parallel_loop3A_209] : memref<256x200xi32, #tpu.memory_space<vmem>>[vector<16xi32>, vector<16xi32>], vector<16xi32>,
      %parallel_loop3A_211 = arith.constant 127 : i32
      %parallel_loop3A_212 = vector.broadcast %parallel_loop3A_211 : i32 to vector<16xi32>
      %parallel_loop3A_213 = arith.andi %parallel_loop3A_210, %parallel_loop3A_212 : vector<16xi32>
      tpu.vector_store_idx %arg6[%add3A_51, %parallel_loop3A_213], %broadcast_in_dim3A_1 {add = true} : memref<256x128xf32, #tpu.memory_space<vmem>>[vector<16xi32>, vector<16xi32>], vector<16xf32>,
    } {sc.loop_unroll_factor = 8 : i64, sc.parallel_access}
    %add3A_55 = arith.constant 128 : i32
    %add3A_56 = vector.broadcast %add3A_55 : i32 to vector<16xi32>
    %add3A_57 = arith.addi %add3A_56, %iota3A : vector<16xi32>
    %parallel_loop3A_58 = arith.constant 0 : i32
    %parallel_loop3A_59 = arith.constant 200 : i32
    %parallel_loop3A_60 = arith.constant 1 : i32
    scf.for %parallel_loop3A_205 = %parallel_loop3A_58 to %parallel_loop3A_59 step %parallel_loop3A_60  : i32 {
      %parallel_loop3A_206 = arith.constant 0 : i32
      %parallel_loop3A_207 = vector.broadcast %parallel_loop3A_206 : i32 to vector<16xi32>
      %parallel_loop3A_208 = vector.broadcast %parallel_loop3A_205 : i32 to vector<16xi32>
      %parallel_loop3A_209 = arith.addi %parallel_loop3A_208, %parallel_loop3A_207 : vector<16xi32>
      %parallel_loop3A_210 = tpu.vector_load_idx %arg5[%add3A_57, %parallel_loop3A_209] : memref<256x200xi32, #tpu.memory_space<vmem>>[vector<16xi32>, vector<16xi32>], vector<16xi32>,
      %parallel_loop3A_211 = arith.constant 127 : i32
      %parallel_loop3A_212 = vector.broadcast %parallel_loop3A_211 : i32 to vector<16xi32>
      %parallel_loop3A_213 = arith.andi %parallel_loop3A_210, %parallel_loop3A_212 : vector<16xi32>
      tpu.vector_store_idx %arg6[%add3A_57, %parallel_loop3A_213], %broadcast_in_dim3A_1 {add = true} : memref<256x128xf32, #tpu.memory_space<vmem>>[vector<16xi32>, vector<16xi32>], vector<16xf32>,
    } {sc.loop_unroll_factor = 8 : i64, sc.parallel_access}
    %add3A_61 = arith.constant 144 : i32
    %add3A_62 = vector.broadcast %add3A_61 : i32 to vector<16xi32>
    %add3A_63 = arith.addi %add3A_62, %iota3A : vector<16xi32>
    %parallel_loop3A_64 = arith.constant 0 : i32
    %parallel_loop3A_65 = arith.constant 200 : i32
    %parallel_loop3A_66 = arith.constant 1 : i32
    scf.for %parallel_loop3A_205 = %parallel_loop3A_64 to %parallel_loop3A_65 step %parallel_loop3A_66  : i32 {
      %parallel_loop3A_206 = arith.constant 0 : i32
      %parallel_loop3A_207 = vector.broadcast %parallel_loop3A_206 : i32 to vector<16xi32>
      %parallel_loop3A_208 = vector.broadcast %parallel_loop3A_205 : i32 to vector<16xi32>
      %parallel_loop3A_209 = arith.addi %parallel_loop3A_208, %parallel_loop3A_207 : vector<16xi32>
      %parallel_loop3A_210 = tpu.vector_load_idx %arg5[%add3A_63, %parallel_loop3A_209] : memref<256x200xi32, #tpu.memory_space<vmem>>[vector<16xi32>, vector<16xi32>], vector<16xi32>,
      %parallel_loop3A_211 = arith.constant 127 : i32
      %parallel_loop3A_212 = vector.broadcast %parallel_loop3A_211 : i32 to vector<16xi32>
      %parallel_loop3A_213 = arith.andi %parallel_loop3A_210, %parallel_loop3A_212 : vector<16xi32>
      tpu.vector_store_idx %arg6[%add3A_63, %parallel_loop3A_213], %broadcast_in_dim3A_1 {add = true} : memref<256x128xf32, #tpu.memory_space<vmem>>[vector<16xi32>, vector<16xi32>], vector<16xf32>,
    } {sc.loop_unroll_factor = 8 : i64, sc.parallel_access}
    %add3A_67 = arith.constant 160 : i32
    %add3A_68 = vector.broadcast %add3A_67 : i32 to vector<16xi32>
    %add3A_69 = arith.addi %add3A_68, %iota3A : vector<16xi32>
    %parallel_loop3A_70 = arith.constant 0 : i32
    %parallel_loop3A_71 = arith.constant 200 : i32
    %parallel_loop3A_72 = arith.constant 1 : i32
    scf.for %parallel_loop3A_205 = %parallel_loop3A_70 to %parallel_loop3A_71 step %parallel_loop3A_72  : i32 {
      %parallel_loop3A_206 = arith.constant 0 : i32
      %parallel_loop3A_207 = vector.broadcast %parallel_loop3A_206 : i32 to vector<16xi32>
      %parallel_loop3A_208 = vector.broadcast %parallel_loop3A_205 : i32 to vector<16xi32>
      %parallel_loop3A_209 = arith.addi %parallel_loop3A_208, %parallel_loop3A_207 : vector<16xi32>
      %parallel_loop3A_210 = tpu.vector_load_idx %arg5[%add3A_69, %parallel_loop3A_209] : memref<256x200xi32, #tpu.memory_space<vmem>>[vector<16xi32>, vector<16xi32>], vector<16xi32>,
      %parallel_loop3A_211 = arith.constant 127 : i32
      %parallel_loop3A_212 = vector.broadcast %parallel_loop3A_211 : i32 to vector<16xi32>
      %parallel_loop3A_213 = arith.andi %parallel_loop3A_210, %parallel_loop3A_212 : vector<16xi32>
      tpu.vector_store_idx %arg6[%add3A_69, %parallel_loop3A_213], %broadcast_in_dim3A_1 {add = true} : memref<256x128xf32, #tpu.memory_space<vmem>>[vector<16xi32>, vector<16xi32>], vector<16xf32>,
    } {sc.loop_unroll_factor = 8 : i64, sc.parallel_access}
    %add3A_73 = arith.constant 176 : i32
    %add3A_74 = vector.broadcast %add3A_73 : i32 to vector<16xi32>
    %add3A_75 = arith.addi %add3A_74, %iota3A : vector<16xi32>
    %parallel_loop3A_76 = arith.constant 0 : i32
    %parallel_loop3A_77 = arith.constant 200 : i32
    %parallel_loop3A_78 = arith.constant 1 : i32
    scf.for %parallel_loop3A_205 = %parallel_loop3A_76 to %parallel_loop3A_77 step %parallel_loop3A_78  : i32 {
      %parallel_loop3A_206 = arith.constant 0 : i32
      %parallel_loop3A_207 = vector.broadcast %parallel_loop3A_206 : i32 to vector<16xi32>
      %parallel_loop3A_208 = vector.broadcast %parallel_loop3A_205 : i32 to vector<16xi32>
      %parallel_loop3A_209 = arith.addi %parallel_loop3A_208, %parallel_loop3A_207 : vector<16xi32>
      %parallel_loop3A_210 = tpu.vector_load_idx %arg5[%add3A_75, %parallel_loop3A_209] : memref<256x200xi32, #tpu.memory_space<vmem>>[vector<16xi32>, vector<16xi32>], vector<16xi32>,
      %parallel_loop3A_211 = arith.constant 127 : i32
      %parallel_loop3A_212 = vector.broadcast %parallel_loop3A_211 : i32 to vector<16xi32>
      %parallel_loop3A_213 = arith.andi %parallel_loop3A_210, %parallel_loop3A_212 : vector<16xi32>
      tpu.vector_store_idx %arg6[%add3A_75, %parallel_loop3A_213], %broadcast_in_dim3A_1 {add = true} : memref<256x128xf32, #tpu.memory_space<vmem>>[vector<16xi32>, vector<16xi32>], vector<16xf32>,
    } {sc.loop_unroll_factor = 8 : i64, sc.parallel_access}
    %add3A_79 = arith.constant 192 : i32
    %add3A_80 = vector.broadcast %add3A_79 : i32 to vector<16xi32>
    %add3A_81 = arith.addi %add3A_80, %iota3A : vector<16xi32>
    %parallel_loop3A_82 = arith.constant 0 : i32
    %parallel_loop3A_83 = arith.constant 200 : i32
    %parallel_loop3A_84 = arith.constant 1 : i32
    scf.for %parallel_loop3A_205 = %parallel_loop3A_82 to %parallel_loop3A_83 step %parallel_loop3A_84  : i32 {
      %parallel_loop3A_206 = arith.constant 0 : i32
      %parallel_loop3A_207 = vector.broadcast %parallel_loop3A_206 : i32 to vector<16xi32>
      %parallel_loop3A_208 = vector.broadcast %parallel_loop3A_205 : i32 to vector<16xi32>
      %parallel_loop3A_209 = arith.addi %parallel_loop3A_208, %parallel_loop3A_207 : vector<16xi32>
      %parallel_loop3A_210 = tpu.vector_load_idx %arg5[%add3A_81, %parallel_loop3A_209] : memref<256x200xi32, #tpu.memory_space<vmem>>[vector<16xi32>, vector<16xi32>], vector<16xi32>,
      %parallel_loop3A_211 = arith.constant 127 : i32
      %parallel_loop3A_212 = vector.broadcast %parallel_loop3A_211 : i32 to vector<16xi32>
      %parallel_loop3A_213 = arith.andi %parallel_loop3A_210, %parallel_loop3A_212 : vector<16xi32>
      tpu.vector_store_idx %arg6[%add3A_81, %parallel_loop3A_213], %broadcast_in_dim3A_1 {add = true} : memref<256x128xf32, #tpu.memory_space<vmem>>[vector<16xi32>, vector<16xi32>], vector<16xf32>,
    } {sc.loop_unroll_factor = 8 : i64, sc.parallel_access}
    %add3A_85 = arith.constant 208 : i32
    %add3A_86 = vector.broadcast %add3A_85 : i32 to vector<16xi32>
    %add3A_87 = arith.addi %add3A_86, %iota3A : vector<16xi32>
    %parallel_loop3A_88 = arith.constant 0 : i32
    %parallel_loop3A_89 = arith.constant 200 : i32
    %parallel_loop3A_90 = arith.constant 1 : i32
    scf.for %parallel_loop3A_205 = %parallel_loop3A_88 to %parallel_loop3A_89 step %parallel_loop3A_90  : i32 {
      %parallel_loop3A_206 = arith.constant 0 : i32
      %parallel_loop3A_207 = vector.broadcast %parallel_loop3A_206 : i32 to vector<16xi32>
      %parallel_loop3A_208 = vector.broadcast %parallel_loop3A_205 : i32 to vector<16xi32>
      %parallel_loop3A_209 = arith.addi %parallel_loop3A_208, %parallel_loop3A_207 : vector<16xi32>
      %parallel_loop3A_210 = tpu.vector_load_idx %arg5[%add3A_87, %parallel_loop3A_209] : memref<256x200xi32, #tpu.memory_space<vmem>>[vector<16xi32>, vector<16xi32>], vector<16xi32>,
      %parallel_loop3A_211 = arith.constant 127 : i32
      %parallel_loop3A_212 = vector.broadcast %parallel_loop3A_211 : i32 to vector<16xi32>
      %parallel_loop3A_213 = arith.andi %parallel_loop3A_210, %parallel_loop3A_212 : vector<16xi32>
      tpu.vector_store_idx %arg6[%add3A_87, %parallel_loop3A_213], %broadcast_in_dim3A_1 {add = true} : memref<256x128xf32, #tpu.memory_space<vmem>>[vector<16xi32>, vector<16xi32>], vector<16xf32>,
    } {sc.loop_unroll_factor = 8 : i64, sc.parallel_access}
    %add3A_91 = arith.constant 224 : i32
    %add3A_92 = vector.broadcast %add3A_91 : i32 to vector<16xi32>
    %add3A_93 = arith.addi %add3A_92, %iota3A : vector<16xi32>
    %parallel_loop3A_94 = arith.constant 0 : i32
    %parallel_loop3A_95 = arith.constant 200 : i32
    %parallel_loop3A_96 = arith.constant 1 : i32
    scf.for %parallel_loop3A_205 = %parallel_loop3A_94 to %parallel_loop3A_95 step %parallel_loop3A_96  : i32 {
      %parallel_loop3A_206 = arith.constant 0 : i32
      %parallel_loop3A_207 = vector.broadcast %parallel_loop3A_206 : i32 to vector<16xi32>
      %parallel_loop3A_208 = vector.broadcast %parallel_loop3A_205 : i32 to vector<16xi32>
      %parallel_loop3A_209 = arith.addi %parallel_loop3A_208, %parallel_loop3A_207 : vector<16xi32>
      %parallel_loop3A_210 = tpu.vector_load_idx %arg5[%add3A_93, %parallel_loop3A_209] : memref<256x200xi32, #tpu.memory_space<vmem>>[vector<16xi32>, vector<16xi32>], vector<16xi32>,
      %parallel_loop3A_211 = arith.constant 127 : i32
      %parallel_loop3A_212 = vector.broadcast %parallel_loop3A_211 : i32 to vector<16xi32>
      %parallel_loop3A_213 = arith.andi %parallel_loop3A_210, %parallel_loop3A_212 : vector<16xi32>
      tpu.vector_store_idx %arg6[%add3A_93, %parallel_loop3A_213], %broadcast_in_dim3A_1 {add = true} : memref<256x128xf32, #tpu.memory_space<vmem>>[vector<16xi32>, vector<16xi32>], vector<16xf32>,
    } {sc.loop_unroll_factor = 8 : i64, sc.parallel_access}
    %add3A_97 = arith.constant 240 : i32
    %add3A_98 = vector.broadcast %add3A_97 : i32 to vector<16xi32>
    %add3A_99 = arith.addi %add3A_98, %iota3A : vector<16xi32>
    %parallel_loop3A_100 = arith.constant 0 : i32
    %parallel_loop3A_101 = arith.constant 200 : i32
    %parallel_loop3A_102 = arith.constant 1 : i32
    scf.for %parallel_loop3A_205 = %parallel_loop3A_100 to %parallel_loop3A_101 step %parallel_loop3A_102  : i32 {
      %parallel_loop3A_206 = arith.constant 0 : i32
      %parallel_loop3A_207 = vector.broadcast %parallel_loop3A_206 : i32 to vector<16xi32>
      %parallel_loop3A_208 = vector.broadcast %parallel_loop3A_205 : i32 to vector<16xi32>
      %parallel_loop3A_209 = arith.addi %parallel_loop3A_208, %parallel_loop3A_207 : vector<16xi32>
      %parallel_loop3A_210 = tpu.vector_load_idx %arg5[%add3A_99, %parallel_loop3A_209] : memref<256x200xi32, #tpu.memory_space<vmem>>[vector<16xi32>, vector<16xi32>], vector<16xi32>,
      %parallel_loop3A_211 = arith.constant 127 : i32
      %parallel_loop3A_212 = vector.broadcast %parallel_loop3A_211 : i32 to vector<16xi32>
      %parallel_loop3A_213 = arith.andi %parallel_loop3A_210, %parallel_loop3A_212 : vector<16xi32>
      tpu.vector_store_idx %arg6[%add3A_99, %parallel_loop3A_213], %broadcast_in_dim3A_1 {add = true} : memref<256x128xf32, #tpu.memory_space<vmem>>[vector<16xi32>, vector<16xi32>], vector<16xf32>,
    } {sc.loop_unroll_factor = 8 : i64, sc.parallel_access}
    "tpu.region"() ({
      %run_scoped3A = tpu.sem_alloc : memref<!tpu.dma_semaphore, #tpu.memory_space<semaphore_mem>>
      %dma_start3A = arith.constant 0 : i32
      %dma_start3A_205 = tpu.memref_slice %arg4[%mul3A_7, %dma_start3A] : memref<16384x128xf32, #tpu.memory_space<hbm>> -> memref<256x128xf32, #tpu.memory_space<hbm>>
      %dma_start3A_206 = arith.constant 0 : i32
      %dma_start3A_207 = tpu.memref_slice %arg4[%mul3A_7, %dma_start3A_206] : memref<16384x128xf32, #tpu.memory_space<hbm>> -> memref<256x128xf32, #tpu.memory_space<hbm>>
      tpu.enqueue_dma source(%arg6 : memref<256x128xf32, #tpu.memory_space<vmem>>) target(%dma_start3A_207 : memref<256x128xf32, #tpu.memory_space<hbm>>) target_semaphore(%run_scoped3A : memref<!tpu.dma_semaphore, #tpu.memory_space<semaphore_mem>>)
      %dma_wait3A = arith.constant 0 : i32
      %dma_wait3A_208 = tpu.memref_slice %arg4[%mul3A_7, %dma_wait3A] : memref<16384x128xf32, #tpu.memory_space<hbm>> -> memref<256x128xf32, #tpu.memory_space<hbm>>
      %dma_wait3A_209 = arith.constant 0 : i32
      %dma_wait3A_210 = tpu.memref_slice %arg4[%mul3A_7, %dma_wait3A_209] : memref<16384x128xf32, #tpu.memory_space<hbm>> -> memref<256x128xf32, #tpu.memory_space<hbm>>
      tpu.wait_dma2 semaphore(%run_scoped3A : memref<!tpu.dma_semaphore, #tpu.memory_space<semaphore_mem>>) src(%arg6 : memref<256x128xf32, #tpu.memory_space<vmem>>) dst(%dma_wait3A_210 : memref<256x128xf32, #tpu.memory_space<hbm>>)
      tpu.yield
    }) : () -> ()
    %mul3A_103 = arith.constant 2 : i32
    %mul3A_104 = arith.muli %add3A, %mul3A_103 : i32
    %add3A_105 = arith.constant 1 : i32
    %add3A_106 = arith.addi %mul3A_104, %add3A_105 : i32
    %mul3A_107 = arith.constant 256 : i32
    %mul3A_108 = arith.muli %add3A_106, %mul3A_107 : i32
    "tpu.region"() ({
      %run_scoped3A = tpu.sem_alloc : memref<!tpu.dma_semaphore, #tpu.memory_space<semaphore_mem>>
      %dma_start3A = arith.constant 0 : i32
      %dma_start3A_205 = tpu.memref_slice %arg2[%mul3A_108, %dma_start3A] : memref<16384x200xi32, #tpu.memory_space<hbm>> -> memref<256x200xi32, #tpu.memory_space<hbm>>
      %dma_start3A_206 = arith.constant 0 : i32
      %dma_start3A_207 = tpu.memref_slice %arg2[%mul3A_108, %dma_start3A_206] : memref<16384x200xi32, #tpu.memory_space<hbm>> -> memref<256x200xi32, #tpu.memory_space<hbm>>
      tpu.enqueue_dma source(%dma_start3A_207 : memref<256x200xi32, #tpu.memory_space<hbm>>) target(%arg5 : memref<256x200xi32, #tpu.memory_space<vmem>>) target_semaphore(%run_scoped3A : memref<!tpu.dma_semaphore, #tpu.memory_space<semaphore_mem>>)
      %dma_wait3A = arith.constant 0 : i32
      %dma_wait3A_208 = tpu.memref_slice %arg2[%mul3A_108, %dma_wait3A] : memref<16384x200xi32, #tpu.memory_space<hbm>> -> memref<256x200xi32, #tpu.memory_space<hbm>>
      %dma_wait3A_209 = arith.constant 0 : i32
      %dma_wait3A_210 = tpu.memref_slice %arg2[%mul3A_108, %dma_wait3A_209] : memref<16384x200xi32, #tpu.memory_space<hbm>> -> memref<256x200xi32, #tpu.memory_space<hbm>>
      tpu.wait_dma2 semaphore(%run_scoped3A : memref<!tpu.dma_semaphore, #tpu.memory_space<semaphore_mem>>) src(%dma_wait3A_210 : memref<256x200xi32, #tpu.memory_space<hbm>>) dst(%arg5 : memref<256x200xi32, #tpu.memory_space<vmem>>)
      tpu.yield
    }) : () -> ()
    "tpu.region"() ({
      %run_scoped3A = tpu.sem_alloc : memref<!tpu.dma_semaphore, #tpu.memory_space<semaphore_mem>>
      tpu.enqueue_dma source(%arg3 : memref<256x128xf32, #tpu.memory_space<hbm>>) target(%arg6 : memref<256x128xf32, #tpu.memory_space<vmem>>) target_semaphore(%run_scoped3A : memref<!tpu.dma_semaphore, #tpu.memory_space<semaphore_mem>>)
      tpu.wait_dma2 semaphore(%run_scoped3A : memref<!tpu.dma_semaphore, #tpu.memory_space<semaphore_mem>>) src(%arg3 : memref<256x128xf32, #tpu.memory_space<hbm>>) dst(%arg6 : memref<256x128xf32, #tpu.memory_space<vmem>>)
      tpu.yield
    }) : () -> ()
    %add3A_109 = arith.constant 0 : i32
    %add3A_110 = vector.broadcast %add3A_109 : i32 to vector<16xi32>
    %add3A_111 = arith.addi %add3A_110, %iota3A : vector<16xi32>
    %parallel_loop3A_112 = arith.constant 0 : i32
    %parallel_loop3A_113 = arith.constant 200 : i32
    %parallel_loop3A_114 = arith.constant 1 : i32
    scf.for %parallel_loop3A_205 = %parallel_loop3A_112 to %parallel_loop3A_113 step %parallel_loop3A_114  : i32 {
      %parallel_loop3A_206 = arith.constant 0 : i32
      %parallel_loop3A_207 = vector.broadcast %parallel_loop3A_206 : i32 to vector<16xi32>
      %parallel_loop3A_208 = vector.broadcast %parallel_loop3A_205 : i32 to vector<16xi32>
      %parallel_loop3A_209 = arith.addi %parallel_loop3A_208, %parallel_loop3A_207 : vector<16xi32>
      %parallel_loop3A_210 = tpu.vector_load_idx %arg5[%add3A_111, %parallel_loop3A_209] : memref<256x200xi32, #tpu.memory_space<vmem>>[vector<16xi32>, vector<16xi32>], vector<16xi32>,
      %parallel_loop3A_211 = arith.constant 127 : i32
      %parallel_loop3A_212 = vector.broadcast %parallel_loop3A_211 : i32 to vector<16xi32>
      %parallel_loop3A_213 = arith.andi %parallel_loop3A_210, %parallel_loop3A_212 : vector<16xi32>
      tpu.vector_store_idx %arg6[%add3A_111, %parallel_loop3A_213], %broadcast_in_dim3A_1 {add = true} : memref<256x128xf32, #tpu.memory_space<vmem>>[vector<16xi32>, vector<16xi32>], vector<16xf32>,
    } {sc.loop_unroll_factor = 8 : i64, sc.parallel_access}
    %add3A_115 = arith.constant 16 : i32
    %add3A_116 = vector.broadcast %add3A_115 : i32 to vector<16xi32>
    %add3A_117 = arith.addi %add3A_116, %iota3A : vector<16xi32>
    %parallel_loop3A_118 = arith.constant 0 : i32
    %parallel_loop3A_119 = arith.constant 200 : i32
    %parallel_loop3A_120 = arith.constant 1 : i32
    scf.for %parallel_loop3A_205 = %parallel_loop3A_118 to %parallel_loop3A_119 step %parallel_loop3A_120  : i32 {
      %parallel_loop3A_206 = arith.constant 0 : i32
      %parallel_loop3A_207 = vector.broadcast %parallel_loop3A_206 : i32 to vector<16xi32>
      %parallel_loop3A_208 = vector.broadcast %parallel_loop3A_205 : i32 to vector<16xi32>
      %parallel_loop3A_209 = arith.addi %parallel_loop3A_208, %parallel_loop3A_207 : vector<16xi32>
      %parallel_loop3A_210 = tpu.vector_load_idx %arg5[%add3A_117, %parallel_loop3A_209] : memref<256x200xi32, #tpu.memory_space<vmem>>[vector<16xi32>, vector<16xi32>], vector<16xi32>,
      %parallel_loop3A_211 = arith.constant 127 : i32
      %parallel_loop3A_212 = vector.broadcast %parallel_loop3A_211 : i32 to vector<16xi32>
      %parallel_loop3A_213 = arith.andi %parallel_loop3A_210, %parallel_loop3A_212 : vector<16xi32>
      tpu.vector_store_idx %arg6[%add3A_117, %parallel_loop3A_213], %broadcast_in_dim3A_1 {add = true} : memref<256x128xf32, #tpu.memory_space<vmem>>[vector<16xi32>, vector<16xi32>], vector<16xf32>,
    } {sc.loop_unroll_factor = 8 : i64, sc.parallel_access}
    %add3A_121 = arith.constant 32 : i32
    %add3A_122 = vector.broadcast %add3A_121 : i32 to vector<16xi32>
    %add3A_123 = arith.addi %add3A_122, %iota3A : vector<16xi32>
    %parallel_loop3A_124 = arith.constant 0 : i32
    %parallel_loop3A_125 = arith.constant 200 : i32
    %parallel_loop3A_126 = arith.constant 1 : i32
    scf.for %parallel_loop3A_205 = %parallel_loop3A_124 to %parallel_loop3A_125 step %parallel_loop3A_126  : i32 {
      %parallel_loop3A_206 = arith.constant 0 : i32
      %parallel_loop3A_207 = vector.broadcast %parallel_loop3A_206 : i32 to vector<16xi32>
      %parallel_loop3A_208 = vector.broadcast %parallel_loop3A_205 : i32 to vector<16xi32>
      %parallel_loop3A_209 = arith.addi %parallel_loop3A_208, %parallel_loop3A_207 : vector<16xi32>
      %parallel_loop3A_210 = tpu.vector_load_idx %arg5[%add3A_123, %parallel_loop3A_209] : memref<256x200xi32, #tpu.memory_space<vmem>>[vector<16xi32>, vector<16xi32>], vector<16xi32>,
      %parallel_loop3A_211 = arith.constant 127 : i32
      %parallel_loop3A_212 = vector.broadcast %parallel_loop3A_211 : i32 to vector<16xi32>
      %parallel_loop3A_213 = arith.andi %parallel_loop3A_210, %parallel_loop3A_212 : vector<16xi32>
      tpu.vector_store_idx %arg6[%add3A_123, %parallel_loop3A_213], %broadcast_in_dim3A_1 {add = true} : memref<256x128xf32, #tpu.memory_space<vmem>>[vector<16xi32>, vector<16xi32>], vector<16xf32>,
    } {sc.loop_unroll_factor = 8 : i64, sc.parallel_access}
    %add3A_127 = arith.constant 48 : i32
    %add3A_128 = vector.broadcast %add3A_127 : i32 to vector<16xi32>
    %add3A_129 = arith.addi %add3A_128, %iota3A : vector<16xi32>
    %parallel_loop3A_130 = arith.constant 0 : i32
    %parallel_loop3A_131 = arith.constant 200 : i32
    %parallel_loop3A_132 = arith.constant 1 : i32
    scf.for %parallel_loop3A_205 = %parallel_loop3A_130 to %parallel_loop3A_131 step %parallel_loop3A_132  : i32 {
      %parallel_loop3A_206 = arith.constant 0 : i32
      %parallel_loop3A_207 = vector.broadcast %parallel_loop3A_206 : i32 to vector<16xi32>
      %parallel_loop3A_208 = vector.broadcast %parallel_loop3A_205 : i32 to vector<16xi32>
      %parallel_loop3A_209 = arith.addi %parallel_loop3A_208, %parallel_loop3A_207 : vector<16xi32>
      %parallel_loop3A_210 = tpu.vector_load_idx %arg5[%add3A_129, %parallel_loop3A_209] : memref<256x200xi32, #tpu.memory_space<vmem>>[vector<16xi32>, vector<16xi32>], vector<16xi32>,
      %parallel_loop3A_211 = arith.constant 127 : i32
      %parallel_loop3A_212 = vector.broadcast %parallel_loop3A_211 : i32 to vector<16xi32>
      %parallel_loop3A_213 = arith.andi %parallel_loop3A_210, %parallel_loop3A_212 : vector<16xi32>
      tpu.vector_store_idx %arg6[%add3A_129, %parallel_loop3A_213], %broadcast_in_dim3A_1 {add = true} : memref<256x128xf32, #tpu.memory_space<vmem>>[vector<16xi32>, vector<16xi32>], vector<16xf32>,
    } {sc.loop_unroll_factor = 8 : i64, sc.parallel_access}
    %add3A_133 = arith.constant 64 : i32
    %add3A_134 = vector.broadcast %add3A_133 : i32 to vector<16xi32>
    %add3A_135 = arith.addi %add3A_134, %iota3A : vector<16xi32>
    %parallel_loop3A_136 = arith.constant 0 : i32
    %parallel_loop3A_137 = arith.constant 200 : i32
    %parallel_loop3A_138 = arith.constant 1 : i32
    scf.for %parallel_loop3A_205 = %parallel_loop3A_136 to %parallel_loop3A_137 step %parallel_loop3A_138  : i32 {
      %parallel_loop3A_206 = arith.constant 0 : i32
      %parallel_loop3A_207 = vector.broadcast %parallel_loop3A_206 : i32 to vector<16xi32>
      %parallel_loop3A_208 = vector.broadcast %parallel_loop3A_205 : i32 to vector<16xi32>
      %parallel_loop3A_209 = arith.addi %parallel_loop3A_208, %parallel_loop3A_207 : vector<16xi32>
      %parallel_loop3A_210 = tpu.vector_load_idx %arg5[%add3A_135, %parallel_loop3A_209] : memref<256x200xi32, #tpu.memory_space<vmem>>[vector<16xi32>, vector<16xi32>], vector<16xi32>,
      %parallel_loop3A_211 = arith.constant 127 : i32
      %parallel_loop3A_212 = vector.broadcast %parallel_loop3A_211 : i32 to vector<16xi32>
      %parallel_loop3A_213 = arith.andi %parallel_loop3A_210, %parallel_loop3A_212 : vector<16xi32>
      tpu.vector_store_idx %arg6[%add3A_135, %parallel_loop3A_213], %broadcast_in_dim3A_1 {add = true} : memref<256x128xf32, #tpu.memory_space<vmem>>[vector<16xi32>, vector<16xi32>], vector<16xf32>,
    } {sc.loop_unroll_factor = 8 : i64, sc.parallel_access}
    %add3A_139 = arith.constant 80 : i32
    %add3A_140 = vector.broadcast %add3A_139 : i32 to vector<16xi32>
    %add3A_141 = arith.addi %add3A_140, %iota3A : vector<16xi32>
    %parallel_loop3A_142 = arith.constant 0 : i32
    %parallel_loop3A_143 = arith.constant 200 : i32
    %parallel_loop3A_144 = arith.constant 1 : i32
    scf.for %parallel_loop3A_205 = %parallel_loop3A_142 to %parallel_loop3A_143 step %parallel_loop3A_144  : i32 {
      %parallel_loop3A_206 = arith.constant 0 : i32
      %parallel_loop3A_207 = vector.broadcast %parallel_loop3A_206 : i32 to vector<16xi32>
      %parallel_loop3A_208 = vector.broadcast %parallel_loop3A_205 : i32 to vector<16xi32>
      %parallel_loop3A_209 = arith.addi %parallel_loop3A_208, %parallel_loop3A_207 : vector<16xi32>
      %parallel_loop3A_210 = tpu.vector_load_idx %arg5[%add3A_141, %parallel_loop3A_209] : memref<256x200xi32, #tpu.memory_space<vmem>>[vector<16xi32>, vector<16xi32>], vector<16xi32>,
      %parallel_loop3A_211 = arith.constant 127 : i32
      %parallel_loop3A_212 = vector.broadcast %parallel_loop3A_211 : i32 to vector<16xi32>
      %parallel_loop3A_213 = arith.andi %parallel_loop3A_210, %parallel_loop3A_212 : vector<16xi32>
      tpu.vector_store_idx %arg6[%add3A_141, %parallel_loop3A_213], %broadcast_in_dim3A_1 {add = true} : memref<256x128xf32, #tpu.memory_space<vmem>>[vector<16xi32>, vector<16xi32>], vector<16xf32>,
    } {sc.loop_unroll_factor = 8 : i64, sc.parallel_access}
    %add3A_145 = arith.constant 96 : i32
    %add3A_146 = vector.broadcast %add3A_145 : i32 to vector<16xi32>
    %add3A_147 = arith.addi %add3A_146, %iota3A : vector<16xi32>
    %parallel_loop3A_148 = arith.constant 0 : i32
    %parallel_loop3A_149 = arith.constant 200 : i32
    %parallel_loop3A_150 = arith.constant 1 : i32
    scf.for %parallel_loop3A_205 = %parallel_loop3A_148 to %parallel_loop3A_149 step %parallel_loop3A_150  : i32 {
      %parallel_loop3A_206 = arith.constant 0 : i32
      %parallel_loop3A_207 = vector.broadcast %parallel_loop3A_206 : i32 to vector<16xi32>
      %parallel_loop3A_208 = vector.broadcast %parallel_loop3A_205 : i32 to vector<16xi32>
      %parallel_loop3A_209 = arith.addi %parallel_loop3A_208, %parallel_loop3A_207 : vector<16xi32>
      %parallel_loop3A_210 = tpu.vector_load_idx %arg5[%add3A_147, %parallel_loop3A_209] : memref<256x200xi32, #tpu.memory_space<vmem>>[vector<16xi32>, vector<16xi32>], vector<16xi32>,
      %parallel_loop3A_211 = arith.constant 127 : i32
      %parallel_loop3A_212 = vector.broadcast %parallel_loop3A_211 : i32 to vector<16xi32>
      %parallel_loop3A_213 = arith.andi %parallel_loop3A_210, %parallel_loop3A_212 : vector<16xi32>
      tpu.vector_store_idx %arg6[%add3A_147, %parallel_loop3A_213], %broadcast_in_dim3A_1 {add = true} : memref<256x128xf32, #tpu.memory_space<vmem>>[vector<16xi32>, vector<16xi32>], vector<16xf32>,
    } {sc.loop_unroll_factor = 8 : i64, sc.parallel_access}
    %add3A_151 = arith.constant 112 : i32
    %add3A_152 = vector.broadcast %add3A_151 : i32 to vector<16xi32>
    %add3A_153 = arith.addi %add3A_152, %iota3A : vector<16xi32>
    %parallel_loop3A_154 = arith.constant 0 : i32
    %parallel_loop3A_155 = arith.constant 200 : i32
    %parallel_loop3A_156 = arith.constant 1 : i32
    scf.for %parallel_loop3A_205 = %parallel_loop3A_154 to %parallel_loop3A_155 step %parallel_loop3A_156  : i32 {
      %parallel_loop3A_206 = arith.constant 0 : i32
      %parallel_loop3A_207 = vector.broadcast %parallel_loop3A_206 : i32 to vector<16xi32>
      %parallel_loop3A_208 = vector.broadcast %parallel_loop3A_205 : i32 to vector<16xi32>
      %parallel_loop3A_209 = arith.addi %parallel_loop3A_208, %parallel_loop3A_207 : vector<16xi32>
      %parallel_loop3A_210 = tpu.vector_load_idx %arg5[%add3A_153, %parallel_loop3A_209] : memref<256x200xi32, #tpu.memory_space<vmem>>[vector<16xi32>, vector<16xi32>], vector<16xi32>,
      %parallel_loop3A_211 = arith.constant 127 : i32
      %parallel_loop3A_212 = vector.broadcast %parallel_loop3A_211 : i32 to vector<16xi32>
      %parallel_loop3A_213 = arith.andi %parallel_loop3A_210, %parallel_loop3A_212 : vector<16xi32>
      tpu.vector_store_idx %arg6[%add3A_153, %parallel_loop3A_213], %broadcast_in_dim3A_1 {add = true} : memref<256x128xf32, #tpu.memory_space<vmem>>[vector<16xi32>, vector<16xi32>], vector<16xf32>,
    } {sc.loop_unroll_factor = 8 : i64, sc.parallel_access}
    %add3A_157 = arith.constant 128 : i32
    %add3A_158 = vector.broadcast %add3A_157 : i32 to vector<16xi32>
    %add3A_159 = arith.addi %add3A_158, %iota3A : vector<16xi32>
    %parallel_loop3A_160 = arith.constant 0 : i32
    %parallel_loop3A_161 = arith.constant 200 : i32
    %parallel_loop3A_162 = arith.constant 1 : i32
    scf.for %parallel_loop3A_205 = %parallel_loop3A_160 to %parallel_loop3A_161 step %parallel_loop3A_162  : i32 {
      %parallel_loop3A_206 = arith.constant 0 : i32
      %parallel_loop3A_207 = vector.broadcast %parallel_loop3A_206 : i32 to vector<16xi32>
      %parallel_loop3A_208 = vector.broadcast %parallel_loop3A_205 : i32 to vector<16xi32>
      %parallel_loop3A_209 = arith.addi %parallel_loop3A_208, %parallel_loop3A_207 : vector<16xi32>
      %parallel_loop3A_210 = tpu.vector_load_idx %arg5[%add3A_159, %parallel_loop3A_209] : memref<256x200xi32, #tpu.memory_space<vmem>>[vector<16xi32>, vector<16xi32>], vector<16xi32>,
      %parallel_loop3A_211 = arith.constant 127 : i32
      %parallel_loop3A_212 = vector.broadcast %parallel_loop3A_211 : i32 to vector<16xi32>
      %parallel_loop3A_213 = arith.andi %parallel_loop3A_210, %parallel_loop3A_212 : vector<16xi32>
      tpu.vector_store_idx %arg6[%add3A_159, %parallel_loop3A_213], %broadcast_in_dim3A_1 {add = true} : memref<256x128xf32, #tpu.memory_space<vmem>>[vector<16xi32>, vector<16xi32>], vector<16xf32>,
    } {sc.loop_unroll_factor = 8 : i64, sc.parallel_access}
    %add3A_163 = arith.constant 144 : i32
    %add3A_164 = vector.broadcast %add3A_163 : i32 to vector<16xi32>
    %add3A_165 = arith.addi %add3A_164, %iota3A : vector<16xi32>
    %parallel_loop3A_166 = arith.constant 0 : i32
    %parallel_loop3A_167 = arith.constant 200 : i32
    %parallel_loop3A_168 = arith.constant 1 : i32
    scf.for %parallel_loop3A_205 = %parallel_loop3A_166 to %parallel_loop3A_167 step %parallel_loop3A_168  : i32 {
      %parallel_loop3A_206 = arith.constant 0 : i32
      %parallel_loop3A_207 = vector.broadcast %parallel_loop3A_206 : i32 to vector<16xi32>
      %parallel_loop3A_208 = vector.broadcast %parallel_loop3A_205 : i32 to vector<16xi32>
      %parallel_loop3A_209 = arith.addi %parallel_loop3A_208, %parallel_loop3A_207 : vector<16xi32>
      %parallel_loop3A_210 = tpu.vector_load_idx %arg5[%add3A_165, %parallel_loop3A_209] : memref<256x200xi32, #tpu.memory_space<vmem>>[vector<16xi32>, vector<16xi32>], vector<16xi32>,
      %parallel_loop3A_211 = arith.constant 127 : i32
      %parallel_loop3A_212 = vector.broadcast %parallel_loop3A_211 : i32 to vector<16xi32>
      %parallel_loop3A_213 = arith.andi %parallel_loop3A_210, %parallel_loop3A_212 : vector<16xi32>
      tpu.vector_store_idx %arg6[%add3A_165, %parallel_loop3A_213], %broadcast_in_dim3A_1 {add = true} : memref<256x128xf32, #tpu.memory_space<vmem>>[vector<16xi32>, vector<16xi32>], vector<16xf32>,
    } {sc.loop_unroll_factor = 8 : i64, sc.parallel_access}
    %add3A_169 = arith.constant 160 : i32
    %add3A_170 = vector.broadcast %add3A_169 : i32 to vector<16xi32>
    %add3A_171 = arith.addi %add3A_170, %iota3A : vector<16xi32>
    %parallel_loop3A_172 = arith.constant 0 : i32
    %parallel_loop3A_173 = arith.constant 200 : i32
    %parallel_loop3A_174 = arith.constant 1 : i32
    scf.for %parallel_loop3A_205 = %parallel_loop3A_172 to %parallel_loop3A_173 step %parallel_loop3A_174  : i32 {
      %parallel_loop3A_206 = arith.constant 0 : i32
      %parallel_loop3A_207 = vector.broadcast %parallel_loop3A_206 : i32 to vector<16xi32>
      %parallel_loop3A_208 = vector.broadcast %parallel_loop3A_205 : i32 to vector<16xi32>
      %parallel_loop3A_209 = arith.addi %parallel_loop3A_208, %parallel_loop3A_207 : vector<16xi32>
      %parallel_loop3A_210 = tpu.vector_load_idx %arg5[%add3A_171, %parallel_loop3A_209] : memref<256x200xi32, #tpu.memory_space<vmem>>[vector<16xi32>, vector<16xi32>], vector<16xi32>,
      %parallel_loop3A_211 = arith.constant 127 : i32
      %parallel_loop3A_212 = vector.broadcast %parallel_loop3A_211 : i32 to vector<16xi32>
      %parallel_loop3A_213 = arith.andi %parallel_loop3A_210, %parallel_loop3A_212 : vector<16xi32>
      tpu.vector_store_idx %arg6[%add3A_171, %parallel_loop3A_213], %broadcast_in_dim3A_1 {add = true} : memref<256x128xf32, #tpu.memory_space<vmem>>[vector<16xi32>, vector<16xi32>], vector<16xf32>,
    } {sc.loop_unroll_factor = 8 : i64, sc.parallel_access}
    %add3A_175 = arith.constant 176 : i32
    %add3A_176 = vector.broadcast %add3A_175 : i32 to vector<16xi32>
    %add3A_177 = arith.addi %add3A_176, %iota3A : vector<16xi32>
    %parallel_loop3A_178 = arith.constant 0 : i32
    %parallel_loop3A_179 = arith.constant 200 : i32
    %parallel_loop3A_180 = arith.constant 1 : i32
    scf.for %parallel_loop3A_205 = %parallel_loop3A_178 to %parallel_loop3A_179 step %parallel_loop3A_180  : i32 {
      %parallel_loop3A_206 = arith.constant 0 : i32
      %parallel_loop3A_207 = vector.broadcast %parallel_loop3A_206 : i32 to vector<16xi32>
      %parallel_loop3A_208 = vector.broadcast %parallel_loop3A_205 : i32 to vector<16xi32>
      %parallel_loop3A_209 = arith.addi %parallel_loop3A_208, %parallel_loop3A_207 : vector<16xi32>
      %parallel_loop3A_210 = tpu.vector_load_idx %arg5[%add3A_177, %parallel_loop3A_209] : memref<256x200xi32, #tpu.memory_space<vmem>>[vector<16xi32>, vector<16xi32>], vector<16xi32>,
      %parallel_loop3A_211 = arith.constant 127 : i32
      %parallel_loop3A_212 = vector.broadcast %parallel_loop3A_211 : i32 to vector<16xi32>
      %parallel_loop3A_213 = arith.andi %parallel_loop3A_210, %parallel_loop3A_212 : vector<16xi32>
      tpu.vector_store_idx %arg6[%add3A_177, %parallel_loop3A_213], %broadcast_in_dim3A_1 {add = true} : memref<256x128xf32, #tpu.memory_space<vmem>>[vector<16xi32>, vector<16xi32>], vector<16xf32>,
    } {sc.loop_unroll_factor = 8 : i64, sc.parallel_access}
    %add3A_181 = arith.constant 192 : i32
    %add3A_182 = vector.broadcast %add3A_181 : i32 to vector<16xi32>
    %add3A_183 = arith.addi %add3A_182, %iota3A : vector<16xi32>
    %parallel_loop3A_184 = arith.constant 0 : i32
    %parallel_loop3A_185 = arith.constant 200 : i32
    %parallel_loop3A_186 = arith.constant 1 : i32
    scf.for %parallel_loop3A_205 = %parallel_loop3A_184 to %parallel_loop3A_185 step %parallel_loop3A_186  : i32 {
      %parallel_loop3A_206 = arith.constant 0 : i32
      %parallel_loop3A_207 = vector.broadcast %parallel_loop3A_206 : i32 to vector<16xi32>
      %parallel_loop3A_208 = vector.broadcast %parallel_loop3A_205 : i32 to vector<16xi32>
      %parallel_loop3A_209 = arith.addi %parallel_loop3A_208, %parallel_loop3A_207 : vector<16xi32>
      %parallel_loop3A_210 = tpu.vector_load_idx %arg5[%add3A_183, %parallel_loop3A_209] : memref<256x200xi32, #tpu.memory_space<vmem>>[vector<16xi32>, vector<16xi32>], vector<16xi32>,
      %parallel_loop3A_211 = arith.constant 127 : i32
      %parallel_loop3A_212 = vector.broadcast %parallel_loop3A_211 : i32 to vector<16xi32>
      %parallel_loop3A_213 = arith.andi %parallel_loop3A_210, %parallel_loop3A_212 : vector<16xi32>
      tpu.vector_store_idx %arg6[%add3A_183, %parallel_loop3A_213], %broadcast_in_dim3A_1 {add = true} : memref<256x128xf32, #tpu.memory_space<vmem>>[vector<16xi32>, vector<16xi32>], vector<16xf32>,
    } {sc.loop_unroll_factor = 8 : i64, sc.parallel_access}
    %add3A_187 = arith.constant 208 : i32
    %add3A_188 = vector.broadcast %add3A_187 : i32 to vector<16xi32>
    %add3A_189 = arith.addi %add3A_188, %iota3A : vector<16xi32>
    %parallel_loop3A_190 = arith.constant 0 : i32
    %parallel_loop3A_191 = arith.constant 200 : i32
    %parallel_loop3A_192 = arith.constant 1 : i32
    scf.for %parallel_loop3A_205 = %parallel_loop3A_190 to %parallel_loop3A_191 step %parallel_loop3A_192  : i32 {
      %parallel_loop3A_206 = arith.constant 0 : i32
      %parallel_loop3A_207 = vector.broadcast %parallel_loop3A_206 : i32 to vector<16xi32>
      %parallel_loop3A_208 = vector.broadcast %parallel_loop3A_205 : i32 to vector<16xi32>
      %parallel_loop3A_209 = arith.addi %parallel_loop3A_208, %parallel_loop3A_207 : vector<16xi32>
      %parallel_loop3A_210 = tpu.vector_load_idx %arg5[%add3A_189, %parallel_loop3A_209] : memref<256x200xi32, #tpu.memory_space<vmem>>[vector<16xi32>, vector<16xi32>], vector<16xi32>,
      %parallel_loop3A_211 = arith.constant 127 : i32
      %parallel_loop3A_212 = vector.broadcast %parallel_loop3A_211 : i32 to vector<16xi32>
      %parallel_loop3A_213 = arith.andi %parallel_loop3A_210, %parallel_loop3A_212 : vector<16xi32>
      tpu.vector_store_idx %arg6[%add3A_189, %parallel_loop3A_213], %broadcast_in_dim3A_1 {add = true} : memref<256x128xf32, #tpu.memory_space<vmem>>[vector<16xi32>, vector<16xi32>], vector<16xf32>,
    } {sc.loop_unroll_factor = 8 : i64, sc.parallel_access}
    %add3A_193 = arith.constant 224 : i32
    %add3A_194 = vector.broadcast %add3A_193 : i32 to vector<16xi32>
    %add3A_195 = arith.addi %add3A_194, %iota3A : vector<16xi32>
    %parallel_loop3A_196 = arith.constant 0 : i32
    %parallel_loop3A_197 = arith.constant 200 : i32
    %parallel_loop3A_198 = arith.constant 1 : i32
    scf.for %parallel_loop3A_205 = %parallel_loop3A_196 to %parallel_loop3A_197 step %parallel_loop3A_198  : i32 {
      %parallel_loop3A_206 = arith.constant 0 : i32
      %parallel_loop3A_207 = vector.broadcast %parallel_loop3A_206 : i32 to vector<16xi32>
      %parallel_loop3A_208 = vector.broadcast %parallel_loop3A_205 : i32 to vector<16xi32>
      %parallel_loop3A_209 = arith.addi %parallel_loop3A_208, %parallel_loop3A_207 : vector<16xi32>
      %parallel_loop3A_210 = tpu.vector_load_idx %arg5[%add3A_195, %parallel_loop3A_209] : memref<256x200xi32, #tpu.memory_space<vmem>>[vector<16xi32>, vector<16xi32>], vector<16xi32>,
      %parallel_loop3A_211 = arith.constant 127 : i32
      %parallel_loop3A_212 = vector.broadcast %parallel_loop3A_211 : i32 to vector<16xi32>
      %parallel_loop3A_213 = arith.andi %parallel_loop3A_210, %parallel_loop3A_212 : vector<16xi32>
      tpu.vector_store_idx %arg6[%add3A_195, %parallel_loop3A_213], %broadcast_in_dim3A_1 {add = true} : memref<256x128xf32, #tpu.memory_space<vmem>>[vector<16xi32>, vector<16xi32>], vector<16xf32>,
    } {sc.loop_unroll_factor = 8 : i64, sc.parallel_access}
    %add3A_199 = arith.constant 240 : i32
    %add3A_200 = vector.broadcast %add3A_199 : i32 to vector<16xi32>
    %add3A_201 = arith.addi %add3A_200, %iota3A : vector<16xi32>
    %parallel_loop3A_202 = arith.constant 0 : i32
    %parallel_loop3A_203 = arith.constant 200 : i32
    %parallel_loop3A_204 = arith.constant 1 : i32
    scf.for %parallel_loop3A_205 = %parallel_loop3A_202 to %parallel_loop3A_203 step %parallel_loop3A_204  : i32 {
      %parallel_loop3A_206 = arith.constant 0 : i32
      %parallel_loop3A_207 = vector.broadcast %parallel_loop3A_206 : i32 to vector<16xi32>
      %parallel_loop3A_208 = vector.broadcast %parallel_loop3A_205 : i32 to vector<16xi32>
      %parallel_loop3A_209 = arith.addi %parallel_loop3A_208, %parallel_loop3A_207 : vector<16xi32>
      %parallel_loop3A_210 = tpu.vector_load_idx %arg5[%add3A_201, %parallel_loop3A_209] : memref<256x200xi32, #tpu.memory_space<vmem>>[vector<16xi32>, vector<16xi32>], vector<16xi32>,
      %parallel_loop3A_211 = arith.constant 127 : i32
      %parallel_loop3A_212 = vector.broadcast %parallel_loop3A_211 : i32 to vector<16xi32>
      %parallel_loop3A_213 = arith.andi %parallel_loop3A_210, %parallel_loop3A_212 : vector<16xi32>
      tpu.vector_store_idx %arg6[%add3A_201, %parallel_loop3A_213], %broadcast_in_dim3A_1 {add = true} : memref<256x128xf32, #tpu.memory_space<vmem>>[vector<16xi32>, vector<16xi32>], vector<16xf32>,
    } {sc.loop_unroll_factor = 8 : i64, sc.parallel_access}
    "tpu.region"() ({
      %run_scoped3A = tpu.sem_alloc : memref<!tpu.dma_semaphore, #tpu.memory_space<semaphore_mem>>
      %dma_start3A = arith.constant 0 : i32
      %dma_start3A_205 = tpu.memref_slice %arg4[%mul3A_108, %dma_start3A] : memref<16384x128xf32, #tpu.memory_space<hbm>> -> memref<256x128xf32, #tpu.memory_space<hbm>>
      %dma_start3A_206 = arith.constant 0 : i32
      %dma_start3A_207 = tpu.memref_slice %arg4[%mul3A_108, %dma_start3A_206] : memref<16384x128xf32, #tpu.memory_space<hbm>> -> memref<256x128xf32, #tpu.memory_space<hbm>>
      tpu.enqueue_dma source(%arg6 : memref<256x128xf32, #tpu.memory_space<vmem>>) target(%dma_start3A_207 : memref<256x128xf32, #tpu.memory_space<hbm>>) target_semaphore(%run_scoped3A : memref<!tpu.dma_semaphore, #tpu.memory_space<semaphore_mem>>)
      %dma_wait3A = arith.constant 0 : i32
      %dma_wait3A_208 = tpu.memref_slice %arg4[%mul3A_108, %dma_wait3A] : memref<16384x128xf32, #tpu.memory_space<hbm>> -> memref<256x128xf32, #tpu.memory_space<hbm>>
      %dma_wait3A_209 = arith.constant 0 : i32
      %dma_wait3A_210 = tpu.memref_slice %arg4[%mul3A_108, %dma_wait3A_209] : memref<16384x128xf32, #tpu.memory_space<hbm>> -> memref<256x128xf32, #tpu.memory_space<hbm>>
      tpu.wait_dma2 semaphore(%run_scoped3A : memref<!tpu.dma_semaphore, #tpu.memory_space<semaphore_mem>>) src(%arg6 : memref<256x128xf32, #tpu.memory_space<vmem>>) dst(%dma_wait3A_210 : memref<256x128xf32, #tpu.memory_space<hbm>>)
      tpu.yield
    }) : () -> ()
    return
  }
}

module attributes {stable_mosaic.version = 14 : i64} {
  func.func @mlp_body(%arg0: i32, %arg1: memref<512x200xi32, #tpu.memory_space<vmem>>, %arg2: memref<512x128xf32, #tpu.memory_space<vmem>>, %arg3: memref<512x12xf32, #tpu.memory_space<vmem>>, %arg4: memref<128x256xf32, #tpu.memory_space<vmem>>, %arg5: memref<2x256xf32, #tpu.memory_space<vmem>>, %arg6: memref<12x256xf32, #tpu.memory_space<vmem>>, %arg7: memref<1x256xf32, #tpu.memory_space<vmem>>, %arg8: memref<256x128xf32, #tpu.memory_space<vmem>>, %arg9: memref<1x128xf32, #tpu.memory_space<vmem>>, %arg10: memref<512x128xf32, #tpu.memory_space<vmem>>) attributes {dimension_semantics = [#tpu.dimension_semantics<arbitrary>], iteration_bounds = array<i64: 32>, scalar_prefetch = 0 : i64, scratch_operands = 0 : i64, tpu.core_type = #tpu.core_type<tc>, window_params = [{transform_indices = @transform_0, window_bounds = array<i64: 512, 200>}, {transform_indices = @transform_1, window_bounds = array<i64: 512, 128>}, {transform_indices = @transform_2, window_bounds = array<i64: 512, 12>}, {pipeline_mode = #tpu.pipeline_mode<synchronous>, transform_indices = @transform_3, window_bounds = array<i64: 128, 256>}, {pipeline_mode = #tpu.pipeline_mode<synchronous>, transform_indices = @transform_4, window_bounds = array<i64: 2, 256>}, {pipeline_mode = #tpu.pipeline_mode<synchronous>, transform_indices = @transform_5, window_bounds = array<i64: 12, 256>}, {pipeline_mode = #tpu.pipeline_mode<synchronous>, transform_indices = @transform_6, window_bounds = array<i64: 1, 256>}, {pipeline_mode = #tpu.pipeline_mode<synchronous>, transform_indices = @transform_7, window_bounds = array<i64: 256, 128>}, {pipeline_mode = #tpu.pipeline_mode<synchronous>, transform_indices = @transform_8, window_bounds = array<i64: 1, 128>}, {transform_indices = @transform_9, window_bounds = array<i64: 512, 128>}]} {
    %get3A = arith.constant 0 : index
    %get3A_0 = arith.constant 0 : index
    %get3A_1 = vector.load %arg1[%get3A, %get3A_0] : memref<512x200xi32, #tpu.memory_space<vmem>>, vector<512x200xi32>
    %convert_element_type3A = arith.sitofp %get3A_1 : vector<512x200xi32> to vector<512x200xf32>
    %reduce_sum3A = arith.constant dense<0.000000e+00> : vector<512xf32>
    %reduce_sum3A_2 = vector.multi_reduction <add>, %convert_element_type3A, %reduce_sum3A [1] : vector<512x200xf32> to vector<512xf32>
    %broadcast_in_dim3A = vector.shape_cast %reduce_sum3A_2 : vector<512xf32> to vector<512x1xf32>
    %mul3A = arith.constant 5.000000e-03 : f32
    %mul3A_3 = vector.broadcast %mul3A : f32 to vector<512x1xf32>
    %mul3A_4 = arith.mulf %broadcast_in_dim3A, %mul3A_3 : vector<512x1xf32>
    %sub3A = vector.broadcast %mul3A_4 : vector<512x1xf32> to vector<512x200xf32>
    %sub3A_5 = arith.subf %convert_element_type3A, %sub3A : vector<512x200xf32>
    %mul3A_6 = arith.mulf %sub3A_5, %sub3A_5 : vector<512x200xf32>
    %reduce_sum3A_7 = arith.constant dense<0.000000e+00> : vector<512xf32>
    %reduce_sum3A_8 = vector.multi_reduction <add>, %mul3A_6, %reduce_sum3A_7 [1] : vector<512x200xf32> to vector<512xf32>
    %broadcast_in_dim3A_9 = vector.shape_cast %reduce_sum3A_8 : vector<512xf32> to vector<512x1xf32>
    %mul3A_10 = arith.constant 0.00502512557 : f32
    %mul3A_11 = vector.broadcast %mul3A_10 : f32 to vector<512x1xf32>
    %mul3A_12 = arith.mulf %broadcast_in_dim3A_9, %mul3A_11 : vector<512x1xf32>
    %sqrt3A = math.sqrt %mul3A_12 : vector<512x1xf32>
    %get3A_13 = arith.constant 0 : index
    %get3A_14 = arith.constant 0 : index
    %get3A_15 = vector.load %arg2[%get3A_13, %get3A_14] : memref<512x128xf32, #tpu.memory_space<vmem>>, vector<512x128xf32>
    %mul3A_16 = arith.constant 5.000000e-03 : f32
    %mul3A_17 = vector.broadcast %mul3A_16 : f32 to vector<512x128xf32>
    %mul3A_18 = arith.mulf %get3A_15, %mul3A_17 : vector<512x128xf32>
    %get3A_19 = arith.constant 0 : index
    %get3A_20 = arith.constant 0 : index
    %get3A_21 = vector.load %arg4[%get3A_19, %get3A_20] : memref<128x256xf32, #tpu.memory_space<vmem>>, vector<128x256xf32>
    %dot_general3A = arith.constant dense<0.000000e+00> : vector<512x256xf32>
    %dot_general3A_22 = tpu.matmul %mul3A_18, %get3A_21, %dot_general3A {dimension_numbers = #tpu.dot_dimension_numbers<[1], [0], [0], [1], [0, 0, 1, 1], [], []>, transpose_lhs_hint = false} : vector<512x128xf32>, vector<128x256xf32>, vector<512x256xf32> -> vector<512x256xf32>
    %get3A_23 = arith.constant 0 : index
    %get3A_24 = arith.constant 0 : index
    %get3A_25 = vector.load %arg5[%get3A_23, %get3A_24] : memref<2x256xf32, #tpu.memory_space<vmem>>, vector<1x256xf32>
    %mul3A_26 = vector.broadcast %mul3A_4 : vector<512x1xf32> to vector<512x256xf32>
    %mul3A_27 = vector.broadcast %get3A_25 : vector<1x256xf32> to vector<512x256xf32>
    %mul3A_28 = arith.mulf %mul3A_26, %mul3A_27 : vector<512x256xf32>
    %add3A = arith.addf %dot_general3A_22, %mul3A_28 : vector<512x256xf32>
    %get3A_29 = arith.constant 1 : index
    %get3A_30 = arith.constant 0 : index
    %get3A_31 = vector.load %arg5[%get3A_29, %get3A_30] : memref<2x256xf32, #tpu.memory_space<vmem>>, vector<1x256xf32>
    %mul3A_32 = vector.broadcast %sqrt3A : vector<512x1xf32> to vector<512x256xf32>
    %mul3A_33 = vector.broadcast %get3A_31 : vector<1x256xf32> to vector<512x256xf32>
    %mul3A_34 = arith.mulf %mul3A_32, %mul3A_33 : vector<512x256xf32>
    %add3A_35 = arith.addf %add3A, %mul3A_34 : vector<512x256xf32>
    %get3A_36 = arith.constant 0 : index
    %get3A_37 = arith.constant 0 : index
    %get3A_38 = vector.load %arg3[%get3A_36, %get3A_37] : memref<512x12xf32, #tpu.memory_space<vmem>>, vector<512x12xf32>
    %get3A_39 = arith.constant 0 : index
    %get3A_40 = arith.constant 0 : index
    %get3A_41 = vector.load %arg6[%get3A_39, %get3A_40] : memref<12x256xf32, #tpu.memory_space<vmem>>, vector<12x256xf32>
    %dot_general3A_42 = arith.constant dense<0.000000e+00> : vector<512x256xf32>
    %dot_general3A_43 = tpu.matmul %get3A_38, %get3A_41, %dot_general3A_42 {dimension_numbers = #tpu.dot_dimension_numbers<[1], [0], [0], [1], [0, 0, 1, 1], [], []>, transpose_lhs_hint = false} : vector<512x12xf32>, vector<12x256xf32>, vector<512x256xf32> -> vector<512x256xf32>
    %add3A_44 = arith.addf %add3A_35, %dot_general3A_43 : vector<512x256xf32>
    %get3A_45 = arith.constant 0 : index
    %get3A_46 = arith.constant 0 : index
    %get3A_47 = vector.load %arg7[%get3A_45, %get3A_46] : memref<1x256xf32, #tpu.memory_space<vmem>>, vector<1x256xf32>
    %add3A_48 = vector.broadcast %get3A_47 : vector<1x256xf32> to vector<512x256xf32>
    %add3A_49 = arith.addf %add3A_44, %add3A_48 : vector<512x256xf32>
    %max3A = arith.constant 0.000000e+00 : f32
    %max3A_50 = vector.broadcast %max3A : f32 to vector<512x256xf32>
    %max3A_51 = arith.maximumf %add3A_49, %max3A_50 : vector<512x256xf32>
    %get3A_52 = arith.constant 0 : index
    %get3A_53 = arith.constant 0 : index
    %get3A_54 = vector.load %arg8[%get3A_52, %get3A_53] : memref<256x128xf32, #tpu.memory_space<vmem>>, vector<256x128xf32>
    %dot_general3A_55 = arith.constant dense<0.000000e+00> : vector<512x128xf32>
    %dot_general3A_56 = tpu.matmul %max3A_51, %get3A_54, %dot_general3A_55 {dimension_numbers = #tpu.dot_dimension_numbers<[1], [0], [0], [1], [0, 0, 1, 1], [], []>, transpose_lhs_hint = false} : vector<512x256xf32>, vector<256x128xf32>, vector<512x128xf32> -> vector<512x128xf32>
    %get3A_57 = arith.constant 0 : index
    %get3A_58 = arith.constant 0 : index
    %get3A_59 = vector.load %arg9[%get3A_57, %get3A_58] : memref<1x128xf32, #tpu.memory_space<vmem>>, vector<1x128xf32>
    %add3A_60 = vector.broadcast %get3A_59 : vector<1x128xf32> to vector<512x128xf32>
    %add3A_61 = arith.addf %dot_general3A_56, %add3A_60 : vector<512x128xf32>
    %swap3A = arith.constant 0 : index
    %swap3A_62 = arith.constant 0 : index
    %swap3A_63 = vector.load %arg10[%swap3A, %swap3A_62] : memref<512x128xf32, #tpu.memory_space<vmem>>, vector<512x128xf32>
    tpu.vector_store %arg10[%swap3A, %swap3A_62], %add3A_61 {strides = array<i32>} : memref<512x128xf32, #tpu.memory_space<vmem>>, vector<512x128xf32>,
    return
  }
  func.func @transform_0(%arg0: i32) -> (i32, i32) {
    %c0_i32 = arith.constant 0 : i32
    %c0_i32_0 = arith.constant 0 : i32
    return %arg0, %c0_i32 : i32, i32
  }
  func.func @transform_1(%arg0: i32) -> (i32, i32) {
    %c0_i32 = arith.constant 0 : i32
    %c0_i32_0 = arith.constant 0 : i32
    return %arg0, %c0_i32 : i32, i32
  }
  func.func @transform_2(%arg0: i32) -> (i32, i32) {
    %c0_i32 = arith.constant 0 : i32
    %c0_i32_0 = arith.constant 0 : i32
    return %arg0, %c0_i32 : i32, i32
  }
  func.func @transform_3(%arg0: i32) -> (i32, i32) {
    %c0_i32 = arith.constant 0 : i32
    %c0_i32_0 = arith.constant 0 : i32
    %c0_i32_1 = arith.constant 0 : i32
    return %c0_i32, %c0_i32_0 : i32, i32
  }
  func.func @transform_4(%arg0: i32) -> (i32, i32) {
    %c0_i32 = arith.constant 0 : i32
    %c0_i32_0 = arith.constant 0 : i32
    %c0_i32_1 = arith.constant 0 : i32
    return %c0_i32, %c0_i32_0 : i32, i32
  }
  func.func @transform_5(%arg0: i32) -> (i32, i32) {
    %c0_i32 = arith.constant 0 : i32
    %c0_i32_0 = arith.constant 0 : i32
    %c0_i32_1 = arith.constant 0 : i32
    return %c0_i32, %c0_i32_0 : i32, i32
  }
  func.func @transform_6(%arg0: i32) -> (i32, i32) {
    %c0_i32 = arith.constant 0 : i32
    %c0_i32_0 = arith.constant 0 : i32
    %c0_i32_1 = arith.constant 0 : i32
    return %c0_i32, %c0_i32_0 : i32, i32
  }
  func.func @transform_7(%arg0: i32) -> (i32, i32) {
    %c0_i32 = arith.constant 0 : i32
    %c0_i32_0 = arith.constant 0 : i32
    %c0_i32_1 = arith.constant 0 : i32
    return %c0_i32, %c0_i32_0 : i32, i32
  }
  func.func @transform_8(%arg0: i32) -> (i32, i32) {
    %c0_i32 = arith.constant 0 : i32
    %c0_i32_0 = arith.constant 0 : i32
    %c0_i32_1 = arith.constant 0 : i32
    return %c0_i32, %c0_i32_0 : i32, i32
  }
  func.func @transform_9(%arg0: i32) -> (i32, i32) {
    %c0_i32 = arith.constant 0 : i32
    %c0_i32_0 = arith.constant 0 : i32
    return %arg0, %c0_i32 : i32, i32
  }
}

</mosaic_0001>

<sc_bundles>
// kernel: kernel.4.cloned.1.call-start
scs
__scs_entry_jumppad:
0x0: {  	(pc) =	sbr.rel $0x88, $3  }
0x1: {  	(tag) =	ssettag $0x0;
	lr =	simm.s32 $0x1  }
0x2: {  	[smem:$0x3F9C] =	sst lr;
	_ =	strace $0xD0000000  }
0x3: {  	_ = 	snop  }
0x4: {  	_ = 	snop  }
0x5: {  	_ = 	snop  }
0x6: {  	_ = 	snop  }
0x7: {  	_ = 	snop  }
__scs_overlays_trampoline_lowered:
0x8: {  	[smem:$0x3FAB] =	sst s0  }
0x9: {  	[smem:$0x3FAC] =	sst s1  }
0xa: {  	[smem:$0x3FAD] =	sst s2  }
0xb: {  	[smem:$0x3FAE] =	sst s3  }
0xc: {  	[smem:$0x3FAF] =	sst s4  }
0xd: {  	[smem:$0x3FB0] =	sst s5  }
0xe: {  	[smem:$0x3FB1] =	sst s6  }
0xf: {  	[smem:$0x3FB2] =	sst s7  }
0x10: {  	[smem:$0x3FB3] =	sst s8  }
0x11: {  	[smem:$0x3FB4] =	sst s9;
	s0 =	simm.s32 @!p0 $0x0  }
0x12: {  	s1 =	sld [smem:$0x3F9A];
	s0 =	simm.s32 @p0 $0x1  }
0x13: {  	[smem:$0x3FB5] =	sst s0;
	s0 =	simm.s32 @!p1 $0x0  }
0x14: {  	s2 =	sld [smem:$0x3F99];
	s0 =	simm.s32 @p1 $0x1  }
0x15: {  	[smem:$0x3FB6] =	sst s0;
	s0 =	simm.s32 @!p2 $0x0  }
0x16: {  	s3 =	sld [smem:$0x3FDB];
	s0 =	simm.s32 @p2 $0x1  }
0x17: {  	s4 =	simm.s32 $0x1BF5;
	[smem:$0x3FB8] =	sst s0  }
0x18: {  	s0 =	sld [smem:$0x3F9B];
	_ =	swait.ge [sflag:s4], $0x0  }
0x19: {  	s7 =	sld [smem:$0x3F9C]  }
0x1a: {  	s8 =	sadd.s32 $0xFFFFE003, lr  }
0x1b: {  	s9 =	sadd.s32 $0xFFFFFEF7, lr;
	s5 =	simm.s32 $0xFFFFFFFF;
	p2 =	slt.u32 s8, $0xFFFFF086  }
0x1c: {  	p1 =	slt.u32 s9, $0xF7A;
	s5 =	simm.s32 @!p2 $0x0  }
0x1d: {  	s5 =	simm.s32 @p1 $0x1;
	p0 =	seq.s32 s7, s2  }
0x1e: {  	s7 =	smul.u32 @!p0 $0xF7A, s2;
	p2 =	seq.s32 @!p0 s5, $0x0  }
0x1f: {  	s9 =	smul.u32 $0xF7A, s1;
	s8 =	simm.s32 @!p0 $0x1BF5;
	p2 =	por !p2, p0  }
0x20: {  	[sflag:s8] =	ssyncset.s32 @!p0 $0xFFFFF086;
	s6 =	sadd.s32 @!p0 s3, s7;
	s7 =	simm.s32 @!p0 $0x108  }
0x21: {  	s3 =	sadd.s32 s3, s9;
	s6 =	sadd.s32 @!p0 $0x88, s6;
	s7 =	simm.s32 @p2 $0x1082  }
0x22: {  	[simem:s7], [sflag:s8] =	dma.local @!p0 [hbm:s6], $0xF7A  }
0x23: {  	s9 =	sor.u32 $0xD0000000, s2;
	s6 =	simm.s32 $0x108;
	_ =	swait.ge @!p0 [sflag:s8], $0x0  }
0x24: {  	s3 =	sadd.s32 $0x88, s3;
	s6 =	simm.s32 @!p1 $0x1082;
	[sflag:s4] =	ssyncset.s32 $0xFFFFF086  }
0x25: {  	[simem:s6], [sflag:s4] =	dma.local [hbm:s3], $0xF7A  }
0x26: {  	[smem:$0x3F9C] =	sst s1;
	(tag) =	ssettag s2;
	_ =	strace s9  }
0x27: {  	s1 =	sld [smem:$0x3FAC]  }
0x28: {  	s2 =	sld [smem:$0x3FAD]  }
0x29: {  	s4 =	sld [smem:$0x3FAF]  }
0x2a: {  	p0 =	seq.s32 s5, $0x0;
	s5 =	sld [smem:$0x3FB0]  }
0x2b: {  	s6 =	sld [smem:$0x3FB1]  }
0x2c: {  	s7 =	sld [smem:$0x3FB2]  }
0x2d: {  	s3 =	simm.s32 $0x108;
	s8 =	sld [smem:$0x3FB3]  }
0x2e: {  	s3 =	simm.s32 @!p0 $0x1082;
	s9 =	sld [smem:$0x3FB4]  }
0x2f: {  	lr =	sadd.s32 s0, s3;
	s0 =	sld [smem:$0x3FAB]  }
0x30: {  	s3 =	sld [smem:$0x3FAE]  }
0x31: {  	[smem:$0x3FB7] =	sst s10  }
0x32: {  	s10 =	sld [smem:$0x3FB5];
	_ =	sdelay $0x3  }
0x33: {  	p0 =	seq.s32 s10, $0x1;
	s10 =	sld [smem:$0x3FB7];
	_ =	sdelay $0x3  }
0x34: {  	[smem:$0x3FB7] =	sst s10  }
0x35: {  	s10 =	sld [smem:$0x3FB6];
	_ =	sdelay $0x3  }
0x36: {  	p1 =	seq.s32 s10, $0x1;
	s10 =	sld [smem:$0x3FB7];
	_ =	sdelay $0x3  }
0x37: {  	[smem:$0x3FB7] =	sst s10  }
0x38: {  	s10 =	sld [smem:$0x3FB8]  }
0x39: {  	_ = 	snop;
	(pc) =	sbr.ind lr, $3  }
0x3a: {  	_ = 	snop  }
0x3b: {  	_ = 	snop  }
0x3c: {  	p2 =	seq.s32 s10, $0x1;
	s10 =	sld [smem:$0x3FB7]  }
0x3d: {  	_ =	shalt  }
0x3e: {  	_ =	shalt  }
0x3f: {  	_ =	shalt  }
0x40: {  	_ =	shalt  }
0x41: {  	_ =	shalt  }
0x42: {  	_ =	shalt  }
0x43: {  	_ =	shalt  }
0x44: {  	_ =	shalt  }
0x45: {  	_ =	shalt  }
0x46: {  	_ =	shalt  }
0x47: {  	_ =	shalt  }
0x48: {  	_ =	shalt  }
0x49: {  	_ =	shalt  }
0x4a: {  	_ =	shalt  }
0x4b: {  	_ =	shalt  }
0x4c: {  	_ =	shalt  }
0x4d: {  	_ =	shalt  }
0x4e: {  	_ =	shalt  }
0x4f: {  	_ =	shalt  }
0x50: {  	_ =	shalt  }
0x51: {  	_ =	shalt  }
0x52: {  	_ =	shalt  }
0x53: {  	_ =	shalt  }
0x54: {  	_ =	shalt  }
0x55: {  	_ =	shalt  }
0x56: {  	_ =	shalt  }
0x57: {  	_ =	shalt  }
0x58: {  	_ =	shalt  }
0x59: {  	_ =	shalt  }
0x5a: {  	_ =	shalt  }
0x5b: {  	_ =	shalt  }
0x5c: {  	_ =	shalt  }
0x5d: {  	_ =	shalt  }
0x5e: {  	_ =	shalt  }
0x5f: {  	_ =	shalt  }
0x60: {  	_ =	shalt  }
0x61: {  	_ =	shalt  }
0x62: {  	_ =	shalt  }
0x63: {  	_ =	shalt  }
0x64: {  	_ =	shalt  }
0x65: {  	_ =	shalt  }
0x66: {  	_ =	shalt  }
0x67: {  	_ =	shalt  }
0x68: {  	_ =	shalt  }
0x69: {  	_ =	shalt  }
0x6a: {  	_ =	shalt  }
0x6b: {  	_ =	shalt  }
0x6c: {  	_ =	shalt  }
0x6d: {  	_ =	shalt  }
0x6e: {  	_ =	shalt  }
0x6f: {  	_ =	shalt  }
0x70: {  	_ =	shalt  }
0x71: {  	_ =	shalt  }
0x72: {  	_ =	shalt  }
0x73: {  	_ =	shalt  }
0x74: {  	_ =	shalt  }
0x75: {  	_ =	shalt  }
0x76: {  	_ =	shalt  }
0x77: {  	_ =	shalt  }
0x78: {  	_ =	shalt  }
0x79: {  	_ =	shalt  }
0x7a: {  	_ =	shalt  }
0x7b: {  	_ =	shalt  }
0x7c: {  	_ =	shalt  }
0x7d: {  	_ =	shalt  }
0x7e: {  	_ =	shalt  }
0x7f: {  	_ =	shalt  }
0x80: {  	_ =	shalt  }
0x81: {  	_ =	shalt  }
0x82: {  	_ =	shalt  }
0x83: {  	_ =	shalt  }
0x84: {  	_ =	shalt  }
0x85: {  	_ =	shalt  }
0x86: {  	_ =	shalt  }
0x87: {  	_ =	shalt  }
.Lfunc_end0:
.L_simem_size_0:
called_computation_lowered:
.L_overlay_start_0:
0x88: {  	s2 =	sld [smem:$0x3FD9]  }
0x89: {  	s3 =	sld [smem:$0x3FFE];
	_ =	sdelay $0x1  }
0x8a: {  	s1 =	srdreg.scid  }
0x8b: {  	s0 =	sand.u32 $0x1, s1  }
0x8c: {  	s17 =	sshll.u32 s0, $0xA;
	s2 =	sadd.s32 s3, s2  }
0x8d: {  	s2 =	sadd.s32 s2, s17  }
0x8e: {  	[smem:$0x3FC3] =	sst s2  }
0x8f: {  	_ = 	snop  }
0x90: {  	s2 =	sld [smem:$0x3FD0];
	(tm) =	ssettm $0x1  }
0x91: {  	s18 =	sld [smem:$0x3FFB];
	_ =	sdelay $0x3  }
0x92: {  	_ =	strace s18  }
0x93: {  	s3 =	sld [smem:$0x3FFC];
	_ =	sdelay $0x3  }
0x94: {  	_ =	strace s3  }
0x95: {  	s3 =	sld [smem:$0x3FFD];
	_ =	sdelay $0x3  }
0x96: {  	_ =	strace s3  }
0x97: {  	_ =	strace $0x8FFFFFFF  }
0x98: {  	s19 =	sld [smem:$0x3FDB];
	_ =	sdelay $0x1  }
0x99: {  	s4 =	simm.s32 $_scs_section_size  }
0x9a: {  	s5 =	simm.s32 $_size__tile_overlayer_lowered;
	s6 =	simm.s32 $_tile_overlayer_lowered  }
0x9b: {  	s22 =	simm.s32 $0x1BFF;
	s21 =	sshll.u32 s6, $0x1;
	s3 =	sadd.s32 s4, s19  }
0x9c: {  	s7 =	simm.s32 $0x0;
	s20 =	sshll.u32 s5, $0x1;
	s5 =	sadd.s32 s21, s3  }
0x9d: {  	[timem:s7], [sflag:s22] =	dma.local [hbm:s5], s20  }
0x9e: {  	_ =	swait.ge [sflag:s22], s20  }
0x9f: {  	s4 =	ssub.s32 $0x0, s20;
	[sflag:s22] =	ssyncset.done $0x0  }
0xa0: {  	[sflag:s22] =	ssyncadd.s32 s4;
	_ =	sdelay $0x1  }
0xa1: {  	s23 =	simm.s32 $0x1B8B  }
0xa2: {  	_ =	swait.ge [sflag:s23], $0x1  }
0xa3: {  	[sflag:s23] =	ssyncset.done $0x0  }
0xa4: {  	s25 =	simm.s32 $0x1B8E;
	s24 =	sld [smem:$0x3FFE];
	[sflag:s23] =	ssyncadd.s32 $0xFFFFFFFF  }
0xa5: {  	s26 =	simm.s32 $execute0_lowered;
	[smem:$0x3FD2] =	sst s25  }
0xa6: {  	s5 =	sshll.u32 s26, $0x1;
	_ =	strace $0x80000046;
	[dreg:$0x1] =	wrdreg $0xFFFFFFFF  }
0xa7: {  	s28 =	simm.s32 $_size_execute0_lowered;
	s3 =	sadd.s32 s3, s5;
	[dreg:$0x0] =	wrdreg $0x0  }
0xa8: {  	s5 =	sshll.u32 s28, $0x1;
	[dreg:$0x2] =	wrdreg s3  }
0xa9: {  	[dreg:$0x3] =	wrdreg s5  }
0xaa: {  	[dreg:$0x4] =	wrdreg $0xC0  }
0xab: {  	_ =	task [dreg:s7], $0x5FFFF  }
0xac: {  	[dreg:$0x1] =	wrdreg $0xFFFFFFFF  }
0xad: {  	[dreg:$0x0] =	wrdreg $0x60  }
0xae: {  	[dreg:$0x2] =	wrdreg s24  }
0xaf: {  	[dreg:$0x3] =	wrdreg s2  }
0xb0: {  	[dreg:$0x4] =	wrdreg $0x9  }
0xb1: {  	_ =	task.clear_ibuf [dreg:s7], $0x5FFFF;
	_ =	strace $0x90000046  }
0xb2: {  	s29 =	simm.s32 $0x9;
	_ =	strace $0x80000048  }
0xb3: {  	_ =	swait.ge [sflag:s29], $0x1  }
0xb4: {  	[sflag:s29] =	ssyncadd.s32 $0xFFFFFFFF  }
0xb5: {  	_ =	strace $0x90000048  }
0xb6: {  	_ =	sfence  }
0xb7: {  	s30 =	sld [smem:$0x0];
	_ =	sdelay $0x2  }
0xb8: {  	s31 =	sshll.u32 s1, $0xD;
	s1 =	sshrl.u32 s1, $0x2  }
0xb9: {  	s3 =	sand.u32 $0x4000, s31;
	s1 =	sadd.s32 s1, s30  }
0xba: {  	s0 =	sor.u32 s3, s0;
	s1 =	sshll.u32 s1, $0x11  }
0xbb: {  	s0 =	sor.u32 s1, s0  }
0xbc: {  	s0 =	sadd.s32 $0x8F2B, s0  }
0xbd: {  	[sflag:s0] =	ssyncadd.remote.s32 $0x1  }
0xbe: {  	_ =	sfence.sel $0xFFFF  }
0xbf: {  	[dreg:$0x0] =	wrdreg $0xFFFFFFFF;
	(pc) =	sbr.abs _section_cstart, $3  }
0xc0: {  	[dreg:$0x1] =	wrdreg $0xFFFFFFFF  }
0xc1: {  	_ =	task.clear_ibuf [dreg:s7], $0x2FFFF;
	_ =	strace $0x9FFFFFFF  }
0xc2: {  	(tm) =	ssettm $0x7FFFFFFF  }
0xc3: {  	_ =	shalt  }
tec
execute0_lowered:
.L_overlay_start_1:
0x0: {  	(tag) =	ssettag $0x1  }
0x1: {  	v0 =	vimm.s32 $0xB80  }
0x2: {  	vm14 =	vcmask $0x300;
	vm13 =	vcmask $0x704;
	vm12 =	vcmask $0xB08  }
0x3: {  	vm11 =	vcmask $0xF0C;
	vm10 =	vcmask $0x1310;
	vm9 =	vcmask $0x1714  }
0x4: {  	vm8 =	vcmask $0x1B18;
	vm7 =	vcmask $0x1F1C;
	vm6 =	vcmask $0x2320  }
0x5: {  	vm5 =	vcmask $0x2724;
	vm4 =	vcmask $0x2B28;
	vm3 =	vcmask $0x2F2C  }
0x6: {  	vm2 =	vcmask $0x3330;
	vm1 =	vcmask $0x3734;
	vm0 =	vcmask $0x3B38  }
0x7: {  	v1 =	vlaneseq.u32;
	v3 =	vimm.s32 $0x1B80;
	v2 =	vimm.f32 $1.000000000e+00  }
0x8: {  	v4 =	vimm.s32 $0x2B80;
	v5 =	vimm.s32 $0x3B80;
	v9 =	vimm.s32 $0x4B80  }
0x9: {  	v10 =	vimm.s32 $0x5B80;
	v11 =	vimm.s32 $0x6B80;
	v15 =	vimm.s32 $0x7B80  }
0xa: {  	v16 =	vimm.s32 $0x8B80;
	v17 =	vimm.s32 $0x9B80;
	v18 =	vimm.s32 $0xAB80  }
0xb: {  	v19 =	vimm.s32 $0xBB80;
	v20 =	vimm.s32 $0xCB80;
	v21 =	vimm.s32 $0xDB80  }
0xc: {  	v22 =	vimm.s32 $0xEB80;
	v23 =	vimm.s32 $0xFB80;
	v0 =	vsel vm14, $0x0, v0  }
0xd: {  	v1 =	vmul.u32 $0x80, v1;
	v3 =	vsel vm14, $0x1000, v3;
	v4 =	vsel vm14, $0x2000, v4  }
0xe: {  	v5 =	vsel vm14, $0x3000, v5;
	v9 =	vsel vm14, $0x4000, v9;
	v10 =	vsel vm14, $0x5000, v10  }
0xf: {  	v11 =	vsel vm14, $0x6000, v11;
	v15 =	vsel vm14, $0x7000, v15;
	v16 =	vsel vm14, $0x8000, v16  }
0x10: {  	v17 =	vsel vm14, $0x9000, v17;
	v18 =	vsel vm14, $0xA000, v18;
	v19 =	vsel vm14, $0xB000, v19  }
0x11: {  	v20 =	vsel vm14, $0xC000, v20;
	v21 =	vsel vm14, $0xD000, v21;
	v22 =	vsel vm14, $0xE000, v22  }
0x12: {  	v23 =	vsel vm14, $0xF000, v23;
	v0 =	vsel vm13, $0x80, v0;
	v3 =	vsel vm13, $0x1080, v3  }
0x13: {  	v4 =	vsel vm13, $0x2080, v4;
	v5 =	vsel vm13, $0x3080, v5;
	v9 =	vsel vm13, $0x4080, v9  }
0x14: {  	v10 =	vsel vm13, $0x5080, v10;
	v11 =	vsel vm13, $0x6080, v11;
	v15 =	vsel vm13, $0x7080, v15  }
0x15: {  	v16 =	vsel vm13, $0x8080, v16;
	v17 =	vsel vm13, $0x9080, v17;
	v18 =	vsel vm13, $0xA080, v18  }
0x16: {  	v19 =	vsel vm13, $0xB080, v19;
	v20 =	vsel vm13, $0xC080, v20;
	v21 =	vsel vm13, $0xD080, v21  }
0x17: {  	v22 =	vsel vm13, $0xE080, v22;
	v23 =	vsel vm13, $0xF080, v23;
	v0 =	vsel vm12, $0x100, v0  }
0x18: {  	v3 =	vsel vm12, $0x1100, v3;
	v4 =	vsel vm12, $0x2100, v4;
	v5 =	vsel vm12, $0x3100, v5  }
0x19: {  	v8 =	vor.u32 $0x1800, v1;
	v9 =	vsel vm12, $0x4100, v9;
	v10 =	vsel vm12, $0x5100, v10  }
0x1a: {  	v11 =	vsel vm12, $0x6100, v11;
	v14 =	vor.u32 $0x3000, v1;
	v15 =	vsel vm12, $0x7100, v15  }
0x1b: {  	v16 =	vsel vm12, $0x8100, v16;
	v17 =	vsel vm12, $0x9100, v17;
	v18 =	vsel vm12, $0xA100, v18  }
0x1c: {  	v19 =	vsel vm12, $0xB100, v19;
	v20 =	vsel vm12, $0xC100, v20;
	v21 =	vsel vm12, $0xD100, v21  }
0x1d: {  	v22 =	vsel vm12, $0xE100, v22;
	v23 =	vsel vm12, $0xF100, v23;
	v0 =	vsel vm11, $0x180, v0  }
0x1e: {  	v3 =	vsel vm11, $0x1180, v3;
	v4 =	vsel vm11, $0x2180, v4;
	v5 =	vsel vm11, $0x3180, v5  }
0x1f: {  	v9 =	vsel vm11, $0x4180, v9;
	v10 =	vsel vm11, $0x5180, v10;
	v11 =	vsel vm11, $0x6180, v11  }
0x20: {  	v15 =	vsel vm11, $0x7180, v15;
	v16 =	vsel vm11, $0x8180, v16;
	v17 =	vsel vm11, $0x9180, v17  }
0x21: {  	v18 =	vsel vm11, $0xA180, v18;
	v19 =	vsel vm11, $0xB180, v19;
	v20 =	vsel vm11, $0xC180, v20  }
0x22: {  	v21 =	vsel vm11, $0xD180, v21;
	v22 =	vsel vm11, $0xE180, v22;
	v23 =	vsel vm11, $0xF180, v23  }
0x23: {  	v0 =	vsel vm10, $0x200, v0;
	v3 =	vsel vm10, $0x1200, v3;
	v4 =	vsel vm10, $0x2200, v4  }
0x24: {  	v5 =	vsel vm10, $0x3200, v5;
	v9 =	vsel vm10, $0x4200, v9;
	v10 =	vsel vm10, $0x5200, v10  }
0x25: {  	v11 =	vsel vm10, $0x6200, v11;
	v15 =	vsel vm10, $0x7200, v15;
	v16 =	vsel vm10, $0x8200, v16  }
0x26: {  	v17 =	vsel vm10, $0x9200, v17;
	v18 =	vsel vm10, $0xA200, v18;
	v19 =	vsel vm10, $0xB200, v19  }
0x27: {  	v20 =	vsel vm10, $0xC200, v20;
	v21 =	vsel vm10, $0xD200, v21;
	v22 =	vsel vm10, $0xE200, v22  }
0x28: {  	v23 =	vsel vm10, $0xF200, v23;
	v0 =	vsel vm9, $0x280, v0;
	v3 =	vsel vm9, $0x1280, v3  }
0x29: {  	v4 =	vsel vm9, $0x2280, v4;
	v5 =	vsel vm9, $0x3280, v5;
	v9 =	vsel vm9, $0x4280, v9  }
0x2a: {  	v10 =	vsel vm9, $0x5280, v10;
	v11 =	vsel vm9, $0x6280, v11;
	v15 =	vsel vm9, $0x7280, v15  }
0x2b: {  	v16 =	vsel vm9, $0x8280, v16;
	v17 =	vsel vm9, $0x9280, v17;
	v18 =	vsel vm9, $0xA280, v18  }
0x2c: {  	v19 =	vsel vm9, $0xB280, v19;
	v20 =	vsel vm9, $0xC280, v20;
	v21 =	vsel vm9, $0xD280, v21  }
0x2d: {  	v22 =	vsel vm9, $0xE280, v22;
	v23 =	vsel vm9, $0xF280, v23;
	v0 =	vsel vm8, $0x300, v0  }
0x2e: {  	v3 =	vsel vm8, $0x1300, v3;
	v4 =	vsel vm8, $0x2300, v4;
	v5 =	vsel vm8, $0x3300, v5  }
0x2f: {  	v9 =	vsel vm8, $0x4300, v9;
	v10 =	vsel vm8, $0x5300, v10;
	v11 =	vsel vm8, $0x6300, v11  }
0x30: {  	v15 =	vsel vm8, $0x7300, v15;
	v16 =	vsel vm8, $0x8300, v16;
	v17 =	vsel vm8, $0x9300, v17  }
0x31: {  	v18 =	vsel vm8, $0xA300, v18;
	v19 =	vsel vm8, $0xB300, v19;
	v20 =	vsel vm8, $0xC300, v20  }
0x32: {  	v21 =	vsel vm8, $0xD300, v21;
	v22 =	vsel vm8, $0xE300, v22;
	v23 =	vsel vm8, $0xF300, v23  }
0x33: {  	v0 =	vsel vm7, $0x380, v0;
	v3 =	vsel vm7, $0x1380, v3;
	v4 =	vsel vm7, $0x2380, v4  }
0x34: {  	v5 =	vsel vm7, $0x3380, v5;
	v9 =	vsel vm7, $0x4380, v9;
	v10 =	vsel vm7, $0x5380, v10  }
0x35: {  	v11 =	vsel vm7, $0x6380, v11;
	v15 =	vsel vm7, $0x7380, v15;
	v16 =	vsel vm7, $0x8380, v16  }
0x36: {  	v17 =	vsel vm7, $0x9380, v17;
	v18 =	vsel vm7, $0xA380, v18;
	v19 =	vsel vm7, $0xB380, v19  }
0x37: {  	v20 =	vsel vm7, $0xC380, v20;
	v21 =	vsel vm7, $0xD380, v21;
	v22 =	vsel vm7, $0xE380, v22  }
0x38: {  	v23 =	vsel vm7, $0xF380, v23;
	v0 =	vsel vm6, $0x800, v0;
	v3 =	vsel vm6, $0x1800, v3  }
0x39: {  	v4 =	vsel vm6, $0x2800, v4;
	v5 =	vsel vm6, $0x3800, v5;
	v9 =	vsel vm6, $0x4800, v9  }
0x3a: {  	v10 =	vsel vm6, $0x5800, v10;
	v11 =	vsel vm6, $0x6800, v11;
	v15 =	vsel vm6, $0x7800, v15  }
0x3b: {  	v16 =	vsel vm6, $0x8800, v16;
	v17 =	vsel vm6, $0x9800, v17;
	v18 =	vsel vm6, $0xA800, v18  }
0x3c: {  	v19 =	vsel vm6, $0xB800, v19;
	v20 =	vsel vm6, $0xC800, v20;
	v21 =	vsel vm6, $0xD800, v21  }
0x3d: {  	v22 =	vsel vm6, $0xE800, v22;
	v23 =	vsel vm6, $0xF800, v23;
	v0 =	vsel vm5, $0x880, v0  }
0x3e: {  	v3 =	vsel vm5, $0x1880, v3;
	v4 =	vsel vm5, $0x2880, v4;
	v5 =	vsel vm5, $0x3880, v5  }
0x3f: {  	v9 =	vsel vm5, $0x4880, v9;
	v10 =	vsel vm5, $0x5880, v10;
	v11 =	vsel vm5, $0x6880, v11  }
0x40: {  	v15 =	vsel vm5, $0x7880, v15;
	v16 =	vsel vm5, $0x8880, v16;
	v17 =	vsel vm5, $0x9880, v17  }
0x41: {  	v18 =	vsel vm5, $0xA880, v18;
	v19 =	vsel vm5, $0xB880, v19;
	v20 =	vsel vm5, $0xC880, v20  }
0x42: {  	v21 =	vsel vm5, $0xD880, v21;
	v22 =	vsel vm5, $0xE880, v22;
	v23 =	vsel vm5, $0xF880, v23  }
0x43: {  	v0 =	vsel vm4, $0x900, v0;
	v3 =	vsel vm4, $0x1900, v3;
	v4 =	vsel vm4, $0x2900, v4  }
0x44: {  	v5 =	vsel vm4, $0x3900, v5;
	v9 =	vsel vm4, $0x4900, v9;
	v10 =	vsel vm4, $0x5900, v10  }
0x45: {  	v11 =	vsel vm4, $0x6900, v11;
	v15 =	vsel vm4, $0x7900, v15;
	v16 =	vsel vm4, $0x8900, v16  }
0x46: {  	v17 =	vsel vm4, $0x9900, v17;
	v18 =	vsel vm4, $0xA900, v18;
	v19 =	vsel vm4, $0xB900, v19  }
0x47: {  	v20 =	vsel vm4, $0xC900, v20;
	v21 =	vsel vm4, $0xD900, v21;
	v22 =	vsel vm4, $0xE900, v22  }
0x48: {  	v23 =	vsel vm4, $0xF900, v23;
	v0 =	vsel vm3, $0x980, v0;
	v3 =	vsel vm3, $0x1980, v3  }
0x49: {  	v4 =	vsel vm3, $0x2980, v4;
	v5 =	vsel vm3, $0x3980, v5;
	v9 =	vsel vm3, $0x4980, v9  }
0x4a: {  	v10 =	vsel vm3, $0x5980, v10;
	v11 =	vsel vm3, $0x6980, v11;
	v15 =	vsel vm3, $0x7980, v15  }
0x4b: {  	v16 =	vsel vm3, $0x8980, v16;
	v17 =	vsel vm3, $0x9980, v17;
	v18 =	vsel vm3, $0xA980, v18  }
0x4c: {  	v19 =	vsel vm3, $0xB980, v19;
	v20 =	vsel vm3, $0xC980, v20;
	v21 =	vsel vm3, $0xD980, v21  }
0x4d: {  	v22 =	vsel vm3, $0xE980, v22;
	v23 =	vsel vm3, $0xF980, v23;
	v0 =	vsel vm2, $0xA00, v0  }
0x4e: {  	v3 =	vsel vm2, $0x1A00, v3;
	v4 =	vsel vm2, $0x2A00, v4;
	v7 =	vsel vm2, $0x3A00, v5  }
0x4f: {  	v9 =	vsel vm2, $0x4A00, v9;
	v10 =	vsel vm2, $0x5A00, v10;
	v13 =	vsel vm2, $0x6A00, v11  }
0x50: {  	v15 =	vsel vm2, $0x7A00, v15;
	v16 =	vsel vm2, $0x8A00, v16;
	v17 =	vsel vm2, $0x9A00, v17  }
0x51: {  	v18 =	vsel vm2, $0xAA00, v18;
	v19 =	vsel vm2, $0xBA00, v19;
	v20 =	vsel vm2, $0xCA00, v20  }
0x52: {  	v21 =	vsel vm2, $0xDA00, v21;
	v22 =	vsel vm2, $0xEA00, v22;
	v23 =	vsel vm2, $0xFA00, v23  }
0x53: {  	s3 =	rddreg [dreg:$0x0];
	v0 =	vsel vm1, $0xA80, v0;
	v3 =	vsel vm1, $0x1A80, v3;
	v6 =	vsel vm1, $0x2A80, v4  }
0x54: {  	s7 =	rddreg [dreg:$0x1];
	v4 =	vor.u32 $0x800, v1;
	v7 =	vsel vm1, $0x3A80, v7;
	v9 =	vsel vm1, $0x4A80, v9  }
0x55: {  	s0 =	rddreg [dreg:$0x2];
	v12 =	vsel vm1, $0x5A80, v10;
	v10 =	vor.u32 $0x2000, v1;
	v13 =	vsel vm1, $0x6A80, v13  }
0x56: {  	s1 =	simm.s32 $0x0;
	s4 =	srdreg.scid;
	s2 =	stileid.u32;
	v15 =	vsel vm1, $0x7A80, v15;
	v16 =	vsel vm1, $0x8A80, v16;
	v17 =	vsel vm1, $0x9A80, v17  }
0x57: {  	s11 =	simm.s32 $0x0;
	[smem:$0x7FF] =	sst s1;
	s4 =	sand.u32 $0x1, s4;
	v18 =	vsel vm1, $0xAA80, v18;
	v19 =	vsel vm1, $0xBA80, v19;
	v20 =	vsel vm1, $0xCA80, v20  }
0x58: {  	s6 =	sadd.s32 $0x1000, s3;
	s8 =	sshll.u32 s2, $0x1;
	s3 =	sadd.s32 $0x81000, s3;
	v21 =	vsel vm1, $0xDA80, v21;
	v22 =	vsel vm1, $0xEA80, v22;
	v23 =	vsel vm1, $0xFA80, v23  }
0x59: {  	_ =	strace $0x80000047;
	s5 =	ssub.s32 $0x2, s4;
	s8 =	sor.u32 s4, s8;
	v0 =	vsel vm0, $0xB00, v0;
	v3 =	vsel vm0, $0x1B00, v3;
	v5 =	vsel vm0, $0x2B00, v6  }
0x5a: {  	s9 =	sshrl.u32 s5, $0x1;
	s4 =	sshll.u32 s8, $0xE;
	s30 =	sshll.u32 s8, $0x6;
	v6 =	vor.u32 $0x1000, v1;
	v7 =	vsel vm0, $0x3B00, v7;
	v9 =	vsel vm0, $0x4B00, v9  }
0x5b: {  	s8 =	sshll.u32 s8, $0xD;
	s9 =	ssub.s32 s5, s9;
	s10 =	sor.u32 $0x20, s30;
	v11 =	vsel vm0, $0x5B00, v12;
	v12 =	vor.u32 $0x2800, v1;
	v13 =	vsel vm0, $0x6B00, v13  }
0x5c: {  	s4 =	sadd.s32 s6, s4;
	s5 =	sadd.s32 s7, s8;
	s31 =	sshll.u32 s10, $0x8;
	v15 =	vsel vm0, $0x7B00, v15;
	v16 =	vsel vm0, $0x8B00, v16;
	v17 =	vsel vm0, $0x9B00, v17  }
0x5d: {  	s10 =	sshll.u32 s10, $0x7;
	s8 =	smax.u32 s9, $0x1;
	s9 =	simm.s32 $0x1;
	v18 =	vsel vm0, $0xAB00, v18;
	v19 =	vsel vm0, $0xBB00, v19;
	v20 =	vsel vm0, $0xCB00, v20  }
0x5e: {  	s6 =	sadd.s32 s6, s31;
	s7 =	sadd.s32 s7, s10;
	s10 =	simm.s32 $0x10000;
	v21 =	vsel vm0, $0xDB00, v21;
	v22 =	vsel vm0, $0xEB00, v22;
	v23 =	vsel vm0, $0xFB00, v23  }
.LBB2_1:
0x5f: {  	v24 =	vmov s1;
	s12 =	simm.s32 $0x1  }
0x60: {  	s20 =	simm.s32 $0x2;
	s13 =	simm.s32 $0x3;
	s14 =	simm.s32 $0x4;
	v25 =	vand.u32 $0x78, v24;
	v24 =	vshll.u32 v24, $0x3;
	v26 =	vmov s12  }
0x61: {  	s21 =	simm.s32 $0x5;
	s22 =	simm.s32 $0x6;
	s23 =	simm.s32 $0x7;
	v27 =	vmov s20;
	v28 =	vmov s13;
	v29 =	vmov s14  }
0x62: {  	s25 =	simm.s32 $0x9;
	v31 =	vmov s21;
	v32 =	vmov s22;
	v38 =	vmov s23  }
0x63: {  	v41 =	vmov s25;
	v30 =	vand.u32 $0x79, v26;
	v33 =	vand.u32 $0x7A, v27  }
0x64: {  	v34 =	vand.u32 $0x7B, v28;
	v35 =	vand.u32 $0x7C, v29;
	v36 =	vand.u32 $0x7D, v31  }
0x65: {  	v37 =	vand.u32 $0x7E, v32;
	v26 =	vshll.u32 v26, $0x3;
	v27 =	vshll.u32 v27, $0x3  }
0x66: {  	[tilespmem:s1], [sflag:$0x1] =	stream.linear.gather [hbm4b:s4+s1], $0x10000, $0x38;
	v28 =	vshll.u32 v28, $0x3;
	v29 =	vshll.u32 v29, $0x3;
	v39 =	vshll.u32 v38, $0x3;
	[tilespmem:$0x18000] =	vst v63  }
0x67: {  	_ =	swait.ge [sflag:s9], $0x10000;
	v31 =	vshll.u32 v31, $0x3;
	v38 =	vand.u32 $0x7F, v38;
	v39 =	vand.u32 $0x400, v39  }
0x68: {  	[sflag:s9] =	ssyncset.done $0x0;
	v32 =	vshll.u32 v32, $0x3;
	v26 =	vand.u32 $0x400, v26;
	v38 =	vor.u32 v39, v38  }
0x69: {  	[sflag:s9] =	ssyncadd.s32 $0xFFFF0000;
	v27 =	vand.u32 $0x400, v27;
	v26 =	vor.u32 v26, v30;
	v30 =	vor.u32 v0, v38  }
0x6a: {  	v28 =	vand.u32 $0x400, v28;
	[tilespmem:s10], [sflag:$0x1] =	stream.linear.gather [hbm4b:s3+s1], $0x8000, $0x38;
	v27 =	vor.u32 v27, v33;
	v26 =	vor.u32 v0, v26;
	[tilespmem:$0x18000] =	vst v63  }
0x6b: {  	v29 =	vand.u32 $0x400, v29;
	v28 =	vor.u32 v28, v34;
	_ =	swait.ge [sflag:s9], $0x8000;
	v27 =	vor.u32 v0, v27  }
0x6c: {  	v31 =	vand.u32 $0x400, v31;
	v29 =	vor.u32 v29, v35;
	v28 =	vor.u32 v0, v28;
	[sflag:s9] =	ssyncset.done $0x0  }
0x6d: {  	v32 =	vand.u32 $0x400, v32;
	v31 =	vor.u32 v31, v36;
	v29 =	vor.u32 v0, v29;
	[sflag:s9] =	ssyncadd.s32 $0xFFFF8000  }
0x6e: {  	s26 =	simm.s32 $0xA;
	v24 =	vand.u32 $0x400, v24;
	v56 =	vor.u32 v0, v31;
	v31 =	vor.u32 v32, v37;
	v57 =	vld.idx.msk [tilespmem:v30+s1+$0x0], $0xffff  }
0x6f: {  	s24 =	simm.s32 $0x8;
	s28 =	simm.s32 $0xB;
	v44 =	vmov s26;
	v24 =	vor.u32 v24, v25;
	v58 =	vor.u32 v0, v31;
	v26 =	vld.idx.msk [tilespmem:v26+s1+$0x0], $0xffff  }
0x70: {  	v45 =	vmov s28;
	v25 =	vmov s24;
	v40 =	vor.u32 v0, v24;
	v59 =	vld.idx.msk [tilespmem:v27+s1+$0x0], $0xffff  }
0x71: {  	s29 =	simm.s32 $0xC;
	s30 =	simm.s32 $0xD;
	s31 =	simm.s32 $0xE;
	v43 =	vshll.u32 v41, $0x3;
	v24 =	vand.u32 $0x78, v25;
	v25 =	vshll.u32 v25, $0x3;
	v42 =	vld.idx.msk [tilespmem:v28+s1+$0x0], $0xffff  }
0x72: {  	v39 =	vmov s30;
	v38 =	vmov s29;
	v37 =	vmov s31;
	v46 =	vld.idx.msk [tilespmem:v29+s1+$0x0], $0xffff  }
0x73: {  	v31 =	vand.u32 $0x79, v41;
	v41 =	vshll.u32 v45, $0x3;
	v47 =	vld.idx.msk [tilespmem:v56+s1+$0x0], $0xffff;
	v28 =	vand.u32 $0x7F, v57  }
0x74: {  	v30 =	vand.u32 $0x7A, v44;
	v48 =	vld.idx.msk [tilespmem:v58+s1+$0x0], $0xffff;
	v26 =	vand.u32 $0x7F, v26;
	v49 =	vor.u32 v1, v28  }
0x75: {  	v40 =	vld.idx.msk [tilespmem:v40+s1+$0x0], $0xffff;
	v29 =	vand.u32 $0x7B, v45;
	v60 =	vand.u32 $0x7F, v59;
	v36 =	vor.u32 v1, v26  }
0x76: {  	v27 =	vand.u32 $0x7C, v38;
	v61 =	vand.u32 $0x7F, v42;
	v35 =	vor.u32 v1, v60  }
0x77: {  	v62 =	vand.u32 $0x7F, v46;
	v42 =	vshll.u32 v44, $0x3;
	v33 =	vor.u32 v1, v61  }
0x78: {  	v63 =	vand.u32 $0x7F, v47;
	v28 =	vand.u32 $0x7D, v39;
	v32 =	vor.u32 v1, v62  }
0x79: {  	s14 =	simm.s32 $0xF;
	s13 =	simm.s32 $0x10;
	v26 =	vand.u32 $0x7E, v37;
	v34 =	vor.u32 v1, v63;
	v44 =	vand.u32 $0x7F, v48;
	[tilespmem:v49+s10+$0x0] =	vst.idx.add.f32.msk $0xffff, v2  }
.LBB2_2:
0x7a: {  	p0 =	slt.u32 s13, $0xC0;
	v45 =	vmov s14;
	v40 =	vand.u32 $0x7F, v40;
	[tilespmem:v36+s10+$0x0] =	vst.idx.add.f32.msk $0xffff, v2;
	v36 =	vor.u32 v1, v44  }
0x7b: {  	v38 =	vshll.u32 v38, $0x3;
	v44 =	vshll.u32 v45, $0x3;
	v40 =	vor.u32 v1, v40;
	[tilespmem:v35+s10+$0x0] =	vst.idx.add.f32.msk $0xffff, v2  }
0x7c: {  	v35 =	vshll.u32 v39, $0x3;
	v39 =	vand.u32 $0x7F, v45;
	v44 =	vand.u32 $0x400, v44;
	[tilespmem:v33+s10+$0x0] =	vst.idx.add.f32.msk $0xffff, v2  }
0x7d: {  	v37 =	vshll.u32 v37, $0x3;
	v33 =	vand.u32 $0x400, v43;
	v39 =	vor.u32 v44, v39;
	[tilespmem:v32+s10+$0x0] =	vst.idx.add.f32.msk $0xffff, v2  }
0x7e: {  	v31 =	vor.u32 v33, v31;
	v32 =	vand.u32 $0x400, v42;
	v33 =	vor.u32 v0, v39;
	[tilespmem:v34+s10+$0x0] =	vst.idx.add.f32.msk $0xffff, v2  }
0x7f: {  	v31 =	vor.u32 v0, v31;
	v30 =	vor.u32 v32, v30;
	v32 =	vand.u32 $0x400, v41;
	[tilespmem:v36+s10+$0x0] =	vst.idx.add.f32.msk $0xffff, v2  }
0x80: {  	v30 =	vor.u32 v0, v30;
	v29 =	vor.u32 v32, v29;
	v32 =	vand.u32 $0x400, v38;
	[tilespmem:v40+s10+$0x0] =	vst.idx.add.f32.msk $0xffff, v2  }
0x81: {  	v29 =	vor.u32 v0, v29;
	v27 =	vor.u32 v32, v27;
	v32 =	vand.u32 $0x400, v35  }
0x82: {  	s12 =	simm.s32 $0x0;
	v27 =	vor.u32 v0, v27;
	v28 =	vor.u32 v32, v28;
	v32 =	vand.u32 $0x400, v37  }
0x83: {  	v25 =	vand.u32 $0x400, v25;
	v28 =	vor.u32 v0, v28;
	v26 =	vor.u32 v32, v26;
	v32 =	vld.idx.msk [tilespmem:v33+s12+$0x0], $0xffff  }
0x84: {  	v24 =	vor.u32 v25, v24;
	v26 =	vor.u32 v0, v26;
	v33 =	vld.idx.msk [tilespmem:v31+s12+$0x0], $0xffff  }
0x85: {  	s14 =	sadd.s32 $0x1, s13;
	v25 =	vmov s13;
	v34 =	vor.u32 v0, v24;
	v35 =	vld.idx.msk [tilespmem:v30+s12+$0x0], $0xffff  }
0x86: {  	s15 =	sadd.s32 $0x3, s13;
	s16 =	sadd.s32 $0x4, s13;
	v24 =	vand.u32 $0x78, v25;
	v25 =	vshll.u32 v25, $0x3;
	v41 =	vmov s14;
	s14 =	sadd.s32 $0x2, s13;
	v42 =	vld.idx.msk [tilespmem:v29+s12+$0x0], $0xffff  }
0x87: {  	v45 =	vmov s15;
	s15 =	sadd.s32 $0x6, s13;
	v44 =	vmov s14;
	v38 =	vmov s16;
	s14 =	sadd.s32 $0x5, s13;
	v46 =	vld.idx.msk [tilespmem:v27+s12+$0x0], $0xffff  }
0x88: {  	v39 =	vmov s14;
	v37 =	vmov s15;
	v31 =	vand.u32 $0x79, v41;
	v47 =	vld.idx.msk [tilespmem:v28+s12+$0x0], $0xffff  }
0x89: {  	v30 =	vand.u32 $0x7A, v44;
	v29 =	vand.u32 $0x7B, v45;
	v48 =	vld.idx.msk [tilespmem:v26+s12+$0x0], $0xffff;
	v26 =	vand.u32 $0x7F, v32  }
0x8a: {  	v27 =	vand.u32 $0x7C, v38;
	v32 =	vand.u32 $0x7F, v33;
	v40 =	vld.idx.msk [tilespmem:v34+s12+$0x0], $0xffff;
	v49 =	vor.u32 v1, v26  }
.Ltmp0:
0x8b: {  	v28 =	vand.u32 $0x7D, v39;
	v36 =	vor.u32 v1, v32;
	v32 =	vand.u32 $0x7F, v35;
	(pc) =	sbr.rel @p0 .LBB2_2-.Ltmp0, $4  }
0x8c: {  	v26 =	vand.u32 $0x7E, v37;
	v35 =	vor.u32 v1, v32;
	v32 =	vand.u32 $0x7F, v42  }
0x8d: {  	v43 =	vshll.u32 v41, $0x3;
	v33 =	vor.u32 v1, v32;
	v32 =	vand.u32 $0x7F, v46  }
0x8e: {  	v42 =	vshll.u32 v44, $0x3;
	v32 =	vor.u32 v1, v32;
	v34 =	vand.u32 $0x7F, v47  }
0x8f: {  	s14 =	sadd.s32 $0x7, s13;
	s13 =	sadd.s32 $0x8, s13;
	v41 =	vshll.u32 v45, $0x3;
	v34 =	vor.u32 v1, v34;
	v44 =	vand.u32 $0x7F, v48;
	[tilespmem:v49+s10+$0x0] =	vst.idx.add.f32.msk $0xffff, v2  }
0x90: {  	v45 =	vmov s14;
	v38 =	vshll.u32 v38, $0x3;
	v39 =	vshll.u32 v39, $0x3  }
0x91: {  	v43 =	vand.u32 $0x400, v43;
	v37 =	vshll.u32 v37, $0x3;
	v42 =	vand.u32 $0x400, v42  }
0x92: {  	v41 =	vand.u32 $0x400, v41;
	v25 =	vand.u32 $0x400, v25;
	v31 =	vor.u32 v43, v31  }
0x93: {  	v46 =	vshll.u32 v45, $0x3;
	v30 =	vor.u32 v42, v30;
	v31 =	vor.u32 v0, v31  }
0x94: {  	v45 =	vand.u32 $0x7F, v45;
	v29 =	vor.u32 v41, v29;
	v30 =	vor.u32 v0, v30  }
0x95: {  	v38 =	vand.u32 $0x400, v38;
	v24 =	vor.u32 v25, v24;
	v29 =	vor.u32 v0, v29  }
0x96: {  	v46 =	vand.u32 $0x400, v46;
	v27 =	vor.u32 v38, v27;
	v24 =	vor.u32 v0, v24  }
0x97: {  	[tilespmem:v32+s10+$0x0] =	vst.idx.add.f32.msk $0xffff, v2;
	v55 =	vand.u32 $0x400, v39;
	v45 =	vor.u32 v46, v45;
	v27 =	vor.u32 v0, v27  }
0x98: {  	v37 =	vand.u32 $0x400, v37;
	v28 =	vor.u32 v55, v28;
	v54 =	vor.u32 v0, v45;
	v25 =	vld.idx.msk [tilespmem:v31+s12+$0x0], $0xffff  }
0x99: {  	v26 =	vor.u32 v37, v26;
	v28 =	vor.u32 v0, v28;
	v30 =	vld.idx.msk [tilespmem:v30+s12+$0x0], $0xffff  }
0x9a: {  	v26 =	vor.u32 v0, v26;
	v29 =	vld.idx.msk [tilespmem:v29+s12+$0x0], $0xffff  }
0x9b: {  	v24 =	vld.idx.msk [tilespmem:v24+s12+$0x0], $0xffff  }
0x9c: {  	s30 =	simm.s32 $0x4;
	v27 =	vld.idx.msk [tilespmem:v27+s12+$0x0], $0xffff  }
0x9d: {  	v32 =	vmov s30;
	v56 =	vld.idx.msk [tilespmem:v54+s12+$0x0], $0xffff  }
0x9e: {  	v57 =	vor.u32 v1, v44;
	s31 =	simm.s32 $0x2;
	v63 =	vshll.u32 v32, $0x3;
	v31 =	vand.u32 $0x7F, v40;
	v28 =	vld.idx.msk [tilespmem:v28+s12+$0x0], $0xffff  }
0x9f: {  	v38 =	vand.u32 $0x400, v63;
	v40 =	vmov s31;
	v26 =	vld.idx.msk [tilespmem:v26+s12+$0x0], $0xffff;
	v31 =	vor.u32 v1, v31  }
0xa0: {  	v25 =	vand.u32 $0x7F, v25;
	v30 =	vand.u32 $0x7F, v30;
	v24 =	vand.u32 $0x7F, v24  }
0xa1: {  	[tilespmem:v36+s10+$0x0] =	vst.idx.add.f32.msk $0xffff, v2;
	v58 =	vor.u32 v1, v25;
	v30 =	vor.u32 v1, v30;
	v25 =	vand.u32 $0x7F, v29  }
0xa2: {  	[tilespmem:v35+s10+$0x0] =	vst.idx.add.f32.msk $0xffff, v2;
	v62 =	vor.u32 v1, v24;
	v37 =	vand.u32 $0x7F, v56;
	v29 =	vor.u32 v1, v25  }
0xa3: {  	[tilespmem:v33+s10+$0x0] =	vst.idx.add.f32.msk $0xffff, v2;
	v25 =	vand.u32 $0x7F, v27;
	v27 =	vand.u32 $0x7F, v28;
	v37 =	vor.u32 v1, v37  }
0xa4: {  	[tilespmem:v34+s10+$0x0] =	vst.idx.add.f32.msk $0xffff, v2;
	v59 =	vor.u32 v1, v25;
	v25 =	vand.u32 $0x7F, v26;
	v26 =	vmov s12  }
0xa5: {  	s13 =	simm.s32 $0x7;
	[tilespmem:v57+s10+$0x0] =	vst.idx.add.f32.msk $0xffff, v2;
	v60 =	vor.u32 v1, v27;
	v61 =	vor.u32 v1, v25;
	v25 =	vshll.u32 v26, $0x3  }
0xa6: {  	s29 =	simm.s32 $0x5;
	[tilespmem:v31+s10+$0x0] =	vst.idx.add.f32.msk $0xffff, v2;
	v27 =	vmov s13;
	v24 =	vand.u32 $0x78, v26;
	v26 =	vand.u32 $0x400, v25  }
0xa7: {  	s28 =	simm.s32 $0x6;
	v31 =	vmov s29;
	v28 =	vshll.u32 v27, $0x3;
	v34 =	vor.u32 v26, v24;
	[tilespmem:v58+s10+$0x0] =	vst.idx.add.f32.msk $0xffff, v2  }
0xa8: {  	v26 =	vand.u32 $0x7F, v27;
	v27 =	vand.u32 $0x400, v28;
	v28 =	vmov s28;
	[tilespmem:v30+s10+$0x0] =	vst.idx.add.f32.msk $0xffff, v2  }
0xa9: {  	v30 =	vshll.u32 v31, $0x3;
	[tilespmem:v62+s10+$0x0] =	vst.idx.add.f32.msk $0xffff, v2;
	v35 =	vor.u32 v27, v26;
	v27 =	vshll.u32 v28, $0x3  }
0xaa: {  	p1 =	por $0x1, $0x1;
	v42 =	vor.u32 v3, v34;
	v26 =	vand.u32 $0x7E, v28;
	[tilespmem:v29+s10+$0x0] =	vst.idx.add.f32.msk $0xffff, v2;
	v27 =	vand.u32 $0x400, v27  }
.Ltmp1:
0xab: {  	s15 =	simm.s32 $0x3;
	v29 =	vand.u32 $0x400, v30;
	[tilespmem:v37+s10+$0x0] =	vst.idx.add.f32.msk $0xffff, v2;
	v36 =	vor.u32 v27, v26;
	v27 =	vand.u32 $0x7D, v31;
	(pc) =	sbr.rel @!p1 .LBB2_5-.Ltmp1, $4  }
0xac: {  	v30 =	vand.u32 $0x7C, v32;
	[tilespmem:v59+s10+$0x0] =	vst.idx.add.f32.msk $0xffff, v2;
	v37 =	vor.u32 v29, v27;
	v29 =	vmov s15  }
0xad: {  	v41 =	vor.u32 v3, v35;
	[tilespmem:v60+s10+$0x0] =	vst.idx.add.f32.msk $0xffff, v2;
	v38 =	vor.u32 v38, v30;
	v33 =	vshll.u32 v29, $0x3  }
0xae: {  	[tilespmem:v61+s10+$0x0] =	vst.idx.add.f32.msk $0xffff, v2;
	v45 =	vor.u32 v3, v38;
	v29 =	vand.u32 $0x7B, v29;
	v39 =	vand.u32 $0x400, v33  }
0xaf: {  	s14 =	simm.s32 $0x1;
	s16 =	simm.s32 $0x1;
	v46 =	vmovc v40;
	v43 =	vor.u32 v3, v36;
	s15 =	simm.s32 $0x8;
	v44 =	vor.u32 v3, v37;
	v47 =	vor.u32 v39, v29  }
.LBB2_4:
0xb0: {  	p0 =	slt.u32 s15, $0xC0;
	v48 =	vmov s16;
	v49 =	vshll.u32 v46, $0x3;
	v47 =	vor.u32 v3, v47  }
0xb1: {  	v46 =	vand.u32 $0x7A, v46;
	v42 =	vld.idx.msk [tilespmem:v42+s12+$0x0], $0xffff;
	v50 =	vshll.u32 v48, $0x3;
	v49 =	vand.u32 $0x400, v49  }
0xb2: {  	v48 =	vand.u32 $0x79, v48;
	v50 =	vand.u32 $0x400, v50;
	v46 =	vor.u32 v49, v46  }
0xb3: {  	v49 =	vmov s15;
	v48 =	vor.u32 v50, v48;
	v46 =	vor.u32 v3, v46;
	v50 =	vld.idx.msk [tilespmem:v41+s12+$0x0], $0xffff  }
0xb4: {  	s16 =	sadd.s32 $0x7, s15;
	v41 =	vshll.u32 v49, $0x3;
	v48 =	vor.u32 v3, v48;
	v43 =	vld.idx.msk [tilespmem:v43+s12+$0x0], $0xffff  }
0xb5: {  	v51 =	vmov s16;
	v49 =	vand.u32 $0x78, v49;
	v41 =	vand.u32 $0x400, v41;
	v44 =	vld.idx.msk [tilespmem:v44+s12+$0x0], $0xffff  }
0xb6: {  	v41 =	vor.u32 v41, v49;
	v49 =	vshll.u32 v51, $0x3;
	v45 =	vld.idx.msk [tilespmem:v45+s12+$0x0], $0xffff  }
0xb7: {  	v51 =	vand.u32 $0x7F, v51;
	v49 =	vand.u32 $0x400, v49;
	v52 =	vand.u32 $0x7F, v42;
	v47 =	vld.idx.msk [tilespmem:v47+s12+$0x0], $0xffff  }
0xb8: {  	s16 =	sadd.s32 $0x6, s15;
	v42 =	vor.u32 v3, v41;
	v41 =	vor.u32 v49, v51;
	v49 =	vor.u32 v4, v52;
	v46 =	vld.idx.msk [tilespmem:v46+s12+$0x0], $0xffff  }
0xb9: {  	v51 =	vmov s16;
	v41 =	vor.u32 v3, v41;
	v50 =	vand.u32 $0x7F, v50;
	v48 =	vld.idx.msk [tilespmem:v48+s12+$0x0], $0xffff  }
0xba: {  	v52 =	vand.u32 $0x7E, v51;
	v43 =	vand.u32 $0x7F, v43;
	v50 =	vor.u32 v4, v50  }
0xbb: {  	v51 =	vshll.u32 v51, $0x3;
	v44 =	vand.u32 $0x7F, v44;
	v43 =	vor.u32 v4, v43  }
0xbc: {  	v51 =	vand.u32 $0x400, v51;
	v45 =	vand.u32 $0x7F, v45;
	v44 =	vor.u32 v4, v44  }
0xbd: {  	s16 =	sadd.s32 $0x5, s15;
	v51 =	vor.u32 v51, v52;
	v47 =	vand.u32 $0x7F, v47;
	v45 =	vor.u32 v4, v45  }
0xbe: {  	v52 =	vmov s16;
	v46 =	vand.u32 $0x7F, v46;
	v47 =	vor.u32 v4, v47;
	[tilespmem:v49+s10+$0x0] =	vst.idx.add.f32.msk $0xffff, v2  }
0xbf: {  	v49 =	vshll.u32 v52, $0x3;
	v48 =	vand.u32 $0x7F, v48;
	v46 =	vor.u32 v4, v46;
	[tilespmem:v50+s10+$0x0] =	vst.idx.add.f32.msk $0xffff, v2  }
0xc0: {  	s16 =	sadd.s32 $0x4, s15;
	v50 =	vand.u32 $0x7D, v52;
	v49 =	vand.u32 $0x400, v49;
	v48 =	vor.u32 v4, v48;
	[tilespmem:v43+s10+$0x0] =	vst.idx.add.f32.msk $0xffff, v2  }
.Ltmp2:
0xc1: {  	s17 =	sadd.s32 $0x3, s15;
	v52 =	vmov s16;
	v49 =	vor.u32 v49, v50;
	v43 =	vor.u32 v3, v51;
	[tilespmem:v44+s10+$0x0] =	vst.idx.add.f32.msk $0xffff, v2;
	(pc) =	sbr.rel @p0 .LBB2_4-.Ltmp2, $4  }
0xc2: {  	v50 =	vmov s17;
	v51 =	vshll.u32 v52, $0x3;
	v44 =	vor.u32 v3, v49;
	[tilespmem:v45+s10+$0x0] =	vst.idx.add.f32.msk $0xffff, v2  }
0xc3: {  	v49 =	vand.u32 $0x7C, v52;
	v51 =	vand.u32 $0x400, v51;
	v45 =	vshll.u32 v50, $0x3;
	[tilespmem:v47+s10+$0x0] =	vst.idx.add.f32.msk $0xffff, v2  }
0xc4: {  	s17 =	sadd.s32 $0x2, s15;
	v49 =	vor.u32 v51, v49;
	v47 =	vand.u32 $0x7B, v50;
	v45 =	vand.u32 $0x400, v45;
	[tilespmem:v46+s10+$0x0] =	vst.idx.add.f32.msk $0xffff, v2  }
0xc5: {  	s16 =	sadd.s32 $0x1, s15;
	s15 =	sadd.s32 $0x8, s15;
	v46 =	vmov s17;
	v47 =	vor.u32 v45, v47;
	v45 =	vor.u32 v3, v49;
	[tilespmem:v48+s10+$0x0] =	vst.idx.add.f32.msk $0xffff, v2  }
.LBB2_5:
0xc6: {  	_ =	sdelay $0x1  }
0xc7: {  	v48 =	vmov s16;
	v49 =	vshll.u32 v46, $0x3;
	v47 =	vor.u32 v3, v47  }
0xc8: {  	v58 =	vand.u32 $0x7A, v46;
	v50 =	vshll.u32 v48, $0x3;
	v49 =	vand.u32 $0x400, v49  }
0xc9: {  	v42 =	vld.idx.msk [tilespmem:v42+s12+$0x0], $0xffff;
	v48 =	vand.u32 $0x79, v48;
	v50 =	vand.u32 $0x400, v50;
	v46 =	vor.u32 v49, v58  }
0xca: {  	v41 =	vld.idx.msk [tilespmem:v41+s12+$0x0], $0xffff;
	v48 =	vor.u32 v50, v48;
	v46 =	vor.u32 v3, v46  }
0xcb: {  	v43 =	vld.idx.msk [tilespmem:v43+s12+$0x0], $0xffff;
	v48 =	vor.u32 v3, v48  }
0xcc: {  	v44 =	vld.idx.msk [tilespmem:v44+s12+$0x0], $0xffff  }
0xcd: {  	v45 =	vld.idx.msk [tilespmem:v45+s12+$0x0], $0xffff  }
0xce: {  	v42 =	vand.u32 $0x7F, v42;
	v47 =	vld.idx.msk [tilespmem:v47+s12+$0x0], $0xffff  }
0xcf: {  	v41 =	vand.u32 $0x7F, v41;
	v42 =	vor.u32 v4, v42;
	v46 =	vld.idx.msk [tilespmem:v46+s12+$0x0], $0xffff  }
0xd0: {  	v43 =	vand.u32 $0x7F, v43;
	v41 =	vor.u32 v4, v41;
	v48 =	vld.idx.msk [tilespmem:v48+s12+$0x0], $0xffff  }
0xd1: {  	v44 =	vand.u32 $0x7F, v44;
	v43 =	vor.u32 v4, v43  }
0xd2: {  	v45 =	vand.u32 $0x7F, v45;
	v44 =	vor.u32 v4, v44  }
0xd3: {  	v45 =	vor.u32 v4, v45;
	v47 =	vand.u32 $0x7F, v47  }
0xd4: {  	[tilespmem:v42+s10+$0x0] =	vst.idx.add.f32.msk $0xffff, v2;
	v60 =	vor.u32 v4, v47;
	v59 =	vand.u32 $0x7F, v46  }
0xd5: {  	[tilespmem:v41+s10+$0x0] =	vst.idx.add.f32.msk $0xffff, v2;
	v61 =	vand.u32 $0x7F, v48;
	v42 =	vor.u32 v4, v59  }
0xd6: {  	[tilespmem:v43+s10+$0x0] =	vst.idx.add.f32.msk $0xffff, v2;
	v62 =	vor.u32 v4, v61  }
.Ltmp3:
0xd7: {  	[tilespmem:v44+s10+$0x0] =	vst.idx.add.f32.msk $0xffff, v2;
	(pc) =	sbr.rel @!p1 .LBB2_6-.Ltmp3, $4  }
0xd8: {  	[tilespmem:v45+s10+$0x0] =	vst.idx.add.f32.msk $0xffff, v2  }
0xd9: {  	[tilespmem:v60+s10+$0x0] =	vst.idx.add.f32.msk $0xffff, v2  }
0xda: {  	v63 =	vmov s14;
	v41 =	vand.u32 $0x7A, v40;
	[tilespmem:v42+s10+$0x0] =	vst.idx.add.f32.msk $0xffff, v2  }
0xdb: {  	s14 =	simm.s32 $0x8;
	p0 =	por $0x0, $0x0;
	v43 =	vshll.u32 v63, $0x3;
	v40 =	vshll.u32 v40, $0x3;
	v42 =	vand.u32 $0x79, v63;
	[tilespmem:v62+s10+$0x0] =	vst.idx.add.f32.msk $0xffff, v2  }
0xdc: {  	v24 =	vand.u32 $0x400, v43;
	v26 =	vor.u32 v5, v35  }
0xdd: {  	v25 =	vand.u32 $0x400, v40;
	v28 =	vor.u32 v5, v38;
	v24 =	vor.u32 v24, v42  }
0xde: {  	v25 =	vor.u32 v25, v41;
	v24 =	vor.u32 v5, v24  }
0xdf: {  	v27 =	vor.u32 v39, v29;
	v25 =	vor.u32 v5, v25  }
0xe0: {  	s12 =	simm.s32 $0x0;
	v27 =	vor.u32 v5, v27  }
0xe1: {  	v29 =	vor.u32 v5, v37;
	v26 =	vld.idx.msk [tilespmem:v26+s12+$0x0], $0xffff  }
0xe2: {  	v30 =	vor.u32 v5, v36;
	v45 =	vld.idx.msk [tilespmem:v28+s12+$0x0], $0xffff  }
0xe3: {  	v31 =	vmov s14;
	s13 =	simm.s32 $0x9;
	v55 =	vor.u32 v5, v34;
	s28 =	simm.s32 $0xA;
	s29 =	simm.s32 $0xB;
	v33 =	vld.idx.msk [tilespmem:v24+s12+$0x0], $0xffff  }
0xe4: {  	s15 =	simm.s32 $0xC;
	v57 =	vmov s13;
	v59 =	vmov s28;
	v44 =	vmov s29;
	v56 =	vld.idx.msk [tilespmem:v25+s12+$0x0], $0xffff  }
0xe5: {  	s31 =	simm.s32 $0xE;
	v32 =	vmov s15;
	v42 =	vand.u32 $0x79, v57;
	v41 =	vand.u32 $0x7A, v59;
	v58 =	vld.idx.msk [tilespmem:v27+s12+$0x0], $0xffff  }
0xe6: {  	v43 =	vshll.u32 v57, $0x3;
	v40 =	vshll.u32 v59, $0x3;
	v28 =	vmov s31;
	v46 =	vld.idx.msk [tilespmem:v29+s12+$0x0], $0xffff  }
0xe7: {  	v29 =	vand.u32 $0x7B, v44;
	v47 =	vld.idx.msk [tilespmem:v30+s12+$0x0], $0xffff;
	v30 =	vand.u32 $0x7C, v32;
	v26 =	vand.u32 $0x7F, v26  }
0xe8: {  	p1 =	por $0x1, $0x1;
	v24 =	vand.u32 $0x78, v31;
	v48 =	vor.u32 v6, v26;
	v33 =	vand.u32 $0x7F, v33  }
.Ltmp4:
0xe9: {  	s30 =	simm.s32 $0xD;
	v39 =	vld.idx.msk [tilespmem:v55+s12+$0x0], $0xffff;
	v25 =	vshll.u32 v31, $0x3;
	v60 =	vand.u32 $0x7F, v56;
	v37 =	vor.u32 v6, v33;
	(pc) =	sbr.rel @!p1 .LBB2_9-.Ltmp4, $4  }
0xea: {  	v31 =	vmov s30;
	v61 =	vand.u32 $0x7F, v58;
	v35 =	vor.u32 v6, v60  }
0xeb: {  	v27 =	vand.u32 $0x7D, v31;
	v62 =	vand.u32 $0x7F, v45;
	v34 =	vor.u32 v6, v61  }
0xec: {  	v63 =	vand.u32 $0x7F, v46;
	v26 =	vand.u32 $0x7E, v28;
	v36 =	vor.u32 v6, v62  }
0xed: {  	s14 =	simm.s32 $0x10;
	p0 =	por $0x1, $0x1;
	s13 =	simm.s32 $0xF;
	v38 =	vor.u32 v6, v63;
	v33 =	vshll.u32 v44, $0x3;
	v44 =	vand.u32 $0x7F, v47;
	[tilespmem:v48+s10+$0x0] =	vst.idx.add.f32.msk $0xffff, v2  }
.LBB2_8:
0xee: {  	p1 =	slt.u32 s14, $0xC0;
	v45 =	vmov s13;
	v39 =	vand.u32 $0x7F, v39;
	[tilespmem:v37+s10+$0x0] =	vst.idx.add.f32.msk $0xffff, v2;
	v37 =	vor.u32 v6, v44  }
0xef: {  	v32 =	vshll.u32 v32, $0x3;
	v44 =	vshll.u32 v45, $0x3;
	v39 =	vor.u32 v6, v39;
	[tilespmem:v35+s10+$0x0] =	vst.idx.add.f32.msk $0xffff, v2  }
0xf0: {  	v31 =	vshll.u32 v31, $0x3;
	v35 =	vand.u32 $0x7F, v45;
	v44 =	vand.u32 $0x400, v44;
	[tilespmem:v34+s10+$0x0] =	vst.idx.add.f32.msk $0xffff, v2  }
0xf1: {  	v28 =	vshll.u32 v28, $0x3;
	v34 =	vand.u32 $0x400, v43;
	v35 =	vor.u32 v44, v35;
	[tilespmem:v36+s10+$0x0] =	vst.idx.add.f32.msk $0xffff, v2  }
0xf2: {  	v34 =	vor.u32 v34, v42;
	v36 =	vand.u32 $0x400, v40;
	v35 =	vor.u32 v5, v35;
	[tilespmem:v38+s10+$0x0] =	vst.idx.add.f32.msk $0xffff, v2  }
0xf3: {  	v33 =	vand.u32 $0x400, v33;
	v34 =	vor.u32 v5, v34;
	v36 =	vor.u32 v36, v41;
	[tilespmem:v37+s10+$0x0] =	vst.idx.add.f32.msk $0xffff, v2  }
0xf4: {  	v29 =	vor.u32 v33, v29;
	v32 =	vand.u32 $0x400, v32;
	v36 =	vor.u32 v5, v36;
	[tilespmem:v39+s10+$0x0] =	vst.idx.add.f32.msk $0xffff, v2  }
0xf5: {  	v31 =	vand.u32 $0x400, v31;
	v29 =	vor.u32 v5, v29;
	v30 =	vor.u32 v32, v30  }
0xf6: {  	v28 =	vand.u32 $0x400, v28;
	v27 =	vor.u32 v31, v27;
	v30 =	vor.u32 v5, v30  }
0xf7: {  	v25 =	vand.u32 $0x400, v25;
	v26 =	vor.u32 v28, v26;
	v27 =	vor.u32 v5, v27;
	v33 =	vld.idx.msk [tilespmem:v35+s12+$0x0], $0xffff  }
0xf8: {  	v24 =	vor.u32 v25, v24;
	v26 =	vor.u32 v5, v26;
	v34 =	vld.idx.msk [tilespmem:v34+s12+$0x0], $0xffff  }
0xf9: {  	s13 =	sadd.s32 $0x1, s14;
	v25 =	vmov s14;
	v35 =	vor.u32 v5, v24;
	v36 =	vld.idx.msk [tilespmem:v36+s12+$0x0], $0xffff  }
0xfa: {  	s15 =	sadd.s32 $0x3, s14;
	s16 =	sadd.s32 $0x4, s14;
	v38 =	vmov s13;
	s13 =	sadd.s32 $0x2, s14;
	v24 =	vand.u32 $0x78, v25;
	v25 =	vshll.u32 v25, $0x3;
	v40 =	vld.idx.msk [tilespmem:v29+s12+$0x0], $0xffff  }
0xfb: {  	v45 =	vmov s15;
	s15 =	sadd.s32 $0x6, s14;
	v32 =	vmov s16;
	v44 =	vmov s13;
	s13 =	sadd.s32 $0x5, s14;
	v46 =	vld.idx.msk [tilespmem:v30+s12+$0x0], $0xffff  }
0xfc: {  	v28 =	vmov s15;
	v42 =	vand.u32 $0x79, v38;
	v31 =	vmov s13;
	v47 =	vld.idx.msk [tilespmem:v27+s12+$0x0], $0xffff  }
0xfd: {  	v41 =	vand.u32 $0x7A, v44;
	v29 =	vand.u32 $0x7B, v45;
	v48 =	vld.idx.msk [tilespmem:v26+s12+$0x0], $0xffff;
	v26 =	vand.u32 $0x7F, v33  }
0xfe: {  	v30 =	vand.u32 $0x7C, v32;
	v33 =	vand.u32 $0x7F, v34;
	v39 =	vld.idx.msk [tilespmem:v35+s12+$0x0], $0xffff;
	v49 =	vor.u32 v6, v26  }
.Ltmp5:
0xff: {  	v27 =	vand.u32 $0x7D, v31;
	v37 =	vor.u32 v6, v33;
	v33 =	vand.u32 $0x7F, v36;
	(pc) =	sbr.rel @p1 .LBB2_8-.Ltmp5, $4  }
0x100: {  	v26 =	vand.u32 $0x7E, v28;
	v35 =	vor.u32 v6, v33;
	v33 =	vand.u32 $0x7F, v40  }
0x101: {  	v43 =	vshll.u32 v38, $0x3;
	v34 =	vor.u32 v6, v33;
	v33 =	vand.u32 $0x7F, v46  }
0x102: {  	v40 =	vshll.u32 v44, $0x3;
	v36 =	vor.u32 v6, v33;
	v38 =	vand.u32 $0x7F, v47  }
0x103: {  	s13 =	sadd.s32 $0x7, s14;
	s14 =	sadd.s32 $0x8, s14;
	v33 =	vshll.u32 v45, $0x3;
	v38 =	vor.u32 v6, v38;
	v44 =	vand.u32 $0x7F, v48;
	[tilespmem:v49+s10+$0x0] =	vst.idx.add.f32.msk $0xffff, v2  }
.LBB2_9:
0x104: {  	v45 =	vmov s13;
	v32 =	vshll.u32 v32, $0x3;
	v31 =	vshll.u32 v31, $0x3  }
0x105: {  	v43 =	vand.u32 $0x400, v43;
	v40 =	vand.u32 $0x400, v40;
	v33 =	vand.u32 $0x400, v33  }
0x106: {  	v25 =	vand.u32 $0x400, v25;
	v46 =	vshll.u32 v45, $0x3;
	v42 =	vor.u32 v43, v42  }
0x107: {  	v45 =	vand.u32 $0x7F, v45;
	v40 =	vor.u32 v40, v41;
	v42 =	vor.u32 v5, v42  }
0x108: {  	v29 =	vor.u32 v33, v29;
	v32 =	vand.u32 $0x400, v32;
	v40 =	vor.u32 v5, v40  }
0x109: {  	v31 =	vand.u32 $0x400, v31;
	v24 =	vor.u32 v25, v24;
	v29 =	vor.u32 v5, v29  }
0x10a: {  	v46 =	vand.u32 $0x400, v46;
	v27 =	vor.u32 v31, v27;
	v24 =	vor.u32 v5, v24  }
0x10b: {  	s13 =	simm.s32 $0x0;
	v30 =	vor.u32 v32, v30;
	v32 =	vand.u32 @p0 $0x7F, v39;
	v27 =	vor.u32 v5, v27  }
0x10c: {  	v28 =	vshll.u32 v28, $0x3;
	v45 =	vor.u32 v46, v45;
	v32 =	vor.u32 @p0 v6, v32;
	v25 =	vld.idx.msk [tilespmem:v42+s13+$0x0], $0xffff  }
0x10d: {  	v28 =	vand.u32 $0x400, v28;
	v55 =	vor.u32 v5, v45;
	v31 =	vld.idx.msk [tilespmem:v40+s13+$0x0], $0xffff  }
0x10e: {  	v26 =	vor.u32 v28, v26;
	v30 =	vor.u32 v5, v30;
	v29 =	vld.idx.msk [tilespmem:v29+s13+$0x0], $0xffff  }
0x10f: {  	v26 =	vor.u32 v5, v26;
	v24 =	vld.idx.msk [tilespmem:v24+s13+$0x0], $0xffff  }
0x110: {  	v27 =	vld.idx.msk [tilespmem:v27+s13+$0x0], $0xffff  }
0x111: {  	s30 =	simm.s32 $0x4;
	[tilespmem:v32+s10+$0x0] =	vst.idx.add.f32.msk @p0 $0xffff, v2  }
0x112: {  	v32 =	vmov s30;
	v28 =	vld.idx.msk [tilespmem:v55+s13+$0x0], $0xffff  }
0x113: {  	s31 =	simm.s32 $0x2;
	v30 =	vld.idx.msk [tilespmem:v30+s13+$0x0], $0xffff;
	v62 =	vshll.u32 v32, $0x3  }
0x114: {  	v33 =	vor.u32 @p0 v6, v44;
	v40 =	vmov s31;
	v26 =	vld.idx.msk [tilespmem:v26+s13+$0x0], $0xffff;
	v63 =	vand.u32 $0x400, v62  }
0x115: {  	v25 =	vand.u32 $0x7F, v25;
	v31 =	vand.u32 $0x7F, v31;
	v24 =	vand.u32 $0x7F, v24  }
0x116: {  	[tilespmem:v37+s10+$0x0] =	vst.idx.add.f32.msk @p0 $0xffff, v2;
	v56 =	vor.u32 v6, v25;
	v57 =	vor.u32 v6, v31;
	v25 =	vand.u32 $0x7F, v29  }
0x117: {  	[tilespmem:v35+s10+$0x0] =	vst.idx.add.f32.msk @p0 $0xffff, v2;
	v27 =	vand.u32 $0x7F, v27;
	v60 =	vor.u32 v6, v24;
	v28 =	vand.u32 $0x7F, v28  }
0x118: {  	[tilespmem:v34+s10+$0x0] =	vst.idx.add.f32.msk @p0 $0xffff, v2;
	v29 =	vor.u32 v6, v25;
	v25 =	vand.u32 $0x7F, v30;
	v28 =	vor.u32 v6, v28  }
0x119: {  	[tilespmem:v36+s10+$0x0] =	vst.idx.add.f32.msk @p0 $0xffff, v2;
	v30 =	vor.u32 v6, v25;
	v25 =	vand.u32 $0x7F, v26;
	v26 =	vmov s13  }
0x11a: {  	s12 =	simm.s32 $0x7;
	[tilespmem:v38+s10+$0x0] =	vst.idx.add.f32.msk @p0 $0xffff, v2;
	v58 =	vor.u32 v6, v27;
	v59 =	vor.u32 v6, v25;
	v25 =	vshll.u32 v26, $0x3  }
0x11b: {  	[tilespmem:v33+s10+$0x0] =	vst.idx.add.f32.msk @p0 $0xffff, v2;
	v27 =	vmov s12;
	v24 =	vand.u32 $0x78, v26;
	v26 =	vand.u32 $0x400, v25  }
0x11c: {  	s14 =	simm.s32 $0x6;
	s29 =	simm.s32 $0x5;
	v31 =	vshll.u32 v27, $0x3;
	v34 =	vor.u32 v26, v24;
	v26 =	vand.u32 $0x7F, v27;
	[tilespmem:v56+s10+$0x0] =	vst.idx.add.f32.msk $0xffff, v2  }
0x11d: {  	v27 =	vand.u32 $0x400, v31;
	v31 =	vmov s29;
	[tilespmem:v28+s10+$0x0] =	vst.idx.add.f32.msk $0xffff, v2;
	v28 =	vmov s14  }
0x11e: {  	[tilespmem:v57+s10+$0x0] =	vst.idx.add.f32.msk $0xffff, v2;
	v42 =	vor.u32 v7, v34;
	v35 =	vor.u32 v27, v26;
	v27 =	vshll.u32 v28, $0x3  }
0x11f: {  	p1 =	por $0x1, $0x1;
	[tilespmem:v60+s10+$0x0] =	vst.idx.add.f32.msk $0xffff, v2;
	v61 =	vshll.u32 v31, $0x3;
	v26 =	vand.u32 $0x7E, v28;
	v27 =	vand.u32 $0x400, v27  }
.Ltmp6:
0x120: {  	s15 =	simm.s32 $0x3;
	[tilespmem:v29+s10+$0x0] =	vst.idx.add.f32.msk $0xffff, v2;
	v29 =	vand.u32 $0x400, v61;
	v36 =	vor.u32 v27, v26;
	v27 =	vand.u32 $0x7D, v31;
	(pc) =	sbr.rel @!p1 .LBB2_11-.Ltmp6, $4  }
0x121: {  	[tilespmem:v30+s10+$0x0] =	vst.idx.add.f32.msk $0xffff, v2;
	v30 =	vand.u32 $0x7C, v32;
	v37 =	vor.u32 v29, v27;
	v29 =	vmov s15  }
0x122: {  	[tilespmem:v58+s10+$0x0] =	vst.idx.add.f32.msk $0xffff, v2;
	v41 =	vor.u32 v7, v35;
	v38 =	vor.u32 v63, v30;
	v33 =	vshll.u32 v29, $0x3  }
0x123: {  	[tilespmem:v59+s10+$0x0] =	vst.idx.add.f32.msk $0xffff, v2;
	v45 =	vor.u32 v7, v38;
	v29 =	vand.u32 $0x7B, v29;
	v39 =	vand.u32 $0x400, v33  }
0x124: {  	s16 =	simm.s32 $0x1;
	v46 =	vmovc v40;
	s14 =	simm.s32 $0x1;
	v43 =	vor.u32 v7, v36;
	s15 =	simm.s32 $0x8;
	v44 =	vor.u32 v7, v37;
	v47 =	vor.u32 v39, v29  }
.LBB2_10:
0x125: {  	p0 =	slt.u32 s15, $0xC0;
	v48 =	vmov s16;
	v49 =	vshll.u32 v46, $0x3;
	v47 =	vor.u32 v7, v47  }
0x126: {  	v46 =	vand.u32 $0x7A, v46;
	v42 =	vld.idx.msk [tilespmem:v42+s13+$0x0], $0xffff;
	v50 =	vshll.u32 v48, $0x3;
	v49 =	vand.u32 $0x400, v49  }
0x127: {  	v48 =	vand.u32 $0x79, v48;
	v50 =	vand.u32 $0x400, v50;
	v46 =	vor.u32 v49, v46  }
0x128: {  	v49 =	vmov s15;
	v48 =	vor.u32 v50, v48;
	v46 =	vor.u32 v7, v46;
	v50 =	vld.idx.msk [tilespmem:v41+s13+$0x0], $0xffff  }
0x129: {  	s16 =	sadd.s32 $0x7, s15;
	v41 =	vshll.u32 v49, $0x3;
	v48 =	vor.u32 v7, v48;
	v43 =	vld.idx.msk [tilespmem:v43+s13+$0x0], $0xffff  }
0x12a: {  	v51 =	vmov s16;
	v49 =	vand.u32 $0x78, v49;
	v41 =	vand.u32 $0x400, v41;
	v44 =	vld.idx.msk [tilespmem:v44+s13+$0x0], $0xffff  }
0x12b: {  	v41 =	vor.u32 v41, v49;
	v49 =	vshll.u32 v51, $0x3;
	v45 =	vld.idx.msk [tilespmem:v45+s13+$0x0], $0xffff  }
0x12c: {  	v51 =	vand.u32 $0x7F, v51;
	v49 =	vand.u32 $0x400, v49;
	v52 =	vand.u32 $0x7F, v42;
	v47 =	vld.idx.msk [tilespmem:v47+s13+$0x0], $0xffff  }
0x12d: {  	s16 =	sadd.s32 $0x6, s15;
	v42 =	vor.u32 v7, v41;
	v41 =	vor.u32 v49, v51;
	v49 =	vor.u32 v8, v52;
	v46 =	vld.idx.msk [tilespmem:v46+s13+$0x0], $0xffff  }
0x12e: {  	v51 =	vmov s16;
	v41 =	vor.u32 v7, v41;
	v50 =	vand.u32 $0x7F, v50;
	v48 =	vld.idx.msk [tilespmem:v48+s13+$0x0], $0xffff  }
0x12f: {  	v52 =	vand.u32 $0x7E, v51;
	v43 =	vand.u32 $0x7F, v43;
	v50 =	vor.u32 v8, v50  }
0x130: {  	v51 =	vshll.u32 v51, $0x3;
	v44 =	vand.u32 $0x7F, v44;
	v43 =	vor.u32 v8, v43  }
0x131: {  	v51 =	vand.u32 $0x400, v51;
	v45 =	vand.u32 $0x7F, v45;
	v44 =	vor.u32 v8, v44  }
0x132: {  	s16 =	sadd.s32 $0x5, s15;
	v51 =	vor.u32 v51, v52;
	v47 =	vand.u32 $0x7F, v47;
	v45 =	vor.u32 v8, v45  }
0x133: {  	v52 =	vmov s16;
	v46 =	vand.u32 $0x7F, v46;
	v47 =	vor.u32 v8, v47;
	[tilespmem:v49+s10+$0x0] =	vst.idx.add.f32.msk $0xffff, v2  }
0x134: {  	v49 =	vshll.u32 v52, $0x3;
	v48 =	vand.u32 $0x7F, v48;
	v46 =	vor.u32 v8, v46;
	[tilespmem:v50+s10+$0x0] =	vst.idx.add.f32.msk $0xffff, v2  }
0x135: {  	s16 =	sadd.s32 $0x4, s15;
	v50 =	vand.u32 $0x7D, v52;
	v49 =	vand.u32 $0x400, v49;
	v48 =	vor.u32 v8, v48;
	[tilespmem:v43+s10+$0x0] =	vst.idx.add.f32.msk $0xffff, v2  }
.Ltmp7:
0x136: {  	s17 =	sadd.s32 $0x3, s15;
	v52 =	vmov s16;
	v49 =	vor.u32 v49, v50;
	v43 =	vor.u32 v7, v51;
	[tilespmem:v44+s10+$0x0] =	vst.idx.add.f32.msk $0xffff, v2;
	(pc) =	sbr.rel @p0 .LBB2_10-.Ltmp7, $4  }
0x137: {  	v50 =	vmov s17;
	v51 =	vshll.u32 v52, $0x3;
	v44 =	vor.u32 v7, v49;
	[tilespmem:v45+s10+$0x0] =	vst.idx.add.f32.msk $0xffff, v2  }
0x138: {  	v49 =	vand.u32 $0x7C, v52;
	v51 =	vand.u32 $0x400, v51;
	v45 =	vshll.u32 v50, $0x3;
	[tilespmem:v47+s10+$0x0] =	vst.idx.add.f32.msk $0xffff, v2  }
0x139: {  	s17 =	sadd.s32 $0x2, s15;
	v49 =	vor.u32 v51, v49;
	v47 =	vand.u32 $0x7B, v50;
	v45 =	vand.u32 $0x400, v45;
	[tilespmem:v46+s10+$0x0] =	vst.idx.add.f32.msk $0xffff, v2  }
0x13a: {  	s16 =	sadd.s32 $0x1, s15;
	s15 =	sadd.s32 $0x8, s15;
	v46 =	vmov s17;
	v47 =	vor.u32 v45, v47;
	v45 =	vor.u32 v7, v49;
	[tilespmem:v48+s10+$0x0] =	vst.idx.add.f32.msk $0xffff, v2  }
.LBB2_11:
0x13b: {  	_ =	sdelay $0x1  }
0x13c: {  	v48 =	vmov s16;
	v49 =	vshll.u32 v46, $0x3;
	v47 =	vor.u32 v7, v47  }
0x13d: {  	v58 =	vand.u32 $0x7A, v46;
	v50 =	vshll.u32 v48, $0x3;
	v49 =	vand.u32 $0x400, v49  }
0x13e: {  	v42 =	vld.idx.msk [tilespmem:v42+s13+$0x0], $0xffff;
	v48 =	vand.u32 $0x79, v48;
	v50 =	vand.u32 $0x400, v50;
	v46 =	vor.u32 v49, v58  }
0x13f: {  	v41 =	vld.idx.msk [tilespmem:v41+s13+$0x0], $0xffff;
	v48 =	vor.u32 v50, v48;
	v46 =	vor.u32 v7, v46  }
0x140: {  	v43 =	vld.idx.msk [tilespmem:v43+s13+$0x0], $0xffff;
	v48 =	vor.u32 v7, v48  }
0x141: {  	v44 =	vld.idx.msk [tilespmem:v44+s13+$0x0], $0xffff  }
0x142: {  	v45 =	vld.idx.msk [tilespmem:v45+s13+$0x0], $0xffff  }
0x143: {  	v42 =	vand.u32 $0x7F, v42;
	v47 =	vld.idx.msk [tilespmem:v47+s13+$0x0], $0xffff  }
0x144: {  	v41 =	vand.u32 $0x7F, v41;
	v42 =	vor.u32 v8, v42;
	v46 =	vld.idx.msk [tilespmem:v46+s13+$0x0], $0xffff  }
0x145: {  	v43 =	vand.u32 $0x7F, v43;
	v41 =	vor.u32 v8, v41;
	v48 =	vld.idx.msk [tilespmem:v48+s13+$0x0], $0xffff  }
0x146: {  	v44 =	vand.u32 $0x7F, v44;
	v43 =	vor.u32 v8, v43  }
0x147: {  	v45 =	vand.u32 $0x7F, v45;
	v44 =	vor.u32 v8, v44  }
0x148: {  	v45 =	vor.u32 v8, v45;
	v47 =	vand.u32 $0x7F, v47  }
0x149: {  	[tilespmem:v42+s10+$0x0] =	vst.idx.add.f32.msk $0xffff, v2;
	v60 =	vor.u32 v8, v47;
	v59 =	vand.u32 $0x7F, v46  }
0x14a: {  	[tilespmem:v41+s10+$0x0] =	vst.idx.add.f32.msk $0xffff, v2;
	v61 =	vand.u32 $0x7F, v48;
	v42 =	vor.u32 v8, v59  }
0x14b: {  	[tilespmem:v43+s10+$0x0] =	vst.idx.add.f32.msk $0xffff, v2;
	v62 =	vor.u32 v8, v61  }
.Ltmp8:
0x14c: {  	[tilespmem:v44+s10+$0x0] =	vst.idx.add.f32.msk $0xffff, v2;
	(pc) =	sbr.rel @!p1 .LBB2_12-.Ltmp8, $4  }
0x14d: {  	[tilespmem:v45+s10+$0x0] =	vst.idx.add.f32.msk $0xffff, v2  }
0x14e: {  	[tilespmem:v60+s10+$0x0] =	vst.idx.add.f32.msk $0xffff, v2  }
0x14f: {  	v63 =	vmov s14;
	v41 =	vand.u32 $0x7A, v40;
	[tilespmem:v42+s10+$0x0] =	vst.idx.add.f32.msk $0xffff, v2  }
0x150: {  	s14 =	simm.s32 $0x8;
	p0 =	por $0x0, $0x0;
	v43 =	vshll.u32 v63, $0x3;
	v40 =	vshll.u32 v40, $0x3;
	v42 =	vand.u32 $0x79, v63;
	[tilespmem:v62+s10+$0x0] =	vst.idx.add.f32.msk $0xffff, v2  }
0x151: {  	v24 =	vand.u32 $0x400, v43;
	v26 =	vor.u32 v9, v35  }
0x152: {  	v25 =	vand.u32 $0x400, v40;
	v28 =	vor.u32 v9, v38;
	v24 =	vor.u32 v24, v42  }
0x153: {  	v25 =	vor.u32 v25, v41;
	v24 =	vor.u32 v9, v24  }
0x154: {  	v27 =	vor.u32 v39, v29;
	v25 =	vor.u32 v9, v25  }
0x155: {  	s13 =	simm.s32 $0x0;
	v27 =	vor.u32 v9, v27  }
0x156: {  	v29 =	vor.u32 v9, v37;
	v26 =	vld.idx.msk [tilespmem:v26+s13+$0x0], $0xffff  }
0x157: {  	v30 =	vor.u32 v9, v36;
	v45 =	vld.idx.msk [tilespmem:v28+s13+$0x0], $0xffff  }
0x158: {  	v31 =	vmov s14;
	s12 =	simm.s32 $0x9;
	v55 =	vor.u32 v9, v34;
	s28 =	simm.s32 $0xA;
	s29 =	simm.s32 $0xB;
	v33 =	vld.idx.msk [tilespmem:v24+s13+$0x0], $0xffff  }
0x159: {  	s15 =	simm.s32 $0xC;
	v57 =	vmov s12;
	v59 =	vmov s28;
	v44 =	vmov s29;
	v56 =	vld.idx.msk [tilespmem:v25+s13+$0x0], $0xffff  }
0x15a: {  	s31 =	simm.s32 $0xE;
	v32 =	vmov s15;
	v42 =	vand.u32 $0x79, v57;
	v41 =	vand.u32 $0x7A, v59;
	v58 =	vld.idx.msk [tilespmem:v27+s13+$0x0], $0xffff  }
0x15b: {  	v43 =	vshll.u32 v57, $0x3;
	v40 =	vshll.u32 v59, $0x3;
	v28 =	vmov s31;
	v46 =	vld.idx.msk [tilespmem:v29+s13+$0x0], $0xffff  }
0x15c: {  	v29 =	vand.u32 $0x7B, v44;
	v47 =	vld.idx.msk [tilespmem:v30+s13+$0x0], $0xffff;
	v30 =	vand.u32 $0x7C, v32;
	v26 =	vand.u32 $0x7F, v26  }
0x15d: {  	p1 =	por $0x1, $0x1;
	v24 =	vand.u32 $0x78, v31;
	v48 =	vor.u32 v10, v26;
	v33 =	vand.u32 $0x7F, v33  }
.Ltmp9:
0x15e: {  	s30 =	simm.s32 $0xD;
	v39 =	vld.idx.msk [tilespmem:v55+s13+$0x0], $0xffff;
	v25 =	vshll.u32 v31, $0x3;
	v60 =	vand.u32 $0x7F, v56;
	v37 =	vor.u32 v10, v33;
	(pc) =	sbr.rel @!p1 .LBB2_15-.Ltmp9, $4  }
0x15f: {  	v31 =	vmov s30;
	v61 =	vand.u32 $0x7F, v58;
	v35 =	vor.u32 v10, v60  }
0x160: {  	v27 =	vand.u32 $0x7D, v31;
	v62 =	vand.u32 $0x7F, v45;
	v34 =	vor.u32 v10, v61  }
0x161: {  	v63 =	vand.u32 $0x7F, v46;
	v26 =	vand.u32 $0x7E, v28;
	v36 =	vor.u32 v10, v62  }
0x162: {  	s14 =	simm.s32 $0x10;
	p0 =	por $0x1, $0x1;
	s12 =	simm.s32 $0xF;
	v38 =	vor.u32 v10, v63;
	v33 =	vshll.u32 v44, $0x3;
	v44 =	vand.u32 $0x7F, v47;
	[tilespmem:v48+s10+$0x0] =	vst.idx.add.f32.msk $0xffff, v2  }
.LBB2_14:
0x163: {  	p1 =	slt.u32 s14, $0xC0;
	v45 =	vmov s12;
	v39 =	vand.u32 $0x7F, v39;
	[tilespmem:v37+s10+$0x0] =	vst.idx.add.f32.msk $0xffff, v2;
	v37 =	vor.u32 v10, v44  }
0x164: {  	v32 =	vshll.u32 v32, $0x3;
	v44 =	vshll.u32 v45, $0x3;
	v39 =	vor.u32 v10, v39;
	[tilespmem:v35+s10+$0x0] =	vst.idx.add.f32.msk $0xffff, v2  }
0x165: {  	v31 =	vshll.u32 v31, $0x3;
	v35 =	vand.u32 $0x7F, v45;
	v44 =	vand.u32 $0x400, v44;
	[tilespmem:v34+s10+$0x0] =	vst.idx.add.f32.msk $0xffff, v2  }
0x166: {  	v28 =	vshll.u32 v28, $0x3;
	v34 =	vand.u32 $0x400, v43;
	v35 =	vor.u32 v44, v35;
	[tilespmem:v36+s10+$0x0] =	vst.idx.add.f32.msk $0xffff, v2  }
0x167: {  	v34 =	vor.u32 v34, v42;
	v36 =	vand.u32 $0x400, v40;
	v35 =	vor.u32 v9, v35;
	[tilespmem:v38+s10+$0x0] =	vst.idx.add.f32.msk $0xffff, v2  }
0x168: {  	v33 =	vand.u32 $0x400, v33;
	v34 =	vor.u32 v9, v34;
	v36 =	vor.u32 v36, v41;
	[tilespmem:v37+s10+$0x0] =	vst.idx.add.f32.msk $0xffff, v2  }
0x169: {  	v29 =	vor.u32 v33, v29;
	v32 =	vand.u32 $0x400, v32;
	v36 =	vor.u32 v9, v36;
	[tilespmem:v39+s10+$0x0] =	vst.idx.add.f32.msk $0xffff, v2  }
0x16a: {  	v31 =	vand.u32 $0x400, v31;
	v29 =	vor.u32 v9, v29;
	v30 =	vor.u32 v32, v30  }
0x16b: {  	v28 =	vand.u32 $0x400, v28;
	v27 =	vor.u32 v31, v27;
	v30 =	vor.u32 v9, v30  }
0x16c: {  	v25 =	vand.u32 $0x400, v25;
	v26 =	vor.u32 v28, v26;
	v27 =	vor.u32 v9, v27;
	v33 =	vld.idx.msk [tilespmem:v35+s13+$0x0], $0xffff  }
0x16d: {  	v24 =	vor.u32 v25, v24;
	v26 =	vor.u32 v9, v26;
	v34 =	vld.idx.msk [tilespmem:v34+s13+$0x0], $0xffff  }
0x16e: {  	s12 =	sadd.s32 $0x1, s14;
	v25 =	vmov s14;
	v35 =	vor.u32 v9, v24;
	v36 =	vld.idx.msk [tilespmem:v36+s13+$0x0], $0xffff  }
0x16f: {  	s15 =	sadd.s32 $0x3, s14;
	s16 =	sadd.s32 $0x4, s14;
	v38 =	vmov s12;
	s12 =	sadd.s32 $0x2, s14;
	v24 =	vand.u32 $0x78, v25;
	v25 =	vshll.u32 v25, $0x3;
	v40 =	vld.idx.msk [tilespmem:v29+s13+$0x0], $0xffff  }
0x170: {  	v45 =	vmov s15;
	s15 =	sadd.s32 $0x6, s14;
	v32 =	vmov s16;
	v44 =	vmov s12;
	s12 =	sadd.s32 $0x5, s14;
	v46 =	vld.idx.msk [tilespmem:v30+s13+$0x0], $0xffff  }
0x171: {  	v28 =	vmov s15;
	v42 =	vand.u32 $0x79, v38;
	v31 =	vmov s12;
	v47 =	vld.idx.msk [tilespmem:v27+s13+$0x0], $0xffff  }
0x172: {  	v41 =	vand.u32 $0x7A, v44;
	v29 =	vand.u32 $0x7B, v45;
	v48 =	vld.idx.msk [tilespmem:v26+s13+$0x0], $0xffff;
	v26 =	vand.u32 $0x7F, v33  }
0x173: {  	v30 =	vand.u32 $0x7C, v32;
	v33 =	vand.u32 $0x7F, v34;
	v39 =	vld.idx.msk [tilespmem:v35+s13+$0x0], $0xffff;
	v49 =	vor.u32 v10, v26  }
.Ltmp10:
0x174: {  	v27 =	vand.u32 $0x7D, v31;
	v37 =	vor.u32 v10, v33;
	v33 =	vand.u32 $0x7F, v36;
	(pc) =	sbr.rel @p1 .LBB2_14-.Ltmp10, $4  }
0x175: {  	v26 =	vand.u32 $0x7E, v28;
	v35 =	vor.u32 v10, v33;
	v33 =	vand.u32 $0x7F, v40  }
0x176: {  	v43 =	vshll.u32 v38, $0x3;
	v34 =	vor.u32 v10, v33;
	v33 =	vand.u32 $0x7F, v46  }
0x177: {  	v40 =	vshll.u32 v44, $0x3;
	v36 =	vor.u32 v10, v33;
	v38 =	vand.u32 $0x7F, v47  }
0x178: {  	s12 =	sadd.s32 $0x7, s14;
	s14 =	sadd.s32 $0x8, s14;
	v33 =	vshll.u32 v45, $0x3;
	v38 =	vor.u32 v10, v38;
	v44 =	vand.u32 $0x7F, v48;
	[tilespmem:v49+s10+$0x0] =	vst.idx.add.f32.msk $0xffff, v2  }
.LBB2_15:
0x179: {  	v45 =	vmov s12;
	v32 =	vshll.u32 v32, $0x3;
	v31 =	vshll.u32 v31, $0x3  }
0x17a: {  	v43 =	vand.u32 $0x400, v43;
	v40 =	vand.u32 $0x400, v40;
	v33 =	vand.u32 $0x400, v33  }
0x17b: {  	v25 =	vand.u32 $0x400, v25;
	v46 =	vshll.u32 v45, $0x3;
	v42 =	vor.u32 v43, v42  }
0x17c: {  	v45 =	vand.u32 $0x7F, v45;
	v40 =	vor.u32 v40, v41;
	v42 =	vor.u32 v9, v42  }
0x17d: {  	v29 =	vor.u32 v33, v29;
	v32 =	vand.u32 $0x400, v32;
	v40 =	vor.u32 v9, v40  }
0x17e: {  	v31 =	vand.u32 $0x400, v31;
	v24 =	vor.u32 v25, v24;
	v29 =	vor.u32 v9, v29  }
0x17f: {  	v46 =	vand.u32 $0x400, v46;
	v27 =	vor.u32 v31, v27;
	v24 =	vor.u32 v9, v24  }
0x180: {  	s13 =	simm.s32 $0x0;
	v30 =	vor.u32 v32, v30;
	v32 =	vand.u32 @p0 $0x7F, v39;
	v27 =	vor.u32 v9, v27  }
0x181: {  	v28 =	vshll.u32 v28, $0x3;
	v45 =	vor.u32 v46, v45;
	v32 =	vor.u32 @p0 v10, v32;
	v25 =	vld.idx.msk [tilespmem:v42+s13+$0x0], $0xffff  }
0x182: {  	v28 =	vand.u32 $0x400, v28;
	v55 =	vor.u32 v9, v45;
	v31 =	vld.idx.msk [tilespmem:v40+s13+$0x0], $0xffff  }
0x183: {  	v26 =	vor.u32 v28, v26;
	v30 =	vor.u32 v9, v30;
	v29 =	vld.idx.msk [tilespmem:v29+s13+$0x0], $0xffff  }
0x184: {  	v26 =	vor.u32 v9, v26;
	v24 =	vld.idx.msk [tilespmem:v24+s13+$0x0], $0xffff  }
0x185: {  	v27 =	vld.idx.msk [tilespmem:v27+s13+$0x0], $0xffff  }
0x186: {  	s30 =	simm.s32 $0x4;
	[tilespmem:v32+s10+$0x0] =	vst.idx.add.f32.msk @p0 $0xffff, v2  }
0x187: {  	v32 =	vmov s30;
	v28 =	vld.idx.msk [tilespmem:v55+s13+$0x0], $0xffff  }
0x188: {  	s31 =	simm.s32 $0x2;
	v30 =	vld.idx.msk [tilespmem:v30+s13+$0x0], $0xffff;
	v62 =	vshll.u32 v32, $0x3  }
0x189: {  	v33 =	vor.u32 @p0 v10, v44;
	v40 =	vmov s31;
	v26 =	vld.idx.msk [tilespmem:v26+s13+$0x0], $0xffff;
	v63 =	vand.u32 $0x400, v62  }
0x18a: {  	v25 =	vand.u32 $0x7F, v25;
	v31 =	vand.u32 $0x7F, v31;
	v24 =	vand.u32 $0x7F, v24  }
0x18b: {  	[tilespmem:v37+s10+$0x0] =	vst.idx.add.f32.msk @p0 $0xffff, v2;
	v56 =	vor.u32 v10, v25;
	v57 =	vor.u32 v10, v31;
	v25 =	vand.u32 $0x7F, v29  }
0x18c: {  	[tilespmem:v35+s10+$0x0] =	vst.idx.add.f32.msk @p0 $0xffff, v2;
	v27 =	vand.u32 $0x7F, v27;
	v60 =	vor.u32 v10, v24;
	v28 =	vand.u32 $0x7F, v28  }
0x18d: {  	[tilespmem:v34+s10+$0x0] =	vst.idx.add.f32.msk @p0 $0xffff, v2;
	v29 =	vor.u32 v10, v25;
	v25 =	vand.u32 $0x7F, v30;
	v28 =	vor.u32 v10, v28  }
0x18e: {  	[tilespmem:v36+s10+$0x0] =	vst.idx.add.f32.msk @p0 $0xffff, v2;
	v30 =	vor.u32 v10, v25;
	v25 =	vand.u32 $0x7F, v26;
	v26 =	vmov s13  }
0x18f: {  	s12 =	simm.s32 $0x7;
	[tilespmem:v38+s10+$0x0] =	vst.idx.add.f32.msk @p0 $0xffff, v2;
	v58 =	vor.u32 v10, v27;
	v59 =	vor.u32 v10, v25;
	v25 =	vshll.u32 v26, $0x3  }
0x190: {  	[tilespmem:v33+s10+$0x0] =	vst.idx.add.f32.msk @p0 $0xffff, v2;
	v27 =	vmov s12;
	v24 =	vand.u32 $0x78, v26;
	v26 =	vand.u32 $0x400, v25  }
0x191: {  	s14 =	simm.s32 $0x6;
	s29 =	simm.s32 $0x5;
	v31 =	vshll.u32 v27, $0x3;
	v34 =	vor.u32 v26, v24;
	v26 =	vand.u32 $0x7F, v27;
	[tilespmem:v56+s10+$0x0] =	vst.idx.add.f32.msk $0xffff, v2  }
0x192: {  	v27 =	vand.u32 $0x400, v31;
	v31 =	vmov s29;
	[tilespmem:v28+s10+$0x0] =	vst.idx.add.f32.msk $0xffff, v2;
	v28 =	vmov s14  }
0x193: {  	[tilespmem:v57+s10+$0x0] =	vst.idx.add.f32.msk $0xffff, v2;
	v42 =	vor.u32 v11, v34;
	v35 =	vor.u32 v27, v26;
	v27 =	vshll.u32 v28, $0x3  }
0x194: {  	p1 =	por $0x1, $0x1;
	[tilespmem:v60+s10+$0x0] =	vst.idx.add.f32.msk $0xffff, v2;
	v61 =	vshll.u32 v31, $0x3;
	v26 =	vand.u32 $0x7E, v28;
	v27 =	vand.u32 $0x400, v27  }
.Ltmp11:
0x195: {  	s15 =	simm.s32 $0x3;
	[tilespmem:v29+s10+$0x0] =	vst.idx.add.f32.msk $0xffff, v2;
	v29 =	vand.u32 $0x400, v61;
	v36 =	vor.u32 v27, v26;
	v27 =	vand.u32 $0x7D, v31;
	(pc) =	sbr.rel @!p1 .LBB2_17-.Ltmp11, $4  }
0x196: {  	[tilespmem:v30+s10+$0x0] =	vst.idx.add.f32.msk $0xffff, v2;
	v30 =	vand.u32 $0x7C, v32;
	v37 =	vor.u32 v29, v27;
	v29 =	vmov s15  }
0x197: {  	[tilespmem:v58+s10+$0x0] =	vst.idx.add.f32.msk $0xffff, v2;
	v41 =	vor.u32 v11, v35;
	v38 =	vor.u32 v63, v30;
	v33 =	vshll.u32 v29, $0x3  }
0x198: {  	[tilespmem:v59+s10+$0x0] =	vst.idx.add.f32.msk $0xffff, v2;
	v45 =	vor.u32 v11, v38;
	v29 =	vand.u32 $0x7B, v29;
	v39 =	vand.u32 $0x400, v33  }
0x199: {  	s16 =	simm.s32 $0x1;
	v46 =	vmovc v40;
	s14 =	simm.s32 $0x1;
	v43 =	vor.u32 v11, v36;
	s15 =	simm.s32 $0x8;
	v44 =	vor.u32 v11, v37;
	v47 =	vor.u32 v39, v29  }
.LBB2_16:
0x19a: {  	p0 =	slt.u32 s15, $0xC0;
	v48 =	vmov s16;
	v49 =	vshll.u32 v46, $0x3;
	v47 =	vor.u32 v11, v47  }
0x19b: {  	v46 =	vand.u32 $0x7A, v46;
	v42 =	vld.idx.msk [tilespmem:v42+s13+$0x0], $0xffff;
	v50 =	vshll.u32 v48, $0x3;
	v49 =	vand.u32 $0x400, v49  }
0x19c: {  	v48 =	vand.u32 $0x79, v48;
	v50 =	vand.u32 $0x400, v50;
	v46 =	vor.u32 v49, v46  }
0x19d: {  	v49 =	vmov s15;
	v48 =	vor.u32 v50, v48;
	v46 =	vor.u32 v11, v46;
	v50 =	vld.idx.msk [tilespmem:v41+s13+$0x0], $0xffff  }
0x19e: {  	s16 =	sadd.s32 $0x7, s15;
	v41 =	vshll.u32 v49, $0x3;
	v48 =	vor.u32 v11, v48;
	v43 =	vld.idx.msk [tilespmem:v43+s13+$0x0], $0xffff  }
0x19f: {  	v51 =	vmov s16;
	v49 =	vand.u32 $0x78, v49;
	v41 =	vand.u32 $0x400, v41;
	v44 =	vld.idx.msk [tilespmem:v44+s13+$0x0], $0xffff  }
0x1a0: {  	v41 =	vor.u32 v41, v49;
	v49 =	vshll.u32 v51, $0x3;
	v45 =	vld.idx.msk [tilespmem:v45+s13+$0x0], $0xffff  }
0x1a1: {  	v51 =	vand.u32 $0x7F, v51;
	v49 =	vand.u32 $0x400, v49;
	v52 =	vand.u32 $0x7F, v42;
	v47 =	vld.idx.msk [tilespmem:v47+s13+$0x0], $0xffff  }
0x1a2: {  	s16 =	sadd.s32 $0x6, s15;
	v42 =	vor.u32 v11, v41;
	v41 =	vor.u32 v49, v51;
	v49 =	vor.u32 v12, v52;
	v46 =	vld.idx.msk [tilespmem:v46+s13+$0x0], $0xffff  }
0x1a3: {  	v51 =	vmov s16;
	v41 =	vor.u32 v11, v41;
	v50 =	vand.u32 $0x7F, v50;
	v48 =	vld.idx.msk [tilespmem:v48+s13+$0x0], $0xffff  }
0x1a4: {  	v52 =	vand.u32 $0x7E, v51;
	v43 =	vand.u32 $0x7F, v43;
	v50 =	vor.u32 v12, v50  }
0x1a5: {  	v51 =	vshll.u32 v51, $0x3;
	v44 =	vand.u32 $0x7F, v44;
	v43 =	vor.u32 v12, v43  }
0x1a6: {  	v51 =	vand.u32 $0x400, v51;
	v45 =	vand.u32 $0x7F, v45;
	v44 =	vor.u32 v12, v44  }
0x1a7: {  	s16 =	sadd.s32 $0x5, s15;
	v51 =	vor.u32 v51, v52;
	v47 =	vand.u32 $0x7F, v47;
	v45 =	vor.u32 v12, v45  }
0x1a8: {  	v52 =	vmov s16;
	v46 =	vand.u32 $0x7F, v46;
	v47 =	vor.u32 v12, v47;
	[tilespmem:v49+s10+$0x0] =	vst.idx.add.f32.msk $0xffff, v2  }
0x1a9: {  	v49 =	vshll.u32 v52, $0x3;
	v48 =	vand.u32 $0x7F, v48;
	v46 =	vor.u32 v12, v46;
	[tilespmem:v50+s10+$0x0] =	vst.idx.add.f32.msk $0xffff, v2  }
0x1aa: {  	s16 =	sadd.s32 $0x4, s15;
	v50 =	vand.u32 $0x7D, v52;
	v49 =	vand.u32 $0x400, v49;
	v48 =	vor.u32 v12, v48;
	[tilespmem:v43+s10+$0x0] =	vst.idx.add.f32.msk $0xffff, v2  }
.Ltmp12:
0x1ab: {  	s17 =	sadd.s32 $0x3, s15;
	v52 =	vmov s16;
	v49 =	vor.u32 v49, v50;
	v43 =	vor.u32 v11, v51;
	[tilespmem:v44+s10+$0x0] =	vst.idx.add.f32.msk $0xffff, v2;
	(pc) =	sbr.rel @p0 .LBB2_16-.Ltmp12, $4  }
0x1ac: {  	v50 =	vmov s17;
	v51 =	vshll.u32 v52, $0x3;
	v44 =	vor.u32 v11, v49;
	[tilespmem:v45+s10+$0x0] =	vst.idx.add.f32.msk $0xffff, v2  }
0x1ad: {  	v49 =	vand.u32 $0x7C, v52;
	v51 =	vand.u32 $0x400, v51;
	v45 =	vshll.u32 v50, $0x3;
	[tilespmem:v47+s10+$0x0] =	vst.idx.add.f32.msk $0xffff, v2  }
0x1ae: {  	s17 =	sadd.s32 $0x2, s15;
	v49 =	vor.u32 v51, v49;
	v47 =	vand.u32 $0x7B, v50;
	v45 =	vand.u32 $0x400, v45;
	[tilespmem:v46+s10+$0x0] =	vst.idx.add.f32.msk $0xffff, v2  }
0x1af: {  	s16 =	sadd.s32 $0x1, s15;
	s15 =	sadd.s32 $0x8, s15;
	v46 =	vmov s17;
	v47 =	vor.u32 v45, v47;
	v45 =	vor.u32 v11, v49;
	[tilespmem:v48+s10+$0x0] =	vst.idx.add.f32.msk $0xffff, v2  }
.LBB2_17:
0x1b0: {  	_ =	sdelay $0x1  }
0x1b1: {  	v48 =	vmov s16;
	v49 =	vshll.u32 v46, $0x3;
	v47 =	vor.u32 v11, v47  }
0x1b2: {  	v58 =	vand.u32 $0x7A, v46;
	v50 =	vshll.u32 v48, $0x3;
	v49 =	vand.u32 $0x400, v49  }
0x1b3: {  	v42 =	vld.idx.msk [tilespmem:v42+s13+$0x0], $0xffff;
	v48 =	vand.u32 $0x79, v48;
	v50 =	vand.u32 $0x400, v50;
	v46 =	vor.u32 v49, v58  }
0x1b4: {  	v41 =	vld.idx.msk [tilespmem:v41+s13+$0x0], $0xffff;
	v48 =	vor.u32 v50, v48;
	v46 =	vor.u32 v11, v46  }
0x1b5: {  	v43 =	vld.idx.msk [tilespmem:v43+s13+$0x0], $0xffff;
	v48 =	vor.u32 v11, v48  }
0x1b6: {  	v44 =	vld.idx.msk [tilespmem:v44+s13+$0x0], $0xffff  }
0x1b7: {  	v45 =	vld.idx.msk [tilespmem:v45+s13+$0x0], $0xffff  }
0x1b8: {  	v42 =	vand.u32 $0x7F, v42;
	v47 =	vld.idx.msk [tilespmem:v47+s13+$0x0], $0xffff  }
0x1b9: {  	v41 =	vand.u32 $0x7F, v41;
	v42 =	vor.u32 v12, v42;
	v46 =	vld.idx.msk [tilespmem:v46+s13+$0x0], $0xffff  }
0x1ba: {  	v43 =	vand.u32 $0x7F, v43;
	v41 =	vor.u32 v12, v41;
	v48 =	vld.idx.msk [tilespmem:v48+s13+$0x0], $0xffff  }
0x1bb: {  	v44 =	vand.u32 $0x7F, v44;
	v43 =	vor.u32 v12, v43  }
0x1bc: {  	v45 =	vand.u32 $0x7F, v45;
	v44 =	vor.u32 v12, v44  }
0x1bd: {  	v45 =	vor.u32 v12, v45;
	v47 =	vand.u32 $0x7F, v47  }
0x1be: {  	[tilespmem:v42+s10+$0x0] =	vst.idx.add.f32.msk $0xffff, v2;
	v60 =	vor.u32 v12, v47;
	v59 =	vand.u32 $0x7F, v46  }
0x1bf: {  	[tilespmem:v41+s10+$0x0] =	vst.idx.add.f32.msk $0xffff, v2;
	v61 =	vand.u32 $0x7F, v48;
	v42 =	vor.u32 v12, v59  }
0x1c0: {  	[tilespmem:v43+s10+$0x0] =	vst.idx.add.f32.msk $0xffff, v2;
	v62 =	vor.u32 v12, v61  }
.Ltmp13:
0x1c1: {  	[tilespmem:v44+s10+$0x0] =	vst.idx.add.f32.msk $0xffff, v2;
	(pc) =	sbr.rel @!p1 .LBB2_18-.Ltmp13, $4  }
0x1c2: {  	[tilespmem:v45+s10+$0x0] =	vst.idx.add.f32.msk $0xffff, v2  }
0x1c3: {  	[tilespmem:v60+s10+$0x0] =	vst.idx.add.f32.msk $0xffff, v2  }
0x1c4: {  	v63 =	vmov s14;
	v41 =	vand.u32 $0x7A, v40;
	[tilespmem:v42+s10+$0x0] =	vst.idx.add.f32.msk $0xffff, v2  }
0x1c5: {  	s14 =	simm.s32 $0x8;
	p0 =	por $0x0, $0x0;
	v43 =	vshll.u32 v63, $0x3;
	v40 =	vshll.u32 v40, $0x3;
	v42 =	vand.u32 $0x79, v63;
	[tilespmem:v62+s10+$0x0] =	vst.idx.add.f32.msk $0xffff, v2  }
0x1c6: {  	v24 =	vand.u32 $0x400, v43;
	v26 =	vor.u32 v13, v35  }
0x1c7: {  	v25 =	vand.u32 $0x400, v40;
	v28 =	vor.u32 v13, v38;
	v24 =	vor.u32 v24, v42  }
0x1c8: {  	v25 =	vor.u32 v25, v41;
	v24 =	vor.u32 v13, v24  }
0x1c9: {  	v27 =	vor.u32 v39, v29;
	v25 =	vor.u32 v13, v25  }
0x1ca: {  	s13 =	simm.s32 $0x0;
	v27 =	vor.u32 v13, v27  }
0x1cb: {  	v29 =	vor.u32 v13, v37;
	v26 =	vld.idx.msk [tilespmem:v26+s13+$0x0], $0xffff  }
0x1cc: {  	v30 =	vor.u32 v13, v36;
	v45 =	vld.idx.msk [tilespmem:v28+s13+$0x0], $0xffff  }
0x1cd: {  	v31 =	vmov s14;
	s12 =	simm.s32 $0x9;
	v55 =	vor.u32 v13, v34;
	s28 =	simm.s32 $0xA;
	s29 =	simm.s32 $0xB;
	v33 =	vld.idx.msk [tilespmem:v24+s13+$0x0], $0xffff  }
0x1ce: {  	s15 =	simm.s32 $0xC;
	v57 =	vmov s12;
	v59 =	vmov s28;
	v44 =	vmov s29;
	v56 =	vld.idx.msk [tilespmem:v25+s13+$0x0], $0xffff  }
0x1cf: {  	s31 =	simm.s32 $0xE;
	v32 =	vmov s15;
	v42 =	vand.u32 $0x79, v57;
	v41 =	vand.u32 $0x7A, v59;
	v58 =	vld.idx.msk [tilespmem:v27+s13+$0x0], $0xffff  }
0x1d0: {  	v43 =	vshll.u32 v57, $0x3;
	v40 =	vshll.u32 v59, $0x3;
	v28 =	vmov s31;
	v46 =	vld.idx.msk [tilespmem:v29+s13+$0x0], $0xffff  }
0x1d1: {  	v29 =	vand.u32 $0x7B, v44;
	v47 =	vld.idx.msk [tilespmem:v30+s13+$0x0], $0xffff;
	v30 =	vand.u32 $0x7C, v32;
	v26 =	vand.u32 $0x7F, v26  }
0x1d2: {  	p2 =	por $0x1, $0x1;
	v24 =	vand.u32 $0x78, v31;
	v48 =	vor.u32 v14, v26;
	v33 =	vand.u32 $0x7F, v33  }
.Ltmp14:
0x1d3: {  	s30 =	simm.s32 $0xD;
	v35 =	vld.idx.msk [tilespmem:v55+s13+$0x0], $0xffff;
	v25 =	vshll.u32 v31, $0x3;
	v60 =	vand.u32 $0x7F, v56;
	v39 =	vor.u32 v14, v33;
	(pc) =	sbr.rel @!p2 .LBB2_21-.Ltmp14, $4  }
0x1d4: {  	v31 =	vmov s30;
	v61 =	vand.u32 $0x7F, v58;
	v38 =	vor.u32 v14, v60  }
0x1d5: {  	v27 =	vand.u32 $0x7D, v31;
	v62 =	vand.u32 $0x7F, v45;
	v34 =	vor.u32 v14, v61  }
0x1d6: {  	v63 =	vand.u32 $0x7F, v46;
	v26 =	vand.u32 $0x7E, v28;
	v36 =	vor.u32 v14, v62  }
0x1d7: {  	s14 =	simm.s32 $0x10;
	p1 =	por $0x1, $0x1;
	s12 =	simm.s32 $0xF;
	v37 =	vor.u32 v14, v63;
	v33 =	vshll.u32 v44, $0x3;
	v44 =	vand.u32 $0x7F, v47;
	[tilespmem:v48+s10+$0x0] =	vst.idx.add.f32.msk $0xffff, v2  }
.LBB2_20:
0x1d8: {  	p2 =	slt.u32 s14, $0xC0;
	v45 =	vmov s12;
	v35 =	vand.u32 $0x7F, v35;
	[tilespmem:v39+s10+$0x0] =	vst.idx.add.f32.msk $0xffff, v2;
	v39 =	vor.u32 v14, v44  }
0x1d9: {  	v32 =	vshll.u32 v32, $0x3;
	v44 =	vshll.u32 v45, $0x3;
	v35 =	vor.u32 v14, v35;
	[tilespmem:v38+s10+$0x0] =	vst.idx.add.f32.msk $0xffff, v2  }
0x1da: {  	v31 =	vshll.u32 v31, $0x3;
	v38 =	vand.u32 $0x7F, v45;
	v44 =	vand.u32 $0x400, v44;
	[tilespmem:v34+s10+$0x0] =	vst.idx.add.f32.msk $0xffff, v2  }
0x1db: {  	v28 =	vshll.u32 v28, $0x3;
	v34 =	vand.u32 $0x400, v43;
	v38 =	vor.u32 v44, v38;
	[tilespmem:v36+s10+$0x0] =	vst.idx.add.f32.msk $0xffff, v2  }
0x1dc: {  	v34 =	vor.u32 v34, v42;
	v36 =	vand.u32 $0x400, v40;
	v38 =	vor.u32 v13, v38;
	[tilespmem:v37+s10+$0x0] =	vst.idx.add.f32.msk $0xffff, v2  }
0x1dd: {  	v33 =	vand.u32 $0x400, v33;
	v34 =	vor.u32 v13, v34;
	v36 =	vor.u32 v36, v41;
	[tilespmem:v39+s10+$0x0] =	vst.idx.add.f32.msk $0xffff, v2  }
0x1de: {  	v29 =	vor.u32 v33, v29;
	v32 =	vand.u32 $0x400, v32;
	v36 =	vor.u32 v13, v36;
	[tilespmem:v35+s10+$0x0] =	vst.idx.add.f32.msk $0xffff, v2  }
0x1df: {  	v31 =	vand.u32 $0x400, v31;
	v29 =	vor.u32 v13, v29;
	v30 =	vor.u32 v32, v30  }
0x1e0: {  	v28 =	vand.u32 $0x400, v28;
	v27 =	vor.u32 v31, v27;
	v30 =	vor.u32 v13, v30  }
0x1e1: {  	v25 =	vand.u32 $0x400, v25;
	v26 =	vor.u32 v28, v26;
	v27 =	vor.u32 v13, v27;
	v33 =	vld.idx.msk [tilespmem:v38+s13+$0x0], $0xffff  }
0x1e2: {  	v24 =	vor.u32 v25, v24;
	v26 =	vor.u32 v13, v26;
	v34 =	vld.idx.msk [tilespmem:v34+s13+$0x0], $0xffff  }
0x1e3: {  	s12 =	sadd.s32 $0x1, s14;
	v25 =	vmov s14;
	v35 =	vor.u32 v13, v24;
	v36 =	vld.idx.msk [tilespmem:v36+s13+$0x0], $0xffff  }
0x1e4: {  	s15 =	sadd.s32 $0x3, s14;
	s16 =	sadd.s32 $0x4, s14;
	v37 =	vmov s12;
	s12 =	sadd.s32 $0x2, s14;
	v24 =	vand.u32 $0x78, v25;
	v25 =	vshll.u32 v25, $0x3;
	v40 =	vld.idx.msk [tilespmem:v29+s13+$0x0], $0xffff  }
0x1e5: {  	v45 =	vmov s15;
	s15 =	sadd.s32 $0x6, s14;
	v32 =	vmov s16;
	v44 =	vmov s12;
	s12 =	sadd.s32 $0x5, s14;
	v46 =	vld.idx.msk [tilespmem:v30+s13+$0x0], $0xffff  }
0x1e6: {  	v28 =	vmov s15;
	v42 =	vand.u32 $0x79, v37;
	v31 =	vmov s12;
	v47 =	vld.idx.msk [tilespmem:v27+s13+$0x0], $0xffff  }
0x1e7: {  	v41 =	vand.u32 $0x7A, v44;
	v29 =	vand.u32 $0x7B, v45;
	v48 =	vld.idx.msk [tilespmem:v26+s13+$0x0], $0xffff;
	v26 =	vand.u32 $0x7F, v33  }
0x1e8: {  	v30 =	vand.u32 $0x7C, v32;
	v33 =	vand.u32 $0x7F, v34;
	v35 =	vld.idx.msk [tilespmem:v35+s13+$0x0], $0xffff;
	v49 =	vor.u32 v14, v26  }
.Ltmp15:
0x1e9: {  	v27 =	vand.u32 $0x7D, v31;
	v39 =	vor.u32 v14, v33;
	v33 =	vand.u32 $0x7F, v36;
	(pc) =	sbr.rel @p2 .LBB2_20-.Ltmp15, $4  }
0x1ea: {  	v26 =	vand.u32 $0x7E, v28;
	v38 =	vor.u32 v14, v33;
	v33 =	vand.u32 $0x7F, v40  }
0x1eb: {  	v43 =	vshll.u32 v37, $0x3;
	v34 =	vor.u32 v14, v33;
	v33 =	vand.u32 $0x7F, v46  }
0x1ec: {  	v40 =	vshll.u32 v44, $0x3;
	v36 =	vor.u32 v14, v33;
	v37 =	vand.u32 $0x7F, v47  }
0x1ed: {  	s12 =	sadd.s32 $0x7, s14;
	s14 =	sadd.s32 $0x8, s14;
	v33 =	vshll.u32 v45, $0x3;
	v37 =	vor.u32 v14, v37;
	v44 =	vand.u32 $0x7F, v48;
	[tilespmem:v49+s10+$0x0] =	vst.idx.add.f32.msk $0xffff, v2  }
.LBB2_21:
0x1ee: {  	v45 =	vmov s12;
	v32 =	vshll.u32 v32, $0x3;
	v31 =	vshll.u32 v31, $0x3  }
0x1ef: {  	v43 =	vand.u32 $0x400, v43;
	v28 =	vshll.u32 v28, $0x3;
	v40 =	vand.u32 $0x400, v40  }
0x1f0: {  	v46 =	vshll.u32 v45, $0x3;
	v45 =	vand.u32 $0x7F, v45;
	v42 =	vor.u32 v43, v42  }
0x1f1: {  	v40 =	vor.u32 v40, v41;
	v46 =	vand.u32 $0x400, v46;
	v42 =	vor.u32 v13, v42  }
0x1f2: {  	v33 =	vand.u32 $0x400, v33;
	v40 =	vor.u32 v13, v40;
	v45 =	vor.u32 v46, v45  }
0x1f3: {  	[tilespmem:v39+s10+$0x0] =	vst.idx.add.f32.msk @p1 $0xffff, v2;
	v29 =	vor.u32 v33, v29;
	v32 =	vand.u32 $0x400, v32;
	v52 =	vor.u32 v13, v45  }
0x1f4: {  	[tilespmem:v38+s10+$0x0] =	vst.idx.add.f32.msk @p1 $0xffff, v2;
	v31 =	vand.u32 $0x400, v31;
	v29 =	vor.u32 v13, v29;
	v30 =	vor.u32 v32, v30  }
0x1f5: {  	s12 =	simm.s32 $0x0;
	v25 =	vand.u32 $0x400, v25;
	[tilespmem:v34+s10+$0x0] =	vst.idx.add.f32.msk @p1 $0xffff, v2;
	v27 =	vor.u32 v31, v27;
	v30 =	vor.u32 v13, v30  }
0x1f6: {  	v28 =	vand.u32 $0x400, v28;
	v24 =	vor.u32 v25, v24;
	v27 =	vor.u32 v13, v27;
	v25 =	vld.idx.msk [tilespmem:v42+s12+$0x0], $0xffff  }
0x1f7: {  	v26 =	vor.u32 v28, v26;
	v24 =	vor.u32 v13, v24;
	v31 =	vld.idx.msk [tilespmem:v40+s12+$0x0], $0xffff  }
0x1f8: {  	v26 =	vor.u32 v13, v26;
	v28 =	vld.idx.msk [tilespmem:v52+s12+$0x0], $0xffff  }
0x1f9: {  	v29 =	vld.idx.msk [tilespmem:v29+s12+$0x0], $0xffff  }
0x1fa: {  	s13 =	simm.s32 $0x1;
	s14 =	simm.s32 $0x4;
	v33 =	vor.u32 @p1 v14, v44;
	v30 =	vld.idx.msk [tilespmem:v30+s12+$0x0], $0xffff  }
0x1fb: {  	s15 =	simm.s32 $0x5;
	v53 =	vmov s13;
	v54 =	vmov s14;
	v27 =	vld.idx.msk [tilespmem:v27+s12+$0x0], $0xffff;
	v25 =	vand.u32 $0x7F, v25  }
0x1fc: {  	s28 =	simm.s32 $0x7;
	v55 =	vmov s15;
	v24 =	vld.idx.msk [tilespmem:v24+s12+$0x0], $0xffff;
	v31 =	vand.u32 $0x7F, v31;
	v25 =	vor.u32 v14, v25  }
0x1fd: {  	v56 =	vmov s28;
	v26 =	vld.idx.msk [tilespmem:v26+s12+$0x0], $0xffff;
	v31 =	vor.u32 v14, v31;
	v28 =	vand.u32 $0x7F, v28  }
0x1fe: {  	[tilespmem:v36+s10+$0x0] =	vst.idx.add.f32.msk @p1 $0xffff, v2;
	v32 =	vand.u32 @p1 $0x7F, v35;
	v29 =	vand.u32 $0x7F, v29;
	v28 =	vor.u32 v14, v28  }
0x1ff: {  	[tilespmem:v37+s10+$0x0] =	vst.idx.add.f32.msk @p1 $0xffff, v2;
	v57 =	vshll.u32 v56, $0x3;
	v30 =	vand.u32 $0x7F, v30;
	v29 =	vor.u32 v14, v29  }
0x200: {  	v32 =	vor.u32 @p1 v14, v32;
	[tilespmem:v33+s10+$0x0] =	vst.idx.add.f32.msk @p1 $0xffff, v2;
	v27 =	vand.u32 $0x7F, v27;
	v30 =	vor.u32 v14, v30  }
0x201: {  	v58 =	vand.u32 $0x400, v57;
	v33 =	vshll.u32 v54, $0x3;
	v27 =	vor.u32 v14, v27;
	[tilespmem:v25+s10+$0x0] =	vst.idx.add.f32.msk $0xffff, v2  }
0x202: {  	v33 =	vand.u32 $0x400, v33;
	v24 =	vand.u32 $0x7F, v24;
	v26 =	vand.u32 $0x7F, v26;
	[tilespmem:v31+s10+$0x0] =	vst.idx.add.f32.msk $0xffff, v2  }
0x203: {  	v24 =	vor.u32 v14, v24;
	v26 =	vor.u32 v14, v26;
	[tilespmem:v28+s10+$0x0] =	vst.idx.add.f32.msk $0xffff, v2;
	v28 =	vand.u32 $0x7C, v54  }
0x204: {  	v25 =	vshll.u32 v55, $0x3;
	v31 =	vand.u32 $0x7F, v56;
	[tilespmem:v29+s10+$0x0] =	vst.idx.add.f32.msk $0xffff, v2;
	v28 =	vor.u32 v33, v28  }
0x205: {  	v29 =	vand.u32 $0x7D, v55;
	v31 =	vor.u32 v58, v31;
	[tilespmem:v30+s10+$0x0] =	vst.idx.add.f32.msk $0xffff, v2;
	v28 =	vor.u32 v15, v28  }
0x206: {  	s29 =	simm.s32 $0x3;
	v25 =	vand.u32 $0x400, v25;
	[tilespmem:v27+s10+$0x0] =	vst.idx.add.f32.msk $0xffff, v2;
	v27 =	vshll.u32 v53, $0x3;
	v30 =	vor.u32 v15, v31  }
0x207: {  	[tilespmem:v32+s10+$0x0] =	vst.idx.add.f32.msk @p1 $0xffff, v2;
	v31 =	vmov s29;
	v29 =	vor.u32 v25, v29;
	v25 =	vand.u32 $0x79, v53  }
0x208: {  	[tilespmem:v26+s10+$0x0] =	vst.idx.add.f32.msk $0xffff, v2;
	v59 =	vand.u32 $0x7B, v31;
	v26 =	vshll.u32 v31, $0x3;
	v31 =	vand.u32 $0x400, v27  }
0x209: {  	[tilespmem:v24+s10+$0x0] =	vst.idx.add.f32.msk $0xffff, v2;
	v24 =	vor.u32 v15, v29;
	v26 =	vand.u32 $0x400, v26;
	v29 =	vor.u32 v31, v25  }
0x20a: {  	s30 =	simm.s32 $0x2;
	s31 =	simm.s32 $0x6;
	v26 =	vor.u32 v26, v59;
	v61 =	vor.u32 v15, v29;
	v60 =	vld.idx.msk [tilespmem:v28+s12+$0x0], $0xffff  }
0x20b: {  	v63 =	vmov s31;
	p1 =	por $0x1, $0x1;
	v31 =	vmov s30;
	v62 =	vor.u32 v15, v26;
	v38 =	vld.idx.msk [tilespmem:v30+s12+$0x0], $0xffff  }
.Ltmp16:
0x20c: {  	v36 =	vand.u32 $0x7E, v63;
	v28 =	vshll.u32 v31, $0x3;
	(pc) =	sbr.rel @!p1 .LBB2_22-.Ltmp16, $4  }
0x20d: {  	v26 =	vand.u32 $0x7A, v31;
	v31 =	vshll.u32 v63, $0x3;
	v30 =	vand.u32 $0x400, v28  }
0x20e: {  	v37 =	vld.idx.msk [tilespmem:v24+s12+$0x0], $0xffff;
	v24 =	vor.u32 $0x3800, v1;
	v31 =	vand.u32 $0x400, v31;
	v30 =	vor.u32 v30, v26  }
0x20f: {  	v34 =	vld.idx.msk [tilespmem:v61+s12+$0x0], $0xffff;
	v31 =	vor.u32 v31, v36;
	v33 =	vor.u32 v15, v30;
	v32 =	vand.u32 $0x7F, v60  }
0x210: {  	s13 =	simm.s32 $0x8;
	v39 =	vld.idx.msk [tilespmem:v62+s12+$0x0], $0xffff;
	v36 =	vor.u32 v24, v32;
	v32 =	vor.u32 v15, v31;
	v31 =	vand.u32 $0x7F, v38  }
0x211: {  	s14 =	simm.s32 $0x9  }
0x212: {  	s15 =	simm.s32 $0xA;
	v35 =	vmov s12;
	s16 =	simm.s32 $0xC;
	s28 =	simm.s32 $0xD;
	v38 =	vmov s14  }
0x213: {  	s29 =	simm.s32 $0xF;
	v40 =	vmov s15;
	v41 =	vmov s16;
	v42 =	vmov s28  }
0x214: {  	s30 =	simm.s32 $0xE;
	s31 =	simm.s32 $0xB;
	v44 =	vmov s29;
	v45 =	vand.u32 $0x78, v35;
	v35 =	vshll.u32 v35, $0x3  }
0x215: {  	v47 =	vmov s30;
	v52 =	vmov s31;
	v43 =	vand.u32 $0x7C, v41  }
0x216: {  	v41 =	vshll.u32 v41, $0x3;
	v46 =	vshll.u32 v42, $0x3;
	v50 =	vshll.u32 v44, $0x3  }
0x217: {  	v44 =	vand.u32 $0x7F, v44;
	v42 =	vand.u32 $0x7D, v42;
	v35 =	vand.u32 $0x400, v35  }
0x218: {  	[tilespmem:v36+s10+$0x0] =	vst.idx.add.f32.msk $0xffff, v2;
	v53 =	vshll.u32 v38, $0x3;
	v54 =	vand.u32 $0x7B, v52;
	v36 =	vshll.u32 v52, $0x3  }
0x219: {  	v38 =	vand.u32 $0x79, v38;
	v41 =	vand.u32 $0x400, v41;
	v35 =	vor.u32 v35, v45  }
0x21a: {  	v41 =	vor.u32 v41, v43;
	v43 =	vand.u32 $0x400, v50;
	v35 =	vor.u32 v15, v35  }
0x21b: {  	v55 =	vshll.u32 v40, $0x3;
	v41 =	vor.u32 v15, v41;
	v43 =	vor.u32 v43, v44  }
0x21c: {  	v34 =	vand.u32 $0x7F, v34;
	v51 =	vand.u32 $0x400, v46;
	v43 =	vor.u32 v15, v43  }
0x21d: {  	v33 =	vld.idx.msk [tilespmem:v33+s12+$0x0], $0xffff;
	v56 =	vand.u32 $0x7A, v40;
	v34 =	vor.u32 v24, v34;
	v42 =	vor.u32 v51, v42  }
0x21e: {  	v32 =	vld.idx.msk [tilespmem:v32+s12+$0x0], $0xffff;
	v36 =	vand.u32 $0x400, v36;
	v39 =	vand.u32 $0x7F, v39;
	v42 =	vor.u32 v15, v42  }
0x21f: {  	v36 =	vor.u32 v36, v54;
	v44 =	vand.u32 $0x400, v53;
	v39 =	vor.u32 v24, v39;
	v40 =	vld.idx.msk [tilespmem:v35+s12+$0x0], $0xffff  }
0x220: {  	v37 =	vand.u32 $0x7F, v37;
	v45 =	vor.u32 v15, v36;
	v38 =	vor.u32 v44, v38;
	v41 =	vld.idx.msk [tilespmem:v41+s12+$0x0], $0xffff  }
0x221: {  	p2 =	por $0x1, $0x1;
	v59 =	vshll.u32 v47, $0x3;
	v60 =	vand.u32 $0x7E, v47;
	v44 =	vor.u32 v15, v38;
	v43 =	vld.idx.msk [tilespmem:v43+s12+$0x0], $0xffff  }
.Ltmp17:
0x222: {  	v57 =	vand.u32 $0x400, v55;
	v61 =	vand.u32 $0x400, v59;
	v33 =	vand.u32 $0x7F, v33;
	[tilespmem:v34+s10+$0x0] =	vst.idx.add.f32.msk $0xffff, v2;
	(pc) =	sbr.rel @!p2 .LBB2_24-.Ltmp17, $4  }
0x223: {  	v38 =	vor.u32 v24, v37;
	v35 =	vor.u32 v61, v60;
	v37 =	vld.idx.msk [tilespmem:v42+s12+$0x0], $0xffff;
	v42 =	vor.u32 v24, v33  }
0x224: {  	v58 =	vor.u32 v57, v56;
	v63 =	vand.u32 $0x7F, v32;
	[tilespmem:v39+s10+$0x0] =	vst.idx.add.f32.msk $0xffff, v2  }
0x225: {  	v33 =	vor.u32 v15, v58;
	v32 =	vor.u32 v15, v35;
	v39 =	vld.idx.msk [tilespmem:v45+s12+$0x0], $0xffff;
	v62 =	vand.u32 $0x7F, v41  }
0x226: {  	p0 =	por $0x1, $0x1;
	s16 =	simm.s32 $0x10;
	s14 =	simm.s32 $0x8;
	v34 =	vld.idx.msk [tilespmem:v44+s12+$0x0], $0xffff;
	v35 =	vmovc v24;
	v41 =	vor.u32 v24, v63;
	v36 =	vor.u32 v24, v62;
	v43 =	vand.u32 $0x7F, v43  }
.LBB2_25:
0x227: {  	s17 =	sadd.s32 $0x1, s16  }
0x228: {  	s18 =	sadd.s32 $0x2, s16;
	v44 =	vmov s14;
	v40 =	vand.u32 $0x7F, v40;
	[tilespmem:v42+s10+$0x0] =	vst.idx.add.f32.msk $0xffff, v2;
	v42 =	vor.u32 v35, v31;
	v31 =	vmovc v43;
	s14 =	smov.u32 s16;
	s15 =	sadd.s32 $0x8, s16  }
0x229: {  	v37 =	vand.u32 $0x7F, v37;
	v43 =	vmov s17;
	v45 =	vmov s18;
	s17 =	sadd.s32 $0x4, s14;
	s18 =	sadd.s32 $0x5, s14;
	s19 =	sadd.s32 $0x6, s14;
	[tilespmem:v38+s10+$0x0] =	vst.idx.add.f32.msk $0xffff, v2  }
0x22a: {  	p2 =	slt.u32 s16, $0xC0;
	v40 =	vor.u32 v35, v40;
	v35 =	vmovc v24;
	v38 =	vmov s17;
	v46 =	vmov s18;
	s17 =	sadd.s32 $0x7, s14  }
0x22b: {  	v49 =	vand.u32 $0x78, v44;
	v47 =	vand.u32 $0x7C, v38;
	v48 =	vmov s17;
	[tilespmem:v36+s10+$0x0] =	vst.idx.add.f32.msk $0xffff, v2  }
0x22c: {  	v44 =	vshll.u32 v44, $0x3;
	v36 =	vshll.u32 v38, $0x3;
	v38 =	vshll.u32 v46, $0x3;
	[tilespmem:v41+s10+$0x0] =	vst.idx.add.f32.msk $0xffff, v2  }
0x22d: {  	v41 =	vmov s19;
	v50 =	vshll.u32 v48, $0x3;
	v39 =	vand.u32 $0x7F, v39;
	[tilespmem:v42+s10+$0x0] =	vst.idx.add.f32.msk $0xffff, v2  }
0x22e: {  	v44 =	vand.u32 $0x400, v44;
	v36 =	vand.u32 $0x400, v36;
	v42 =	vand.u32 $0x7D, v46  }
0x22f: {  	v36 =	vor.u32 v36, v47;
	v46 =	vand.u32 $0x7F, v48;
	v47 =	vand.u32 $0x400, v50;
	[tilespmem:v40+s10+$0x0] =	vst.idx.add.f32.msk $0xffff, v2  }
0x230: {  	v34 =	vand.u32 $0x7F, v34;
	v36 =	vor.u32 v15, v36;
	v40 =	vor.u32 v47, v46  }
0x231: {  	s16 =	sadd.s32 $0x3, s14;
	v44 =	vor.u32 v44, v49;
	v34 =	vor.u32 v35, v34;
	v40 =	vor.u32 v15, v40  }
0x232: {  	v46 =	vmov s16;
	v47 =	vand.u32 $0x400, v38;
	v38 =	vor.u32 v35, v37;
	v33 =	vld.idx.msk [tilespmem:v33+s12+$0x0], $0xffff  }
0x233: {  	v44 =	vor.u32 v15, v44;
	v37 =	vshll.u32 v43, $0x3;
	v42 =	vor.u32 v47, v42  }
0x234: {  	v47 =	vand.u32 $0x7B, v46;
	v46 =	vshll.u32 v46, $0x3;
	v42 =	vor.u32 v15, v42  }
0x235: {  	v43 =	vand.u32 $0x79, v43;
	v37 =	vand.u32 $0x400, v37;
	v46 =	vand.u32 $0x400, v46;
	v36 =	vld.idx.msk [tilespmem:v36+s12+$0x0], $0xffff  }
0x236: {  	v39 =	vor.u32 v35, v39;
	v37 =	vor.u32 v37, v43;
	v43 =	vor.u32 v46, v47;
	v46 =	vld.idx.msk [tilespmem:v32+s12+$0x0], $0xffff  }
0x237: {  	v43 =	vor.u32 v15, v43;
	v32 =	vor.u32 v15, v37;
	v37 =	vshll.u32 v45, $0x3;
	v47 =	vld.idx.msk [tilespmem:v40+s12+$0x0], $0xffff  }
0x238: {  	v45 =	vand.u32 $0x7A, v45;
	v37 =	vand.u32 $0x400, v37;
	v33 =	vand.u32 $0x7F, v33;
	v40 =	vld.idx.msk [tilespmem:v44+s12+$0x0], $0xffff  }
.Ltmp18:
0x239: {  	v44 =	vor.u32 v37, v45;
	v45 =	vshll.u32 v41, $0x3;
	v37 =	vld.idx.msk [tilespmem:v42+s12+$0x0], $0xffff;
	v42 =	vor.u32 v35, v33;
	(pc) =	sbr.rel @p2 .LBB2_25-.Ltmp18, $4  }
0x23a: {  	v41 =	vand.u32 $0x7E, v41;
	v33 =	vor.u32 v15, v44;
	v44 =	vand.u32 $0x400, v45;
	[tilespmem:v34+s10+$0x0] =	vst.idx.add.f32.msk $0xffff, v2  }
0x23b: {  	v36 =	vand.u32 $0x7F, v36;
	v41 =	vor.u32 v44, v41;
	[tilespmem:v39+s10+$0x0] =	vst.idx.add.f32.msk $0xffff, v2  }
0x23c: {  	v36 =	vor.u32 v24, v36;
	v34 =	vld.idx.msk [tilespmem:v32+s12+$0x0], $0xffff;
	v32 =	vor.u32 v15, v41;
	v41 =	vand.u32 $0x7F, v46  }
0x23d: {  	s16 =	smov.u32 s15;
	v39 =	vld.idx.msk [tilespmem:v43+s12+$0x0], $0xffff;
	v43 =	vand.u32 $0x7F, v47;
	v41 =	vor.u32 v35, v41  }
.LBB2_26:
0x23e: {  	v44 =	vmov s14  }
0x23f: {  	v45 =	vshll.u32 v44, $0x3  }
0x240: {  	v44 =	vand.u32 $0x78, v44;
	v45 =	vand.u32 $0x400, v45  }
0x241: {  	v44 =	vor.u32 v45, v44  }
0x242: {  	v44 =	vor.u32 v15, v44  }
0x243: {  	v33 =	vld.idx.msk [tilespmem:v33+s12+$0x0], $0xffff  }
0x244: {  	[tilespmem:v42+s10+$0x0] =	vst.idx.add.f32.msk @p0 $0xffff, v2  }
0x245: {  	v31 =	vor.u32 @p0 v35, v31;
	v32 =	vld.idx.msk [tilespmem:v32+s12+$0x0], $0xffff  }
0x246: {  	v40 =	vand.u32 @p0 $0x7F, v40;
	[tilespmem:v38+s10+$0x0] =	vst.idx.add.f32.msk @p0 $0xffff, v2;
	v60 =	vor.u32 v24, v43  }
0x247: {  	v35 =	vor.u32 @p0 v35, v40;
	v34 =	vand.u32 $0x7F, v34;
	v56 =	vld.idx.msk [tilespmem:v44+s12+$0x0], $0xffff  }
0x248: {  	[tilespmem:v36+s10+$0x0] =	vst.idx.add.f32.msk $0xffff, v2;
	v55 =	vand.u32 $0x7F, v39;
	v34 =	vor.u32 v24, v34  }
0x249: {  	v37 =	vand.u32 $0x7F, v37;
	[tilespmem:v41+s10+$0x0] =	vst.idx.add.f32.msk @p0 $0xffff, v2;
	v57 =	vor.u32 v24, v55  }
0x24a: {  	v33 =	vand.u32 $0x7F, v33;
	[tilespmem:v31+s10+$0x0] =	vst.idx.add.f32.msk @p0 $0xffff, v2;
	v31 =	vor.u32 v24, v37  }
0x24b: {  	v32 =	vand.u32 $0x7F, v32;
	[tilespmem:v60+s10+$0x0] =	vst.idx.add.f32.msk $0xffff, v2;
	v33 =	vor.u32 v24, v33  }
0x24c: {  	[tilespmem:v35+s10+$0x0] =	vst.idx.add.f32.msk @p0 $0xffff, v2;
	v58 =	vor.u32 v24, v32;
	v59 =	vand.u32 $0x7F, v56  }
0x24d: {  	[tilespmem:v34+s10+$0x0] =	vst.idx.add.f32.msk $0xffff, v2;
	v61 =	vor.u32 v24, v59  }
.Ltmp19:
0x24e: {  	s29 =	simm.s32 $0x3;
	s30 =	simm.s32 $0x4;
	[tilespmem:v57+s10+$0x0] =	vst.idx.add.f32.msk $0xffff, v2;
	(pc) =	sbr.rel @!p1 .LBB2_27-.Ltmp19, $4  }
0x24f: {  	v62 =	vmov s12;
	s31 =	simm.s32 $0x6;
	v63 =	vmov s29;
	v38 =	vmov s30;
	[tilespmem:v31+s10+$0x0] =	vst.idx.add.f32.msk $0xffff, v2  }
0x250: {  	s15 =	simm.s32 $0x5;
	v36 =	vand.u32 $0x7B, v63;
	v43 =	vshll.u32 v63, $0x3;
	v39 =	vmov s31;
	[tilespmem:v33+s10+$0x0] =	vst.idx.add.f32.msk $0xffff, v2  }
0x251: {  	v37 =	vmov s15;
	v32 =	vshll.u32 v62, $0x3;
	v35 =	vand.u32 $0x7C, v38;
	[tilespmem:v58+s10+$0x0] =	vst.idx.add.f32.msk $0xffff, v2  }
0x252: {  	s14 =	simm.s32 $0x7;
	p0 =	por $0x0, $0x0;
	v34 =	vand.u32 $0x7D, v37;
	v31 =	vand.u32 $0x78, v62;
	v33 =	vand.u32 $0x7E, v39;
	[tilespmem:v61+s10+$0x0] =	vst.idx.add.f32.msk $0xffff, v2  }
0x253: {  	v25 =	vmov s14  }
0x254: {  	v26 =	vshll.u32 v25, $0x3  }
0x255: {  	v25 =	vand.u32 $0x7F, v25;
	v26 =	vand.u32 $0x400, v26  }
0x256: {  	v27 =	vshll.u32 v38, $0x3;
	v28 =	vshll.u32 v37, $0x3;
	v25 =	vor.u32 v26, v25  }
0x257: {  	v29 =	vor.u32 v16, v29;
	v57 =	vand.u32 $0x400, v43;
	v25 =	vor.u32 v16, v25  }
0x258: {  	v30 =	vor.u32 v16, v30;
	v32 =	vand.u32 $0x400, v32;
	v27 =	vand.u32 $0x400, v27  }
0x259: {  	v36 =	vor.u32 v57, v36;
	v28 =	vand.u32 $0x400, v28;
	v32 =	vor.u32 v32, v31  }
0x25a: {  	v27 =	vor.u32 v27, v35;
	v58 =	vor.u32 v16, v36;
	v26 =	vshll.u32 v39, $0x3  }
0x25b: {  	s12 =	simm.s32 $0x0;
	s26 =	simm.s32 $0x9;
	v28 =	vor.u32 v28, v34;
	v27 =	vor.u32 v16, v27;
	v26 =	vand.u32 $0x400, v26  }
0x25c: {  	s28 =	simm.s32 $0xA;
	s29 =	simm.s32 $0xB;
	v42 =	vmov s26;
	v28 =	vor.u32 v16, v28;
	v26 =	vor.u32 v26, v33;
	v59 =	vld.idx.msk [tilespmem:v25+s12+$0x0], $0xffff  }
0x25d: {  	s30 =	simm.s32 $0xC;
	s15 =	simm.s32 $0xD;
	v61 =	vmov s28;
	v47 =	vmov s29;
	v60 =	vld.idx.msk [tilespmem:v29+s12+$0x0], $0xffff;
	v40 =	vor.u32 v16, v26  }
0x25e: {  	v38 =	vmov s30;
	v37 =	vmov s15;
	v41 =	vor.u32 v16, v32;
	v30 =	vld.idx.msk [tilespmem:v30+s12+$0x0], $0xffff  }
0x25f: {  	s31 =	simm.s32 $0xE;
	v36 =	vand.u32 $0x7B, v47;
	v35 =	vand.u32 $0x7C, v38;
	v34 =	vand.u32 $0x7D, v37;
	v46 =	vld.idx.msk [tilespmem:v58+s12+$0x0], $0xffff  }
0x260: {  	v43 =	vshll.u32 v47, $0x3;
	v39 =	vmov s31;
	v29 =	vor.u32 $0x4000, v1;
	v48 =	vld.idx.msk [tilespmem:v27+s12+$0x0], $0xffff  }
0x261: {  	v33 =	vand.u32 $0x7E, v39;
	v26 =	vand.u32 $0x7A, v61;
	v49 =	vld.idx.msk [tilespmem:v28+s12+$0x0], $0xffff;
	v27 =	vand.u32 $0x7F, v59  }
0x262: {  	p2 =	por $0x1, $0x1;
	v25 =	vmov s13;
	v28 =	vand.u32 $0x7F, v60;
	v50 =	vld.idx.msk [tilespmem:v40+s12+$0x0], $0xffff;
	v51 =	vor.u32 v29, v27  }
.Ltmp20:
0x263: {  	v41 =	vld.idx.msk [tilespmem:v41+s12+$0x0], $0xffff;
	v31 =	vand.u32 $0x78, v25;
	v44 =	vor.u32 v29, v28;
	v27 =	vand.u32 $0x7F, v30;
	(pc) =	sbr.rel @!p2 .LBB2_30-.Ltmp20, $4  }
0x264: {  	v32 =	vshll.u32 v25, $0x3;
	v28 =	vand.u32 $0x7F, v46;
	v45 =	vor.u32 v29, v27  }
0x265: {  	v25 =	vand.u32 $0x79, v42;
	v62 =	vand.u32 $0x7F, v48;
	v30 =	vor.u32 v29, v28  }
0x266: {  	v63 =	vand.u32 $0x7F, v49;
	v40 =	vor.u32 v29, v62;
	v28 =	vshll.u32 v61, $0x3  }
0x267: {  	s14 =	simm.s32 $0xF;
	p1 =	por $0x1, $0x1;
	s13 =	simm.s32 $0x10;
	v27 =	vshll.u32 v42, $0x3;
	v42 =	vor.u32 v29, v63;
	v46 =	vand.u32 $0x7F, v50;
	[tilespmem:v51+s10+$0x0] =	vst.idx.add.f32.msk $0xffff, v2  }
.LBB2_29:
0x268: {  	p2 =	slt.u32 s13, $0xC0;
	v47 =	vmov s14;
	v41 =	vand.u32 $0x7F, v41;
	[tilespmem:v44+s10+$0x0] =	vst.idx.add.f32.msk $0xffff, v2;
	v44 =	vor.u32 v29, v46  }
0x269: {  	v38 =	vshll.u32 v38, $0x3;
	v46 =	vshll.u32 v47, $0x3;
	v41 =	vor.u32 v29, v41;
	[tilespmem:v45+s10+$0x0] =	vst.idx.add.f32.msk $0xffff, v2  }
0x26a: {  	v37 =	vshll.u32 v37, $0x3;
	v45 =	vand.u32 $0x7F, v47;
	v46 =	vand.u32 $0x400, v46;
	[tilespmem:v30+s10+$0x0] =	vst.idx.add.f32.msk $0xffff, v2  }
0x26b: {  	v27 =	vand.u32 $0x400, v27;
	v30 =	vshll.u32 v39, $0x3;
	v39 =	vor.u32 v46, v45;
	[tilespmem:v40+s10+$0x0] =	vst.idx.add.f32.msk $0xffff, v2  }
0x26c: {  	v25 =	vor.u32 v27, v25;
	v27 =	vand.u32 $0x400, v28;
	v28 =	vor.u32 v16, v39;
	[tilespmem:v42+s10+$0x0] =	vst.idx.add.f32.msk $0xffff, v2  }
0x26d: {  	v25 =	vor.u32 v16, v25;
	v26 =	vor.u32 v27, v26;
	v27 =	vand.u32 $0x400, v43;
	[tilespmem:v44+s10+$0x0] =	vst.idx.add.f32.msk $0xffff, v2  }
0x26e: {  	v26 =	vor.u32 v16, v26;
	v27 =	vor.u32 v27, v36;
	v36 =	vand.u32 $0x400, v38;
	[tilespmem:v41+s10+$0x0] =	vst.idx.add.f32.msk $0xffff, v2  }
0x26f: {  	v27 =	vor.u32 v16, v27;
	v35 =	vor.u32 v36, v35;
	v36 =	vand.u32 $0x400, v37  }
0x270: {  	v30 =	vand.u32 $0x400, v30;
	v35 =	vor.u32 v16, v35;
	v34 =	vor.u32 v36, v34  }
0x271: {  	v32 =	vand.u32 $0x400, v32;
	v30 =	vor.u32 v30, v33;
	v34 =	vor.u32 v16, v34;
	v28 =	vld.idx.msk [tilespmem:v28+s12+$0x0], $0xffff  }
0x272: {  	v32 =	vor.u32 v32, v31;
	v33 =	vmov s13;
	v30 =	vor.u32 v16, v30;
	v40 =	vld.idx.msk [tilespmem:v25+s12+$0x0], $0xffff  }
0x273: {  	s14 =	sadd.s32 $0x1, s13;
	s15 =	sadd.s32 $0x2, s13;
	v31 =	vand.u32 $0x78, v33;
	v41 =	vor.u32 v16, v32;
	v42 =	vld.idx.msk [tilespmem:v26+s12+$0x0], $0xffff  }
0x274: {  	s16 =	sadd.s32 $0x5, s13;
	v43 =	vmov s14;
	s14 =	sadd.s32 $0x3, s13;
	v46 =	vmov s15;
	s15 =	sadd.s32 $0x4, s13;
	v32 =	vshll.u32 v33, $0x3;
	v27 =	vld.idx.msk [tilespmem:v27+s12+$0x0], $0xffff  }
0x275: {  	v47 =	vmov s14;
	s14 =	sadd.s32 $0x6, s13;
	v38 =	vmov s15;
	v37 =	vmov s16;
	v48 =	vld.idx.msk [tilespmem:v35+s12+$0x0], $0xffff  }
0x276: {  	v39 =	vmov s14;
	v25 =	vand.u32 $0x79, v43;
	v26 =	vand.u32 $0x7A, v46;
	v49 =	vld.idx.msk [tilespmem:v34+s12+$0x0], $0xffff  }
0x277: {  	v36 =	vand.u32 $0x7B, v47;
	v28 =	vand.u32 $0x7F, v28;
	v50 =	vld.idx.msk [tilespmem:v30+s12+$0x0], $0xffff  }
0x278: {  	v35 =	vand.u32 $0x7C, v38;
	v30 =	vand.u32 $0x7F, v40;
	v51 =	vor.u32 v29, v28;
	v41 =	vld.idx.msk [tilespmem:v41+s12+$0x0], $0xffff  }
.Ltmp21:
0x279: {  	v34 =	vand.u32 $0x7D, v37;
	v44 =	vor.u32 v29, v30;
	v28 =	vand.u32 $0x7F, v42;
	(pc) =	sbr.rel @p2 .LBB2_29-.Ltmp21, $4  }
0x27a: {  	v33 =	vand.u32 $0x7E, v39;
	v45 =	vor.u32 v29, v28;
	v28 =	vand.u32 $0x7F, v27  }
0x27b: {  	v27 =	vshll.u32 v43, $0x3;
	v30 =	vor.u32 v29, v28;
	v40 =	vand.u32 $0x7F, v48  }
0x27c: {  	v28 =	vshll.u32 v46, $0x3;
	v40 =	vor.u32 v29, v40;
	v42 =	vand.u32 $0x7F, v49  }
0x27d: {  	s14 =	sadd.s32 $0x7, s13;
	s13 =	sadd.s32 $0x8, s13;
	v43 =	vshll.u32 v47, $0x3;
	v42 =	vor.u32 v29, v42;
	v46 =	vand.u32 $0x7F, v50;
	[tilespmem:v51+s10+$0x0] =	vst.idx.add.f32.msk $0xffff, v2  }
.LBB2_30:
0x27e: {  	v47 =	vmov s14;
	v38 =	vshll.u32 v38, $0x3  }
0x27f: {  	v37 =	vshll.u32 v37, $0x3;
	v27 =	vand.u32 $0x400, v27;
	v32 =	vand.u32 $0x400, v32  }
0x280: {  	v48 =	vshll.u32 v47, $0x3;
	v47 =	vand.u32 $0x7F, v47;
	v25 =	vor.u32 v27, v25  }
0x281: {  	v31 =	vor.u32 v32, v31;
	v48 =	vand.u32 $0x400, v48;
	v25 =	vor.u32 v16, v25  }
0x282: {  	v27 =	vand.u32 $0x400, v28;
	v31 =	vor.u32 v16, v31;
	v47 =	vor.u32 v48, v47  }
0x283: {  	[tilespmem:v44+s10+$0x0] =	vst.idx.add.f32.msk @p1 $0xffff, v2;
	v44 =	vand.u32 $0x400, v37;
	v26 =	vor.u32 v27, v26;
	v28 =	vor.u32 v16, v47  }
0x284: {  	v27 =	vand.u32 $0x400, v43;
	v34 =	vor.u32 v44, v34;
	v26 =	vor.u32 v16, v26  }
0x285: {  	[tilespmem:v45+s10+$0x0] =	vst.idx.add.f32.msk @p1 $0xffff, v2;
	s12 =	simm.s32 $0x0;
	v43 =	vand.u32 $0x400, v38;
	v27 =	vor.u32 v27, v36;
	v34 =	vor.u32 v16, v34  }
0x286: {  	v39 =	vshll.u32 v39, $0x3;
	v35 =	vor.u32 v43, v35;
	v27 =	vor.u32 v16, v27;
	v25 =	vld.idx.msk [tilespmem:v25+s12+$0x0], $0xffff  }
0x287: {  	v35 =	vor.u32 v16, v35;
	v47 =	vand.u32 $0x400, v39;
	v31 =	vld.idx.msk [tilespmem:v31+s12+$0x0], $0xffff  }
0x288: {  	v33 =	vor.u32 v47, v33;
	v28 =	vld.idx.msk [tilespmem:v28+s12+$0x0], $0xffff  }
0x289: {  	v48 =	vor.u32 v16, v33;
	v26 =	vld.idx.msk [tilespmem:v26+s12+$0x0], $0xffff  }
0x28a: {  	s13 =	simm.s32 $0x1;
	s15 =	simm.s32 $0x5;
	v34 =	vld.idx.msk [tilespmem:v34+s12+$0x0], $0xffff  }
0x28b: {  	s28 =	simm.s32 $0x7;
	v51 =	vmov s13;
	v52 =	vmov s15;
	v49 =	vld.idx.msk [tilespmem:v27+s12+$0x0], $0xffff  }
0x28c: {  	v53 =	vmov s28;
	v36 =	vor.u32 @p1 v29, v46;
	v35 =	vld.idx.msk [tilespmem:v35+s12+$0x0], $0xffff;
	v27 =	vand.u32 @p1 $0x7F, v41  }
0x28d: {  	[tilespmem:v30+s10+$0x0] =	vst.idx.add.f32.msk @p1 $0xffff, v2;
	v29 =	vor.u32 @p1 v29, v27;
	v27 =	vor.u32 $0x4000, v1;
	v28 =	vand.u32 $0x7F, v28  }
0x28e: {  	v54 =	vshll.u32 v53, $0x3;
	v32 =	vld.idx.msk [tilespmem:v48+s12+$0x0], $0xffff;
	v25 =	vand.u32 $0x7F, v25;
	v28 =	vor.u32 v27, v28  }
0x28f: {  	[tilespmem:v40+s10+$0x0] =	vst.idx.add.f32.msk @p1 $0xffff, v2;
	v31 =	vand.u32 $0x7F, v31;
	v25 =	vor.u32 v27, v25;
	v26 =	vand.u32 $0x7F, v26  }
0x290: {  	[tilespmem:v42+s10+$0x0] =	vst.idx.add.f32.msk @p1 $0xffff, v2;
	v34 =	vand.u32 $0x7F, v34;
	v31 =	vor.u32 v27, v31;
	v26 =	vor.u32 v27, v26  }
0x291: {  	s26 =	simm.s32 $0x4;
	[tilespmem:v36+s10+$0x0] =	vst.idx.add.f32.msk @p1 $0xffff, v2;
	v30 =	vand.u32 $0x7F, v49;
	v50 =	vand.u32 $0x7F, v35;
	v34 =	vor.u32 v27, v34  }
0x292: {  	v30 =	vor.u32 v27, v30;
	v33 =	vor.u32 v27, v50;
	[tilespmem:v29+s10+$0x0] =	vst.idx.add.f32.msk @p1 $0xffff, v2;
	v29 =	vmov s26  }
0x293: {  	v32 =	vand.u32 $0x7F, v32;
	[tilespmem:v28+s10+$0x0] =	vst.idx.add.f32.msk $0xffff, v2;
	v28 =	vand.u32 $0x7C, v29;
	v29 =	vshll.u32 v29, $0x3  }
0x294: {  	v32 =	vor.u32 v27, v32;
	[tilespmem:v25+s10+$0x0] =	vst.idx.add.f32.msk $0xffff, v2;
	v25 =	vshll.u32 v52, $0x3;
	v29 =	vand.u32 $0x400, v29  }
0x295: {  	[tilespmem:v26+s10+$0x0] =	vst.idx.add.f32.msk $0xffff, v2;
	v26 =	vor.u32 v29, v28;
	v28 =	vand.u32 $0x7F, v53;
	v29 =	vand.u32 $0x400, v54  }
0x296: {  	[tilespmem:v31+s10+$0x0] =	vst.idx.add.f32.msk $0xffff, v2;
	v25 =	vand.u32 $0x400, v25;
	v55 =	vor.u32 v17, v26;
	v26 =	vor.u32 v29, v28  }
0x297: {  	s29 =	simm.s32 $0x3;
	[tilespmem:v30+s10+$0x0] =	vst.idx.add.f32.msk $0xffff, v2;
	v30 =	vand.u32 $0x7D, v52;
	v29 =	vshll.u32 v51, $0x3;
	v28 =	vor.u32 v17, v26  }
0x298: {  	[tilespmem:v34+s10+$0x0] =	vst.idx.add.f32.msk $0xffff, v2;
	v25 =	vor.u32 v25, v30;
	v26 =	vmov s29;
	v57 =	vand.u32 $0x400, v29  }
0x299: {  	[tilespmem:v33+s10+$0x0] =	vst.idx.add.f32.msk $0xffff, v2;
	v30 =	vand.u32 $0x7B, v26;
	v56 =	vshll.u32 v26, $0x3;
	v26 =	vand.u32 $0x79, v51  }
0x29a: {  	[tilespmem:v32+s10+$0x0] =	vst.idx.add.f32.msk $0xffff, v2;
	v25 =	vor.u32 v17, v25;
	v32 =	vand.u32 $0x400, v56;
	v31 =	vor.u32 v57, v26  }
0x29b: {  	s30 =	simm.s32 $0x2;
	s31 =	simm.s32 $0x6;
	v32 =	vor.u32 v32, v30;
	v59 =	vor.u32 v17, v31;
	v34 =	vld.idx.msk [tilespmem:v55+s12+$0x0], $0xffff  }
0x29c: {  	v58 =	vmov s30;
	v61 =	vmov s31;
	p1 =	por $0x1, $0x1;
	v60 =	vor.u32 v17, v32;
	v40 =	vld.idx.msk [tilespmem:v28+s12+$0x0], $0xffff  }
.Ltmp22:
0x29d: {  	v63 =	vshll.u32 v61, $0x3;
	v38 =	vand.u32 $0x7E, v61;
	v30 =	vshll.u32 v58, $0x3;
	(pc) =	sbr.rel @!p1 .LBB2_31-.Ltmp22, $4  }
0x29e: {  	v33 =	vand.u32 $0x400, v63;
	v62 =	vand.u32 $0x400, v30;
	v28 =	vand.u32 $0x7A, v58  }
0x29f: {  	v33 =	vor.u32 v33, v38;
	v39 =	vld.idx.msk [tilespmem:v25+s12+$0x0], $0xffff;
	v32 =	vor.u32 v62, v28  }
0x2a0: {  	v25 =	vor.u32 $0x4800, v1;
	v35 =	vor.u32 v17, v32;
	v36 =	vld.idx.msk [tilespmem:v59+s12+$0x0], $0xffff;
	v34 =	vand.u32 $0x7F, v34  }
0x2a1: {  	s13 =	simm.s32 $0x8;
	v41 =	vld.idx.msk [tilespmem:v60+s12+$0x0], $0xffff;
	v38 =	vor.u32 v25, v34;
	v34 =	vor.u32 v17, v33;
	v33 =	vand.u32 $0x7F, v40  }
0x2a2: {  	s14 =	simm.s32 $0x9  }
0x2a3: {  	s15 =	simm.s32 $0xA;
	v37 =	vmov s12;
	s16 =	simm.s32 $0xC;
	s28 =	simm.s32 $0xD;
	v40 =	vmov s14  }
0x2a4: {  	s29 =	simm.s32 $0xF;
	v42 =	vmov s15;
	v43 =	vmov s16;
	v44 =	vmov s28  }
0x2a5: {  	s30 =	simm.s32 $0xE;
	s31 =	simm.s32 $0xB;
	v46 =	vmov s29;
	v47 =	vand.u32 $0x78, v37;
	v37 =	vshll.u32 v37, $0x3  }
0x2a6: {  	v49 =	vmov s30;
	v52 =	vmov s31;
	v45 =	vand.u32 $0x7C, v43  }
0x2a7: {  	v43 =	vshll.u32 v43, $0x3;
	v48 =	vshll.u32 v44, $0x3;
	v50 =	vshll.u32 v46, $0x3  }
0x2a8: {  	v46 =	vand.u32 $0x7F, v46;
	v44 =	vand.u32 $0x7D, v44;
	v37 =	vand.u32 $0x400, v37  }
0x2a9: {  	[tilespmem:v38+s10+$0x0] =	vst.idx.add.f32.msk $0xffff, v2;
	v53 =	vshll.u32 v40, $0x3;
	v54 =	vand.u32 $0x7B, v52;
	v38 =	vshll.u32 v52, $0x3  }
0x2aa: {  	v40 =	vand.u32 $0x79, v40;
	v43 =	vand.u32 $0x400, v43;
	v37 =	vor.u32 v37, v47  }
0x2ab: {  	v43 =	vor.u32 v43, v45;
	v45 =	vand.u32 $0x400, v50;
	v37 =	vor.u32 v17, v37  }
0x2ac: {  	v55 =	vshll.u32 v42, $0x3;
	v43 =	vor.u32 v17, v43;
	v45 =	vor.u32 v45, v46  }
0x2ad: {  	v36 =	vand.u32 $0x7F, v36;
	v51 =	vand.u32 $0x400, v48;
	v45 =	vor.u32 v17, v45  }
0x2ae: {  	v35 =	vld.idx.msk [tilespmem:v35+s12+$0x0], $0xffff;
	v56 =	vand.u32 $0x7A, v42;
	v36 =	vor.u32 v25, v36;
	v44 =	vor.u32 v51, v44  }
0x2af: {  	v34 =	vld.idx.msk [tilespmem:v34+s12+$0x0], $0xffff;
	v38 =	vand.u32 $0x400, v38;
	v41 =	vand.u32 $0x7F, v41;
	v44 =	vor.u32 v17, v44  }
0x2b0: {  	v38 =	vor.u32 v38, v54;
	v46 =	vand.u32 $0x400, v53;
	v41 =	vor.u32 v25, v41;
	v42 =	vld.idx.msk [tilespmem:v37+s12+$0x0], $0xffff  }
0x2b1: {  	v39 =	vand.u32 $0x7F, v39;
	v47 =	vor.u32 v17, v38;
	v40 =	vor.u32 v46, v40;
	v43 =	vld.idx.msk [tilespmem:v43+s12+$0x0], $0xffff  }
0x2b2: {  	p2 =	por $0x1, $0x1;
	v59 =	vshll.u32 v49, $0x3;
	v60 =	vand.u32 $0x7E, v49;
	v46 =	vor.u32 v17, v40;
	v45 =	vld.idx.msk [tilespmem:v45+s12+$0x0], $0xffff  }
.Ltmp23:
0x2b3: {  	v57 =	vand.u32 $0x400, v55;
	v61 =	vand.u32 $0x400, v59;
	v35 =	vand.u32 $0x7F, v35;
	[tilespmem:v36+s10+$0x0] =	vst.idx.add.f32.msk $0xffff, v2;
	(pc) =	sbr.rel @!p2 .LBB2_33-.Ltmp23, $4  }
0x2b4: {  	v40 =	vor.u32 v25, v39;
	v37 =	vor.u32 v61, v60;
	v39 =	vld.idx.msk [tilespmem:v44+s12+$0x0], $0xffff;
	v44 =	vor.u32 v25, v35  }
0x2b5: {  	v58 =	vor.u32 v57, v56;
	v63 =	vand.u32 $0x7F, v34;
	[tilespmem:v41+s10+$0x0] =	vst.idx.add.f32.msk $0xffff, v2  }
0x2b6: {  	v35 =	vor.u32 v17, v58;
	v34 =	vor.u32 v17, v37;
	v41 =	vld.idx.msk [tilespmem:v47+s12+$0x0], $0xffff;
	v62 =	vand.u32 $0x7F, v43  }
0x2b7: {  	p0 =	por $0x1, $0x1;
	s16 =	simm.s32 $0x10;
	s14 =	simm.s32 $0x8;
	v36 =	vld.idx.msk [tilespmem:v46+s12+$0x0], $0xffff;
	v37 =	vmovc v25;
	v43 =	vor.u32 v25, v63;
	v38 =	vor.u32 v25, v62;
	v45 =	vand.u32 $0x7F, v45  }
.LBB2_34:
0x2b8: {  	s17 =	sadd.s32 $0x1, s16  }
0x2b9: {  	s18 =	sadd.s32 $0x2, s16;
	v46 =	vmov s14;
	v42 =	vand.u32 $0x7F, v42;
	[tilespmem:v44+s10+$0x0] =	vst.idx.add.f32.msk $0xffff, v2;
	v44 =	vor.u32 v37, v33;
	v33 =	vmovc v45;
	s14 =	smov.u32 s16;
	s15 =	sadd.s32 $0x8, s16  }
0x2ba: {  	v39 =	vand.u32 $0x7F, v39;
	v45 =	vmov s17;
	v47 =	vmov s18;
	s17 =	sadd.s32 $0x4, s14;
	s18 =	sadd.s32 $0x5, s14;
	s19 =	sadd.s32 $0x6, s14;
	[tilespmem:v40+s10+$0x0] =	vst.idx.add.f32.msk $0xffff, v2  }
0x2bb: {  	p2 =	slt.u32 s16, $0xC0;
	v42 =	vor.u32 v37, v42;
	v37 =	vmovc v25;
	v40 =	vmov s17;
	v48 =	vmov s18;
	s17 =	sadd.s32 $0x7, s14  }
0x2bc: {  	v51 =	vand.u32 $0x78, v46;
	v49 =	vand.u32 $0x7C, v40;
	v50 =	vmov s17;
	[tilespmem:v38+s10+$0x0] =	vst.idx.add.f32.msk $0xffff, v2  }
0x2bd: {  	v46 =	vshll.u32 v46, $0x3;
	v38 =	vshll.u32 v40, $0x3;
	v40 =	vshll.u32 v48, $0x3;
	[tilespmem:v43+s10+$0x0] =	vst.idx.add.f32.msk $0xffff, v2  }
0x2be: {  	v43 =	vmov s19;
	v52 =	vshll.u32 v50, $0x3;
	v41 =	vand.u32 $0x7F, v41;
	[tilespmem:v44+s10+$0x0] =	vst.idx.add.f32.msk $0xffff, v2  }
0x2bf: {  	v46 =	vand.u32 $0x400, v46;
	v38 =	vand.u32 $0x400, v38;
	v44 =	vand.u32 $0x7D, v48  }
0x2c0: {  	v38 =	vor.u32 v38, v49;
	v48 =	vand.u32 $0x7F, v50;
	v49 =	vand.u32 $0x400, v52;
	[tilespmem:v42+s10+$0x0] =	vst.idx.add.f32.msk $0xffff, v2  }
0x2c1: {  	v36 =	vand.u32 $0x7F, v36;
	v38 =	vor.u32 v17, v38;
	v42 =	vor.u32 v49, v48  }
0x2c2: {  	s16 =	sadd.s32 $0x3, s14;
	v46 =	vor.u32 v46, v51;
	v36 =	vor.u32 v37, v36;
	v42 =	vor.u32 v17, v42  }
0x2c3: {  	v48 =	vmov s16;
	v49 =	vand.u32 $0x400, v40;
	v40 =	vor.u32 v37, v39;
	v35 =	vld.idx.msk [tilespmem:v35+s12+$0x0], $0xffff  }
0x2c4: {  	v46 =	vor.u32 v17, v46;
	v39 =	vshll.u32 v45, $0x3;
	v44 =	vor.u32 v49, v44  }
0x2c5: {  	v49 =	vand.u32 $0x7B, v48;
	v48 =	vshll.u32 v48, $0x3;
	v44 =	vor.u32 v17, v44  }
0x2c6: {  	v45 =	vand.u32 $0x79, v45;
	v39 =	vand.u32 $0x400, v39;
	v48 =	vand.u32 $0x400, v48;
	v38 =	vld.idx.msk [tilespmem:v38+s12+$0x0], $0xffff  }
0x2c7: {  	v41 =	vor.u32 v37, v41;
	v39 =	vor.u32 v39, v45;
	v45 =	vor.u32 v48, v49;
	v48 =	vld.idx.msk [tilespmem:v34+s12+$0x0], $0xffff  }
0x2c8: {  	v45 =	vor.u32 v17, v45;
	v34 =	vor.u32 v17, v39;
	v39 =	vshll.u32 v47, $0x3;
	v49 =	vld.idx.msk [tilespmem:v42+s12+$0x0], $0xffff  }
0x2c9: {  	v47 =	vand.u32 $0x7A, v47;
	v39 =	vand.u32 $0x400, v39;
	v35 =	vand.u32 $0x7F, v35;
	v42 =	vld.idx.msk [tilespmem:v46+s12+$0x0], $0xffff  }
.Ltmp24:
0x2ca: {  	v46 =	vor.u32 v39, v47;
	v47 =	vshll.u32 v43, $0x3;
	v39 =	vld.idx.msk [tilespmem:v44+s12+$0x0], $0xffff;
	v44 =	vor.u32 v37, v35;
	(pc) =	sbr.rel @p2 .LBB2_34-.Ltmp24, $4  }
0x2cb: {  	v43 =	vand.u32 $0x7E, v43;
	v35 =	vor.u32 v17, v46;
	v46 =	vand.u32 $0x400, v47;
	[tilespmem:v36+s10+$0x0] =	vst.idx.add.f32.msk $0xffff, v2  }
0x2cc: {  	v38 =	vand.u32 $0x7F, v38;
	v43 =	vor.u32 v46, v43;
	[tilespmem:v41+s10+$0x0] =	vst.idx.add.f32.msk $0xffff, v2  }
0x2cd: {  	v38 =	vor.u32 v25, v38;
	v36 =	vld.idx.msk [tilespmem:v34+s12+$0x0], $0xffff;
	v34 =	vor.u32 v17, v43;
	v43 =	vand.u32 $0x7F, v48  }
0x2ce: {  	s16 =	smov.u32 s15;
	v41 =	vld.idx.msk [tilespmem:v45+s12+$0x0], $0xffff;
	v45 =	vand.u32 $0x7F, v49;
	v43 =	vor.u32 v37, v43  }
.LBB2_35:
0x2cf: {  	v46 =	vmov s14  }
0x2d0: {  	v47 =	vshll.u32 v46, $0x3  }
0x2d1: {  	v46 =	vand.u32 $0x78, v46;
	v47 =	vand.u32 $0x400, v47  }
0x2d2: {  	v46 =	vor.u32 v47, v46  }
0x2d3: {  	v46 =	vor.u32 v17, v46  }
0x2d4: {  	v35 =	vld.idx.msk [tilespmem:v35+s12+$0x0], $0xffff  }
0x2d5: {  	[tilespmem:v44+s10+$0x0] =	vst.idx.add.f32.msk @p0 $0xffff, v2  }
0x2d6: {  	v33 =	vor.u32 @p0 v37, v33;
	v34 =	vld.idx.msk [tilespmem:v34+s12+$0x0], $0xffff  }
0x2d7: {  	v42 =	vand.u32 @p0 $0x7F, v42;
	[tilespmem:v40+s10+$0x0] =	vst.idx.add.f32.msk @p0 $0xffff, v2;
	v60 =	vor.u32 v25, v45  }
0x2d8: {  	v39 =	vand.u32 $0x7F, v39;
	v37 =	vor.u32 @p0 v37, v42;
	v55 =	vld.idx.msk [tilespmem:v46+s12+$0x0], $0xffff  }
0x2d9: {  	[tilespmem:v38+s10+$0x0] =	vst.idx.add.f32.msk $0xffff, v2;
	v57 =	vor.u32 v25, v39;
	v36 =	vand.u32 $0x7F, v36  }
0x2da: {  	[tilespmem:v43+s10+$0x0] =	vst.idx.add.f32.msk @p0 $0xffff, v2;
	v54 =	vand.u32 $0x7F, v41;
	v36 =	vor.u32 v25, v36  }
0x2db: {  	v56 =	vor.u32 v25, v54;
	v35 =	vand.u32 $0x7F, v35;
	[tilespmem:v33+s10+$0x0] =	vst.idx.add.f32.msk @p0 $0xffff, v2  }
0x2dc: {  	v34 =	vand.u32 $0x7F, v34;
	[tilespmem:v60+s10+$0x0] =	vst.idx.add.f32.msk $0xffff, v2;
	v35 =	vor.u32 v25, v35  }
0x2dd: {  	[tilespmem:v37+s10+$0x0] =	vst.idx.add.f32.msk @p0 $0xffff, v2;
	v58 =	vor.u32 v25, v34;
	v59 =	vand.u32 $0x7F, v55  }
0x2de: {  	[tilespmem:v57+s10+$0x0] =	vst.idx.add.f32.msk $0xffff, v2;
	v61 =	vor.u32 v25, v59  }
.Ltmp25:
0x2df: {  	s29 =	simm.s32 $0x3;
	s30 =	simm.s32 $0x4;
	[tilespmem:v36+s10+$0x0] =	vst.idx.add.f32.msk $0xffff, v2;
	(pc) =	sbr.rel @!p1 .LBB2_36-.Ltmp25, $4  }
0x2e0: {  	v62 =	vmov s12;
	s15 =	simm.s32 $0x5;
	v63 =	vmov s29;
	v40 =	vmov s30;
	[tilespmem:v56+s10+$0x0] =	vst.idx.add.f32.msk $0xffff, v2  }
0x2e1: {  	s31 =	simm.s32 $0x6;
	v39 =	vmov s15;
	v38 =	vand.u32 $0x7B, v63;
	v45 =	vshll.u32 v63, $0x3;
	[tilespmem:v35+s10+$0x0] =	vst.idx.add.f32.msk $0xffff, v2  }
0x2e2: {  	v41 =	vmov s31;
	v33 =	vand.u32 $0x78, v62;
	v34 =	vshll.u32 v62, $0x3;
	[tilespmem:v58+s10+$0x0] =	vst.idx.add.f32.msk $0xffff, v2  }
0x2e3: {  	s14 =	simm.s32 $0x7;
	v37 =	vand.u32 $0x7C, v40;
	p0 =	por $0x0, $0x0;
	v36 =	vand.u32 $0x7D, v39;
	v35 =	vand.u32 $0x7E, v41;
	[tilespmem:v61+s10+$0x0] =	vst.idx.add.f32.msk $0xffff, v2  }
0x2e4: {  	v26 =	vmov s14  }
0x2e5: {  	v28 =	vshll.u32 v26, $0x3  }
0x2e6: {  	v26 =	vand.u32 $0x7F, v26;
	v28 =	vand.u32 $0x400, v28  }
0x2e7: {  	v29 =	vshll.u32 v40, $0x3;
	v30 =	vshll.u32 v39, $0x3;
	v26 =	vor.u32 v28, v26  }
0x2e8: {  	v31 =	vor.u32 v18, v31;
	v57 =	vand.u32 $0x400, v45;
	v26 =	vor.u32 v18, v26  }
0x2e9: {  	v32 =	vor.u32 v18, v32;
	v34 =	vand.u32 $0x400, v34;
	v29 =	vand.u32 $0x400, v29  }
0x2ea: {  	v38 =	vor.u32 v57, v38;
	v30 =	vand.u32 $0x400, v30;
	v34 =	vor.u32 v34, v33  }
0x2eb: {  	v29 =	vor.u32 v29, v37;
	v58 =	vor.u32 v18, v38;
	v28 =	vshll.u32 v41, $0x3  }
0x2ec: {  	s12 =	simm.s32 $0x0;
	s26 =	simm.s32 $0x9;
	v30 =	vor.u32 v30, v36;
	v29 =	vor.u32 v18, v29;
	v28 =	vand.u32 $0x400, v28  }
0x2ed: {  	s28 =	simm.s32 $0xA;
	s29 =	simm.s32 $0xB;
	v44 =	vmov s26;
	v30 =	vor.u32 v18, v30;
	v28 =	vor.u32 v28, v35;
	v59 =	vld.idx.msk [tilespmem:v26+s12+$0x0], $0xffff  }
0x2ee: {  	s30 =	simm.s32 $0xC;
	s15 =	simm.s32 $0xD;
	v61 =	vmov s28;
	v49 =	vmov s29;
	v60 =	vld.idx.msk [tilespmem:v31+s12+$0x0], $0xffff;
	v42 =	vor.u32 v18, v28  }
0x2ef: {  	v40 =	vmov s30;
	v39 =	vmov s15;
	v43 =	vor.u32 v18, v34;
	v32 =	vld.idx.msk [tilespmem:v32+s12+$0x0], $0xffff  }
0x2f0: {  	s31 =	simm.s32 $0xE;
	v38 =	vand.u32 $0x7B, v49;
	v37 =	vand.u32 $0x7C, v40;
	v36 =	vand.u32 $0x7D, v39;
	v48 =	vld.idx.msk [tilespmem:v58+s12+$0x0], $0xffff  }
0x2f1: {  	v45 =	vshll.u32 v49, $0x3;
	v41 =	vmov s31;
	v31 =	vor.u32 $0x5000, v1;
	v50 =	vld.idx.msk [tilespmem:v29+s12+$0x0], $0xffff  }
0x2f2: {  	v35 =	vand.u32 $0x7E, v41;
	v28 =	vand.u32 $0x7A, v61;
	v51 =	vld.idx.msk [tilespmem:v30+s12+$0x0], $0xffff;
	v29 =	vand.u32 $0x7F, v59  }
0x2f3: {  	p2 =	por $0x1, $0x1;
	v26 =	vmov s13;
	v30 =	vand.u32 $0x7F, v60;
	v52 =	vld.idx.msk [tilespmem:v42+s12+$0x0], $0xffff;
	v53 =	vor.u32 v31, v29  }
.Ltmp26:
0x2f4: {  	v43 =	vld.idx.msk [tilespmem:v43+s12+$0x0], $0xffff;
	v33 =	vand.u32 $0x78, v26;
	v46 =	vor.u32 v31, v30;
	v29 =	vand.u32 $0x7F, v32;
	(pc) =	sbr.rel @!p2 .LBB2_39-.Ltmp26, $4  }
0x2f5: {  	v34 =	vshll.u32 v26, $0x3;
	v30 =	vand.u32 $0x7F, v48;
	v47 =	vor.u32 v31, v29  }
0x2f6: {  	v26 =	vand.u32 $0x79, v44;
	v62 =	vand.u32 $0x7F, v50;
	v32 =	vor.u32 v31, v30  }
0x2f7: {  	v63 =	vand.u32 $0x7F, v51;
	v42 =	vor.u32 v31, v62;
	v30 =	vshll.u32 v61, $0x3  }
0x2f8: {  	s14 =	simm.s32 $0xF;
	p1 =	por $0x1, $0x1;
	s13 =	simm.s32 $0x10;
	v29 =	vshll.u32 v44, $0x3;
	v44 =	vor.u32 v31, v63;
	v48 =	vand.u32 $0x7F, v52;
	[tilespmem:v53+s10+$0x0] =	vst.idx.add.f32.msk $0xffff, v2  }
.LBB2_38:
0x2f9: {  	p2 =	slt.u32 s13, $0xC0;
	v49 =	vmov s14;
	v43 =	vand.u32 $0x7F, v43;
	[tilespmem:v46+s10+$0x0] =	vst.idx.add.f32.msk $0xffff, v2;
	v46 =	vor.u32 v31, v48  }
0x2fa: {  	v40 =	vshll.u32 v40, $0x3;
	v48 =	vshll.u32 v49, $0x3;
	v43 =	vor.u32 v31, v43;
	[tilespmem:v47+s10+$0x0] =	vst.idx.add.f32.msk $0xffff, v2  }
0x2fb: {  	v39 =	vshll.u32 v39, $0x3;
	v47 =	vand.u32 $0x7F, v49;
	v48 =	vand.u32 $0x400, v48;
	[tilespmem:v32+s10+$0x0] =	vst.idx.add.f32.msk $0xffff, v2  }
0x2fc: {  	v29 =	vand.u32 $0x400, v29;
	v32 =	vshll.u32 v41, $0x3;
	v41 =	vor.u32 v48, v47;
	[tilespmem:v42+s10+$0x0] =	vst.idx.add.f32.msk $0xffff, v2  }
0x2fd: {  	v26 =	vor.u32 v29, v26;
	v29 =	vand.u32 $0x400, v30;
	v30 =	vor.u32 v18, v41;
	[tilespmem:v44+s10+$0x0] =	vst.idx.add.f32.msk $0xffff, v2  }
0x2fe: {  	v26 =	vor.u32 v18, v26;
	v28 =	vor.u32 v29, v28;
	v29 =	vand.u32 $0x400, v45;
	[tilespmem:v46+s10+$0x0] =	vst.idx.add.f32.msk $0xffff, v2  }
0x2ff: {  	v28 =	vor.u32 v18, v28;
	v29 =	vor.u32 v29, v38;
	v38 =	vand.u32 $0x400, v40;
	[tilespmem:v43+s10+$0x0] =	vst.idx.add.f32.msk $0xffff, v2  }
0x300: {  	v29 =	vor.u32 v18, v29;
	v37 =	vor.u32 v38, v37;
	v38 =	vand.u32 $0x400, v39  }
0x301: {  	v32 =	vand.u32 $0x400, v32;
	v37 =	vor.u32 v18, v37;
	v36 =	vor.u32 v38, v36  }
0x302: {  	v34 =	vand.u32 $0x400, v34;
	v32 =	vor.u32 v32, v35;
	v36 =	vor.u32 v18, v36;
	v30 =	vld.idx.msk [tilespmem:v30+s12+$0x0], $0xffff  }
0x303: {  	v34 =	vor.u32 v34, v33;
	v35 =	vmov s13;
	v32 =	vor.u32 v18, v32;
	v42 =	vld.idx.msk [tilespmem:v26+s12+$0x0], $0xffff  }
0x304: {  	s14 =	sadd.s32 $0x1, s13;
	s15 =	sadd.s32 $0x2, s13;
	v33 =	vand.u32 $0x78, v35;
	v43 =	vor.u32 v18, v34;
	v44 =	vld.idx.msk [tilespmem:v28+s12+$0x0], $0xffff  }
0x305: {  	s16 =	sadd.s32 $0x5, s13;
	v45 =	vmov s14;
	s14 =	sadd.s32 $0x3, s13;
	v48 =	vmov s15;
	s15 =	sadd.s32 $0x4, s13;
	v34 =	vshll.u32 v35, $0x3;
	v29 =	vld.idx.msk [tilespmem:v29+s12+$0x0], $0xffff  }
0x306: {  	v49 =	vmov s14;
	s14 =	sadd.s32 $0x6, s13;
	v40 =	vmov s15;
	v39 =	vmov s16;
	v50 =	vld.idx.msk [tilespmem:v37+s12+$0x0], $0xffff  }
0x307: {  	v41 =	vmov s14;
	v26 =	vand.u32 $0x79, v45;
	v28 =	vand.u32 $0x7A, v48;
	v51 =	vld.idx.msk [tilespmem:v36+s12+$0x0], $0xffff  }
0x308: {  	v38 =	vand.u32 $0x7B, v49;
	v30 =	vand.u32 $0x7F, v30;
	v52 =	vld.idx.msk [tilespmem:v32+s12+$0x0], $0xffff  }
0x309: {  	v37 =	vand.u32 $0x7C, v40;
	v32 =	vand.u32 $0x7F, v42;
	v53 =	vor.u32 v31, v30;
	v43 =	vld.idx.msk [tilespmem:v43+s12+$0x0], $0xffff  }
.Ltmp27:
0x30a: {  	v36 =	vand.u32 $0x7D, v39;
	v46 =	vor.u32 v31, v32;
	v30 =	vand.u32 $0x7F, v44;
	(pc) =	sbr.rel @p2 .LBB2_38-.Ltmp27, $4  }
0x30b: {  	v35 =	vand.u32 $0x7E, v41;
	v47 =	vor.u32 v31, v30;
	v30 =	vand.u32 $0x7F, v29  }
0x30c: {  	v29 =	vshll.u32 v45, $0x3;
	v32 =	vor.u32 v31, v30;
	v42 =	vand.u32 $0x7F, v50  }
0x30d: {  	v30 =	vshll.u32 v48, $0x3;
	v42 =	vor.u32 v31, v42;
	v44 =	vand.u32 $0x7F, v51  }
0x30e: {  	s14 =	sadd.s32 $0x7, s13;
	s13 =	sadd.s32 $0x8, s13;
	v45 =	vshll.u32 v49, $0x3;
	v44 =	vor.u32 v31, v44;
	v48 =	vand.u32 $0x7F, v52;
	[tilespmem:v53+s10+$0x0] =	vst.idx.add.f32.msk $0xffff, v2  }
.LBB2_39:
0x30f: {  	v49 =	vmov s14;
	v40 =	vshll.u32 v40, $0x3;
	v39 =	vshll.u32 v39, $0x3  }
0x310: {  	v29 =	vand.u32 $0x400, v29;
	v41 =	vshll.u32 v41, $0x3;
	v34 =	vand.u32 $0x400, v34  }
0x311: {  	v50 =	vshll.u32 v49, $0x3;
	v49 =	vand.u32 $0x7F, v49;
	v26 =	vor.u32 v29, v26  }
0x312: {  	v29 =	vand.u32 $0x400, v30;
	v33 =	vor.u32 v34, v33;
	v26 =	vor.u32 v18, v26  }
0x313: {  	v50 =	vand.u32 $0x400, v50;
	v28 =	vor.u32 v29, v28;
	v33 =	vor.u32 v18, v33  }
0x314: {  	v63 =	vand.u32 $0x400, v40;
	v49 =	vor.u32 v50, v49;
	v28 =	vor.u32 v18, v28  }
0x315: {  	v40 =	vand.u32 $0x400, v39;
	v37 =	vor.u32 v63, v37;
	v30 =	vor.u32 v18, v49  }
0x316: {  	[tilespmem:v46+s10+$0x0] =	vst.idx.add.f32.msk @p1 $0xffff, v2;
	s12 =	simm.s32 $0x0;
	v41 =	vand.u32 $0x400, v41;
	v36 =	vor.u32 v40, v36;
	v37 =	vor.u32 v18, v37  }
0x317: {  	v29 =	vand.u32 $0x400, v45;
	v35 =	vor.u32 v41, v35;
	v36 =	vor.u32 v18, v36;
	v26 =	vld.idx.msk [tilespmem:v26+s12+$0x0], $0xffff  }
0x318: {  	v29 =	vor.u32 v29, v38;
	v45 =	vor.u32 v18, v35;
	v33 =	vld.idx.msk [tilespmem:v33+s12+$0x0], $0xffff  }
0x319: {  	v29 =	vor.u32 v18, v29;
	v28 =	vld.idx.msk [tilespmem:v28+s12+$0x0], $0xffff  }
0x31a: {  	v30 =	vld.idx.msk [tilespmem:v30+s12+$0x0], $0xffff  }
0x31b: {  	s28 =	simm.s32 $0x7;
	v37 =	vld.idx.msk [tilespmem:v37+s12+$0x0], $0xffff  }
0x31c: {  	v51 =	vmov s28;
	v36 =	vld.idx.msk [tilespmem:v36+s12+$0x0], $0xffff  }
0x31d: {  	s15 =	simm.s32 $0x5;
	v52 =	vshll.u32 v51, $0x3;
	v34 =	vld.idx.msk [tilespmem:v45+s12+$0x0], $0xffff  }
0x31e: {  	v38 =	vor.u32 @p1 v31, v48;
	v50 =	vmov s15;
	v46 =	vld.idx.msk [tilespmem:v29+s12+$0x0], $0xffff;
	v29 =	vand.u32 @p1 $0x7F, v43  }
0x31f: {  	[tilespmem:v47+s10+$0x0] =	vst.idx.add.f32.msk @p1 $0xffff, v2;
	s13 =	simm.s32 $0x1;
	v31 =	vor.u32 @p1 v31, v29;
	v29 =	vor.u32 $0x5000, v1;
	v30 =	vand.u32 $0x7F, v30  }
0x320: {  	[tilespmem:v32+s10+$0x0] =	vst.idx.add.f32.msk @p1 $0xffff, v2;
	v49 =	vmov s13;
	v26 =	vand.u32 $0x7F, v26;
	v30 =	vor.u32 v29, v30  }
0x321: {  	[tilespmem:v42+s10+$0x0] =	vst.idx.add.f32.msk @p1 $0xffff, v2;
	v53 =	vand.u32 $0x7D, v50;
	v26 =	vor.u32 v29, v26;
	v28 =	vand.u32 $0x7F, v28  }
0x322: {  	[tilespmem:v44+s10+$0x0] =	vst.idx.add.f32.msk @p1 $0xffff, v2;
	v33 =	vand.u32 $0x7F, v33;
	v48 =	vand.u32 $0x7F, v37;
	v28 =	vor.u32 v29, v28  }
0x323: {  	s26 =	simm.s32 $0x4;
	[tilespmem:v38+s10+$0x0] =	vst.idx.add.f32.msk @p1 $0xffff, v2;
	v36 =	vand.u32 $0x7F, v36;
	v34 =	vand.u32 $0x7F, v34;
	v33 =	vor.u32 v29, v33  }
0x324: {  	v47 =	vand.u32 $0x7F, v46;
	v35 =	vor.u32 v29, v48;
	[tilespmem:v31+s10+$0x0] =	vst.idx.add.f32.msk @p1 $0xffff, v2;
	v31 =	vmov s26  }
0x325: {  	v36 =	vor.u32 v29, v36;
	[tilespmem:v30+s10+$0x0] =	vst.idx.add.f32.msk $0xffff, v2;
	v30 =	vand.u32 $0x7C, v31;
	v31 =	vshll.u32 v31, $0x3  }
0x326: {  	v34 =	vor.u32 v29, v34;
	v32 =	vor.u32 v29, v47;
	[tilespmem:v26+s10+$0x0] =	vst.idx.add.f32.msk $0xffff, v2;
	v31 =	vand.u32 $0x400, v31  }
0x327: {  	[tilespmem:v28+s10+$0x0] =	vst.idx.add.f32.msk $0xffff, v2;
	v28 =	vor.u32 v31, v30;
	v30 =	vand.u32 $0x7F, v51;
	v31 =	vand.u32 $0x400, v52  }
0x328: {  	v26 =	vshll.u32 v50, $0x3;
	[tilespmem:v33+s10+$0x0] =	vst.idx.add.f32.msk $0xffff, v2;
	v54 =	vor.u32 v19, v28;
	v28 =	vor.u32 v31, v30  }
0x329: {  	s29 =	simm.s32 $0x3;
	[tilespmem:v35+s10+$0x0] =	vst.idx.add.f32.msk $0xffff, v2;
	v26 =	vand.u32 $0x400, v26;
	v31 =	vshll.u32 v49, $0x3;
	v30 =	vor.u32 v19, v28  }
0x32a: {  	[tilespmem:v36+s10+$0x0] =	vst.idx.add.f32.msk $0xffff, v2;
	v26 =	vor.u32 v26, v53;
	v28 =	vmov s29;
	v57 =	vand.u32 $0x400, v31  }
0x32b: {  	[tilespmem:v34+s10+$0x0] =	vst.idx.add.f32.msk $0xffff, v2;
	v55 =	vand.u32 $0x7B, v28;
	v56 =	vshll.u32 v28, $0x3;
	v28 =	vand.u32 $0x79, v49  }
0x32c: {  	[tilespmem:v32+s10+$0x0] =	vst.idx.add.f32.msk $0xffff, v2;
	v26 =	vor.u32 v19, v26;
	v34 =	vand.u32 $0x400, v56;
	v33 =	vor.u32 v57, v28  }
0x32d: {  	s30 =	simm.s32 $0x2;
	s31 =	simm.s32 $0x6;
	v34 =	vor.u32 v34, v55;
	v59 =	vor.u32 v19, v33;
	v36 =	vld.idx.msk [tilespmem:v54+s12+$0x0], $0xffff  }
0x32e: {  	v58 =	vmov s30;
	v61 =	vmov s31;
	p1 =	por $0x1, $0x1;
	v60 =	vor.u32 v19, v34;
	v42 =	vld.idx.msk [tilespmem:v30+s12+$0x0], $0xffff  }
.Ltmp28:
0x32f: {  	v63 =	vshll.u32 v61, $0x3;
	v40 =	vand.u32 $0x7E, v61;
	v32 =	vshll.u32 v58, $0x3;
	(pc) =	sbr.rel @!p1 .LBB2_40-.Ltmp28, $4  }
0x330: {  	v35 =	vand.u32 $0x400, v63;
	v62 =	vand.u32 $0x400, v32;
	v30 =	vand.u32 $0x7A, v58  }
0x331: {  	v35 =	vor.u32 v35, v40;
	v41 =	vld.idx.msk [tilespmem:v26+s12+$0x0], $0xffff;
	v34 =	vor.u32 v62, v30  }
0x332: {  	v26 =	vor.u32 $0x5800, v1;
	v37 =	vor.u32 v19, v34;
	v38 =	vld.idx.msk [tilespmem:v59+s12+$0x0], $0xffff;
	v36 =	vand.u32 $0x7F, v36  }
0x333: {  	s13 =	simm.s32 $0x8;
	v43 =	vld.idx.msk [tilespmem:v60+s12+$0x0], $0xffff;
	v40 =	vor.u32 v26, v36;
	v36 =	vor.u32 v19, v35;
	v35 =	vand.u32 $0x7F, v42  }
0x334: {  	s14 =	simm.s32 $0x9  }
0x335: {  	s15 =	simm.s32 $0xA;
	v39 =	vmov s12;
	s16 =	simm.s32 $0xC;
	s28 =	simm.s32 $0xD;
	v42 =	vmov s14  }
0x336: {  	s29 =	simm.s32 $0xF;
	v44 =	vmov s15;
	v45 =	vmov s16;
	v46 =	vmov s28  }
0x337: {  	s30 =	simm.s32 $0xE;
	s31 =	simm.s32 $0xB;
	v48 =	vmov s29;
	v49 =	vand.u32 $0x78, v39;
	v39 =	vshll.u32 v39, $0x3  }
0x338: {  	v51 =	vmov s30;
	v52 =	vmov s31;
	v47 =	vand.u32 $0x7C, v45  }
0x339: {  	v45 =	vshll.u32 v45, $0x3;
	v50 =	vshll.u32 v46, $0x3;
	v62 =	vshll.u32 v48, $0x3  }
0x33a: {  	v48 =	vand.u32 $0x7F, v48;
	v46 =	vand.u32 $0x7D, v46;
	v39 =	vand.u32 $0x400, v39  }
0x33b: {  	[tilespmem:v40+s10+$0x0] =	vst.idx.add.f32.msk $0xffff, v2;
	v53 =	vshll.u32 v42, $0x3;
	v54 =	vand.u32 $0x7B, v52;
	v40 =	vshll.u32 v52, $0x3  }
0x33c: {  	v42 =	vand.u32 $0x79, v42;
	v45 =	vand.u32 $0x400, v45;
	v39 =	vor.u32 v39, v49  }
0x33d: {  	v45 =	vor.u32 v45, v47;
	v47 =	vand.u32 $0x400, v62;
	v39 =	vor.u32 v19, v39  }
0x33e: {  	v55 =	vshll.u32 v44, $0x3;
	v45 =	vor.u32 v19, v45;
	v47 =	vor.u32 v47, v48  }
0x33f: {  	v38 =	vand.u32 $0x7F, v38;
	v63 =	vand.u32 $0x400, v50;
	v47 =	vor.u32 v19, v47  }
0x340: {  	v37 =	vld.idx.msk [tilespmem:v37+s12+$0x0], $0xffff;
	v56 =	vand.u32 $0x7A, v44;
	v38 =	vor.u32 v26, v38;
	v46 =	vor.u32 v63, v46  }
0x341: {  	v36 =	vld.idx.msk [tilespmem:v36+s12+$0x0], $0xffff;
	v40 =	vand.u32 $0x400, v40;
	v43 =	vand.u32 $0x7F, v43;
	v46 =	vor.u32 v19, v46  }
0x342: {  	v40 =	vor.u32 v40, v54;
	v48 =	vand.u32 $0x400, v53;
	v43 =	vor.u32 v26, v43;
	v44 =	vld.idx.msk [tilespmem:v39+s12+$0x0], $0xffff  }
0x343: {  	v41 =	vand.u32 $0x7F, v41;
	v49 =	vor.u32 v19, v40;
	v42 =	vor.u32 v48, v42;
	v45 =	vld.idx.msk [tilespmem:v45+s12+$0x0], $0xffff  }
0x344: {  	p2 =	por $0x1, $0x1;
	v59 =	vshll.u32 v51, $0x3;
	v60 =	vand.u32 $0x7E, v51;
	v48 =	vor.u32 v19, v42;
	v47 =	vld.idx.msk [tilespmem:v47+s12+$0x0], $0xffff  }
.Ltmp29:
0x345: {  	v57 =	vand.u32 $0x400, v55;
	v61 =	vand.u32 $0x400, v59;
	v37 =	vand.u32 $0x7F, v37;
	[tilespmem:v38+s10+$0x0] =	vst.idx.add.f32.msk $0xffff, v2;
	(pc) =	sbr.rel @!p2 .LBB2_42-.Ltmp29, $4  }
0x346: {  	v42 =	vor.u32 v26, v41;
	v39 =	vor.u32 v61, v60;
	v41 =	vld.idx.msk [tilespmem:v46+s12+$0x0], $0xffff;
	v46 =	vor.u32 v26, v37  }
0x347: {  	v58 =	vor.u32 v57, v56;
	v63 =	vand.u32 $0x7F, v36;
	[tilespmem:v43+s10+$0x0] =	vst.idx.add.f32.msk $0xffff, v2  }
0x348: {  	v37 =	vor.u32 v19, v58;
	v36 =	vor.u32 v19, v39;
	v43 =	vld.idx.msk [tilespmem:v49+s12+$0x0], $0xffff;
	v62 =	vand.u32 $0x7F, v45  }
0x349: {  	p0 =	por $0x1, $0x1;
	s16 =	simm.s32 $0x10;
	s14 =	simm.s32 $0x8;
	v38 =	vld.idx.msk [tilespmem:v48+s12+$0x0], $0xffff;
	v39 =	vmovc v26;
	v45 =	vor.u32 v26, v63;
	v40 =	vor.u32 v26, v62;
	v47 =	vand.u32 $0x7F, v47  }
.LBB2_43:
0x34a: {  	s17 =	sadd.s32 $0x1, s16  }
0x34b: {  	s18 =	sadd.s32 $0x2, s16;
	v48 =	vmov s14;
	v44 =	vand.u32 $0x7F, v44;
	[tilespmem:v46+s10+$0x0] =	vst.idx.add.f32.msk $0xffff, v2;
	v46 =	vor.u32 v39, v35;
	v35 =	vmovc v47;
	s14 =	smov.u32 s16;
	s15 =	sadd.s32 $0x8, s16  }
0x34c: {  	v41 =	vand.u32 $0x7F, v41;
	v47 =	vmov s17;
	v49 =	vmov s18;
	s17 =	sadd.s32 $0x4, s14;
	s18 =	sadd.s32 $0x5, s14;
	s19 =	sadd.s32 $0x6, s14;
	[tilespmem:v42+s10+$0x0] =	vst.idx.add.f32.msk $0xffff, v2  }
0x34d: {  	p2 =	slt.u32 s16, $0xC0;
	v44 =	vor.u32 v39, v44;
	v39 =	vmovc v26;
	v42 =	vmov s17;
	v50 =	vmov s18;
	s17 =	sadd.s32 $0x7, s14  }
0x34e: {  	v53 =	vand.u32 $0x78, v48;
	v51 =	vand.u32 $0x7C, v42;
	v52 =	vmov s17;
	[tilespmem:v40+s10+$0x0] =	vst.idx.add.f32.msk $0xffff, v2  }
0x34f: {  	v48 =	vshll.u32 v48, $0x3;
	v40 =	vshll.u32 v42, $0x3;
	v42 =	vshll.u32 v50, $0x3;
	[tilespmem:v45+s10+$0x0] =	vst.idx.add.f32.msk $0xffff, v2  }
0x350: {  	v45 =	vmov s19;
	v54 =	vshll.u32 v52, $0x3;
	v43 =	vand.u32 $0x7F, v43;
	[tilespmem:v46+s10+$0x0] =	vst.idx.add.f32.msk $0xffff, v2  }
0x351: {  	v48 =	vand.u32 $0x400, v48;
	v40 =	vand.u32 $0x400, v40;
	v46 =	vand.u32 $0x7D, v50  }
0x352: {  	v40 =	vor.u32 v40, v51;
	v50 =	vand.u32 $0x7F, v52;
	v51 =	vand.u32 $0x400, v54;
	[tilespmem:v44+s10+$0x0] =	vst.idx.add.f32.msk $0xffff, v2  }
0x353: {  	v38 =	vand.u32 $0x7F, v38;
	v40 =	vor.u32 v19, v40;
	v44 =	vor.u32 v51, v50  }
0x354: {  	s16 =	sadd.s32 $0x3, s14;
	v48 =	vor.u32 v48, v53;
	v38 =	vor.u32 v39, v38;
	v44 =	vor.u32 v19, v44  }
0x355: {  	v50 =	vmov s16;
	v51 =	vand.u32 $0x400, v42;
	v42 =	vor.u32 v39, v41;
	v37 =	vld.idx.msk [tilespmem:v37+s12+$0x0], $0xffff  }
0x356: {  	v48 =	vor.u32 v19, v48;
	v41 =	vshll.u32 v47, $0x3;
	v46 =	vor.u32 v51, v46  }
0x357: {  	v51 =	vand.u32 $0x7B, v50;
	v50 =	vshll.u32 v50, $0x3;
	v46 =	vor.u32 v19, v46  }
0x358: {  	v47 =	vand.u32 $0x79, v47;
	v41 =	vand.u32 $0x400, v41;
	v50 =	vand.u32 $0x400, v50;
	v40 =	vld.idx.msk [tilespmem:v40+s12+$0x0], $0xffff  }
0x359: {  	v43 =	vor.u32 v39, v43;
	v41 =	vor.u32 v41, v47;
	v47 =	vor.u32 v50, v51;
	v50 =	vld.idx.msk [tilespmem:v36+s12+$0x0], $0xffff  }
0x35a: {  	v47 =	vor.u32 v19, v47;
	v36 =	vor.u32 v19, v41;
	v41 =	vshll.u32 v49, $0x3;
	v51 =	vld.idx.msk [tilespmem:v44+s12+$0x0], $0xffff  }
0x35b: {  	v49 =	vand.u32 $0x7A, v49;
	v41 =	vand.u32 $0x400, v41;
	v37 =	vand.u32 $0x7F, v37;
	v44 =	vld.idx.msk [tilespmem:v48+s12+$0x0], $0xffff  }
.Ltmp30:
0x35c: {  	v48 =	vor.u32 v41, v49;
	v49 =	vshll.u32 v45, $0x3;
	v41 =	vld.idx.msk [tilespmem:v46+s12+$0x0], $0xffff;
	v46 =	vor.u32 v39, v37;
	(pc) =	sbr.rel @p2 .LBB2_43-.Ltmp30, $4  }
0x35d: {  	v45 =	vand.u32 $0x7E, v45;
	v37 =	vor.u32 v19, v48;
	v48 =	vand.u32 $0x400, v49;
	[tilespmem:v38+s10+$0x0] =	vst.idx.add.f32.msk $0xffff, v2  }
0x35e: {  	v40 =	vand.u32 $0x7F, v40;
	v45 =	vor.u32 v48, v45;
	[tilespmem:v43+s10+$0x0] =	vst.idx.add.f32.msk $0xffff, v2  }
0x35f: {  	v40 =	vor.u32 v26, v40;
	v38 =	vld.idx.msk [tilespmem:v36+s12+$0x0], $0xffff;
	v36 =	vor.u32 v19, v45;
	v45 =	vand.u32 $0x7F, v50  }
0x360: {  	s16 =	smov.u32 s15;
	v43 =	vld.idx.msk [tilespmem:v47+s12+$0x0], $0xffff;
	v47 =	vand.u32 $0x7F, v51;
	v45 =	vor.u32 v39, v45  }
.LBB2_44:
0x361: {  	v48 =	vmov s14  }
0x362: {  	v49 =	vshll.u32 v48, $0x3  }
0x363: {  	v48 =	vand.u32 $0x78, v48;
	v49 =	vand.u32 $0x400, v49  }
0x364: {  	v48 =	vor.u32 v49, v48  }
0x365: {  	v48 =	vor.u32 v19, v48  }
0x366: {  	v37 =	vld.idx.msk [tilespmem:v37+s12+$0x0], $0xffff  }
0x367: {  	[tilespmem:v46+s10+$0x0] =	vst.idx.add.f32.msk @p0 $0xffff, v2  }
0x368: {  	v35 =	vor.u32 @p0 v39, v35;
	v36 =	vld.idx.msk [tilespmem:v36+s12+$0x0], $0xffff  }
0x369: {  	v44 =	vand.u32 @p0 $0x7F, v44;
	[tilespmem:v42+s10+$0x0] =	vst.idx.add.f32.msk @p0 $0xffff, v2;
	v60 =	vor.u32 v26, v47  }
0x36a: {  	v41 =	vand.u32 $0x7F, v41;
	v39 =	vor.u32 @p0 v39, v44;
	v55 =	vld.idx.msk [tilespmem:v48+s12+$0x0], $0xffff  }
0x36b: {  	[tilespmem:v40+s10+$0x0] =	vst.idx.add.f32.msk $0xffff, v2;
	v57 =	vor.u32 v26, v41;
	v38 =	vand.u32 $0x7F, v38  }
0x36c: {  	[tilespmem:v45+s10+$0x0] =	vst.idx.add.f32.msk @p0 $0xffff, v2;
	v54 =	vand.u32 $0x7F, v43;
	v38 =	vor.u32 v26, v38  }
0x36d: {  	v56 =	vor.u32 v26, v54;
	v37 =	vand.u32 $0x7F, v37;
	[tilespmem:v35+s10+$0x0] =	vst.idx.add.f32.msk @p0 $0xffff, v2  }
0x36e: {  	v36 =	vand.u32 $0x7F, v36;
	[tilespmem:v60+s10+$0x0] =	vst.idx.add.f32.msk $0xffff, v2;
	v37 =	vor.u32 v26, v37  }
0x36f: {  	[tilespmem:v39+s10+$0x0] =	vst.idx.add.f32.msk @p0 $0xffff, v2;
	v58 =	vor.u32 v26, v36;
	v59 =	vand.u32 $0x7F, v55  }
0x370: {  	[tilespmem:v57+s10+$0x0] =	vst.idx.add.f32.msk $0xffff, v2;
	v61 =	vor.u32 v26, v59  }
.Ltmp31:
0x371: {  	s29 =	simm.s32 $0x3;
	s30 =	simm.s32 $0x4;
	[tilespmem:v38+s10+$0x0] =	vst.idx.add.f32.msk $0xffff, v2;
	(pc) =	sbr.rel @!p1 .LBB2_45-.Ltmp31, $4  }
0x372: {  	v62 =	vmov s12;
	s15 =	simm.s32 $0x5;
	v63 =	vmov s29;
	v42 =	vmov s30;
	[tilespmem:v56+s10+$0x0] =	vst.idx.add.f32.msk $0xffff, v2  }
0x373: {  	s31 =	simm.s32 $0x6;
	v41 =	vmov s15;
	v40 =	vand.u32 $0x7B, v63;
	v47 =	vshll.u32 v63, $0x3;
	[tilespmem:v37+s10+$0x0] =	vst.idx.add.f32.msk $0xffff, v2  }
0x374: {  	v43 =	vmov s31;
	v35 =	vand.u32 $0x78, v62;
	v36 =	vshll.u32 v62, $0x3;
	[tilespmem:v58+s10+$0x0] =	vst.idx.add.f32.msk $0xffff, v2  }
0x375: {  	s14 =	simm.s32 $0x7;
	v39 =	vand.u32 $0x7C, v42;
	p0 =	por $0x0, $0x0;
	v38 =	vand.u32 $0x7D, v41;
	v37 =	vand.u32 $0x7E, v43;
	[tilespmem:v61+s10+$0x0] =	vst.idx.add.f32.msk $0xffff, v2  }
0x376: {  	v28 =	vmov s14  }
0x377: {  	v30 =	vshll.u32 v28, $0x3  }
0x378: {  	v28 =	vand.u32 $0x7F, v28;
	v30 =	vand.u32 $0x400, v30  }
0x379: {  	v31 =	vshll.u32 v42, $0x3;
	v32 =	vshll.u32 v41, $0x3;
	v28 =	vor.u32 v30, v28  }
0x37a: {  	v33 =	vor.u32 v20, v33;
	v55 =	vand.u32 $0x400, v47;
	v28 =	vor.u32 v20, v28  }
0x37b: {  	v34 =	vor.u32 v20, v34;
	v36 =	vand.u32 $0x400, v36;
	v31 =	vand.u32 $0x400, v31  }
0x37c: {  	v40 =	vor.u32 v55, v40;
	v32 =	vand.u32 $0x400, v32;
	v36 =	vor.u32 v36, v35  }
0x37d: {  	v31 =	vor.u32 v31, v39;
	v56 =	vor.u32 v20, v40;
	v30 =	vshll.u32 v43, $0x3  }
0x37e: {  	s12 =	simm.s32 $0x0;
	s26 =	simm.s32 $0x9;
	v32 =	vor.u32 v32, v38;
	v31 =	vor.u32 v20, v31;
	v30 =	vand.u32 $0x400, v30  }
0x37f: {  	s28 =	simm.s32 $0xA;
	s29 =	simm.s32 $0xB;
	v46 =	vmov s26;
	v32 =	vor.u32 v20, v32;
	v30 =	vor.u32 v30, v37;
	v57 =	vld.idx.msk [tilespmem:v28+s12+$0x0], $0xffff  }
0x380: {  	s30 =	simm.s32 $0xC;
	s15 =	simm.s32 $0xD;
	v59 =	vmov s28;
	v51 =	vmov s29;
	v58 =	vld.idx.msk [tilespmem:v33+s12+$0x0], $0xffff;
	v44 =	vor.u32 v20, v30  }
0x381: {  	v42 =	vmov s30;
	v41 =	vmov s15;
	v45 =	vor.u32 v20, v36;
	v34 =	vld.idx.msk [tilespmem:v34+s12+$0x0], $0xffff  }
0x382: {  	s31 =	simm.s32 $0xE;
	v40 =	vand.u32 $0x7B, v51;
	v39 =	vand.u32 $0x7C, v42;
	v38 =	vand.u32 $0x7D, v41;
	v50 =	vld.idx.msk [tilespmem:v56+s12+$0x0], $0xffff  }
0x383: {  	v47 =	vshll.u32 v51, $0x3;
	v43 =	vmov s31;
	v33 =	vor.u32 $0x6000, v1;
	v52 =	vld.idx.msk [tilespmem:v31+s12+$0x0], $0xffff  }
0x384: {  	v37 =	vand.u32 $0x7E, v43;
	v30 =	vand.u32 $0x7A, v59;
	v53 =	vld.idx.msk [tilespmem:v32+s12+$0x0], $0xffff;
	v31 =	vand.u32 $0x7F, v57  }
0x385: {  	p2 =	por $0x1, $0x1;
	v32 =	vshll.u32 v59, $0x3;
	v60 =	vand.u32 $0x7F, v58;
	v54 =	vld.idx.msk [tilespmem:v44+s12+$0x0], $0xffff;
	v55 =	vor.u32 v33, v31  }
.Ltmp32:
0x386: {  	v45 =	vld.idx.msk [tilespmem:v45+s12+$0x0], $0xffff;
	v28 =	vmov s13;
	v48 =	vor.u32 v33, v60;
	v31 =	vand.u32 $0x7F, v34;
	(pc) =	sbr.rel @!p2 .LBB2_48-.Ltmp32, $4  }
0x387: {  	v35 =	vand.u32 $0x78, v28;
	v61 =	vand.u32 $0x7F, v50;
	v49 =	vor.u32 v33, v31  }
0x388: {  	v36 =	vshll.u32 v28, $0x3;
	v62 =	vand.u32 $0x7F, v52;
	v34 =	vor.u32 v33, v61  }
0x389: {  	v28 =	vand.u32 $0x79, v46;
	v63 =	vand.u32 $0x7F, v53;
	v44 =	vor.u32 v33, v62  }
0x38a: {  	s14 =	simm.s32 $0xF;
	p1 =	por $0x1, $0x1;
	s13 =	simm.s32 $0x10;
	v31 =	vshll.u32 v46, $0x3;
	v46 =	vor.u32 v33, v63;
	v50 =	vand.u32 $0x7F, v54;
	[tilespmem:v55+s10+$0x0] =	vst.idx.add.f32.msk $0xffff, v2  }
.LBB2_47:
0x38b: {  	p2 =	slt.u32 s13, $0xC0;
	v51 =	vmov s14;
	v45 =	vand.u32 $0x7F, v45;
	[tilespmem:v48+s10+$0x0] =	vst.idx.add.f32.msk $0xffff, v2;
	v48 =	vor.u32 v33, v50  }
0x38c: {  	v42 =	vshll.u32 v42, $0x3;
	v50 =	vshll.u32 v51, $0x3;
	v45 =	vor.u32 v33, v45;
	[tilespmem:v49+s10+$0x0] =	vst.idx.add.f32.msk $0xffff, v2  }
0x38d: {  	v41 =	vshll.u32 v41, $0x3;
	v49 =	vand.u32 $0x7F, v51;
	v50 =	vand.u32 $0x400, v50;
	[tilespmem:v34+s10+$0x0] =	vst.idx.add.f32.msk $0xffff, v2  }
0x38e: {  	v31 =	vand.u32 $0x400, v31;
	v34 =	vshll.u32 v43, $0x3;
	v43 =	vor.u32 v50, v49;
	[tilespmem:v44+s10+$0x0] =	vst.idx.add.f32.msk $0xffff, v2  }
0x38f: {  	v28 =	vor.u32 v31, v28;
	v31 =	vand.u32 $0x400, v32;
	v32 =	vor.u32 v20, v43;
	[tilespmem:v46+s10+$0x0] =	vst.idx.add.f32.msk $0xffff, v2  }
0x390: {  	v28 =	vor.u32 v20, v28;
	v30 =	vor.u32 v31, v30;
	v31 =	vand.u32 $0x400, v47;
	[tilespmem:v48+s10+$0x0] =	vst.idx.add.f32.msk $0xffff, v2  }
0x391: {  	v30 =	vor.u32 v20, v30;
	v31 =	vor.u32 v31, v40;
	v40 =	vand.u32 $0x400, v42;
	[tilespmem:v45+s10+$0x0] =	vst.idx.add.f32.msk $0xffff, v2  }
0x392: {  	v31 =	vor.u32 v20, v31;
	v39 =	vor.u32 v40, v39;
	v40 =	vand.u32 $0x400, v41  }
0x393: {  	v34 =	vand.u32 $0x400, v34;
	v39 =	vor.u32 v20, v39;
	v38 =	vor.u32 v40, v38  }
0x394: {  	v36 =	vand.u32 $0x400, v36;
	v34 =	vor.u32 v34, v37;
	v38 =	vor.u32 v20, v38;
	v32 =	vld.idx.msk [tilespmem:v32+s12+$0x0], $0xffff  }
0x395: {  	v36 =	vor.u32 v36, v35;
	v37 =	vmov s13;
	v34 =	vor.u32 v20, v34;
	v44 =	vld.idx.msk [tilespmem:v28+s12+$0x0], $0xffff  }
0x396: {  	s14 =	sadd.s32 $0x1, s13;
	s15 =	sadd.s32 $0x2, s13;
	v35 =	vand.u32 $0x78, v37;
	v45 =	vor.u32 v20, v36;
	v46 =	vld.idx.msk [tilespmem:v30+s12+$0x0], $0xffff  }
0x397: {  	s16 =	sadd.s32 $0x5, s13;
	v47 =	vmov s14;
	s14 =	sadd.s32 $0x3, s13;
	v50 =	vmov s15;
	s15 =	sadd.s32 $0x4, s13;
	v36 =	vshll.u32 v37, $0x3;
	v31 =	vld.idx.msk [tilespmem:v31+s12+$0x0], $0xffff  }
0x398: {  	v51 =	vmov s14;
	s14 =	sadd.s32 $0x6, s13;
	v42 =	vmov s15;
	v41 =	vmov s16;
	v52 =	vld.idx.msk [tilespmem:v39+s12+$0x0], $0xffff  }
0x399: {  	v43 =	vmov s14;
	v28 =	vand.u32 $0x79, v47;
	v30 =	vand.u32 $0x7A, v50;
	v53 =	vld.idx.msk [tilespmem:v38+s12+$0x0], $0xffff  }
0x39a: {  	v40 =	vand.u32 $0x7B, v51;
	v32 =	vand.u32 $0x7F, v32;
	v54 =	vld.idx.msk [tilespmem:v34+s12+$0x0], $0xffff  }
0x39b: {  	v39 =	vand.u32 $0x7C, v42;
	v34 =	vand.u32 $0x7F, v44;
	v55 =	vor.u32 v33, v32;
	v45 =	vld.idx.msk [tilespmem:v45+s12+$0x0], $0xffff  }
.Ltmp33:
0x39c: {  	v38 =	vand.u32 $0x7D, v41;
	v48 =	vor.u32 v33, v34;
	v32 =	vand.u32 $0x7F, v46;
	(pc) =	sbr.rel @p2 .LBB2_47-.Ltmp33, $4  }
0x39d: {  	v37 =	vand.u32 $0x7E, v43;
	v49 =	vor.u32 v33, v32;
	v32 =	vand.u32 $0x7F, v31  }
0x39e: {  	v31 =	vshll.u32 v47, $0x3;
	v34 =	vor.u32 v33, v32;
	v44 =	vand.u32 $0x7F, v52  }
0x39f: {  	v32 =	vshll.u32 v50, $0x3;
	v44 =	vor.u32 v33, v44;
	v46 =	vand.u32 $0x7F, v53  }
0x3a0: {  	s14 =	sadd.s32 $0x7, s13;
	s13 =	sadd.s32 $0x8, s13;
	v47 =	vshll.u32 v51, $0x3;
	v46 =	vor.u32 v33, v46;
	v50 =	vand.u32 $0x7F, v54;
	[tilespmem:v55+s10+$0x0] =	vst.idx.add.f32.msk $0xffff, v2  }
.LBB2_48:
0x3a1: {  	v51 =	vmov s14;
	v42 =	vshll.u32 v42, $0x3;
	v41 =	vshll.u32 v41, $0x3  }
0x3a2: {  	v31 =	vand.u32 $0x400, v31;
	v43 =	vshll.u32 v43, $0x3;
	v36 =	vand.u32 $0x400, v36  }
0x3a3: {  	v52 =	vshll.u32 v51, $0x3;
	v51 =	vand.u32 $0x7F, v51;
	v28 =	vor.u32 v31, v28  }
0x3a4: {  	v35 =	vor.u32 v36, v35;
	v52 =	vand.u32 $0x400, v52;
	v28 =	vor.u32 v20, v28  }
0x3a5: {  	[tilespmem:v48+s10+$0x0] =	vst.idx.add.f32.msk @p1 $0xffff, v2;
	v31 =	vand.u32 $0x400, v32;
	v35 =	vor.u32 v20, v35;
	v51 =	vor.u32 v52, v51  }
0x3a6: {  	[tilespmem:v49+s10+$0x0] =	vst.idx.add.f32.msk @p1 $0xffff, v2;
	v56 =	vand.u32 $0x400, v42;
	v30 =	vor.u32 v31, v30;
	v55 =	vor.u32 v20, v51  }
0x3a7: {  	[tilespmem:v44+s10+$0x0] =	vst.idx.add.f32.msk @p1 $0xffff, v2;
	v31 =	vand.u32 $0x400, v47;
	v39 =	vor.u32 v56, v39;
	v30 =	vor.u32 v20, v30  }
0x3a8: {  	s12 =	simm.s32 $0x0;
	[tilespmem:v46+s10+$0x0] =	vst.idx.add.f32.msk @p1 $0xffff, v2;
	v57 =	vand.u32 $0x400, v41;
	v31 =	vor.u32 v31, v40;
	v39 =	vor.u32 v20, v39  }
0x3a9: {  	v58 =	vand.u32 $0x400, v43;
	v38 =	vor.u32 v57, v38;
	v31 =	vor.u32 v20, v31;
	v28 =	vld.idx.msk [tilespmem:v28+s12+$0x0], $0xffff  }
0x3aa: {  	v37 =	vor.u32 v58, v37;
	v38 =	vor.u32 v20, v38;
	v35 =	vld.idx.msk [tilespmem:v35+s12+$0x0], $0xffff  }
0x3ab: {  	s13 =	simm.s32 $0x1;
	s26 =	simm.s32 $0x4;
	v59 =	vor.u32 v20, v37;
	v32 =	vld.idx.msk [tilespmem:v55+s12+$0x0], $0xffff  }
0x3ac: {  	v63 =	vmov s13;
	v44 =	vmov s26;
	v60 =	vld.idx.msk [tilespmem:v30+s12+$0x0], $0xffff  }
0x3ad: {  	v46 =	vand.u32 $0x7C, v44;
	v40 =	vor.u32 @p1 v33, v50;
	v39 =	vld.idx.msk [tilespmem:v39+s12+$0x0], $0xffff;
	v30 =	vand.u32 @p1 $0x7F, v45  }
0x3ae: {  	s28 =	simm.s32 $0x7;
	v31 =	vld.idx.msk [tilespmem:v31+s12+$0x0], $0xffff;
	v33 =	vor.u32 @p1 v33, v30;
	v30 =	vor.u32 $0x6000, v1;
	v28 =	vand.u32 $0x7F, v28  }
0x3af: {  	v47 =	vmov s28;
	v38 =	vld.idx.msk [tilespmem:v38+s12+$0x0], $0xffff;
	v35 =	vand.u32 $0x7F, v35;
	v28 =	vor.u32 v30, v28  }
0x3b0: {  	v48 =	vshll.u32 v47, $0x3;
	v36 =	vld.idx.msk [tilespmem:v59+s12+$0x0], $0xffff;
	v35 =	vor.u32 v30, v35;
	v32 =	vand.u32 $0x7F, v32  }
0x3b1: {  	[tilespmem:v34+s10+$0x0] =	vst.idx.add.f32.msk @p1 $0xffff, v2;
	s29 =	simm.s32 $0x3;
	v49 =	vand.u32 $0x7F, v47;
	v61 =	vand.u32 $0x7F, v60;
	v32 =	vor.u32 v30, v32  }
0x3b2: {  	v52 =	vmov s29;
	[tilespmem:v40+s10+$0x0] =	vst.idx.add.f32.msk @p1 $0xffff, v2;
	v62 =	vand.u32 $0x7F, v39;
	v34 =	vor.u32 v30, v61  }
0x3b3: {  	v50 =	vand.u32 $0x400, v48;
	v31 =	vand.u32 $0x7F, v31;
	v37 =	vor.u32 v30, v62;
	[tilespmem:v33+s10+$0x0] =	vst.idx.add.f32.msk @p1 $0xffff, v2  }
0x3b4: {  	v38 =	vand.u32 $0x7F, v38;
	v33 =	vshll.u32 v44, $0x3;
	v31 =	vor.u32 v30, v31;
	[tilespmem:v28+s10+$0x0] =	vst.idx.add.f32.msk $0xffff, v2  }
0x3b5: {  	v36 =	vand.u32 $0x7F, v36;
	v38 =	vor.u32 v30, v38;
	v33 =	vand.u32 $0x400, v33;
	[tilespmem:v35+s10+$0x0] =	vst.idx.add.f32.msk $0xffff, v2  }
0x3b6: {  	s15 =	simm.s32 $0x5;
	v53 =	vand.u32 $0x7B, v52;
	v36 =	vor.u32 v30, v36;
	[tilespmem:v32+s10+$0x0] =	vst.idx.add.f32.msk $0xffff, v2;
	v32 =	vor.u32 v33, v46  }
0x3b7: {  	v45 =	vmov s15;
	[tilespmem:v34+s10+$0x0] =	vst.idx.add.f32.msk $0xffff, v2;
	v33 =	vor.u32 v50, v49;
	v32 =	vor.u32 v21, v32  }
0x3b8: {  	v28 =	vshll.u32 v45, $0x3;
	[tilespmem:v37+s10+$0x0] =	vst.idx.add.f32.msk $0xffff, v2;
	v34 =	vshll.u32 v52, $0x3;
	v51 =	vor.u32 v21, v33  }
0x3b9: {  	v28 =	vand.u32 $0x400, v28;
	[tilespmem:v31+s10+$0x0] =	vst.idx.add.f32.msk $0xffff, v2;
	v31 =	vand.u32 $0x7D, v45;
	v34 =	vand.u32 $0x400, v34  }
0x3ba: {  	[tilespmem:v38+s10+$0x0] =	vst.idx.add.f32.msk $0xffff, v2;
	v33 =	vshll.u32 v63, $0x3;
	v28 =	vor.u32 v28, v31;
	v31 =	vand.u32 $0x79, v63  }
0x3bb: {  	s31 =	simm.s32 $0x6;
	[tilespmem:v36+s10+$0x0] =	vst.idx.add.f32.msk $0xffff, v2;
	v57 =	vor.u32 v34, v53;
	v54 =	vand.u32 $0x400, v33;
	v28 =	vor.u32 v21, v28  }
0x3bc: {  	v60 =	vmov s31;
	v59 =	vor.u32 v21, v57;
	v35 =	vor.u32 v54, v31;
	v56 =	vld.idx.msk [tilespmem:v32+s12+$0x0], $0xffff  }
0x3bd: {  	s30 =	simm.s32 $0x2;
	v62 =	vshll.u32 v60, $0x3;
	p1 =	por $0x1, $0x1;
	v58 =	vor.u32 v21, v35;
	v37 =	vld.idx.msk [tilespmem:v51+s12+$0x0], $0xffff  }
.Ltmp34:
0x3be: {  	v55 =	vmov s30;
	v42 =	vand.u32 $0x7E, v60;
	v44 =	vand.u32 $0x400, v62;
	(pc) =	sbr.rel @!p1 .LBB2_49-.Ltmp34, $4  }
0x3bf: {  	v44 =	vor.u32 v44, v42;
	v34 =	vshll.u32 v55, $0x3  }
0x3c0: {  	v38 =	vor.u32 v21, v44;
	v61 =	vand.u32 $0x400, v34;
	v32 =	vand.u32 $0x7A, v55;
	v43 =	vld.idx.msk [tilespmem:v28+s12+$0x0], $0xffff  }
0x3c1: {  	v36 =	vor.u32 v61, v32;
	v28 =	vor.u32 $0x6800, v1;
	v45 =	vld.idx.msk [tilespmem:v59+s12+$0x0], $0xffff;
	v63 =	vand.u32 $0x7F, v56  }
0x3c2: {  	s13 =	simm.s32 $0x8;
	v39 =	vor.u32 v21, v36;
	v40 =	vld.idx.msk [tilespmem:v58+s12+$0x0], $0xffff;
	v37 =	vand.u32 $0x7F, v37;
	v42 =	vor.u32 v28, v63  }
0x3c3: {  	s14 =	simm.s32 $0x9  }
0x3c4: {  	s15 =	simm.s32 $0xA;
	v41 =	vmov s12;
	s16 =	simm.s32 $0xC;
	s28 =	simm.s32 $0xD;
	v44 =	vmov s14  }
0x3c5: {  	s29 =	simm.s32 $0xF;
	v46 =	vmov s15;
	v47 =	vmov s16;
	v48 =	vmov s28  }
0x3c6: {  	s30 =	simm.s32 $0xE;
	s31 =	simm.s32 $0xB;
	v50 =	vmov s29;
	v51 =	vand.u32 $0x78, v41;
	v41 =	vshll.u32 v41, $0x3  }
0x3c7: {  	v53 =	vmov s30;
	v62 =	vmov s31;
	v49 =	vand.u32 $0x7C, v47  }
0x3c8: {  	v47 =	vshll.u32 v47, $0x3;
	v52 =	vshll.u32 v48, $0x3;
	v60 =	vshll.u32 v50, $0x3  }
0x3c9: {  	v50 =	vand.u32 $0x7F, v50;
	v48 =	vand.u32 $0x7D, v48;
	v41 =	vand.u32 $0x400, v41  }
0x3ca: {  	[tilespmem:v42+s10+$0x0] =	vst.idx.add.f32.msk $0xffff, v2;
	v63 =	vshll.u32 v44, $0x3;
	v54 =	vand.u32 $0x7B, v62;
	v42 =	vshll.u32 v62, $0x3  }
0x3cb: {  	v44 =	vand.u32 $0x79, v44;
	v47 =	vand.u32 $0x400, v47;
	v41 =	vor.u32 v41, v51  }
0x3cc: {  	v47 =	vor.u32 v47, v49;
	v49 =	vand.u32 $0x400, v60;
	v41 =	vor.u32 v21, v41  }
0x3cd: {  	v55 =	vshll.u32 v46, $0x3;
	v47 =	vor.u32 v21, v47;
	v49 =	vor.u32 v49, v50  }
0x3ce: {  	v45 =	vand.u32 $0x7F, v45;
	v61 =	vand.u32 $0x400, v52;
	v49 =	vor.u32 v21, v49  }
0x3cf: {  	v39 =	vld.idx.msk [tilespmem:v39+s12+$0x0], $0xffff;
	v56 =	vand.u32 $0x7A, v46;
	v48 =	vor.u32 v61, v48;
	v45 =	vor.u32 v28, v45  }
0x3d0: {  	v38 =	vld.idx.msk [tilespmem:v38+s12+$0x0], $0xffff;
	v42 =	vand.u32 $0x400, v42;
	v40 =	vand.u32 $0x7F, v40;
	v48 =	vor.u32 v21, v48  }
0x3d1: {  	v42 =	vor.u32 v42, v54;
	v40 =	vor.u32 v28, v40;
	v50 =	vand.u32 $0x400, v63;
	v46 =	vld.idx.msk [tilespmem:v41+s12+$0x0], $0xffff  }
0x3d2: {  	v43 =	vand.u32 $0x7F, v43;
	v51 =	vor.u32 v21, v42;
	v44 =	vor.u32 v50, v44;
	v47 =	vld.idx.msk [tilespmem:v47+s12+$0x0], $0xffff  }
0x3d3: {  	p2 =	por $0x1, $0x1;
	v59 =	vshll.u32 v53, $0x3;
	v57 =	vand.u32 $0x400, v55;
	v50 =	vor.u32 v21, v44;
	v49 =	vld.idx.msk [tilespmem:v49+s12+$0x0], $0xffff  }
.Ltmp35:
0x3d4: {  	v60 =	vand.u32 $0x7E, v53;
	v61 =	vand.u32 $0x400, v59;
	v39 =	vand.u32 $0x7F, v39;
	[tilespmem:v45+s10+$0x0] =	vst.idx.add.f32.msk $0xffff, v2;
	(pc) =	sbr.rel @!p2 .LBB2_51-.Ltmp35, $4  }
0x3d5: {  	v44 =	vor.u32 v28, v43;
	v41 =	vor.u32 v61, v60;
	v43 =	vld.idx.msk [tilespmem:v48+s12+$0x0], $0xffff;
	v48 =	vor.u32 v28, v39  }
0x3d6: {  	v58 =	vor.u32 v57, v56;
	v63 =	vand.u32 $0x7F, v38;
	[tilespmem:v40+s10+$0x0] =	vst.idx.add.f32.msk $0xffff, v2  }
0x3d7: {  	v39 =	vor.u32 v21, v58;
	v38 =	vor.u32 v21, v41;
	v45 =	vld.idx.msk [tilespmem:v51+s12+$0x0], $0xffff;
	v62 =	vand.u32 $0x7F, v47  }
0x3d8: {  	p0 =	por $0x1, $0x1;
	s16 =	simm.s32 $0x10;
	s14 =	simm.s32 $0x8;
	v40 =	vld.idx.msk [tilespmem:v50+s12+$0x0], $0xffff;
	v41 =	vmovc v28;
	v47 =	vor.u32 v28, v63;
	v42 =	vor.u32 v28, v62;
	v49 =	vand.u32 $0x7F, v49  }
.LBB2_52:
0x3d9: {  	s17 =	sadd.s32 $0x1, s16  }
0x3da: {  	s18 =	sadd.s32 $0x2, s16;
	v50 =	vmov s14;
	v46 =	vand.u32 $0x7F, v46;
	[tilespmem:v48+s10+$0x0] =	vst.idx.add.f32.msk $0xffff, v2;
	v48 =	vor.u32 v41, v37;
	v37 =	vmovc v49;
	s14 =	smov.u32 s16;
	s15 =	sadd.s32 $0x8, s16  }
0x3db: {  	v43 =	vand.u32 $0x7F, v43;
	v49 =	vmov s17;
	v51 =	vmov s18;
	s17 =	sadd.s32 $0x4, s14;
	s18 =	sadd.s32 $0x5, s14;
	s19 =	sadd.s32 $0x6, s14;
	[tilespmem:v44+s10+$0x0] =	vst.idx.add.f32.msk $0xffff, v2  }
0x3dc: {  	p2 =	slt.u32 s16, $0xC0;
	v46 =	vor.u32 v41, v46;
	v41 =	vmovc v28;
	v44 =	vmov s17;
	v52 =	vmov s18;
	s17 =	sadd.s32 $0x7, s14  }
0x3dd: {  	v55 =	vand.u32 $0x78, v50;
	v53 =	vand.u32 $0x7C, v44;
	v54 =	vmov s17;
	[tilespmem:v42+s10+$0x0] =	vst.idx.add.f32.msk $0xffff, v2  }
0x3de: {  	v50 =	vshll.u32 v50, $0x3;
	v42 =	vshll.u32 v44, $0x3;
	v44 =	vshll.u32 v52, $0x3;
	[tilespmem:v47+s10+$0x0] =	vst.idx.add.f32.msk $0xffff, v2  }
0x3df: {  	v47 =	vmov s19;
	v56 =	vshll.u32 v54, $0x3;
	v45 =	vand.u32 $0x7F, v45;
	[tilespmem:v48+s10+$0x0] =	vst.idx.add.f32.msk $0xffff, v2  }
0x3e0: {  	v50 =	vand.u32 $0x400, v50;
	v42 =	vand.u32 $0x400, v42;
	v48 =	vand.u32 $0x7D, v52  }
0x3e1: {  	v42 =	vor.u32 v42, v53;
	v52 =	vand.u32 $0x7F, v54;
	v53 =	vand.u32 $0x400, v56;
	[tilespmem:v46+s10+$0x0] =	vst.idx.add.f32.msk $0xffff, v2  }
0x3e2: {  	v40 =	vand.u32 $0x7F, v40;
	v42 =	vor.u32 v21, v42;
	v46 =	vor.u32 v53, v52  }
0x3e3: {  	s16 =	sadd.s32 $0x3, s14;
	v50 =	vor.u32 v50, v55;
	v40 =	vor.u32 v41, v40;
	v46 =	vor.u32 v21, v46  }
0x3e4: {  	v52 =	vmov s16;
	v53 =	vand.u32 $0x400, v44;
	v44 =	vor.u32 v41, v43;
	v39 =	vld.idx.msk [tilespmem:v39+s12+$0x0], $0xffff  }
0x3e5: {  	v50 =	vor.u32 v21, v50;
	v43 =	vshll.u32 v49, $0x3;
	v48 =	vor.u32 v53, v48  }
0x3e6: {  	v53 =	vand.u32 $0x7B, v52;
	v52 =	vshll.u32 v52, $0x3;
	v48 =	vor.u32 v21, v48  }
0x3e7: {  	v49 =	vand.u32 $0x79, v49;
	v43 =	vand.u32 $0x400, v43;
	v52 =	vand.u32 $0x400, v52;
	v42 =	vld.idx.msk [tilespmem:v42+s12+$0x0], $0xffff  }
0x3e8: {  	v45 =	vor.u32 v41, v45;
	v43 =	vor.u32 v43, v49;
	v49 =	vor.u32 v52, v53;
	v52 =	vld.idx.msk [tilespmem:v38+s12+$0x0], $0xffff  }
0x3e9: {  	v49 =	vor.u32 v21, v49;
	v38 =	vor.u32 v21, v43;
	v43 =	vshll.u32 v51, $0x3;
	v53 =	vld.idx.msk [tilespmem:v46+s12+$0x0], $0xffff  }
0x3ea: {  	v51 =	vand.u32 $0x7A, v51;
	v43 =	vand.u32 $0x400, v43;
	v39 =	vand.u32 $0x7F, v39;
	v46 =	vld.idx.msk [tilespmem:v50+s12+$0x0], $0xffff  }
.Ltmp36:
0x3eb: {  	v50 =	vor.u32 v43, v51;
	v51 =	vshll.u32 v47, $0x3;
	v43 =	vld.idx.msk [tilespmem:v48+s12+$0x0], $0xffff;
	v48 =	vor.u32 v41, v39;
	(pc) =	sbr.rel @p2 .LBB2_52-.Ltmp36, $4  }
0x3ec: {  	v47 =	vand.u32 $0x7E, v47;
	v39 =	vor.u32 v21, v50;
	v50 =	vand.u32 $0x400, v51;
	[tilespmem:v40+s10+$0x0] =	vst.idx.add.f32.msk $0xffff, v2  }
0x3ed: {  	v42 =	vand.u32 $0x7F, v42;
	v47 =	vor.u32 v50, v47;
	[tilespmem:v45+s10+$0x0] =	vst.idx.add.f32.msk $0xffff, v2  }
0x3ee: {  	v42 =	vor.u32 v28, v42;
	v40 =	vld.idx.msk [tilespmem:v38+s12+$0x0], $0xffff;
	v38 =	vor.u32 v21, v47;
	v47 =	vand.u32 $0x7F, v52  }
0x3ef: {  	s16 =	smov.u32 s15;
	v45 =	vld.idx.msk [tilespmem:v49+s12+$0x0], $0xffff;
	v49 =	vand.u32 $0x7F, v53;
	v47 =	vor.u32 v41, v47  }
.LBB2_53:
0x3f0: {  	v50 =	vmov s14  }
0x3f1: {  	v51 =	vshll.u32 v50, $0x3  }
0x3f2: {  	v50 =	vand.u32 $0x78, v50;
	v51 =	vand.u32 $0x400, v51  }
0x3f3: {  	v50 =	vor.u32 v51, v50  }
0x3f4: {  	v50 =	vor.u32 v21, v50  }
0x3f5: {  	v39 =	vld.idx.msk [tilespmem:v39+s12+$0x0], $0xffff  }
0x3f6: {  	[tilespmem:v48+s10+$0x0] =	vst.idx.add.f32.msk @p0 $0xffff, v2  }
0x3f7: {  	v37 =	vor.u32 @p0 v41, v37;
	v38 =	vld.idx.msk [tilespmem:v38+s12+$0x0], $0xffff  }
0x3f8: {  	v46 =	vand.u32 @p0 $0x7F, v46;
	[tilespmem:v44+s10+$0x0] =	vst.idx.add.f32.msk @p0 $0xffff, v2;
	v60 =	vor.u32 v28, v49  }
0x3f9: {  	v43 =	vand.u32 $0x7F, v43;
	v41 =	vor.u32 @p0 v41, v46;
	v55 =	vld.idx.msk [tilespmem:v50+s12+$0x0], $0xffff  }
0x3fa: {  	[tilespmem:v42+s10+$0x0] =	vst.idx.add.f32.msk $0xffff, v2;
	v57 =	vor.u32 v28, v43;
	v40 =	vand.u32 $0x7F, v40  }
0x3fb: {  	[tilespmem:v47+s10+$0x0] =	vst.idx.add.f32.msk @p0 $0xffff, v2;
	v54 =	vand.u32 $0x7F, v45;
	v40 =	vor.u32 v28, v40  }
0x3fc: {  	v56 =	vor.u32 v28, v54;
	v39 =	vand.u32 $0x7F, v39;
	[tilespmem:v37+s10+$0x0] =	vst.idx.add.f32.msk @p0 $0xffff, v2  }
0x3fd: {  	v38 =	vand.u32 $0x7F, v38;
	[tilespmem:v60+s10+$0x0] =	vst.idx.add.f32.msk $0xffff, v2;
	v39 =	vor.u32 v28, v39  }
0x3fe: {  	[tilespmem:v41+s10+$0x0] =	vst.idx.add.f32.msk @p0 $0xffff, v2;
	v58 =	vor.u32 v28, v38;
	v59 =	vand.u32 $0x7F, v55  }
0x3ff: {  	[tilespmem:v57+s10+$0x0] =	vst.idx.add.f32.msk $0xffff, v2;
	v61 =	vor.u32 v28, v59  }
.Ltmp37:
0x400: {  	s29 =	simm.s32 $0x3;
	s30 =	simm.s32 $0x4;
	[tilespmem:v40+s10+$0x0] =	vst.idx.add.f32.msk $0xffff, v2;
	(pc) =	sbr.rel @!p1 .LBB2_54-.Ltmp37, $4  }
0x401: {  	v62 =	vmov s12;
	s15 =	simm.s32 $0x5;
	v63 =	vmov s29;
	v44 =	vmov s30;
	[tilespmem:v56+s10+$0x0] =	vst.idx.add.f32.msk $0xffff, v2  }
0x402: {  	s31 =	simm.s32 $0x6;
	v43 =	vmov s15;
	v42 =	vand.u32 $0x7B, v63;
	v49 =	vshll.u32 v63, $0x3;
	[tilespmem:v39+s10+$0x0] =	vst.idx.add.f32.msk $0xffff, v2  }
0x403: {  	v45 =	vmov s31;
	v37 =	vand.u32 $0x78, v62;
	v38 =	vshll.u32 v62, $0x3;
	[tilespmem:v58+s10+$0x0] =	vst.idx.add.f32.msk $0xffff, v2  }
0x404: {  	s14 =	simm.s32 $0x7;
	v41 =	vand.u32 $0x7C, v44;
	p0 =	por $0x0, $0x0;
	v40 =	vand.u32 $0x7D, v43;
	v39 =	vand.u32 $0x7E, v45;
	[tilespmem:v61+s10+$0x0] =	vst.idx.add.f32.msk $0xffff, v2  }
0x405: {  	v31 =	vmov s14  }
0x406: {  	v32 =	vshll.u32 v31, $0x3  }
0x407: {  	v31 =	vand.u32 $0x7F, v31;
	v32 =	vand.u32 $0x400, v32  }
0x408: {  	v33 =	vshll.u32 v44, $0x3;
	v34 =	vshll.u32 v43, $0x3;
	v31 =	vor.u32 v32, v31  }
0x409: {  	v58 =	vshll.u32 v45, $0x3;
	v35 =	vor.u32 v22, v35;
	v31 =	vor.u32 v22, v31  }
0x40a: {  	v59 =	vand.u32 $0x400, v49;
	v36 =	vor.u32 v22, v36;
	v38 =	vand.u32 $0x400, v38  }
0x40b: {  	v33 =	vand.u32 $0x400, v33;
	v42 =	vor.u32 v59, v42;
	v34 =	vand.u32 $0x400, v34  }
0x40c: {  	v38 =	vor.u32 v38, v37;
	v33 =	vor.u32 v33, v41;
	v60 =	vor.u32 v22, v42  }
0x40d: {  	s12 =	simm.s32 $0x0;
	s26 =	simm.s32 $0x9;
	v34 =	vor.u32 v34, v40;
	v33 =	vor.u32 v22, v33;
	v32 =	vand.u32 $0x400, v58  }
0x40e: {  	s28 =	simm.s32 $0xA;
	s29 =	simm.s32 $0xB;
	v48 =	vmov s26;
	v34 =	vor.u32 v22, v34;
	v32 =	vor.u32 v32, v39;
	v61 =	vld.idx.msk [tilespmem:v31+s12+$0x0], $0xffff  }
0x40f: {  	s30 =	simm.s32 $0xC;
	s15 =	simm.s32 $0xD;
	v63 =	vmov s28;
	v53 =	vmov s29;
	v62 =	vld.idx.msk [tilespmem:v35+s12+$0x0], $0xffff;
	v46 =	vor.u32 v22, v32  }
0x410: {  	s31 =	simm.s32 $0xE;
	v44 =	vmov s30;
	v43 =	vmov s15;
	v47 =	vor.u32 v22, v38;
	v36 =	vld.idx.msk [tilespmem:v36+s12+$0x0], $0xffff  }
0x411: {  	v45 =	vmov s31;
	v42 =	vand.u32 $0x7B, v53;
	v41 =	vand.u32 $0x7C, v44;
	v52 =	vld.idx.msk [tilespmem:v60+s12+$0x0], $0xffff  }
0x412: {  	v40 =	vand.u32 $0x7D, v43;
	v49 =	vshll.u32 v53, $0x3;
	v39 =	vand.u32 $0x7E, v45;
	v54 =	vld.idx.msk [tilespmem:v33+s12+$0x0], $0xffff  }
0x413: {  	v32 =	vand.u32 $0x7A, v63;
	v35 =	vor.u32 $0x7000, v1;
	v55 =	vld.idx.msk [tilespmem:v34+s12+$0x0], $0xffff;
	v50 =	vand.u32 $0x7F, v61  }
0x414: {  	p2 =	por $0x1, $0x1;
	v33 =	vshll.u32 v48, $0x3;
	v56 =	vld.idx.msk [tilespmem:v46+s12+$0x0], $0xffff;
	v51 =	vand.u32 $0x7F, v62;
	v57 =	vor.u32 v35, v50  }
.Ltmp38:
0x415: {  	v47 =	vld.idx.msk [tilespmem:v47+s12+$0x0], $0xffff;
	v34 =	vshll.u32 v63, $0x3;
	v60 =	vand.u32 $0x7F, v36;
	v50 =	vor.u32 v35, v51;
	(pc) =	sbr.rel @!p2 .LBB2_57-.Ltmp38, $4  }
0x416: {  	v31 =	vmov s13;
	v61 =	vand.u32 $0x7F, v52;
	v51 =	vor.u32 v35, v60  }
0x417: {  	v37 =	vand.u32 $0x78, v31;
	v62 =	vand.u32 $0x7F, v54;
	v36 =	vor.u32 v35, v61  }
0x418: {  	v38 =	vshll.u32 v31, $0x3;
	v63 =	vand.u32 $0x7F, v55;
	v46 =	vor.u32 v35, v62  }
0x419: {  	s14 =	simm.s32 $0xF;
	p1 =	por $0x1, $0x1;
	s13 =	simm.s32 $0x10;
	v31 =	vand.u32 $0x79, v48;
	v48 =	vor.u32 v35, v63;
	v52 =	vand.u32 $0x7F, v56;
	[tilespmem:v57+s10+$0x0] =	vst.idx.add.f32.msk $0xffff, v2  }
.LBB2_56:
0x41a: {  	p2 =	slt.u32 s13, $0xC0;
	v53 =	vmov s14;
	v47 =	vand.u32 $0x7F, v47;
	[tilespmem:v50+s10+$0x0] =	vst.idx.add.f32.msk $0xffff, v2;
	v50 =	vor.u32 v35, v52  }
0x41b: {  	v44 =	vshll.u32 v44, $0x3;
	v52 =	vshll.u32 v53, $0x3;
	v47 =	vor.u32 v35, v47;
	[tilespmem:v51+s10+$0x0] =	vst.idx.add.f32.msk $0xffff, v2  }
0x41c: {  	v43 =	vshll.u32 v43, $0x3;
	v51 =	vand.u32 $0x7F, v53;
	v52 =	vand.u32 $0x400, v52;
	[tilespmem:v36+s10+$0x0] =	vst.idx.add.f32.msk $0xffff, v2  }
0x41d: {  	v33 =	vand.u32 $0x400, v33;
	v36 =	vshll.u32 v45, $0x3;
	v45 =	vor.u32 v52, v51;
	[tilespmem:v46+s10+$0x0] =	vst.idx.add.f32.msk $0xffff, v2  }
0x41e: {  	v31 =	vor.u32 v33, v31;
	v33 =	vand.u32 $0x400, v34;
	v34 =	vor.u32 v22, v45;
	[tilespmem:v48+s10+$0x0] =	vst.idx.add.f32.msk $0xffff, v2  }
0x41f: {  	v31 =	vor.u32 v22, v31;
	v32 =	vor.u32 v33, v32;
	v33 =	vand.u32 $0x400, v49;
	[tilespmem:v50+s10+$0x0] =	vst.idx.add.f32.msk $0xffff, v2  }
0x420: {  	v32 =	vor.u32 v22, v32;
	v33 =	vor.u32 v33, v42;
	v42 =	vand.u32 $0x400, v44;
	[tilespmem:v47+s10+$0x0] =	vst.idx.add.f32.msk $0xffff, v2  }
0x421: {  	v33 =	vor.u32 v22, v33;
	v41 =	vor.u32 v42, v41;
	v42 =	vand.u32 $0x400, v43  }
0x422: {  	v36 =	vand.u32 $0x400, v36;
	v41 =	vor.u32 v22, v41;
	v40 =	vor.u32 v42, v40  }
0x423: {  	v38 =	vand.u32 $0x400, v38;
	v36 =	vor.u32 v36, v39;
	v40 =	vor.u32 v22, v40;
	v34 =	vld.idx.msk [tilespmem:v34+s12+$0x0], $0xffff  }
0x424: {  	v38 =	vor.u32 v38, v37;
	v39 =	vmov s13;
	v36 =	vor.u32 v22, v36;
	v46 =	vld.idx.msk [tilespmem:v31+s12+$0x0], $0xffff  }
0x425: {  	s14 =	sadd.s32 $0x1, s13;
	s15 =	sadd.s32 $0x2, s13;
	v37 =	vand.u32 $0x78, v39;
	v47 =	vor.u32 v22, v38;
	v48 =	vld.idx.msk [tilespmem:v32+s12+$0x0], $0xffff  }
0x426: {  	s16 =	sadd.s32 $0x5, s13;
	v49 =	vmov s14;
	s14 =	sadd.s32 $0x3, s13;
	v52 =	vmov s15;
	s15 =	sadd.s32 $0x4, s13;
	v38 =	vshll.u32 v39, $0x3;
	v33 =	vld.idx.msk [tilespmem:v33+s12+$0x0], $0xffff  }
0x427: {  	v53 =	vmov s14;
	s14 =	sadd.s32 $0x6, s13;
	v44 =	vmov s15;
	v43 =	vmov s16;
	v54 =	vld.idx.msk [tilespmem:v41+s12+$0x0], $0xffff  }
0x428: {  	v45 =	vmov s14;
	v31 =	vand.u32 $0x79, v49;
	v32 =	vand.u32 $0x7A, v52;
	v55 =	vld.idx.msk [tilespmem:v40+s12+$0x0], $0xffff  }
0x429: {  	v42 =	vand.u32 $0x7B, v53;
	v34 =	vand.u32 $0x7F, v34;
	v56 =	vld.idx.msk [tilespmem:v36+s12+$0x0], $0xffff  }
0x42a: {  	v41 =	vand.u32 $0x7C, v44;
	v36 =	vand.u32 $0x7F, v46;
	v57 =	vor.u32 v35, v34;
	v47 =	vld.idx.msk [tilespmem:v47+s12+$0x0], $0xffff  }
.Ltmp39:
0x42b: {  	v40 =	vand.u32 $0x7D, v43;
	v50 =	vor.u32 v35, v36;
	v34 =	vand.u32 $0x7F, v48;
	(pc) =	sbr.rel @p2 .LBB2_56-.Ltmp39, $4  }
0x42c: {  	v39 =	vand.u32 $0x7E, v45;
	v51 =	vor.u32 v35, v34;
	v34 =	vand.u32 $0x7F, v33  }
0x42d: {  	v33 =	vshll.u32 v49, $0x3;
	v36 =	vor.u32 v35, v34;
	v46 =	vand.u32 $0x7F, v54  }
0x42e: {  	v34 =	vshll.u32 v52, $0x3;
	v46 =	vor.u32 v35, v46;
	v48 =	vand.u32 $0x7F, v55  }
0x42f: {  	s14 =	sadd.s32 $0x7, s13;
	s13 =	sadd.s32 $0x8, s13;
	v49 =	vshll.u32 v53, $0x3;
	v48 =	vor.u32 v35, v48;
	v52 =	vand.u32 $0x7F, v56;
	[tilespmem:v57+s10+$0x0] =	vst.idx.add.f32.msk $0xffff, v2  }
.LBB2_57:
0x430: {  	v53 =	vmov s14;
	v44 =	vshll.u32 v44, $0x3;
	v43 =	vshll.u32 v43, $0x3  }
0x431: {  	v33 =	vand.u32 $0x400, v33;
	v45 =	vshll.u32 v45, $0x3;
	v62 =	vand.u32 $0x400, v34  }
0x432: {  	v49 =	vand.u32 $0x400, v49;
	v54 =	vshll.u32 v53, $0x3;
	v31 =	vor.u32 v33, v31  }
0x433: {  	v53 =	vand.u32 $0x7F, v53;
	v32 =	vor.u32 v62, v32;
	v31 =	vor.u32 v22, v31  }
0x434: {  	v33 =	vor.u32 v49, v42;
	v54 =	vand.u32 $0x400, v54;
	v32 =	vor.u32 v22, v32  }
0x435: {  	[tilespmem:v50+s10+$0x0] =	vst.idx.add.f32.msk @p1 $0xffff, v2;
	v38 =	vand.u32 $0x400, v38;
	v33 =	vor.u32 v22, v33;
	v53 =	vor.u32 v54, v53  }
0x436: {  	[tilespmem:v51+s10+$0x0] =	vst.idx.add.f32.msk @p1 $0xffff, v2;
	v55 =	vand.u32 $0x400, v45;
	v37 =	vor.u32 v38, v37;
	v63 =	vor.u32 v22, v53  }
0x437: {  	s12 =	simm.s32 $0x0;
	[tilespmem:v48+s10+$0x0] =	vst.idx.add.f32.msk @p1 $0xffff, v2;
	v39 =	vor.u32 v55, v39;
	v37 =	vor.u32 v22, v37;
	v54 =	vand.u32 $0x400, v43  }
0x438: {  	v56 =	vor.u32 v22, v39;
	v53 =	vand.u32 $0x400, v44;
	v40 =	vor.u32 v54, v40;
	v31 =	vld.idx.msk [tilespmem:v31+s12+$0x0], $0xffff  }
0x439: {  	v41 =	vor.u32 v53, v41;
	v40 =	vor.u32 v22, v40;
	v57 =	vld.idx.msk [tilespmem:v32+s12+$0x0], $0xffff  }
0x43a: {  	v41 =	vor.u32 v22, v41;
	v33 =	vld.idx.msk [tilespmem:v33+s12+$0x0], $0xffff  }
0x43b: {  	s15 =	simm.s32 $0x1;
	v34 =	vld.idx.msk [tilespmem:v63+s12+$0x0], $0xffff  }
0x43c: {  	s13 =	simm.s32 $0x4;
	s28 =	simm.s32 $0x5;
	v42 =	vor.u32 @p1 v35, v52;
	v60 =	vmov s15;
	v37 =	vld.idx.msk [tilespmem:v37+s12+$0x0], $0xffff  }
0x43d: {  	v61 =	vmov s13;
	v62 =	vmov s28;
	v32 =	vand.u32 @p1 $0x7F, v47;
	v38 =	vld.idx.msk [tilespmem:v56+s12+$0x0], $0xffff  }
0x43e: {  	s29 =	simm.s32 $0x7;
	v35 =	vor.u32 @p1 v35, v32;
	v32 =	vor.u32 $0x7000, v1;
	v40 =	vld.idx.msk [tilespmem:v40+s12+$0x0], $0xffff;
	v31 =	vand.u32 $0x7F, v31  }
0x43f: {  	v48 =	vmov s29;
	v41 =	vld.idx.msk [tilespmem:v41+s12+$0x0], $0xffff;
	v58 =	vand.u32 $0x7F, v57;
	v31 =	vor.u32 v32, v31  }
0x440: {  	[tilespmem:v36+s10+$0x0] =	vst.idx.add.f32.msk @p1 $0xffff, v2;
	v49 =	vshll.u32 v48, $0x3;
	v36 =	vor.u32 v32, v58;
	v34 =	vand.u32 $0x7F, v34  }
0x441: {  	[tilespmem:v46+s10+$0x0] =	vst.idx.add.f32.msk @p1 $0xffff, v2;
	v50 =	vand.u32 $0x7F, v48;
	v33 =	vand.u32 $0x7F, v33;
	v34 =	vor.u32 v32, v34  }
0x442: {  	[tilespmem:v42+s10+$0x0] =	vst.idx.add.f32.msk @p1 $0xffff, v2;
	v37 =	vand.u32 $0x7F, v37;
	v33 =	vor.u32 v32, v33;
	v38 =	vand.u32 $0x7F, v38  }
0x443: {  	v52 =	vand.u32 $0x7D, v62;
	v37 =	vor.u32 v32, v37;
	[tilespmem:v35+s10+$0x0] =	vst.idx.add.f32.msk @p1 $0xffff, v2;
	v38 =	vor.u32 v32, v38  }
0x444: {  	v40 =	vand.u32 $0x7F, v40;
	v59 =	vand.u32 $0x7F, v41;
	v41 =	vshll.u32 v61, $0x3;
	[tilespmem:v31+s10+$0x0] =	vst.idx.add.f32.msk $0xffff, v2  }
0x445: {  	v63 =	vand.u32 $0x7C, v61;
	v40 =	vor.u32 v32, v40;
	v41 =	vand.u32 $0x400, v41;
	[tilespmem:v36+s10+$0x0] =	vst.idx.add.f32.msk $0xffff, v2  }
0x446: {  	s30 =	simm.s32 $0x3;
	v51 =	vand.u32 $0x400, v49;
	v39 =	vor.u32 v32, v59;
	[tilespmem:v34+s10+$0x0] =	vst.idx.add.f32.msk $0xffff, v2;
	v34 =	vor.u32 v41, v63  }
0x447: {  	v53 =	vmov s30;
	[tilespmem:v33+s10+$0x0] =	vst.idx.add.f32.msk $0xffff, v2;
	v36 =	vor.u32 v51, v50;
	v34 =	vor.u32 v23, v34  }
0x448: {  	v54 =	vshll.u32 v60, $0x3;
	v55 =	vand.u32 $0x7B, v53;
	[tilespmem:v37+s10+$0x0] =	vst.idx.add.f32.msk $0xffff, v2;
	v36 =	vor.u32 v23, v36  }
0x449: {  	v57 =	vand.u32 $0x400, v54;
	v35 =	vand.u32 $0x79, v60;
	v31 =	vshll.u32 v62, $0x3;
	[tilespmem:v38+s10+$0x0] =	vst.idx.add.f32.msk $0xffff, v2  }
0x44a: {  	v56 =	vshll.u32 v53, $0x3;
	v35 =	vor.u32 v57, v35;
	v31 =	vand.u32 $0x400, v31;
	[tilespmem:v40+s10+$0x0] =	vst.idx.add.f32.msk $0xffff, v2  }
0x44b: {  	s13 =	simm.s32 $0x2;
	v58 =	vand.u32 $0x400, v56;
	v35 =	vor.u32 v23, v35;
	v31 =	vor.u32 v31, v52;
	[tilespmem:v39+s10+$0x0] =	vst.idx.add.f32.msk $0xffff, v2  }
0x44c: {  	s31 =	simm.s32 $0x6;
	v33 =	vmov s13;
	v37 =	vor.u32 v58, v55;
	v31 =	vor.u32 v23, v31;
	v34 =	vld.idx.msk [tilespmem:v34+s1+$0x0], $0xffff  }
0x44d: {  	p1 =	por $0x1, $0x1;
	v61 =	vmov s31;
	v59 =	vshll.u32 v33, $0x3;
	v41 =	vor.u32 v23, v37;
	v60 =	vld.idx.msk [tilespmem:v36+s1+$0x0], $0xffff  }
.Ltmp40:
0x44e: {  	v62 =	vand.u32 $0x7A, v33;
	v38 =	vand.u32 $0x400, v59;
	v63 =	vshll.u32 v61, $0x3;
	(pc) =	sbr.rel @!p1 .LBB2_58-.Ltmp40, $4  }
0x44f: {  	v37 =	vand.u32 $0x7E, v61;
	v36 =	vor.u32 v38, v62;
	v38 =	vand.u32 $0x400, v63  }
0x450: {  	v38 =	vor.u32 v38, v37;
	v37 =	vld.idx.msk [tilespmem:v35+s1+$0x0], $0xffff  }
0x451: {  	v36 =	vor.u32 v23, v36;
	v40 =	vld.idx.msk [tilespmem:v31+s1+$0x0], $0xffff;
	v31 =	vor.u32 $0x7800, v1;
	v34 =	vand.u32 $0x7F, v34  }
0x452: {  	s14 =	simm.s32 $0x8;
	v42 =	vld.idx.msk [tilespmem:v41+s1+$0x0], $0xffff;
	v35 =	vor.u32 v23, v38;
	v39 =	vor.u32 v31, v34;
	v34 =	vand.u32 $0x7F, v60  }
0x453: {  	s16 =	simm.s32 $0x9  }
0x454: {  	s17 =	simm.s32 $0xA;
	v38 =	vmov s12;
	s18 =	simm.s32 $0xC;
	s28 =	simm.s32 $0xD;
	v41 =	vmov s16  }
0x455: {  	s29 =	simm.s32 $0xF;
	v43 =	vmov s17;
	v44 =	vmov s18;
	v45 =	vmov s28  }
0x456: {  	s30 =	simm.s32 $0xE;
	s31 =	simm.s32 $0xB;
	v47 =	vmov s29;
	v48 =	vand.u32 $0x78, v38;
	v38 =	vshll.u32 v38, $0x3  }
0x457: {  	v50 =	vmov s30;
	v52 =	vmov s31;
	v46 =	vand.u32 $0x7C, v44  }
0x458: {  	v44 =	vshll.u32 v44, $0x3;
	v49 =	vshll.u32 v45, $0x3;
	v63 =	vshll.u32 v47, $0x3  }
0x459: {  	v47 =	vand.u32 $0x7F, v47;
	v45 =	vand.u32 $0x7D, v45;
	v38 =	vand.u32 $0x400, v38  }
0x45a: {  	v37 =	vand.u32 $0x7F, v37;
	v53 =	vshll.u32 v41, $0x3;
	v54 =	vand.u32 $0x7B, v52  }
0x45b: {  	[tilespmem:v39+s10+$0x0] =	vst.idx.add.f32.msk $0xffff, v2;
	v39 =	vshll.u32 v52, $0x3;
	v41 =	vand.u32 $0x79, v41;
	v44 =	vand.u32 $0x400, v44  }
0x45c: {  	v37 =	vor.u32 v31, v37;
	v44 =	vor.u32 v44, v46;
	v46 =	vand.u32 $0x400, v63  }
0x45d: {  	v55 =	vshll.u32 v43, $0x3;
	v44 =	vor.u32 v23, v44;
	v46 =	vor.u32 v46, v47  }
0x45e: {  	v38 =	vor.u32 v38, v48;
	v51 =	vand.u32 $0x400, v49;
	v46 =	vor.u32 v23, v46  }
0x45f: {  	v36 =	vld.idx.msk [tilespmem:v36+s1+$0x0], $0xffff;
	v56 =	vand.u32 $0x7A, v43;
	v45 =	vor.u32 v51, v45;
	v38 =	vor.u32 v23, v38  }
0x460: {  	v35 =	vld.idx.msk [tilespmem:v35+s1+$0x0], $0xffff;
	v39 =	vand.u32 $0x400, v39;
	v42 =	vand.u32 $0x7F, v42;
	v45 =	vor.u32 v23, v45  }
0x461: {  	v39 =	vor.u32 v39, v54;
	v47 =	vand.u32 $0x400, v53;
	v42 =	vor.u32 v31, v42;
	[tilespmem:v37+s10+$0x0] =	vst.idx.add.f32.msk $0xffff, v2  }
0x462: {  	v59 =	vshll.u32 v50, $0x3;
	v48 =	vor.u32 v23, v39;
	v41 =	vor.u32 v47, v41;
	v44 =	vld.idx.msk [tilespmem:v44+s1+$0x0], $0xffff  }
0x463: {  	p1 =	por $0x1, $0x1;
	v60 =	vand.u32 $0x7E, v50;
	v40 =	vand.u32 $0x7F, v40;
	v47 =	vor.u32 v23, v41;
	v46 =	vld.idx.msk [tilespmem:v46+s1+$0x0], $0xffff  }
.Ltmp41:
0x464: {  	v57 =	vand.u32 $0x400, v55;
	v61 =	vand.u32 $0x400, v59;
	v36 =	vand.u32 $0x7F, v36;
	v43 =	vld.idx.msk [tilespmem:v38+s1+$0x0], $0xffff;
	(pc) =	sbr.rel @!p1 .LBB2_60-.Ltmp41, $4  }
0x465: {  	v41 =	vor.u32 v31, v40;
	v38 =	vor.u32 v61, v60;
	v40 =	vld.idx.msk [tilespmem:v45+s1+$0x0], $0xffff;
	v45 =	vor.u32 v31, v36  }
0x466: {  	v58 =	vor.u32 v57, v56;
	v63 =	vand.u32 $0x7F, v35;
	[tilespmem:v42+s10+$0x0] =	vst.idx.add.f32.msk $0xffff, v2  }
0x467: {  	v36 =	vor.u32 v23, v58;
	v35 =	vor.u32 v23, v38;
	v42 =	vld.idx.msk [tilespmem:v48+s1+$0x0], $0xffff;
	v62 =	vand.u32 $0x7F, v44  }
0x468: {  	p0 =	por $0x1, $0x1;
	s18 =	simm.s32 $0x10;
	s16 =	simm.s32 $0x8;
	v37 =	vld.idx.msk [tilespmem:v47+s1+$0x0], $0xffff;
	v38 =	vmovc v31;
	v44 =	vor.u32 v31, v63;
	v39 =	vor.u32 v31, v62;
	v46 =	vand.u32 $0x7F, v46  }
.LBB2_61:
0x469: {  	s19 =	sadd.s32 $0x1, s18  }
0x46a: {  	s20 =	sadd.s32 $0x2, s18;
	v47 =	vmov s16;
	v43 =	vand.u32 $0x7F, v43;
	[tilespmem:v45+s10+$0x0] =	vst.idx.add.f32.msk $0xffff, v2;
	v45 =	vor.u32 v38, v34;
	v34 =	vmovc v46;
	s16 =	smov.u32 s18;
	s17 =	sadd.s32 $0x8, s18  }
0x46b: {  	v40 =	vand.u32 $0x7F, v40;
	v46 =	vmov s19;
	v48 =	vmov s20;
	s19 =	sadd.s32 $0x4, s16;
	s20 =	sadd.s32 $0x5, s16;
	s21 =	sadd.s32 $0x6, s16;
	[tilespmem:v41+s10+$0x0] =	vst.idx.add.f32.msk $0xffff, v2  }
0x46c: {  	p1 =	slt.u32 s18, $0xC0;
	v43 =	vor.u32 v38, v43;
	v38 =	vmovc v31;
	v41 =	vmov s19;
	v49 =	vmov s20;
	s19 =	sadd.s32 $0x7, s16  }
0x46d: {  	v52 =	vand.u32 $0x78, v47;
	v50 =	vand.u32 $0x7C, v41;
	v51 =	vmov s19;
	[tilespmem:v39+s10+$0x0] =	vst.idx.add.f32.msk $0xffff, v2  }
0x46e: {  	v47 =	vshll.u32 v47, $0x3;
	v39 =	vshll.u32 v41, $0x3;
	v41 =	vshll.u32 v49, $0x3;
	[tilespmem:v44+s10+$0x0] =	vst.idx.add.f32.msk $0xffff, v2  }
0x46f: {  	v44 =	vmov s21;
	v53 =	vshll.u32 v51, $0x3;
	v42 =	vand.u32 $0x7F, v42;
	[tilespmem:v45+s10+$0x0] =	vst.idx.add.f32.msk $0xffff, v2  }
0x470: {  	v47 =	vand.u32 $0x400, v47;
	v39 =	vand.u32 $0x400, v39;
	v45 =	vand.u32 $0x7D, v49  }
0x471: {  	v39 =	vor.u32 v39, v50;
	v49 =	vand.u32 $0x7F, v51;
	v50 =	vand.u32 $0x400, v53;
	[tilespmem:v43+s10+$0x0] =	vst.idx.add.f32.msk $0xffff, v2  }
0x472: {  	v37 =	vand.u32 $0x7F, v37;
	v39 =	vor.u32 v23, v39;
	v43 =	vor.u32 v50, v49  }
0x473: {  	s18 =	sadd.s32 $0x3, s16;
	v47 =	vor.u32 v47, v52;
	v37 =	vor.u32 v38, v37;
	v43 =	vor.u32 v23, v43  }
0x474: {  	v49 =	vmov s18;
	v50 =	vand.u32 $0x400, v41;
	v41 =	vor.u32 v38, v40;
	v36 =	vld.idx.msk [tilespmem:v36+s1+$0x0], $0xffff  }
0x475: {  	v47 =	vor.u32 v23, v47;
	v40 =	vshll.u32 v46, $0x3;
	v45 =	vor.u32 v50, v45  }
0x476: {  	v50 =	vand.u32 $0x7B, v49;
	v49 =	vshll.u32 v49, $0x3;
	v45 =	vor.u32 v23, v45  }
0x477: {  	v46 =	vand.u32 $0x79, v46;
	v40 =	vand.u32 $0x400, v40;
	v49 =	vand.u32 $0x400, v49;
	v39 =	vld.idx.msk [tilespmem:v39+s1+$0x0], $0xffff  }
0x478: {  	v42 =	vor.u32 v38, v42;
	v40 =	vor.u32 v40, v46;
	v46 =	vor.u32 v49, v50;
	v49 =	vld.idx.msk [tilespmem:v35+s1+$0x0], $0xffff  }
0x479: {  	v46 =	vor.u32 v23, v46;
	v35 =	vor.u32 v23, v40;
	v40 =	vshll.u32 v48, $0x3;
	v50 =	vld.idx.msk [tilespmem:v43+s1+$0x0], $0xffff  }
0x47a: {  	v48 =	vand.u32 $0x7A, v48;
	v40 =	vand.u32 $0x400, v40;
	v36 =	vand.u32 $0x7F, v36;
	v43 =	vld.idx.msk [tilespmem:v47+s1+$0x0], $0xffff  }
.Ltmp42:
0x47b: {  	v47 =	vor.u32 v40, v48;
	v48 =	vshll.u32 v44, $0x3;
	v40 =	vld.idx.msk [tilespmem:v45+s1+$0x0], $0xffff;
	v45 =	vor.u32 v38, v36;
	(pc) =	sbr.rel @p1 .LBB2_61-.Ltmp42, $4  }
0x47c: {  	v44 =	vand.u32 $0x7E, v44;
	v36 =	vor.u32 v23, v47;
	v47 =	vand.u32 $0x400, v48;
	[tilespmem:v37+s10+$0x0] =	vst.idx.add.f32.msk $0xffff, v2  }
0x47d: {  	v39 =	vand.u32 $0x7F, v39;
	v44 =	vor.u32 v47, v44;
	[tilespmem:v42+s10+$0x0] =	vst.idx.add.f32.msk $0xffff, v2  }
0x47e: {  	v39 =	vor.u32 v31, v39;
	v37 =	vld.idx.msk [tilespmem:v35+s1+$0x0], $0xffff;
	v35 =	vor.u32 v23, v44;
	v44 =	vand.u32 $0x7F, v49  }
0x47f: {  	s18 =	smov.u32 s17;
	v42 =	vld.idx.msk [tilespmem:v46+s1+$0x0], $0xffff;
	v46 =	vand.u32 $0x7F, v50;
	v44 =	vor.u32 v38, v44  }
.LBB2_62:
0x480: {  	v47 =	vmov s16  }
0x481: {  	v48 =	vshll.u32 v47, $0x3  }
0x482: {  	v47 =	vand.u32 $0x78, v47;
	v48 =	vand.u32 $0x400, v48  }
0x483: {  	v47 =	vor.u32 v48, v47  }
0x484: {  	v47 =	vor.u32 v23, v47  }
0x485: {  	v36 =	vld.idx.msk [tilespmem:v36+s1+$0x0], $0xffff  }
0x486: {  	[tilespmem:v45+s10+$0x0] =	vst.idx.add.f32.msk @p0 $0xffff, v2  }
0x487: {  	v43 =	vand.u32 @p0 $0x7F, v43;
	v34 =	vor.u32 @p0 v38, v34;
	v35 =	vld.idx.msk [tilespmem:v35+s1+$0x0], $0xffff  }
0x488: {  	[tilespmem:v41+s10+$0x0] =	vst.idx.add.f32.msk @p0 $0xffff, v2;
	v40 =	vand.u32 $0x7F, v40;
	v38 =	vor.u32 @p0 v38, v43  }
0x489: {  	v45 =	vor.u32 v31, v40;
	v37 =	vand.u32 $0x7F, v37;
	v62 =	vld.idx.msk [tilespmem:v47+s1+$0x0], $0xffff  }
0x48a: {  	[tilespmem:v39+s10+$0x0] =	vst.idx.add.f32.msk $0xffff, v2;
	v37 =	vor.u32 v31, v37  }
0x48b: {  	[tilespmem:v44+s10+$0x0] =	vst.idx.add.f32.msk @p0 $0xffff, v2;
	v48 =	vor.u32 v31, v46;
	v61 =	vand.u32 $0x7F, v42  }
0x48c: {  	v63 =	vor.u32 v31, v61;
	v36 =	vand.u32 $0x7F, v36;
	[tilespmem:v34+s10+$0x0] =	vst.idx.add.f32.msk @p0 $0xffff, v2  }
0x48d: {  	v35 =	vand.u32 $0x7F, v35;
	v36 =	vor.u32 v31, v36;
	[tilespmem:v38+s10+$0x0] =	vst.idx.add.f32.msk @p0 $0xffff, v2  }
0x48e: {  	v35 =	vor.u32 v31, v35;
	[tilespmem:v45+s10+$0x0] =	vst.idx.add.f32.msk $0xffff, v2;
	v47 =	vand.u32 $0x7F, v62  }
0x48f: {  	[tilespmem:v37+s10+$0x0] =	vst.idx.add.f32.msk $0xffff, v2;
	v37 =	vor.u32 v31, v47  }
0x490: {  	[tilespmem:v48+s10+$0x0] =	vst.idx.add.f32.msk $0xffff, v2  }
0x491: {  	[tilespmem:v63+s10+$0x0] =	vst.idx.add.f32.msk $0xffff, v2  }
0x492: {  	[tilespmem:v36+s10+$0x0] =	vst.idx.add.f32.msk $0xffff, v2  }
0x493: {  	[tilespmem:v35+s10+$0x0] =	vst.idx.add.f32.msk $0xffff, v2  }
0x494: {  	v49 =	vmov s12;
	s28 =	simm.s32 $0x7;
	s29 =	simm.s32 $0x6;
	s17 =	simm.s32 $0x5;
	[tilespmem:v37+s10+$0x0] =	vst.idx.add.f32.msk $0xffff, v2  }
0x495: {  	v50 =	vshll.u32 v49, $0x3;
	[hbm4b:s5+s12] =	stream.linear.scatter [tilespmem:s10], [sflag:$0x1], $0x8000, $0x38;
	[tilespmem:$0x18000] =	vst v63  }
0x496: {  	s30 =	simm.s32 $0x4;
	s31 =	simm.s32 $0x3;
	v51 =	vmov s28;
	v55 =	vmov s29;
	v56 =	vmov s17;
	_ =	swait.ge [sflag:s9], $0x8000  }
0x497: {  	v59 =	vmov s30;
	v60 =	vmov s31;
	v52 =	vshll.u32 v51, $0x3;
	[sflag:s9] =	ssyncset.done $0x0  }
0x498: {  	v53 =	vand.u32 $0x7F, v51;
	v57 =	vand.u32 $0x7E, v55;
	v58 =	vshll.u32 v56, $0x3;
	[sflag:s9] =	ssyncadd.s32 $0xFFFF8000  }
0x499: {  	v54 =	vand.u32 $0x400, v52;
	v39 =	vand.u32 $0x400, v58;
	v61 =	vshll.u32 v59, $0x3;
	[tilespmem:s12], [sflag:$0x1] =	stream.linear.gather [hbm4b:s6+s12], $0x10000, $0x38;
	[tilespmem:$0x18000] =	vst v63  }
0x49a: {  	v34 =	vand.u32 $0x78, v49;
	v38 =	vand.u32 $0x7C, v59;
	v63 =	vand.u32 $0x400, v61;
	_ =	swait.ge [sflag:s9], $0x10000  }
0x49b: {  	v35 =	vand.u32 $0x400, v50;
	v36 =	vshll.u32 v55, $0x3;
	v38 =	vor.u32 v63, v38;
	[sflag:s9] =	ssyncset.done $0x0  }
0x49c: {  	v34 =	vor.u32 v35, v34;
	v35 =	vor.u32 v54, v53;
	v36 =	vand.u32 $0x400, v36;
	[sflag:s9] =	ssyncadd.s32 $0xFFFF0000  }
0x49d: {  	v45 =	vor.u32 v0, v38;
	v42 =	vor.u32 v0, v34;
	v41 =	vor.u32 v0, v35;
	[tilespmem:s10], [sflag:$0x1] =	stream.linear.gather [hbm4b:s3+s12], $0x8000, $0x38;
	[tilespmem:$0x18000] =	vst v63  }
0x49e: {  	v36 =	vor.u32 v36, v57;
	v62 =	vshll.u32 v60, $0x3;
	v37 =	vand.u32 $0x7D, v56;
	_ =	swait.ge [sflag:s9], $0x8000  }
0x49f: {  	v40 =	vand.u32 $0x400, v62;
	v37 =	vor.u32 v39, v37;
	v39 =	vand.u32 $0x7B, v60;
	[sflag:s9] =	ssyncset.done $0x0  }
0x4a0: {  	v43 =	vor.u32 v0, v36;
	v44 =	vor.u32 v0, v37;
	v46 =	vor.u32 v40, v39;
	[sflag:s9] =	ssyncadd.s32 $0xFFFF8000  }
.LBB2_63:
0x4a1: {  	p0 =	slt.u32 s14, $0xC0;
	v47 =	vmov s15;
	v48 =	vshll.u32 v33, $0x3;
	v46 =	vor.u32 v0, v46  }
0x4a2: {  	v33 =	vand.u32 $0x7A, v33;
	v42 =	vld.idx.msk [tilespmem:v42+s12+$0x0], $0xffff;
	v49 =	vshll.u32 v47, $0x3;
	v48 =	vand.u32 $0x400, v48  }
0x4a3: {  	v47 =	vand.u32 $0x79, v47;
	v49 =	vand.u32 $0x400, v49;
	v33 =	vor.u32 v48, v33  }
0x4a4: {  	v48 =	vmov s14;
	v47 =	vor.u32 v49, v47;
	v33 =	vor.u32 v0, v33;
	v49 =	vld.idx.msk [tilespmem:v41+s12+$0x0], $0xffff  }
0x4a5: {  	s15 =	sadd.s32 $0x7, s14;
	v41 =	vshll.u32 v48, $0x3;
	v47 =	vor.u32 v0, v47;
	v43 =	vld.idx.msk [tilespmem:v43+s12+$0x0], $0xffff  }
0x4a6: {  	v50 =	vmov s15;
	v48 =	vand.u32 $0x78, v48;
	v41 =	vand.u32 $0x400, v41;
	v44 =	vld.idx.msk [tilespmem:v44+s12+$0x0], $0xffff  }
0x4a7: {  	v41 =	vor.u32 v41, v48;
	v48 =	vshll.u32 v50, $0x3;
	v45 =	vld.idx.msk [tilespmem:v45+s12+$0x0], $0xffff  }
0x4a8: {  	v50 =	vand.u32 $0x7F, v50;
	v48 =	vand.u32 $0x400, v48;
	v51 =	vand.u32 $0x7F, v42;
	v46 =	vld.idx.msk [tilespmem:v46+s12+$0x0], $0xffff  }
0x4a9: {  	s15 =	sadd.s32 $0x6, s14;
	v42 =	vor.u32 v0, v41;
	v41 =	vor.u32 v48, v50;
	v48 =	vor.u32 v1, v51;
	v33 =	vld.idx.msk [tilespmem:v33+s12+$0x0], $0xffff  }
0x4aa: {  	v50 =	vmov s15;
	v41 =	vor.u32 v0, v41;
	v49 =	vand.u32 $0x7F, v49;
	v47 =	vld.idx.msk [tilespmem:v47+s12+$0x0], $0xffff  }
0x4ab: {  	v51 =	vand.u32 $0x7E, v50;
	v43 =	vand.u32 $0x7F, v43;
	v49 =	vor.u32 v1, v49  }
0x4ac: {  	v50 =	vshll.u32 v50, $0x3;
	v44 =	vand.u32 $0x7F, v44;
	v43 =	vor.u32 v1, v43  }
0x4ad: {  	v50 =	vand.u32 $0x400, v50;
	v45 =	vand.u32 $0x7F, v45;
	v44 =	vor.u32 v1, v44  }
0x4ae: {  	s15 =	sadd.s32 $0x5, s14;
	v50 =	vor.u32 v50, v51;
	v46 =	vand.u32 $0x7F, v46;
	v45 =	vor.u32 v1, v45  }
0x4af: {  	v51 =	vmov s15;
	v33 =	vand.u32 $0x7F, v33;
	v46 =	vor.u32 v1, v46;
	[tilespmem:v48+s10+$0x0] =	vst.idx.add.f32.msk $0xffff, v2  }
0x4b0: {  	v48 =	vshll.u32 v51, $0x3;
	v47 =	vand.u32 $0x7F, v47;
	v33 =	vor.u32 v1, v33;
	[tilespmem:v49+s10+$0x0] =	vst.idx.add.f32.msk $0xffff, v2  }
0x4b1: {  	s15 =	sadd.s32 $0x4, s14;
	v49 =	vand.u32 $0x7D, v51;
	v48 =	vand.u32 $0x400, v48;
	v47 =	vor.u32 v1, v47;
	[tilespmem:v43+s10+$0x0] =	vst.idx.add.f32.msk $0xffff, v2  }
.Ltmp43:
0x4b2: {  	s16 =	sadd.s32 $0x3, s14;
	v51 =	vmov s15;
	v48 =	vor.u32 v48, v49;
	v43 =	vor.u32 v0, v50;
	[tilespmem:v44+s10+$0x0] =	vst.idx.add.f32.msk $0xffff, v2;
	(pc) =	sbr.rel @p0 .LBB2_63-.Ltmp43, $4  }
0x4b3: {  	v49 =	vmov s16;
	v50 =	vshll.u32 v51, $0x3;
	v44 =	vor.u32 v0, v48;
	[tilespmem:v45+s10+$0x0] =	vst.idx.add.f32.msk $0xffff, v2  }
0x4b4: {  	v48 =	vand.u32 $0x7C, v51;
	v50 =	vand.u32 $0x400, v50;
	v45 =	vshll.u32 v49, $0x3;
	[tilespmem:v46+s10+$0x0] =	vst.idx.add.f32.msk $0xffff, v2  }
0x4b5: {  	s16 =	sadd.s32 $0x2, s14;
	v48 =	vor.u32 v50, v48;
	v46 =	vand.u32 $0x7B, v49;
	v45 =	vand.u32 $0x400, v45;
	[tilespmem:v33+s10+$0x0] =	vst.idx.add.f32.msk $0xffff, v2  }
0x4b6: {  	s15 =	sadd.s32 $0x1, s14;
	s14 =	sadd.s32 $0x8, s14;
	v33 =	vmov s16;
	v46 =	vor.u32 v45, v46;
	v45 =	vor.u32 v0, v48;
	[tilespmem:v47+s10+$0x0] =	vst.idx.add.f32.msk $0xffff, v2  }
0x4b7: {  	_ =	sdelay $0x1  }
0x4b8: {  	v47 =	vmov s15;
	v48 =	vshll.u32 v33, $0x3;
	v46 =	vor.u32 v0, v46  }
0x4b9: {  	v55 =	vand.u32 $0x7A, v33;
	v49 =	vshll.u32 v47, $0x3;
	v48 =	vand.u32 $0x400, v48  }
0x4ba: {  	v42 =	vld.idx.msk [tilespmem:v42+s12+$0x0], $0xffff;
	v47 =	vand.u32 $0x79, v47;
	v49 =	vand.u32 $0x400, v49;
	v33 =	vor.u32 v48, v55  }
0x4bb: {  	v41 =	vld.idx.msk [tilespmem:v41+s12+$0x0], $0xffff;
	v47 =	vor.u32 v49, v47;
	v33 =	vor.u32 v0, v33  }
0x4bc: {  	v43 =	vld.idx.msk [tilespmem:v43+s12+$0x0], $0xffff;
	v47 =	vor.u32 v0, v47  }
0x4bd: {  	v44 =	vld.idx.msk [tilespmem:v44+s12+$0x0], $0xffff  }
0x4be: {  	v45 =	vld.idx.msk [tilespmem:v45+s12+$0x0], $0xffff  }
0x4bf: {  	v46 =	vld.idx.msk [tilespmem:v46+s12+$0x0], $0xffff  }
0x4c0: {  	v42 =	vand.u32 $0x7F, v42;
	v33 =	vld.idx.msk [tilespmem:v33+s12+$0x0], $0xffff  }
0x4c1: {  	v41 =	vand.u32 $0x7F, v41;
	v42 =	vor.u32 v1, v42;
	v47 =	vld.idx.msk [tilespmem:v47+s12+$0x0], $0xffff  }
0x4c2: {  	v43 =	vand.u32 $0x7F, v43;
	v41 =	vor.u32 v1, v41  }
0x4c3: {  	v58 =	vmov s13;
	v44 =	vand.u32 $0x7F, v44;
	v43 =	vor.u32 v1, v43  }
0x4c4: {  	s24 =	simm.s32 $0x1;
	v35 =	vor.u32 v3, v35;
	v45 =	vand.u32 $0x7F, v45;
	v44 =	vor.u32 v1, v44  }
0x4c5: {  	v57 =	vmov s24;
	v45 =	vor.u32 v1, v45;
	v46 =	vand.u32 $0x7F, v46  }
0x4c6: {  	v46 =	vor.u32 v1, v46;
	[tilespmem:v42+s10+$0x0] =	vst.idx.add.f32.msk $0xffff, v2;
	v33 =	vand.u32 $0x7F, v33;
	v47 =	vand.u32 $0x7F, v47  }
0x4c7: {  	[tilespmem:v41+s10+$0x0] =	vst.idx.add.f32.msk $0xffff, v2;
	v33 =	vor.u32 v1, v33;
	v56 =	vor.u32 v1, v47;
	v47 =	vshll.u32 v57, $0x3  }
0x4c8: {  	v59 =	vand.u32 $0x79, v57;
	[tilespmem:v43+s10+$0x0] =	vst.idx.add.f32.msk $0xffff, v2;
	v41 =	vshll.u32 v58, $0x3;
	v47 =	vand.u32 $0x400, v47  }
0x4c9: {  	v60 =	vand.u32 $0x7A, v58;
	[tilespmem:v44+s10+$0x0] =	vst.idx.add.f32.msk $0xffff, v2;
	v41 =	vand.u32 $0x400, v41;
	v61 =	vor.u32 v47, v59  }
0x4ca: {  	[tilespmem:v45+s10+$0x0] =	vst.idx.add.f32.msk $0xffff, v2;
	v41 =	vor.u32 v41, v60;
	v44 =	vor.u32 v3, v61  }
0x4cb: {  	v39 =	vor.u32 v40, v39;
	v41 =	vor.u32 v3, v41;
	[tilespmem:v46+s10+$0x0] =	vst.idx.add.f32.msk $0xffff, v2  }
0x4cc: {  	v39 =	vor.u32 v3, v39;
	[tilespmem:v33+s10+$0x0] =	vst.idx.add.f32.msk $0xffff, v2  }
0x4cd: {  	v38 =	vor.u32 v3, v38;
	s12 =	simm.s32 $0x0;
	[tilespmem:v56+s10+$0x0] =	vst.idx.add.f32.msk $0xffff, v2  }
0x4ce: {  	s25 =	simm.s32 $0x8;
	v37 =	vor.u32 v3, v37;
	v35 =	vld.idx.msk [tilespmem:v35+s12+$0x0], $0xffff  }
0x4cf: {  	v36 =	vor.u32 v3, v36;
	s26 =	simm.s32 $0x9;
	v63 =	vor.u32 v3, v34;
	s28 =	simm.s32 $0xA;
	s14 =	simm.s32 $0xB;
	v62 =	vmov s25;
	v42 =	vld.idx.msk [tilespmem:v44+s12+$0x0], $0xffff  }
0x4d0: {  	s30 =	simm.s32 $0xD;
	v51 =	vmov s28;
	v53 =	vmov s14;
	v60 =	vmov s26;
	v41 =	vld.idx.msk [tilespmem:v41+s12+$0x0], $0xffff  }
0x4d1: {  	s29 =	simm.s32 $0xC;
	s31 =	simm.s32 $0xE;
	v34 =	vshll.u32 v62, $0x3;
	v48 =	vmov s30;
	v40 =	vand.u32 $0x79, v60;
	v50 =	vld.idx.msk [tilespmem:v39+s12+$0x0], $0xffff  }
0x4d2: {  	v52 =	vshll.u32 v60, $0x3;
	v46 =	vmov s31;
	v47 =	vmov s29;
	v54 =	vld.idx.msk [tilespmem:v38+s12+$0x0], $0xffff  }
0x4d3: {  	v33 =	vand.u32 $0x78, v62;
	v55 =	vld.idx.msk [tilespmem:v37+s12+$0x0], $0xffff;
	v39 =	vand.u32 $0x7A, v51;
	v35 =	vand.u32 $0x7F, v35  }
0x4d4: {  	v38 =	vand.u32 $0x7B, v53;
	v56 =	vld.idx.msk [tilespmem:v36+s12+$0x0], $0xffff;
	v57 =	vor.u32 v4, v35;
	v42 =	vand.u32 $0x7F, v42  }
0x4d5: {  	v36 =	vand.u32 $0x7C, v47;
	v49 =	vld.idx.msk [tilespmem:v63+s12+$0x0], $0xffff;
	v41 =	vand.u32 $0x7F, v41;
	v45 =	vor.u32 v4, v42  }
0x4d6: {  	v37 =	vand.u32 $0x7D, v48;
	v61 =	vand.u32 $0x7F, v50;
	v44 =	vor.u32 v4, v41  }
0x4d7: {  	v51 =	vshll.u32 v51, $0x3;
	v62 =	vand.u32 $0x7F, v54;
	v42 =	vor.u32 v4, v61  }
0x4d8: {  	v63 =	vand.u32 $0x7F, v55;
	v50 =	vshll.u32 v53, $0x3;
	v41 =	vor.u32 v4, v62  }
0x4d9: {  	s13 =	simm.s32 $0x10;
	s14 =	simm.s32 $0xF;
	v53 =	vand.u32 $0x7F, v56;
	v35 =	vand.u32 $0x7E, v46;
	v43 =	vor.u32 v4, v63;
	[tilespmem:v57+s10+$0x0] =	vst.idx.add.f32.msk $0xffff, v2  }
.LBB2_65:
0x4da: {  	p0 =	slt.u32 s13, $0xC0;
	v54 =	vmov s14;
	v49 =	vand.u32 $0x7F, v49;
	[tilespmem:v45+s10+$0x0] =	vst.idx.add.f32.msk $0xffff, v2;
	v45 =	vor.u32 v4, v53  }
0x4db: {  	v47 =	vshll.u32 v47, $0x3;
	v53 =	vshll.u32 v54, $0x3;
	v49 =	vor.u32 v4, v49;
	[tilespmem:v44+s10+$0x0] =	vst.idx.add.f32.msk $0xffff, v2  }
0x4dc: {  	v44 =	vshll.u32 v48, $0x3;
	v48 =	vand.u32 $0x7F, v54;
	v53 =	vand.u32 $0x400, v53;
	[tilespmem:v42+s10+$0x0] =	vst.idx.add.f32.msk $0xffff, v2  }
0x4dd: {  	v46 =	vshll.u32 v46, $0x3;
	v42 =	vand.u32 $0x400, v52;
	v48 =	vor.u32 v53, v48;
	[tilespmem:v41+s10+$0x0] =	vst.idx.add.f32.msk $0xffff, v2  }
0x4de: {  	v40 =	vor.u32 v42, v40;
	v41 =	vand.u32 $0x400, v51;
	v42 =	vor.u32 v3, v48;
	[tilespmem:v43+s10+$0x0] =	vst.idx.add.f32.msk $0xffff, v2  }
0x4df: {  	v40 =	vor.u32 v3, v40;
	v39 =	vor.u32 v41, v39;
	v41 =	vand.u32 $0x400, v50;
	[tilespmem:v45+s10+$0x0] =	vst.idx.add.f32.msk $0xffff, v2  }
0x4e0: {  	v39 =	vor.u32 v3, v39;
	v38 =	vor.u32 v41, v38;
	v41 =	vand.u32 $0x400, v47;
	[tilespmem:v49+s10+$0x0] =	vst.idx.add.f32.msk $0xffff, v2  }
0x4e1: {  	v38 =	vor.u32 v3, v38;
	v36 =	vor.u32 v41, v36;
	v41 =	vand.u32 $0x400, v44  }
0x4e2: {  	v36 =	vor.u32 v3, v36;
	v37 =	vor.u32 v41, v37;
	v41 =	vand.u32 $0x400, v46  }
0x4e3: {  	v34 =	vand.u32 $0x400, v34;
	v37 =	vor.u32 v3, v37;
	v35 =	vor.u32 v41, v35;
	v41 =	vld.idx.msk [tilespmem:v42+s12+$0x0], $0xffff  }
0x4e4: {  	v33 =	vor.u32 v34, v33;
	v35 =	vor.u32 v3, v35;
	v42 =	vld.idx.msk [tilespmem:v40+s12+$0x0], $0xffff  }
0x4e5: {  	s14 =	sadd.s32 $0x1, s13;
	v34 =	vmov s13;
	v43 =	vor.u32 v3, v33;
	v44 =	vld.idx.msk [tilespmem:v39+s12+$0x0], $0xffff  }
0x4e6: {  	s15 =	sadd.s32 $0x3, s13;
	s16 =	sadd.s32 $0x4, s13;
	v33 =	vand.u32 $0x78, v34;
	v34 =	vshll.u32 v34, $0x3;
	v50 =	vmov s14;
	s14 =	sadd.s32 $0x2, s13;
	v51 =	vld.idx.msk [tilespmem:v38+s12+$0x0], $0xffff  }
0x4e7: {  	v54 =	vmov s15;
	s15 =	sadd.s32 $0x6, s13;
	v53 =	vmov s14;
	v47 =	vmov s16;
	s14 =	sadd.s32 $0x5, s13;
	v55 =	vld.idx.msk [tilespmem:v36+s12+$0x0], $0xffff  }
0x4e8: {  	v48 =	vmov s14;
	v46 =	vmov s15;
	v40 =	vand.u32 $0x79, v50;
	v56 =	vld.idx.msk [tilespmem:v37+s12+$0x0], $0xffff  }
0x4e9: {  	v39 =	vand.u32 $0x7A, v53;
	v38 =	vand.u32 $0x7B, v54;
	v57 =	vld.idx.msk [tilespmem:v35+s12+$0x0], $0xffff;
	v35 =	vand.u32 $0x7F, v41  }
0x4ea: {  	v36 =	vand.u32 $0x7C, v47;
	v41 =	vand.u32 $0x7F, v42;
	v49 =	vld.idx.msk [tilespmem:v43+s12+$0x0], $0xffff;
	v58 =	vor.u32 v4, v35  }
.Ltmp44:
0x4eb: {  	v37 =	vand.u32 $0x7D, v48;
	v45 =	vor.u32 v4, v41;
	v41 =	vand.u32 $0x7F, v44;
	(pc) =	sbr.rel @p0 .LBB2_65-.Ltmp44, $4  }
0x4ec: {  	v35 =	vand.u32 $0x7E, v46;
	v44 =	vor.u32 v4, v41;
	v41 =	vand.u32 $0x7F, v51  }
0x4ed: {  	v52 =	vshll.u32 v50, $0x3;
	v42 =	vor.u32 v4, v41;
	v41 =	vand.u32 $0x7F, v55  }
0x4ee: {  	v51 =	vshll.u32 v53, $0x3;
	v41 =	vor.u32 v4, v41;
	v43 =	vand.u32 $0x7F, v56  }
0x4ef: {  	s14 =	sadd.s32 $0x7, s13;
	s13 =	sadd.s32 $0x8, s13;
	v50 =	vshll.u32 v54, $0x3;
	v43 =	vor.u32 v4, v43;
	v53 =	vand.u32 $0x7F, v57;
	[tilespmem:v58+s10+$0x0] =	vst.idx.add.f32.msk $0xffff, v2  }
0x4f0: {  	v54 =	vmov s14  }
0x4f1: {  	v47 =	vshll.u32 v47, $0x3;
	v48 =	vshll.u32 v48, $0x3;
	v52 =	vand.u32 $0x400, v52  }
0x4f2: {  	v46 =	vshll.u32 v46, $0x3;
	v51 =	vand.u32 $0x400, v51;
	v50 =	vand.u32 $0x400, v50  }
0x4f3: {  	v34 =	vand.u32 $0x400, v34;
	v55 =	vshll.u32 v54, $0x3;
	v40 =	vor.u32 v52, v40  }
0x4f4: {  	v54 =	vand.u32 $0x7F, v54;
	v39 =	vor.u32 v51, v39;
	v40 =	vor.u32 v3, v40  }
0x4f5: {  	v38 =	vor.u32 v50, v38;
	v47 =	vand.u32 $0x400, v47;
	v39 =	vor.u32 v3, v39  }
0x4f6: {  	[tilespmem:v45+s10+$0x0] =	vst.idx.add.f32.msk $0xffff, v2;
	v46 =	vand.u32 $0x400, v46;
	v33 =	vor.u32 v34, v33;
	v38 =	vor.u32 v3, v38  }
0x4f7: {  	[tilespmem:v41+s10+$0x0] =	vst.idx.add.f32.msk $0xffff, v2;
	v55 =	vand.u32 $0x400, v55;
	v36 =	vor.u32 v47, v36;
	v33 =	vor.u32 v3, v33  }
0x4f8: {  	s13 =	simm.s32 $0x0;
	v35 =	vor.u32 v46, v35;
	v54 =	vor.u32 v55, v54;
	v36 =	vor.u32 v3, v36  }
0x4f9: {  	v35 =	vor.u32 v3, v35;
	v63 =	vor.u32 v3, v54;
	v54 =	vand.u32 $0x400, v48;
	v56 =	vld.idx.msk [tilespmem:v40+s13+$0x0], $0xffff  }
0x4fa: {  	v37 =	vor.u32 v54, v37;
	v39 =	vld.idx.msk [tilespmem:v39+s13+$0x0], $0xffff  }
0x4fb: {  	v57 =	vand.u32 $0x7F, v49;
	v37 =	vor.u32 v3, v37;
	v38 =	vld.idx.msk [tilespmem:v38+s13+$0x0], $0xffff  }
0x4fc: {  	v40 =	vor.u32 v4, v57;
	v33 =	vld.idx.msk [tilespmem:v33+s13+$0x0], $0xffff  }
0x4fd: {  	s12 =	simm.s32 $0x7;
	v36 =	vld.idx.msk [tilespmem:v36+s13+$0x0], $0xffff  }
0x4fe: {  	v58 =	vor.u32 v4, v53;
	s30 =	simm.s32 $0x4;
	v54 =	vmov s12;
	v35 =	vld.idx.msk [tilespmem:v35+s13+$0x0], $0xffff  }
0x4ff: {  	v50 =	vmov s13;
	v41 =	vmov s30;
	v57 =	vand.u32 $0x7F, v54;
	v55 =	vld.idx.msk [tilespmem:v63+s13+$0x0], $0xffff  }
0x500: {  	s29 =	simm.s32 $0x5;
	v37 =	vld.idx.msk [tilespmem:v37+s13+$0x0], $0xffff;
	v34 =	vand.u32 $0x7F, v56;
	v39 =	vand.u32 $0x7F, v39;
	v59 =	vand.u32 $0x7F, v38  }
0x501: {  	v33 =	vand.u32 $0x7F, v33;
	v56 =	vshll.u32 v54, $0x3;
	[tilespmem:v40+s10+$0x0] =	vst.idx.add.f32.msk $0xffff, v2;
	v40 =	vmov s29  }
0x502: {  	v45 =	vor.u32 v4, v34;
	v39 =	vor.u32 v4, v39;
	v38 =	vor.u32 v4, v59  }
0x503: {  	[tilespmem:v44+s10+$0x0] =	vst.idx.add.f32.msk $0xffff, v2;
	v60 =	vand.u32 $0x7F, v36;
	v49 =	vand.u32 $0x7F, v35;
	v53 =	vor.u32 v4, v33  }
0x504: {  	[tilespmem:v42+s10+$0x0] =	vst.idx.add.f32.msk $0xffff, v2;
	v34 =	vshll.u32 v50, $0x3;
	v33 =	vand.u32 $0x78, v50;
	v62 =	vor.u32 v4, v60  }
0x505: {  	[tilespmem:v58+s10+$0x0] =	vst.idx.add.f32.msk $0xffff, v2;
	v58 =	vand.u32 $0x400, v56;
	v46 =	vand.u32 $0x7F, v55;
	v49 =	vor.u32 v4, v49  }
0x506: {  	[tilespmem:v43+s10+$0x0] =	vst.idx.add.f32.msk $0xffff, v2;
	v55 =	vand.u32 $0x400, v34;
	v46 =	vor.u32 v4, v46;
	v61 =	vand.u32 $0x7F, v37  }
0x507: {  	s28 =	simm.s32 $0x6;
	v44 =	vor.u32 v58, v57;
	v60 =	vshll.u32 v40, $0x3;
	v63 =	vor.u32 v4, v61;
	[tilespmem:v45+s10+$0x0] =	vst.idx.add.f32.msk $0xffff, v2  }
0x508: {  	v43 =	vor.u32 v55, v33;
	v50 =	vor.u32 v5, v44;
	v37 =	vmov s28;
	[tilespmem:v39+s10+$0x0] =	vst.idx.add.f32.msk $0xffff, v2  }
0x509: {  	v51 =	vor.u32 v5, v43;
	v59 =	vshll.u32 v37, $0x3;
	v35 =	vand.u32 $0x7E, v37;
	[tilespmem:v62+s10+$0x0] =	vst.idx.add.f32.msk $0xffff, v2  }
0x50a: {  	s15 =	simm.s32 $0x3;
	p1 =	por $0x1, $0x1;
	v61 =	vand.u32 $0x400, v60;
	v36 =	vand.u32 $0x400, v59;
	v39 =	vand.u32 $0x7C, v41;
	[tilespmem:v49+s10+$0x0] =	vst.idx.add.f32.msk $0xffff, v2  }
.Ltmp45:
0x50b: {  	s31 =	simm.s32 $0x2;
	v45 =	vor.u32 v36, v35;
	v36 =	vand.u32 $0x7D, v40;
	v62 =	vmov s15;
	[tilespmem:v46+s10+$0x0] =	vst.idx.add.f32.msk $0xffff, v2;
	(pc) =	sbr.rel @!p1 .LBB2_68-.Ltmp45, $4  }
0x50c: {  	v49 =	vmov s31;
	v46 =	vor.u32 v61, v36;
	[tilespmem:v63+s10+$0x0] =	vst.idx.add.f32.msk $0xffff, v2;
	v63 =	vshll.u32 v41, $0x3  }
0x50d: {  	[tilespmem:v38+s10+$0x0] =	vst.idx.add.f32.msk $0xffff, v2;
	v52 =	vor.u32 v5, v45;
	v42 =	vshll.u32 v62, $0x3;
	v47 =	vand.u32 $0x400, v63  }
0x50e: {  	[tilespmem:v53+s10+$0x0] =	vst.idx.add.f32.msk $0xffff, v2;
	v38 =	vand.u32 $0x7B, v62;
	v48 =	vand.u32 $0x400, v42;
	v47 =	vor.u32 v47, v39  }
0x50f: {  	s14 =	simm.s32 $0x1;
	s16 =	simm.s32 $0x1;
	s15 =	simm.s32 $0x8;
	v55 =	vmovc v49;
	v53 =	vor.u32 v5, v46;
	v56 =	vor.u32 v48, v38;
	v54 =	vor.u32 v5, v47  }
.LBB2_67:
0x510: {  	p0 =	slt.u32 s15, $0xC0;
	v57 =	vmov s16;
	v58 =	vshll.u32 v55, $0x3;
	v56 =	vor.u32 v5, v56  }
0x511: {  	v55 =	vand.u32 $0x7A, v55;
	v51 =	vld.idx.msk [tilespmem:v51+s13+$0x0], $0xffff;
	v59 =	vshll.u32 v57, $0x3;
	v58 =	vand.u32 $0x400, v58  }
0x512: {  	v57 =	vand.u32 $0x79, v57;
	v59 =	vand.u32 $0x400, v59;
	v55 =	vor.u32 v58, v55  }
0x513: {  	v58 =	vmov s15;
	v57 =	vor.u32 v59, v57;
	v55 =	vor.u32 v5, v55;
	v59 =	vld.idx.msk [tilespmem:v50+s13+$0x0], $0xffff  }
0x514: {  	s16 =	sadd.s32 $0x7, s15;
	v50 =	vshll.u32 v58, $0x3;
	v57 =	vor.u32 v5, v57;
	v52 =	vld.idx.msk [tilespmem:v52+s13+$0x0], $0xffff  }
0x515: {  	v60 =	vmov s16;
	v58 =	vand.u32 $0x78, v58;
	v50 =	vand.u32 $0x400, v50;
	v53 =	vld.idx.msk [tilespmem:v53+s13+$0x0], $0xffff  }
0x516: {  	v50 =	vor.u32 v50, v58;
	v58 =	vshll.u32 v60, $0x3;
	v54 =	vld.idx.msk [tilespmem:v54+s13+$0x0], $0xffff  }
0x517: {  	v60 =	vand.u32 $0x7F, v60;
	v58 =	vand.u32 $0x400, v58;
	v61 =	vand.u32 $0x7F, v51;
	v56 =	vld.idx.msk [tilespmem:v56+s13+$0x0], $0xffff  }
0x518: {  	s16 =	sadd.s32 $0x6, s15;
	v51 =	vor.u32 v5, v50;
	v50 =	vor.u32 v58, v60;
	v58 =	vor.u32 v6, v61;
	v55 =	vld.idx.msk [tilespmem:v55+s13+$0x0], $0xffff  }
0x519: {  	v60 =	vmov s16;
	v50 =	vor.u32 v5, v50;
	v59 =	vand.u32 $0x7F, v59;
	v57 =	vld.idx.msk [tilespmem:v57+s13+$0x0], $0xffff  }
0x51a: {  	v61 =	vand.u32 $0x7E, v60;
	v52 =	vand.u32 $0x7F, v52;
	v59 =	vor.u32 v6, v59  }
0x51b: {  	v60 =	vshll.u32 v60, $0x3;
	v53 =	vand.u32 $0x7F, v53;
	v52 =	vor.u32 v6, v52  }
0x51c: {  	v60 =	vand.u32 $0x400, v60;
	v54 =	vand.u32 $0x7F, v54;
	v53 =	vor.u32 v6, v53  }
0x51d: {  	s16 =	sadd.s32 $0x5, s15;
	v60 =	vor.u32 v60, v61;
	v56 =	vand.u32 $0x7F, v56;
	v54 =	vor.u32 v6, v54  }
0x51e: {  	v61 =	vmov s16;
	v55 =	vand.u32 $0x7F, v55;
	v56 =	vor.u32 v6, v56;
	[tilespmem:v58+s10+$0x0] =	vst.idx.add.f32.msk $0xffff, v2  }
0x51f: {  	v58 =	vshll.u32 v61, $0x3;
	v57 =	vand.u32 $0x7F, v57;
	v55 =	vor.u32 v6, v55;
	[tilespmem:v59+s10+$0x0] =	vst.idx.add.f32.msk $0xffff, v2  }
0x520: {  	s16 =	sadd.s32 $0x4, s15;
	v59 =	vand.u32 $0x7D, v61;
	v58 =	vand.u32 $0x400, v58;
	v57 =	vor.u32 v6, v57;
	[tilespmem:v52+s10+$0x0] =	vst.idx.add.f32.msk $0xffff, v2  }
.Ltmp46:
0x521: {  	s17 =	sadd.s32 $0x3, s15;
	v61 =	vmov s16;
	v58 =	vor.u32 v58, v59;
	v52 =	vor.u32 v5, v60;
	[tilespmem:v53+s10+$0x0] =	vst.idx.add.f32.msk $0xffff, v2;
	(pc) =	sbr.rel @p0 .LBB2_67-.Ltmp46, $4  }
0x522: {  	v59 =	vmov s17;
	v60 =	vshll.u32 v61, $0x3;
	v53 =	vor.u32 v5, v58;
	[tilespmem:v54+s10+$0x0] =	vst.idx.add.f32.msk $0xffff, v2  }
0x523: {  	v58 =	vand.u32 $0x7C, v61;
	v60 =	vand.u32 $0x400, v60;
	v54 =	vshll.u32 v59, $0x3;
	[tilespmem:v56+s10+$0x0] =	vst.idx.add.f32.msk $0xffff, v2  }
0x524: {  	s17 =	sadd.s32 $0x2, s15;
	v58 =	vor.u32 v60, v58;
	v56 =	vand.u32 $0x7B, v59;
	v54 =	vand.u32 $0x400, v54;
	[tilespmem:v55+s10+$0x0] =	vst.idx.add.f32.msk $0xffff, v2  }
0x525: {  	s16 =	sadd.s32 $0x1, s15;
	s15 =	sadd.s32 $0x8, s15;
	v55 =	vmov s17;
	v56 =	vor.u32 v54, v56;
	v54 =	vor.u32 v5, v58;
	[tilespmem:v57+s10+$0x0] =	vst.idx.add.f32.msk $0xffff, v2  }
.LBB2_68:
0x526: {  	_ =	sdelay $0x1  }
0x527: {  	v57 =	vmov s16;
	v58 =	vshll.u32 v55, $0x3;
	v56 =	vor.u32 v5, v56  }
0x528: {  	v62 =	vand.u32 $0x7A, v55;
	v59 =	vshll.u32 v57, $0x3;
	v58 =	vand.u32 $0x400, v58  }
0x529: {  	v51 =	vld.idx.msk [tilespmem:v51+s13+$0x0], $0xffff;
	v57 =	vand.u32 $0x79, v57;
	v59 =	vand.u32 $0x400, v59;
	v55 =	vor.u32 v58, v62  }
0x52a: {  	v50 =	vld.idx.msk [tilespmem:v50+s13+$0x0], $0xffff;
	v57 =	vor.u32 v59, v57;
	v55 =	vor.u32 v5, v55  }
0x52b: {  	v52 =	vld.idx.msk [tilespmem:v52+s13+$0x0], $0xffff;
	v57 =	vor.u32 v5, v57  }
0x52c: {  	v53 =	vld.idx.msk [tilespmem:v53+s13+$0x0], $0xffff  }
0x52d: {  	v54 =	vld.idx.msk [tilespmem:v54+s13+$0x0], $0xffff  }
0x52e: {  	v51 =	vand.u32 $0x7F, v51;
	v56 =	vld.idx.msk [tilespmem:v56+s13+$0x0], $0xffff  }
0x52f: {  	v50 =	vand.u32 $0x7F, v50;
	v51 =	vor.u32 v6, v51;
	v55 =	vld.idx.msk [tilespmem:v55+s13+$0x0], $0xffff  }
0x530: {  	v52 =	vand.u32 $0x7F, v52;
	v50 =	vor.u32 v6, v50;
	v57 =	vld.idx.msk [tilespmem:v57+s13+$0x0], $0xffff  }
0x531: {  	v53 =	vand.u32 $0x7F, v53;
	v52 =	vor.u32 v6, v52  }
0x532: {  	v54 =	vand.u32 $0x7F, v54;
	v53 =	vor.u32 v6, v53  }
0x533: {  	v54 =	vor.u32 v6, v54;
	v56 =	vand.u32 $0x7F, v56  }
0x534: {  	[tilespmem:v51+s10+$0x0] =	vst.idx.add.f32.msk $0xffff, v2;
	v60 =	vor.u32 v6, v56;
	v63 =	vand.u32 $0x7F, v55  }
0x535: {  	[tilespmem:v50+s10+$0x0] =	vst.idx.add.f32.msk $0xffff, v2;
	v61 =	vand.u32 $0x7F, v57;
	v51 =	vor.u32 v6, v63  }
0x536: {  	[tilespmem:v52+s10+$0x0] =	vst.idx.add.f32.msk $0xffff, v2;
	v62 =	vor.u32 v6, v61  }
.Ltmp47:
0x537: {  	[tilespmem:v53+s10+$0x0] =	vst.idx.add.f32.msk $0xffff, v2;
	(pc) =	sbr.rel @!p1 .LBB2_69-.Ltmp47, $4  }
0x538: {  	[tilespmem:v54+s10+$0x0] =	vst.idx.add.f32.msk $0xffff, v2  }
0x539: {  	[tilespmem:v60+s10+$0x0] =	vst.idx.add.f32.msk $0xffff, v2  }
0x53a: {  	v50 =	vand.u32 $0x7A, v49;
	v63 =	vmov s14;
	[tilespmem:v51+s10+$0x0] =	vst.idx.add.f32.msk $0xffff, v2  }
0x53b: {  	p0 =	por $0x0, $0x0;
	v49 =	vshll.u32 v49, $0x3;
	s14 =	simm.s32 $0x8;
	v52 =	vshll.u32 v63, $0x3;
	v51 =	vand.u32 $0x79, v63;
	[tilespmem:v62+s10+$0x0] =	vst.idx.add.f32.msk $0xffff, v2  }
0x53c: {  	v33 =	vand.u32 $0x400, v52;
	v35 =	vor.u32 v7, v44  }
0x53d: {  	v34 =	vand.u32 $0x400, v49;
	v37 =	vor.u32 v7, v47;
	v33 =	vor.u32 v33, v51  }
0x53e: {  	v34 =	vor.u32 v34, v50;
	v33 =	vor.u32 v7, v33  }
0x53f: {  	v36 =	vor.u32 v48, v38;
	v34 =	vor.u32 v7, v34  }
0x540: {  	s13 =	simm.s32 $0x0;
	v36 =	vor.u32 v7, v36  }
0x541: {  	v60 =	vor.u32 v7, v46;
	v35 =	vld.idx.msk [tilespmem:v35+s13+$0x0], $0xffff  }
0x542: {  	v39 =	vor.u32 v7, v45;
	v54 =	vld.idx.msk [tilespmem:v37+s13+$0x0], $0xffff  }
0x543: {  	v40 =	vmov s14;
	s12 =	simm.s32 $0x9;
	v45 =	vor.u32 v7, v43;
	s28 =	simm.s32 $0xA;
	s29 =	simm.s32 $0xB;
	v42 =	vld.idx.msk [tilespmem:v33+s13+$0x0], $0xffff  }
0x544: {  	s15 =	simm.s32 $0xC;
	v47 =	vmov s12;
	v63 =	vmov s28;
	v53 =	vmov s29;
	v61 =	vld.idx.msk [tilespmem:v34+s13+$0x0], $0xffff  }
0x545: {  	v41 =	vmov s15;
	v51 =	vand.u32 $0x79, v47;
	v50 =	vand.u32 $0x7A, v63;
	v62 =	vld.idx.msk [tilespmem:v36+s13+$0x0], $0xffff  }
0x546: {  	s31 =	simm.s32 $0xE;
	v38 =	vand.u32 $0x7B, v53;
	v52 =	vshll.u32 v47, $0x3;
	v49 =	vshll.u32 v63, $0x3;
	v55 =	vld.idx.msk [tilespmem:v60+s13+$0x0], $0xffff  }
0x547: {  	v37 =	vmov s31;
	v56 =	vld.idx.msk [tilespmem:v39+s13+$0x0], $0xffff;
	v39 =	vand.u32 $0x7C, v41;
	v35 =	vand.u32 $0x7F, v35  }
0x548: {  	p1 =	por $0x1, $0x1;
	v33 =	vand.u32 $0x78, v40;
	v57 =	vor.u32 v8, v35;
	v42 =	vand.u32 $0x7F, v42  }
.Ltmp48:
0x549: {  	s30 =	simm.s32 $0xD;
	v48 =	vld.idx.msk [tilespmem:v45+s13+$0x0], $0xffff;
	v34 =	vshll.u32 v40, $0x3;
	v60 =	vand.u32 $0x7F, v61;
	v46 =	vor.u32 v8, v42;
	(pc) =	sbr.rel @!p1 .LBB2_72-.Ltmp48, $4  }
0x54a: {  	v40 =	vmov s30;
	v61 =	vand.u32 $0x7F, v62;
	v44 =	vor.u32 v8, v60  }
0x54b: {  	v36 =	vand.u32 $0x7D, v40;
	v62 =	vand.u32 $0x7F, v54;
	v43 =	vor.u32 v8, v61  }
0x54c: {  	v63 =	vand.u32 $0x7F, v55;
	v35 =	vand.u32 $0x7E, v37;
	v45 =	vor.u32 v8, v62  }
0x54d: {  	s14 =	simm.s32 $0x10;
	p0 =	por $0x1, $0x1;
	s12 =	simm.s32 $0xF;
	v47 =	vor.u32 v8, v63;
	v42 =	vshll.u32 v53, $0x3;
	v53 =	vand.u32 $0x7F, v56;
	[tilespmem:v57+s10+$0x0] =	vst.idx.add.f32.msk $0xffff, v2  }
.LBB2_71:
0x54e: {  	p1 =	slt.u32 s14, $0xC0;
	v54 =	vmov s12;
	v48 =	vand.u32 $0x7F, v48;
	[tilespmem:v46+s10+$0x0] =	vst.idx.add.f32.msk $0xffff, v2;
	v46 =	vor.u32 v8, v53  }
0x54f: {  	v41 =	vshll.u32 v41, $0x3;
	v53 =	vshll.u32 v54, $0x3;
	v48 =	vor.u32 v8, v48;
	[tilespmem:v44+s10+$0x0] =	vst.idx.add.f32.msk $0xffff, v2  }
0x550: {  	v40 =	vshll.u32 v40, $0x3;
	v44 =	vand.u32 $0x7F, v54;
	v53 =	vand.u32 $0x400, v53;
	[tilespmem:v43+s10+$0x0] =	vst.idx.add.f32.msk $0xffff, v2  }
0x551: {  	v37 =	vshll.u32 v37, $0x3;
	v43 =	vand.u32 $0x400, v52;
	v44 =	vor.u32 v53, v44;
	[tilespmem:v45+s10+$0x0] =	vst.idx.add.f32.msk $0xffff, v2  }
0x552: {  	v43 =	vor.u32 v43, v51;
	v45 =	vand.u32 $0x400, v49;
	v44 =	vor.u32 v7, v44;
	[tilespmem:v47+s10+$0x0] =	vst.idx.add.f32.msk $0xffff, v2  }
0x553: {  	v42 =	vand.u32 $0x400, v42;
	v43 =	vor.u32 v7, v43;
	v45 =	vor.u32 v45, v50;
	[tilespmem:v46+s10+$0x0] =	vst.idx.add.f32.msk $0xffff, v2  }
0x554: {  	v38 =	vor.u32 v42, v38;
	v41 =	vand.u32 $0x400, v41;
	v45 =	vor.u32 v7, v45;
	[tilespmem:v48+s10+$0x0] =	vst.idx.add.f32.msk $0xffff, v2  }
0x555: {  	v40 =	vand.u32 $0x400, v40;
	v38 =	vor.u32 v7, v38;
	v39 =	vor.u32 v41, v39  }
0x556: {  	v37 =	vand.u32 $0x400, v37;
	v36 =	vor.u32 v40, v36;
	v39 =	vor.u32 v7, v39  }
0x557: {  	v34 =	vand.u32 $0x400, v34;
	v35 =	vor.u32 v37, v35;
	v36 =	vor.u32 v7, v36;
	v42 =	vld.idx.msk [tilespmem:v44+s13+$0x0], $0xffff  }
0x558: {  	v33 =	vor.u32 v34, v33;
	v35 =	vor.u32 v7, v35;
	v43 =	vld.idx.msk [tilespmem:v43+s13+$0x0], $0xffff  }
0x559: {  	s12 =	sadd.s32 $0x1, s14;
	v34 =	vmov s14;
	v44 =	vor.u32 v7, v33;
	v45 =	vld.idx.msk [tilespmem:v45+s13+$0x0], $0xffff  }
0x55a: {  	s15 =	sadd.s32 $0x3, s14;
	s16 =	sadd.s32 $0x4, s14;
	v47 =	vmov s12;
	s12 =	sadd.s32 $0x2, s14;
	v33 =	vand.u32 $0x78, v34;
	v34 =	vshll.u32 v34, $0x3;
	v49 =	vld.idx.msk [tilespmem:v38+s13+$0x0], $0xffff  }
0x55b: {  	v54 =	vmov s15;
	s15 =	sadd.s32 $0x6, s14;
	v41 =	vmov s16;
	v53 =	vmov s12;
	s12 =	sadd.s32 $0x5, s14;
	v55 =	vld.idx.msk [tilespmem:v39+s13+$0x0], $0xffff  }
0x55c: {  	v37 =	vmov s15;
	v51 =	vand.u32 $0x79, v47;
	v40 =	vmov s12;
	v56 =	vld.idx.msk [tilespmem:v36+s13+$0x0], $0xffff  }
0x55d: {  	v50 =	vand.u32 $0x7A, v53;
	v38 =	vand.u32 $0x7B, v54;
	v57 =	vld.idx.msk [tilespmem:v35+s13+$0x0], $0xffff;
	v35 =	vand.u32 $0x7F, v42  }
0x55e: {  	v39 =	vand.u32 $0x7C, v41;
	v42 =	vand.u32 $0x7F, v43;
	v48 =	vld.idx.msk [tilespmem:v44+s13+$0x0], $0xffff;
	v58 =	vor.u32 v8, v35  }
.Ltmp49:
0x55f: {  	v36 =	vand.u32 $0x7D, v40;
	v46 =	vor.u32 v8, v42;
	v42 =	vand.u32 $0x7F, v45;
	(pc) =	sbr.rel @p1 .LBB2_71-.Ltmp49, $4  }
0x560: {  	v35 =	vand.u32 $0x7E, v37;
	v44 =	vor.u32 v8, v42;
	v42 =	vand.u32 $0x7F, v49  }
0x561: {  	v52 =	vshll.u32 v47, $0x3;
	v43 =	vor.u32 v8, v42;
	v42 =	vand.u32 $0x7F, v55  }
0x562: {  	v49 =	vshll.u32 v53, $0x3;
	v45 =	vor.u32 v8, v42;
	v47 =	vand.u32 $0x7F, v56  }
0x563: {  	s12 =	sadd.s32 $0x7, s14;
	s14 =	sadd.s32 $0x8, s14;
	v42 =	vshll.u32 v54, $0x3;
	v47 =	vor.u32 v8, v47;
	v53 =	vand.u32 $0x7F, v57;
	[tilespmem:v58+s10+$0x0] =	vst.idx.add.f32.msk $0xffff, v2  }
.LBB2_72:
0x564: {  	v54 =	vmov s12;
	v41 =	vshll.u32 v41, $0x3  }
0x565: {  	v40 =	vshll.u32 v40, $0x3;
	v52 =	vand.u32 $0x400, v52;
	v37 =	vshll.u32 v37, $0x3  }
0x566: {  	v49 =	vand.u32 $0x400, v49;
	v42 =	vand.u32 $0x400, v42;
	v51 =	vor.u32 v52, v51  }
0x567: {  	v34 =	vand.u32 $0x400, v34;
	v49 =	vor.u32 v49, v50;
	v51 =	vor.u32 v7, v51  }
0x568: {  	v55 =	vshll.u32 v54, $0x3;
	v38 =	vor.u32 v42, v38;
	v49 =	vor.u32 v7, v49  }
0x569: {  	v41 =	vand.u32 $0x400, v41;
	v33 =	vor.u32 v34, v33;
	v38 =	vor.u32 v7, v38  }
0x56a: {  	v40 =	vand.u32 $0x400, v40;
	v39 =	vor.u32 v41, v39;
	v33 =	vor.u32 v7, v33  }
0x56b: {  	s13 =	simm.s32 $0x0;
	[tilespmem:v46+s10+$0x0] =	vst.idx.add.f32.msk @p0 $0xffff, v2;
	v37 =	vand.u32 $0x400, v37;
	v36 =	vor.u32 v40, v36;
	v39 =	vor.u32 v7, v39  }
0x56c: {  	v54 =	vand.u32 $0x7F, v54;
	v35 =	vor.u32 v37, v35;
	v36 =	vor.u32 v7, v36;
	v56 =	vld.idx.msk [tilespmem:v51+s13+$0x0], $0xffff  }
0x56d: {  	v55 =	vand.u32 $0x400, v55;
	v41 =	vand.u32 @p0 $0x7F, v48;
	v35 =	vor.u32 v7, v35;
	v57 =	vld.idx.msk [tilespmem:v49+s13+$0x0], $0xffff  }
0x56e: {  	v54 =	vor.u32 v55, v54;
	v41 =	vor.u32 @p0 v8, v41;
	v38 =	vld.idx.msk [tilespmem:v38+s13+$0x0], $0xffff  }
0x56f: {  	v63 =	vor.u32 v7, v54;
	v33 =	vld.idx.msk [tilespmem:v33+s13+$0x0], $0xffff  }
0x570: {  	v39 =	vld.idx.msk [tilespmem:v39+s13+$0x0], $0xffff  }
0x571: {  	v36 =	vld.idx.msk [tilespmem:v36+s13+$0x0], $0xffff  }
0x572: {  	s12 =	simm.s32 $0x7;
	v35 =	vld.idx.msk [tilespmem:v35+s13+$0x0], $0xffff  }
0x573: {  	s30 =	simm.s32 $0x4;
	v42 =	vor.u32 @p0 v8, v53;
	v52 =	vmov s12;
	[tilespmem:v41+s10+$0x0] =	vst.idx.add.f32.msk @p0 $0xffff, v2  }
0x574: {  	v51 =	vmov s13;
	v41 =	vmov s30;
	v55 =	vld.idx.msk [tilespmem:v63+s13+$0x0], $0xffff;
	v34 =	vand.u32 $0x7F, v56  }
0x575: {  	[tilespmem:v44+s10+$0x0] =	vst.idx.add.f32.msk @p0 $0xffff, v2;
	v40 =	vand.u32 $0x7F, v57;
	v60 =	vand.u32 $0x7F, v38;
	v33 =	vand.u32 $0x7F, v33  }
0x576: {  	[tilespmem:v43+s10+$0x0] =	vst.idx.add.f32.msk @p0 $0xffff, v2;
	v56 =	vand.u32 $0x7F, v52;
	v58 =	vor.u32 v8, v34;
	v59 =	vor.u32 v8, v40  }
0x577: {  	[tilespmem:v45+s10+$0x0] =	vst.idx.add.f32.msk @p0 $0xffff, v2;
	v38 =	vor.u32 v8, v60;
	v61 =	vand.u32 $0x7F, v39;
	v36 =	vand.u32 $0x7F, v36  }
0x578: {  	[tilespmem:v47+s10+$0x0] =	vst.idx.add.f32.msk @p0 $0xffff, v2;
	s29 =	simm.s32 $0x5;
	v62 =	vand.u32 $0x7F, v35;
	v47 =	vor.u32 v8, v33;
	v34 =	vshll.u32 v51, $0x3  }
0x579: {  	[tilespmem:v42+s10+$0x0] =	vst.idx.add.f32.msk @p0 $0xffff, v2;
	v33 =	vand.u32 $0x78, v51;
	v40 =	vmov s29;
	v37 =	vand.u32 $0x7F, v55  }
0x57a: {  	v39 =	vor.u32 v8, v61;
	v49 =	vor.u32 v8, v36;
	v37 =	vor.u32 v8, v37  }
0x57b: {  	s15 =	simm.s32 $0x3;
	v63 =	vor.u32 v8, v62;
	v54 =	vand.u32 $0x400, v34;
	v55 =	vshll.u32 v52, $0x3;
	[tilespmem:v58+s10+$0x0] =	vst.idx.add.f32.msk $0xffff, v2  }
0x57c: {  	v61 =	vmov s15;
	v62 =	vshll.u32 v41, $0x3;
	v57 =	vand.u32 $0x400, v55;
	[tilespmem:v59+s10+$0x0] =	vst.idx.add.f32.msk $0xffff, v2  }
0x57d: {  	v43 =	vor.u32 v54, v33;
	v42 =	vshll.u32 v61, $0x3;
	v44 =	vor.u32 v57, v56;
	[tilespmem:v38+s10+$0x0] =	vst.idx.add.f32.msk $0xffff, v2  }
0x57e: {  	s14 =	simm.s32 $0x6;
	v51 =	vor.u32 v9, v43;
	v48 =	vand.u32 $0x400, v42;
	v50 =	vor.u32 v9, v44;
	[tilespmem:v47+s10+$0x0] =	vst.idx.add.f32.msk $0xffff, v2  }
0x57f: {  	p1 =	por $0x1, $0x1;
	v59 =	vshll.u32 v40, $0x3;
	v38 =	vand.u32 $0x7B, v61;
	[tilespmem:v37+s10+$0x0] =	vst.idx.add.f32.msk $0xffff, v2;
	v37 =	vmov s14  }
.Ltmp50:
0x580: {  	v60 =	vand.u32 $0x400, v59;
	[tilespmem:v39+s10+$0x0] =	vst.idx.add.f32.msk $0xffff, v2;
	v39 =	vand.u32 $0x7C, v41;
	v58 =	vshll.u32 v37, $0x3;
	(pc) =	sbr.rel @!p1 .LBB2_74-.Ltmp50, $4  }
0x581: {  	s31 =	simm.s32 $0x2;
	[tilespmem:v63+s10+$0x0] =	vst.idx.add.f32.msk $0xffff, v2;
	v63 =	vand.u32 $0x400, v62;
	v35 =	vand.u32 $0x7E, v37;
	v36 =	vand.u32 $0x400, v58  }
0x582: {  	[tilespmem:v49+s10+$0x0] =	vst.idx.add.f32.msk $0xffff, v2;
	v49 =	vmov s31;
	v45 =	vor.u32 v36, v35;
	v36 =	vand.u32 $0x7D, v40  }
0x583: {  	v56 =	vor.u32 v48, v38;
	v47 =	vor.u32 v63, v39;
	v46 =	vor.u32 v60, v36  }
0x584: {  	s16 =	simm.s32 $0x1;
	s15 =	simm.s32 $0x8;
	s14 =	simm.s32 $0x1;
	v55 =	vmovc v49;
	v54 =	vor.u32 v9, v47;
	v52 =	vor.u32 v9, v45;
	v53 =	vor.u32 v9, v46  }
.LBB2_73:
0x585: {  	p0 =	slt.u32 s15, $0xC0;
	v57 =	vmov s16;
	v58 =	vshll.u32 v55, $0x3;
	v56 =	vor.u32 v9, v56  }
0x586: {  	v55 =	vand.u32 $0x7A, v55;
	v51 =	vld.idx.msk [tilespmem:v51+s13+$0x0], $0xffff;
	v59 =	vshll.u32 v57, $0x3;
	v58 =	vand.u32 $0x400, v58  }
0x587: {  	v57 =	vand.u32 $0x79, v57;
	v59 =	vand.u32 $0x400, v59;
	v55 =	vor.u32 v58, v55  }
0x588: {  	v58 =	vmov s15;
	v57 =	vor.u32 v59, v57;
	v55 =	vor.u32 v9, v55;
	v59 =	vld.idx.msk [tilespmem:v50+s13+$0x0], $0xffff  }
0x589: {  	s16 =	sadd.s32 $0x7, s15;
	v50 =	vshll.u32 v58, $0x3;
	v57 =	vor.u32 v9, v57;
	v52 =	vld.idx.msk [tilespmem:v52+s13+$0x0], $0xffff  }
0x58a: {  	v60 =	vmov s16;
	v58 =	vand.u32 $0x78, v58;
	v50 =	vand.u32 $0x400, v50;
	v53 =	vld.idx.msk [tilespmem:v53+s13+$0x0], $0xffff  }
0x58b: {  	v50 =	vor.u32 v50, v58;
	v58 =	vshll.u32 v60, $0x3;
	v54 =	vld.idx.msk [tilespmem:v54+s13+$0x0], $0xffff  }
0x58c: {  	v60 =	vand.u32 $0x7F, v60;
	v58 =	vand.u32 $0x400, v58;
	v61 =	vand.u32 $0x7F, v51;
	v56 =	vld.idx.msk [tilespmem:v56+s13+$0x0], $0xffff  }
0x58d: {  	s16 =	sadd.s32 $0x6, s15;
	v51 =	vor.u32 v9, v50;
	v50 =	vor.u32 v58, v60;
	v58 =	vor.u32 v10, v61;
	v55 =	vld.idx.msk [tilespmem:v55+s13+$0x0], $0xffff  }
0x58e: {  	v60 =	vmov s16;
	v50 =	vor.u32 v9, v50;
	v59 =	vand.u32 $0x7F, v59;
	v57 =	vld.idx.msk [tilespmem:v57+s13+$0x0], $0xffff  }
0x58f: {  	v61 =	vand.u32 $0x7E, v60;
	v52 =	vand.u32 $0x7F, v52;
	v59 =	vor.u32 v10, v59  }
0x590: {  	v60 =	vshll.u32 v60, $0x3;
	v53 =	vand.u32 $0x7F, v53;
	v52 =	vor.u32 v10, v52  }
0x591: {  	v60 =	vand.u32 $0x400, v60;
	v54 =	vand.u32 $0x7F, v54;
	v53 =	vor.u32 v10, v53  }
0x592: {  	s16 =	sadd.s32 $0x5, s15;
	v60 =	vor.u32 v60, v61;
	v56 =	vand.u32 $0x7F, v56;
	v54 =	vor.u32 v10, v54  }
0x593: {  	v61 =	vmov s16;
	v55 =	vand.u32 $0x7F, v55;
	v56 =	vor.u32 v10, v56;
	[tilespmem:v58+s10+$0x0] =	vst.idx.add.f32.msk $0xffff, v2  }
0x594: {  	v58 =	vshll.u32 v61, $0x3;
	v57 =	vand.u32 $0x7F, v57;
	v55 =	vor.u32 v10, v55;
	[tilespmem:v59+s10+$0x0] =	vst.idx.add.f32.msk $0xffff, v2  }
0x595: {  	s16 =	sadd.s32 $0x4, s15;
	v59 =	vand.u32 $0x7D, v61;
	v58 =	vand.u32 $0x400, v58;
	v57 =	vor.u32 v10, v57;
	[tilespmem:v52+s10+$0x0] =	vst.idx.add.f32.msk $0xffff, v2  }
.Ltmp51:
0x596: {  	s17 =	sadd.s32 $0x3, s15;
	v61 =	vmov s16;
	v58 =	vor.u32 v58, v59;
	v52 =	vor.u32 v9, v60;
	[tilespmem:v53+s10+$0x0] =	vst.idx.add.f32.msk $0xffff, v2;
	(pc) =	sbr.rel @p0 .LBB2_73-.Ltmp51, $4  }
0x597: {  	v59 =	vmov s17;
	v60 =	vshll.u32 v61, $0x3;
	v53 =	vor.u32 v9, v58;
	[tilespmem:v54+s10+$0x0] =	vst.idx.add.f32.msk $0xffff, v2  }
0x598: {  	v58 =	vand.u32 $0x7C, v61;
	v60 =	vand.u32 $0x400, v60;
	v54 =	vshll.u32 v59, $0x3;
	[tilespmem:v56+s10+$0x0] =	vst.idx.add.f32.msk $0xffff, v2  }
0x599: {  	s17 =	sadd.s32 $0x2, s15;
	v58 =	vor.u32 v60, v58;
	v56 =	vand.u32 $0x7B, v59;
	v54 =	vand.u32 $0x400, v54;
	[tilespmem:v55+s10+$0x0] =	vst.idx.add.f32.msk $0xffff, v2  }
0x59a: {  	s16 =	sadd.s32 $0x1, s15;
	s15 =	sadd.s32 $0x8, s15;
	v55 =	vmov s17;
	v56 =	vor.u32 v54, v56;
	v54 =	vor.u32 v9, v58;
	[tilespmem:v57+s10+$0x0] =	vst.idx.add.f32.msk $0xffff, v2  }
.LBB2_74:
0x59b: {  	_ =	sdelay $0x1  }
0x59c: {  	v57 =	vmov s16;
	v58 =	vshll.u32 v55, $0x3;
	v56 =	vor.u32 v9, v56  }
0x59d: {  	v62 =	vand.u32 $0x7A, v55;
	v59 =	vshll.u32 v57, $0x3;
	v58 =	vand.u32 $0x400, v58  }
0x59e: {  	v51 =	vld.idx.msk [tilespmem:v51+s13+$0x0], $0xffff;
	v57 =	vand.u32 $0x79, v57;
	v59 =	vand.u32 $0x400, v59;
	v55 =	vor.u32 v58, v62  }
0x59f: {  	v50 =	vld.idx.msk [tilespmem:v50+s13+$0x0], $0xffff;
	v57 =	vor.u32 v59, v57;
	v55 =	vor.u32 v9, v55  }
0x5a0: {  	v52 =	vld.idx.msk [tilespmem:v52+s13+$0x0], $0xffff;
	v57 =	vor.u32 v9, v57  }
0x5a1: {  	v53 =	vld.idx.msk [tilespmem:v53+s13+$0x0], $0xffff  }
0x5a2: {  	v54 =	vld.idx.msk [tilespmem:v54+s13+$0x0], $0xffff  }
0x5a3: {  	v51 =	vand.u32 $0x7F, v51;
	v56 =	vld.idx.msk [tilespmem:v56+s13+$0x0], $0xffff  }
0x5a4: {  	v50 =	vand.u32 $0x7F, v50;
	v51 =	vor.u32 v10, v51;
	v55 =	vld.idx.msk [tilespmem:v55+s13+$0x0], $0xffff  }
0x5a5: {  	v52 =	vand.u32 $0x7F, v52;
	v50 =	vor.u32 v10, v50;
	v57 =	vld.idx.msk [tilespmem:v57+s13+$0x0], $0xffff  }
0x5a6: {  	v53 =	vand.u32 $0x7F, v53;
	v52 =	vor.u32 v10, v52  }
0x5a7: {  	v54 =	vand.u32 $0x7F, v54;
	v53 =	vor.u32 v10, v53  }
0x5a8: {  	v54 =	vor.u32 v10, v54;
	v56 =	vand.u32 $0x7F, v56  }
0x5a9: {  	[tilespmem:v51+s10+$0x0] =	vst.idx.add.f32.msk $0xffff, v2;
	v60 =	vor.u32 v10, v56;
	v63 =	vand.u32 $0x7F, v55  }
0x5aa: {  	[tilespmem:v50+s10+$0x0] =	vst.idx.add.f32.msk $0xffff, v2;
	v61 =	vand.u32 $0x7F, v57;
	v51 =	vor.u32 v10, v63  }
0x5ab: {  	[tilespmem:v52+s10+$0x0] =	vst.idx.add.f32.msk $0xffff, v2;
	v62 =	vor.u32 v10, v61  }
.Ltmp52:
0x5ac: {  	[tilespmem:v53+s10+$0x0] =	vst.idx.add.f32.msk $0xffff, v2;
	(pc) =	sbr.rel @!p1 .LBB2_75-.Ltmp52, $4  }
0x5ad: {  	[tilespmem:v54+s10+$0x0] =	vst.idx.add.f32.msk $0xffff, v2  }
0x5ae: {  	[tilespmem:v60+s10+$0x0] =	vst.idx.add.f32.msk $0xffff, v2  }
0x5af: {  	v50 =	vand.u32 $0x7A, v49;
	v63 =	vmov s14;
	[tilespmem:v51+s10+$0x0] =	vst.idx.add.f32.msk $0xffff, v2  }
0x5b0: {  	p0 =	por $0x0, $0x0;
	v49 =	vshll.u32 v49, $0x3;
	s14 =	simm.s32 $0x8;
	v52 =	vshll.u32 v63, $0x3;
	v51 =	vand.u32 $0x79, v63;
	[tilespmem:v62+s10+$0x0] =	vst.idx.add.f32.msk $0xffff, v2  }
0x5b1: {  	v33 =	vand.u32 $0x400, v52;
	v35 =	vor.u32 v11, v44  }
0x5b2: {  	v34 =	vand.u32 $0x400, v49;
	v37 =	vor.u32 v11, v47;
	v33 =	vor.u32 v33, v51  }
0x5b3: {  	v34 =	vor.u32 v34, v50;
	v33 =	vor.u32 v11, v33  }
0x5b4: {  	v36 =	vor.u32 v48, v38;
	v34 =	vor.u32 v11, v34  }
0x5b5: {  	s13 =	simm.s32 $0x0;
	v36 =	vor.u32 v11, v36  }
0x5b6: {  	v60 =	vor.u32 v11, v46;
	v35 =	vld.idx.msk [tilespmem:v35+s13+$0x0], $0xffff  }
0x5b7: {  	v39 =	vor.u32 v11, v45;
	v54 =	vld.idx.msk [tilespmem:v37+s13+$0x0], $0xffff  }
0x5b8: {  	v40 =	vmov s14;
	s12 =	simm.s32 $0x9;
	v45 =	vor.u32 v11, v43;
	s28 =	simm.s32 $0xA;
	s29 =	simm.s32 $0xB;
	v42 =	vld.idx.msk [tilespmem:v33+s13+$0x0], $0xffff  }
0x5b9: {  	s15 =	simm.s32 $0xC;
	v47 =	vmov s12;
	v63 =	vmov s28;
	v53 =	vmov s29;
	v61 =	vld.idx.msk [tilespmem:v34+s13+$0x0], $0xffff  }
0x5ba: {  	v41 =	vmov s15;
	v51 =	vand.u32 $0x79, v47;
	v50 =	vand.u32 $0x7A, v63;
	v62 =	vld.idx.msk [tilespmem:v36+s13+$0x0], $0xffff  }
0x5bb: {  	s31 =	simm.s32 $0xE;
	v38 =	vand.u32 $0x7B, v53;
	v52 =	vshll.u32 v47, $0x3;
	v49 =	vshll.u32 v63, $0x3;
	v55 =	vld.idx.msk [tilespmem:v60+s13+$0x0], $0xffff  }
0x5bc: {  	v37 =	vmov s31;
	v56 =	vld.idx.msk [tilespmem:v39+s13+$0x0], $0xffff;
	v39 =	vand.u32 $0x7C, v41;
	v35 =	vand.u32 $0x7F, v35  }
0x5bd: {  	p1 =	por $0x1, $0x1;
	v33 =	vand.u32 $0x78, v40;
	v57 =	vor.u32 v12, v35;
	v42 =	vand.u32 $0x7F, v42  }
.Ltmp53:
0x5be: {  	s30 =	simm.s32 $0xD;
	v48 =	vld.idx.msk [tilespmem:v45+s13+$0x0], $0xffff;
	v34 =	vshll.u32 v40, $0x3;
	v60 =	vand.u32 $0x7F, v61;
	v46 =	vor.u32 v12, v42;
	(pc) =	sbr.rel @!p1 .LBB2_78-.Ltmp53, $4  }
0x5bf: {  	v40 =	vmov s30;
	v61 =	vand.u32 $0x7F, v62;
	v44 =	vor.u32 v12, v60  }
0x5c0: {  	v36 =	vand.u32 $0x7D, v40;
	v62 =	vand.u32 $0x7F, v54;
	v43 =	vor.u32 v12, v61  }
0x5c1: {  	v63 =	vand.u32 $0x7F, v55;
	v35 =	vand.u32 $0x7E, v37;
	v45 =	vor.u32 v12, v62  }
0x5c2: {  	s14 =	simm.s32 $0x10;
	p0 =	por $0x1, $0x1;
	s12 =	simm.s32 $0xF;
	v47 =	vor.u32 v12, v63;
	v42 =	vshll.u32 v53, $0x3;
	v53 =	vand.u32 $0x7F, v56;
	[tilespmem:v57+s10+$0x0] =	vst.idx.add.f32.msk $0xffff, v2  }
.LBB2_77:
0x5c3: {  	p1 =	slt.u32 s14, $0xC0;
	v54 =	vmov s12;
	v48 =	vand.u32 $0x7F, v48;
	[tilespmem:v46+s10+$0x0] =	vst.idx.add.f32.msk $0xffff, v2;
	v46 =	vor.u32 v12, v53  }
0x5c4: {  	v41 =	vshll.u32 v41, $0x3;
	v53 =	vshll.u32 v54, $0x3;
	v48 =	vor.u32 v12, v48;
	[tilespmem:v44+s10+$0x0] =	vst.idx.add.f32.msk $0xffff, v2  }
0x5c5: {  	v40 =	vshll.u32 v40, $0x3;
	v44 =	vand.u32 $0x7F, v54;
	v53 =	vand.u32 $0x400, v53;
	[tilespmem:v43+s10+$0x0] =	vst.idx.add.f32.msk $0xffff, v2  }
0x5c6: {  	v37 =	vshll.u32 v37, $0x3;
	v43 =	vand.u32 $0x400, v52;
	v44 =	vor.u32 v53, v44;
	[tilespmem:v45+s10+$0x0] =	vst.idx.add.f32.msk $0xffff, v2  }
0x5c7: {  	v43 =	vor.u32 v43, v51;
	v45 =	vand.u32 $0x400, v49;
	v44 =	vor.u32 v11, v44;
	[tilespmem:v47+s10+$0x0] =	vst.idx.add.f32.msk $0xffff, v2  }
0x5c8: {  	v42 =	vand.u32 $0x400, v42;
	v43 =	vor.u32 v11, v43;
	v45 =	vor.u32 v45, v50;
	[tilespmem:v46+s10+$0x0] =	vst.idx.add.f32.msk $0xffff, v2  }
0x5c9: {  	v38 =	vor.u32 v42, v38;
	v41 =	vand.u32 $0x400, v41;
	v45 =	vor.u32 v11, v45;
	[tilespmem:v48+s10+$0x0] =	vst.idx.add.f32.msk $0xffff, v2  }
0x5ca: {  	v40 =	vand.u32 $0x400, v40;
	v38 =	vor.u32 v11, v38;
	v39 =	vor.u32 v41, v39  }
0x5cb: {  	v37 =	vand.u32 $0x400, v37;
	v36 =	vor.u32 v40, v36;
	v39 =	vor.u32 v11, v39  }
0x5cc: {  	v34 =	vand.u32 $0x400, v34;
	v35 =	vor.u32 v37, v35;
	v36 =	vor.u32 v11, v36;
	v42 =	vld.idx.msk [tilespmem:v44+s13+$0x0], $0xffff  }
0x5cd: {  	v33 =	vor.u32 v34, v33;
	v35 =	vor.u32 v11, v35;
	v43 =	vld.idx.msk [tilespmem:v43+s13+$0x0], $0xffff  }
0x5ce: {  	s12 =	sadd.s32 $0x1, s14;
	v34 =	vmov s14;
	v44 =	vor.u32 v11, v33;
	v45 =	vld.idx.msk [tilespmem:v45+s13+$0x0], $0xffff  }
0x5cf: {  	s15 =	sadd.s32 $0x3, s14;
	s16 =	sadd.s32 $0x4, s14;
	v47 =	vmov s12;
	s12 =	sadd.s32 $0x2, s14;
	v33 =	vand.u32 $0x78, v34;
	v34 =	vshll.u32 v34, $0x3;
	v49 =	vld.idx.msk [tilespmem:v38+s13+$0x0], $0xffff  }
0x5d0: {  	v54 =	vmov s15;
	s15 =	sadd.s32 $0x6, s14;
	v41 =	vmov s16;
	v53 =	vmov s12;
	s12 =	sadd.s32 $0x5, s14;
	v55 =	vld.idx.msk [tilespmem:v39+s13+$0x0], $0xffff  }
0x5d1: {  	v37 =	vmov s15;
	v51 =	vand.u32 $0x79, v47;
	v40 =	vmov s12;
	v56 =	vld.idx.msk [tilespmem:v36+s13+$0x0], $0xffff  }
0x5d2: {  	v50 =	vand.u32 $0x7A, v53;
	v38 =	vand.u32 $0x7B, v54;
	v57 =	vld.idx.msk [tilespmem:v35+s13+$0x0], $0xffff;
	v35 =	vand.u32 $0x7F, v42  }
0x5d3: {  	v39 =	vand.u32 $0x7C, v41;
	v42 =	vand.u32 $0x7F, v43;
	v48 =	vld.idx.msk [tilespmem:v44+s13+$0x0], $0xffff;
	v58 =	vor.u32 v12, v35  }
.Ltmp54:
0x5d4: {  	v36 =	vand.u32 $0x7D, v40;
	v46 =	vor.u32 v12, v42;
	v42 =	vand.u32 $0x7F, v45;
	(pc) =	sbr.rel @p1 .LBB2_77-.Ltmp54, $4  }
0x5d5: {  	v35 =	vand.u32 $0x7E, v37;
	v44 =	vor.u32 v12, v42;
	v42 =	vand.u32 $0x7F, v49  }
0x5d6: {  	v52 =	vshll.u32 v47, $0x3;
	v43 =	vor.u32 v12, v42;
	v42 =	vand.u32 $0x7F, v55  }
0x5d7: {  	v49 =	vshll.u32 v53, $0x3;
	v45 =	vor.u32 v12, v42;
	v47 =	vand.u32 $0x7F, v56  }
0x5d8: {  	s12 =	sadd.s32 $0x7, s14;
	s14 =	sadd.s32 $0x8, s14;
	v42 =	vshll.u32 v54, $0x3;
	v47 =	vor.u32 v12, v47;
	v53 =	vand.u32 $0x7F, v57;
	[tilespmem:v58+s10+$0x0] =	vst.idx.add.f32.msk $0xffff, v2  }
.LBB2_78:
0x5d9: {  	v54 =	vmov s12;
	v41 =	vshll.u32 v41, $0x3  }
0x5da: {  	v40 =	vshll.u32 v40, $0x3;
	v52 =	vand.u32 $0x400, v52;
	v37 =	vshll.u32 v37, $0x3  }
0x5db: {  	v49 =	vand.u32 $0x400, v49;
	v42 =	vand.u32 $0x400, v42;
	v51 =	vor.u32 v52, v51  }
0x5dc: {  	v34 =	vand.u32 $0x400, v34;
	v49 =	vor.u32 v49, v50;
	v51 =	vor.u32 v11, v51  }
0x5dd: {  	v55 =	vshll.u32 v54, $0x3;
	v38 =	vor.u32 v42, v38;
	v49 =	vor.u32 v11, v49  }
0x5de: {  	v41 =	vand.u32 $0x400, v41;
	v33 =	vor.u32 v34, v33;
	v38 =	vor.u32 v11, v38  }
0x5df: {  	v40 =	vand.u32 $0x400, v40;
	v39 =	vor.u32 v41, v39;
	v33 =	vor.u32 v11, v33  }
0x5e0: {  	s13 =	simm.s32 $0x0;
	[tilespmem:v46+s10+$0x0] =	vst.idx.add.f32.msk @p0 $0xffff, v2;
	v37 =	vand.u32 $0x400, v37;
	v36 =	vor.u32 v40, v36;
	v39 =	vor.u32 v11, v39  }
0x5e1: {  	v54 =	vand.u32 $0x7F, v54;
	v35 =	vor.u32 v37, v35;
	v36 =	vor.u32 v11, v36;
	v56 =	vld.idx.msk [tilespmem:v51+s13+$0x0], $0xffff  }
0x5e2: {  	v55 =	vand.u32 $0x400, v55;
	v41 =	vand.u32 @p0 $0x7F, v48;
	v35 =	vor.u32 v11, v35;
	v57 =	vld.idx.msk [tilespmem:v49+s13+$0x0], $0xffff  }
0x5e3: {  	v54 =	vor.u32 v55, v54;
	v41 =	vor.u32 @p0 v12, v41;
	v38 =	vld.idx.msk [tilespmem:v38+s13+$0x0], $0xffff  }
0x5e4: {  	v63 =	vor.u32 v11, v54;
	v33 =	vld.idx.msk [tilespmem:v33+s13+$0x0], $0xffff  }
0x5e5: {  	v39 =	vld.idx.msk [tilespmem:v39+s13+$0x0], $0xffff  }
0x5e6: {  	v36 =	vld.idx.msk [tilespmem:v36+s13+$0x0], $0xffff  }
0x5e7: {  	s12 =	simm.s32 $0x7;
	v35 =	vld.idx.msk [tilespmem:v35+s13+$0x0], $0xffff  }
0x5e8: {  	s30 =	simm.s32 $0x4;
	v42 =	vor.u32 @p0 v12, v53;
	v52 =	vmov s12;
	[tilespmem:v41+s10+$0x0] =	vst.idx.add.f32.msk @p0 $0xffff, v2  }
0x5e9: {  	v51 =	vmov s13;
	v41 =	vmov s30;
	v55 =	vld.idx.msk [tilespmem:v63+s13+$0x0], $0xffff;
	v34 =	vand.u32 $0x7F, v56  }
0x5ea: {  	[tilespmem:v44+s10+$0x0] =	vst.idx.add.f32.msk @p0 $0xffff, v2;
	v40 =	vand.u32 $0x7F, v57;
	v60 =	vand.u32 $0x7F, v38;
	v33 =	vand.u32 $0x7F, v33  }
0x5eb: {  	[tilespmem:v43+s10+$0x0] =	vst.idx.add.f32.msk @p0 $0xffff, v2;
	v56 =	vand.u32 $0x7F, v52;
	v58 =	vor.u32 v12, v34;
	v59 =	vor.u32 v12, v40  }
0x5ec: {  	[tilespmem:v45+s10+$0x0] =	vst.idx.add.f32.msk @p0 $0xffff, v2;
	v38 =	vor.u32 v12, v60;
	v61 =	vand.u32 $0x7F, v39;
	v36 =	vand.u32 $0x7F, v36  }
0x5ed: {  	[tilespmem:v47+s10+$0x0] =	vst.idx.add.f32.msk @p0 $0xffff, v2;
	s29 =	simm.s32 $0x5;
	v62 =	vand.u32 $0x7F, v35;
	v47 =	vor.u32 v12, v33;
	v34 =	vshll.u32 v51, $0x3  }
0x5ee: {  	[tilespmem:v42+s10+$0x0] =	vst.idx.add.f32.msk @p0 $0xffff, v2;
	v33 =	vand.u32 $0x78, v51;
	v40 =	vmov s29;
	v37 =	vand.u32 $0x7F, v55  }
0x5ef: {  	v39 =	vor.u32 v12, v61;
	v49 =	vor.u32 v12, v36;
	v37 =	vor.u32 v12, v37  }
0x5f0: {  	s15 =	simm.s32 $0x3;
	v63 =	vor.u32 v12, v62;
	v54 =	vand.u32 $0x400, v34;
	v55 =	vshll.u32 v52, $0x3;
	[tilespmem:v58+s10+$0x0] =	vst.idx.add.f32.msk $0xffff, v2  }
0x5f1: {  	v61 =	vmov s15;
	v62 =	vshll.u32 v41, $0x3;
	v57 =	vand.u32 $0x400, v55;
	[tilespmem:v59+s10+$0x0] =	vst.idx.add.f32.msk $0xffff, v2  }
0x5f2: {  	v43 =	vor.u32 v54, v33;
	v42 =	vshll.u32 v61, $0x3;
	v44 =	vor.u32 v57, v56;
	[tilespmem:v38+s10+$0x0] =	vst.idx.add.f32.msk $0xffff, v2  }
0x5f3: {  	s14 =	simm.s32 $0x6;
	v51 =	vor.u32 v13, v43;
	v48 =	vand.u32 $0x400, v42;
	v50 =	vor.u32 v13, v44;
	[tilespmem:v47+s10+$0x0] =	vst.idx.add.f32.msk $0xffff, v2  }
0x5f4: {  	p1 =	por $0x1, $0x1;
	v59 =	vshll.u32 v40, $0x3;
	v38 =	vand.u32 $0x7B, v61;
	[tilespmem:v37+s10+$0x0] =	vst.idx.add.f32.msk $0xffff, v2;
	v37 =	vmov s14  }
.Ltmp55:
0x5f5: {  	v60 =	vand.u32 $0x400, v59;
	[tilespmem:v39+s10+$0x0] =	vst.idx.add.f32.msk $0xffff, v2;
	v39 =	vand.u32 $0x7C, v41;
	v58 =	vshll.u32 v37, $0x3;
	(pc) =	sbr.rel @!p1 .LBB2_80-.Ltmp55, $4  }
0x5f6: {  	s31 =	simm.s32 $0x2;
	[tilespmem:v63+s10+$0x0] =	vst.idx.add.f32.msk $0xffff, v2;
	v63 =	vand.u32 $0x400, v62;
	v35 =	vand.u32 $0x7E, v37;
	v36 =	vand.u32 $0x400, v58  }
0x5f7: {  	[tilespmem:v49+s10+$0x0] =	vst.idx.add.f32.msk $0xffff, v2;
	v49 =	vmov s31;
	v45 =	vor.u32 v36, v35;
	v36 =	vand.u32 $0x7D, v40  }
0x5f8: {  	v56 =	vor.u32 v48, v38;
	v47 =	vor.u32 v63, v39;
	v46 =	vor.u32 v60, v36  }
0x5f9: {  	s16 =	simm.s32 $0x1;
	s15 =	simm.s32 $0x8;
	s14 =	simm.s32 $0x1;
	v55 =	vmovc v49;
	v54 =	vor.u32 v13, v47;
	v52 =	vor.u32 v13, v45;
	v53 =	vor.u32 v13, v46  }
.LBB2_79:
0x5fa: {  	p0 =	slt.u32 s15, $0xC0;
	v57 =	vmov s16;
	v58 =	vshll.u32 v55, $0x3;
	v56 =	vor.u32 v13, v56  }
0x5fb: {  	v55 =	vand.u32 $0x7A, v55;
	v51 =	vld.idx.msk [tilespmem:v51+s13+$0x0], $0xffff;
	v59 =	vshll.u32 v57, $0x3;
	v58 =	vand.u32 $0x400, v58  }
0x5fc: {  	v57 =	vand.u32 $0x79, v57;
	v59 =	vand.u32 $0x400, v59;
	v55 =	vor.u32 v58, v55  }
0x5fd: {  	v58 =	vmov s15;
	v57 =	vor.u32 v59, v57;
	v55 =	vor.u32 v13, v55;
	v59 =	vld.idx.msk [tilespmem:v50+s13+$0x0], $0xffff  }
0x5fe: {  	s16 =	sadd.s32 $0x7, s15;
	v50 =	vshll.u32 v58, $0x3;
	v57 =	vor.u32 v13, v57;
	v52 =	vld.idx.msk [tilespmem:v52+s13+$0x0], $0xffff  }
0x5ff: {  	v60 =	vmov s16;
	v58 =	vand.u32 $0x78, v58;
	v50 =	vand.u32 $0x400, v50;
	v53 =	vld.idx.msk [tilespmem:v53+s13+$0x0], $0xffff  }
0x600: {  	v50 =	vor.u32 v50, v58;
	v58 =	vshll.u32 v60, $0x3;
	v54 =	vld.idx.msk [tilespmem:v54+s13+$0x0], $0xffff  }
0x601: {  	v60 =	vand.u32 $0x7F, v60;
	v58 =	vand.u32 $0x400, v58;
	v61 =	vand.u32 $0x7F, v51;
	v56 =	vld.idx.msk [tilespmem:v56+s13+$0x0], $0xffff  }
0x602: {  	s16 =	sadd.s32 $0x6, s15;
	v51 =	vor.u32 v13, v50;
	v50 =	vor.u32 v58, v60;
	v58 =	vor.u32 v14, v61;
	v55 =	vld.idx.msk [tilespmem:v55+s13+$0x0], $0xffff  }
0x603: {  	v60 =	vmov s16;
	v50 =	vor.u32 v13, v50;
	v59 =	vand.u32 $0x7F, v59;
	v57 =	vld.idx.msk [tilespmem:v57+s13+$0x0], $0xffff  }
0x604: {  	v61 =	vand.u32 $0x7E, v60;
	v52 =	vand.u32 $0x7F, v52;
	v59 =	vor.u32 v14, v59  }
0x605: {  	v60 =	vshll.u32 v60, $0x3;
	v53 =	vand.u32 $0x7F, v53;
	v52 =	vor.u32 v14, v52  }
0x606: {  	v60 =	vand.u32 $0x400, v60;
	v54 =	vand.u32 $0x7F, v54;
	v53 =	vor.u32 v14, v53  }
0x607: {  	s16 =	sadd.s32 $0x5, s15;
	v60 =	vor.u32 v60, v61;
	v56 =	vand.u32 $0x7F, v56;
	v54 =	vor.u32 v14, v54  }
0x608: {  	v61 =	vmov s16;
	v55 =	vand.u32 $0x7F, v55;
	v56 =	vor.u32 v14, v56;
	[tilespmem:v58+s10+$0x0] =	vst.idx.add.f32.msk $0xffff, v2  }
0x609: {  	v58 =	vshll.u32 v61, $0x3;
	v57 =	vand.u32 $0x7F, v57;
	v55 =	vor.u32 v14, v55;
	[tilespmem:v59+s10+$0x0] =	vst.idx.add.f32.msk $0xffff, v2  }
0x60a: {  	s16 =	sadd.s32 $0x4, s15;
	v59 =	vand.u32 $0x7D, v61;
	v58 =	vand.u32 $0x400, v58;
	v57 =	vor.u32 v14, v57;
	[tilespmem:v52+s10+$0x0] =	vst.idx.add.f32.msk $0xffff, v2  }
.Ltmp56:
0x60b: {  	s17 =	sadd.s32 $0x3, s15;
	v61 =	vmov s16;
	v58 =	vor.u32 v58, v59;
	v52 =	vor.u32 v13, v60;
	[tilespmem:v53+s10+$0x0] =	vst.idx.add.f32.msk $0xffff, v2;
	(pc) =	sbr.rel @p0 .LBB2_79-.Ltmp56, $4  }
0x60c: {  	v59 =	vmov s17;
	v60 =	vshll.u32 v61, $0x3;
	v53 =	vor.u32 v13, v58;
	[tilespmem:v54+s10+$0x0] =	vst.idx.add.f32.msk $0xffff, v2  }
0x60d: {  	v58 =	vand.u32 $0x7C, v61;
	v60 =	vand.u32 $0x400, v60;
	v54 =	vshll.u32 v59, $0x3;
	[tilespmem:v56+s10+$0x0] =	vst.idx.add.f32.msk $0xffff, v2  }
0x60e: {  	s17 =	sadd.s32 $0x2, s15;
	v58 =	vor.u32 v60, v58;
	v56 =	vand.u32 $0x7B, v59;
	v54 =	vand.u32 $0x400, v54;
	[tilespmem:v55+s10+$0x0] =	vst.idx.add.f32.msk $0xffff, v2  }
0x60f: {  	s16 =	sadd.s32 $0x1, s15;
	s15 =	sadd.s32 $0x8, s15;
	v55 =	vmov s17;
	v56 =	vor.u32 v54, v56;
	v54 =	vor.u32 v13, v58;
	[tilespmem:v57+s10+$0x0] =	vst.idx.add.f32.msk $0xffff, v2  }
.LBB2_80:
0x610: {  	_ =	sdelay $0x1  }
0x611: {  	v57 =	vmov s16;
	v58 =	vshll.u32 v55, $0x3;
	v56 =	vor.u32 v13, v56  }
0x612: {  	v62 =	vand.u32 $0x7A, v55;
	v59 =	vshll.u32 v57, $0x3;
	v58 =	vand.u32 $0x400, v58  }
0x613: {  	v51 =	vld.idx.msk [tilespmem:v51+s13+$0x0], $0xffff;
	v57 =	vand.u32 $0x79, v57;
	v59 =	vand.u32 $0x400, v59;
	v55 =	vor.u32 v58, v62  }
0x614: {  	v50 =	vld.idx.msk [tilespmem:v50+s13+$0x0], $0xffff;
	v57 =	vor.u32 v59, v57;
	v55 =	vor.u32 v13, v55  }
0x615: {  	v52 =	vld.idx.msk [tilespmem:v52+s13+$0x0], $0xffff;
	v57 =	vor.u32 v13, v57  }
0x616: {  	v53 =	vld.idx.msk [tilespmem:v53+s13+$0x0], $0xffff  }
0x617: {  	v54 =	vld.idx.msk [tilespmem:v54+s13+$0x0], $0xffff  }
0x618: {  	v51 =	vand.u32 $0x7F, v51;
	v56 =	vld.idx.msk [tilespmem:v56+s13+$0x0], $0xffff  }
0x619: {  	v50 =	vand.u32 $0x7F, v50;
	v51 =	vor.u32 v14, v51;
	v55 =	vld.idx.msk [tilespmem:v55+s13+$0x0], $0xffff  }
0x61a: {  	v52 =	vand.u32 $0x7F, v52;
	v50 =	vor.u32 v14, v50;
	v57 =	vld.idx.msk [tilespmem:v57+s13+$0x0], $0xffff  }
0x61b: {  	v53 =	vand.u32 $0x7F, v53;
	v52 =	vor.u32 v14, v52  }
0x61c: {  	v54 =	vand.u32 $0x7F, v54;
	v53 =	vor.u32 v14, v53  }
0x61d: {  	v54 =	vor.u32 v14, v54;
	v56 =	vand.u32 $0x7F, v56  }
0x61e: {  	[tilespmem:v51+s10+$0x0] =	vst.idx.add.f32.msk $0xffff, v2;
	v60 =	vor.u32 v14, v56;
	v63 =	vand.u32 $0x7F, v55  }
0x61f: {  	[tilespmem:v50+s10+$0x0] =	vst.idx.add.f32.msk $0xffff, v2;
	v61 =	vand.u32 $0x7F, v57;
	v51 =	vor.u32 v14, v63  }
0x620: {  	[tilespmem:v52+s10+$0x0] =	vst.idx.add.f32.msk $0xffff, v2;
	v62 =	vor.u32 v14, v61  }
.Ltmp57:
0x621: {  	[tilespmem:v53+s10+$0x0] =	vst.idx.add.f32.msk $0xffff, v2;
	(pc) =	sbr.rel @!p1 .LBB2_81-.Ltmp57, $4  }
0x622: {  	[tilespmem:v54+s10+$0x0] =	vst.idx.add.f32.msk $0xffff, v2  }
0x623: {  	[tilespmem:v60+s10+$0x0] =	vst.idx.add.f32.msk $0xffff, v2  }
0x624: {  	v50 =	vand.u32 $0x7A, v49;
	v63 =	vmov s14;
	[tilespmem:v51+s10+$0x0] =	vst.idx.add.f32.msk $0xffff, v2  }
0x625: {  	p0 =	por $0x0, $0x0;
	v49 =	vshll.u32 v49, $0x3;
	s14 =	simm.s32 $0x8;
	v52 =	vshll.u32 v63, $0x3;
	v51 =	vand.u32 $0x79, v63;
	[tilespmem:v62+s10+$0x0] =	vst.idx.add.f32.msk $0xffff, v2  }
0x626: {  	v33 =	vand.u32 $0x400, v52;
	v35 =	vor.u32 v15, v44  }
0x627: {  	v34 =	vand.u32 $0x400, v49;
	v37 =	vor.u32 v15, v47;
	v33 =	vor.u32 v33, v51  }
0x628: {  	v34 =	vor.u32 v34, v50;
	v33 =	vor.u32 v15, v33  }
0x629: {  	v36 =	vor.u32 v48, v38;
	v34 =	vor.u32 v15, v34  }
0x62a: {  	s13 =	simm.s32 $0x0;
	v36 =	vor.u32 v15, v36  }
0x62b: {  	v60 =	vor.u32 v15, v46;
	v35 =	vld.idx.msk [tilespmem:v35+s13+$0x0], $0xffff  }
0x62c: {  	v39 =	vor.u32 v15, v45;
	v54 =	vld.idx.msk [tilespmem:v37+s13+$0x0], $0xffff  }
0x62d: {  	v40 =	vmov s14;
	s12 =	simm.s32 $0x9;
	v45 =	vor.u32 v15, v43;
	s28 =	simm.s32 $0xA;
	s29 =	simm.s32 $0xB;
	v42 =	vld.idx.msk [tilespmem:v33+s13+$0x0], $0xffff  }
0x62e: {  	s15 =	simm.s32 $0xC;
	v47 =	vmov s12;
	v63 =	vmov s28;
	v53 =	vmov s29;
	v61 =	vld.idx.msk [tilespmem:v34+s13+$0x0], $0xffff  }
0x62f: {  	v41 =	vmov s15;
	v51 =	vand.u32 $0x79, v47;
	v50 =	vand.u32 $0x7A, v63;
	v62 =	vld.idx.msk [tilespmem:v36+s13+$0x0], $0xffff  }
0x630: {  	s31 =	simm.s32 $0xE;
	v38 =	vand.u32 $0x7B, v53;
	v52 =	vshll.u32 v47, $0x3;
	v49 =	vshll.u32 v63, $0x3;
	v55 =	vld.idx.msk [tilespmem:v60+s13+$0x0], $0xffff  }
0x631: {  	v37 =	vmov s31;
	v56 =	vld.idx.msk [tilespmem:v39+s13+$0x0], $0xffff;
	v39 =	vand.u32 $0x7C, v41;
	v35 =	vand.u32 $0x7F, v35  }
0x632: {  	p1 =	por $0x1, $0x1;
	v33 =	vand.u32 $0x78, v40;
	v57 =	vor.u32 v24, v35;
	v42 =	vand.u32 $0x7F, v42  }
.Ltmp58:
0x633: {  	s30 =	simm.s32 $0xD;
	v48 =	vld.idx.msk [tilespmem:v45+s13+$0x0], $0xffff;
	v34 =	vshll.u32 v40, $0x3;
	v60 =	vand.u32 $0x7F, v61;
	v46 =	vor.u32 v24, v42;
	(pc) =	sbr.rel @!p1 .LBB2_84-.Ltmp58, $4  }
0x634: {  	v40 =	vmov s30;
	v61 =	vand.u32 $0x7F, v62;
	v44 =	vor.u32 v24, v60  }
0x635: {  	v36 =	vand.u32 $0x7D, v40;
	v62 =	vand.u32 $0x7F, v54;
	v43 =	vor.u32 v24, v61  }
0x636: {  	v63 =	vand.u32 $0x7F, v55;
	v35 =	vand.u32 $0x7E, v37;
	v45 =	vor.u32 v24, v62  }
0x637: {  	s14 =	simm.s32 $0x10;
	p0 =	por $0x1, $0x1;
	s12 =	simm.s32 $0xF;
	v47 =	vor.u32 v24, v63;
	v42 =	vshll.u32 v53, $0x3;
	v53 =	vand.u32 $0x7F, v56;
	[tilespmem:v57+s10+$0x0] =	vst.idx.add.f32.msk $0xffff, v2  }
.LBB2_83:
0x638: {  	p1 =	slt.u32 s14, $0xC0;
	v54 =	vmov s12;
	v48 =	vand.u32 $0x7F, v48;
	[tilespmem:v46+s10+$0x0] =	vst.idx.add.f32.msk $0xffff, v2;
	v46 =	vor.u32 v24, v53  }
0x639: {  	v41 =	vshll.u32 v41, $0x3;
	v53 =	vshll.u32 v54, $0x3;
	v48 =	vor.u32 v24, v48;
	[tilespmem:v44+s10+$0x0] =	vst.idx.add.f32.msk $0xffff, v2  }
0x63a: {  	v40 =	vshll.u32 v40, $0x3;
	v44 =	vand.u32 $0x7F, v54;
	v53 =	vand.u32 $0x400, v53;
	[tilespmem:v43+s10+$0x0] =	vst.idx.add.f32.msk $0xffff, v2  }
0x63b: {  	v37 =	vshll.u32 v37, $0x3;
	v43 =	vand.u32 $0x400, v52;
	v44 =	vor.u32 v53, v44;
	[tilespmem:v45+s10+$0x0] =	vst.idx.add.f32.msk $0xffff, v2  }
0x63c: {  	v43 =	vor.u32 v43, v51;
	v45 =	vand.u32 $0x400, v49;
	v44 =	vor.u32 v15, v44;
	[tilespmem:v47+s10+$0x0] =	vst.idx.add.f32.msk $0xffff, v2  }
0x63d: {  	v42 =	vand.u32 $0x400, v42;
	v43 =	vor.u32 v15, v43;
	v45 =	vor.u32 v45, v50;
	[tilespmem:v46+s10+$0x0] =	vst.idx.add.f32.msk $0xffff, v2  }
0x63e: {  	v38 =	vor.u32 v42, v38;
	v41 =	vand.u32 $0x400, v41;
	v45 =	vor.u32 v15, v45;
	[tilespmem:v48+s10+$0x0] =	vst.idx.add.f32.msk $0xffff, v2  }
0x63f: {  	v40 =	vand.u32 $0x400, v40;
	v38 =	vor.u32 v15, v38;
	v39 =	vor.u32 v41, v39  }
0x640: {  	v37 =	vand.u32 $0x400, v37;
	v36 =	vor.u32 v40, v36;
	v39 =	vor.u32 v15, v39  }
0x641: {  	v34 =	vand.u32 $0x400, v34;
	v35 =	vor.u32 v37, v35;
	v36 =	vor.u32 v15, v36;
	v42 =	vld.idx.msk [tilespmem:v44+s13+$0x0], $0xffff  }
0x642: {  	v33 =	vor.u32 v34, v33;
	v35 =	vor.u32 v15, v35;
	v43 =	vld.idx.msk [tilespmem:v43+s13+$0x0], $0xffff  }
0x643: {  	s12 =	sadd.s32 $0x1, s14;
	v34 =	vmov s14;
	v44 =	vor.u32 v15, v33;
	v45 =	vld.idx.msk [tilespmem:v45+s13+$0x0], $0xffff  }
0x644: {  	s15 =	sadd.s32 $0x3, s14;
	s16 =	sadd.s32 $0x4, s14;
	v47 =	vmov s12;
	s12 =	sadd.s32 $0x2, s14;
	v33 =	vand.u32 $0x78, v34;
	v34 =	vshll.u32 v34, $0x3;
	v49 =	vld.idx.msk [tilespmem:v38+s13+$0x0], $0xffff  }
0x645: {  	v54 =	vmov s15;
	s15 =	sadd.s32 $0x6, s14;
	v41 =	vmov s16;
	v53 =	vmov s12;
	s12 =	sadd.s32 $0x5, s14;
	v55 =	vld.idx.msk [tilespmem:v39+s13+$0x0], $0xffff  }
0x646: {  	v37 =	vmov s15;
	v51 =	vand.u32 $0x79, v47;
	v40 =	vmov s12;
	v56 =	vld.idx.msk [tilespmem:v36+s13+$0x0], $0xffff  }
0x647: {  	v50 =	vand.u32 $0x7A, v53;
	v38 =	vand.u32 $0x7B, v54;
	v57 =	vld.idx.msk [tilespmem:v35+s13+$0x0], $0xffff;
	v35 =	vand.u32 $0x7F, v42  }
0x648: {  	v39 =	vand.u32 $0x7C, v41;
	v42 =	vand.u32 $0x7F, v43;
	v48 =	vld.idx.msk [tilespmem:v44+s13+$0x0], $0xffff;
	v58 =	vor.u32 v24, v35  }
.Ltmp59:
0x649: {  	v36 =	vand.u32 $0x7D, v40;
	v46 =	vor.u32 v24, v42;
	v42 =	vand.u32 $0x7F, v45;
	(pc) =	sbr.rel @p1 .LBB2_83-.Ltmp59, $4  }
0x64a: {  	v35 =	vand.u32 $0x7E, v37;
	v44 =	vor.u32 v24, v42;
	v42 =	vand.u32 $0x7F, v49  }
0x64b: {  	v52 =	vshll.u32 v47, $0x3;
	v43 =	vor.u32 v24, v42;
	v42 =	vand.u32 $0x7F, v55  }
0x64c: {  	v49 =	vshll.u32 v53, $0x3;
	v45 =	vor.u32 v24, v42;
	v47 =	vand.u32 $0x7F, v56  }
0x64d: {  	s12 =	sadd.s32 $0x7, s14;
	s14 =	sadd.s32 $0x8, s14;
	v42 =	vshll.u32 v54, $0x3;
	v47 =	vor.u32 v24, v47;
	v53 =	vand.u32 $0x7F, v57;
	[tilespmem:v58+s10+$0x0] =	vst.idx.add.f32.msk $0xffff, v2  }
.LBB2_84:
0x64e: {  	v54 =	vmov s12;
	v41 =	vshll.u32 v41, $0x3;
	v40 =	vshll.u32 v40, $0x3  }
0x64f: {  	v52 =	vand.u32 $0x400, v52;
	v37 =	vshll.u32 v37, $0x3;
	v49 =	vand.u32 $0x400, v49  }
0x650: {  	v42 =	vand.u32 $0x400, v42;
	v34 =	vand.u32 $0x400, v34;
	v51 =	vor.u32 v52, v51  }
0x651: {  	v55 =	vshll.u32 v54, $0x3;
	v49 =	vor.u32 v49, v50;
	v51 =	vor.u32 v15, v51  }
0x652: {  	v54 =	vand.u32 $0x7F, v54;
	v38 =	vor.u32 v42, v38;
	v49 =	vor.u32 v15, v49  }
0x653: {  	v41 =	vand.u32 $0x400, v41;
	v33 =	vor.u32 v34, v33;
	v38 =	vor.u32 v15, v38  }
0x654: {  	v40 =	vand.u32 $0x400, v40;
	v39 =	vor.u32 v41, v39;
	v33 =	vor.u32 v15, v33  }
0x655: {  	s13 =	simm.s32 $0x0;
	v37 =	vand.u32 $0x400, v37;
	v36 =	vor.u32 v40, v36;
	v39 =	vor.u32 v15, v39  }
0x656: {  	v55 =	vand.u32 $0x400, v55;
	v35 =	vor.u32 v37, v35;
	v36 =	vor.u32 v15, v36;
	v60 =	vld.idx.msk [tilespmem:v51+s13+$0x0], $0xffff  }
0x657: {  	v54 =	vor.u32 v55, v54;
	v35 =	vor.u32 v15, v35;
	v61 =	vld.idx.msk [tilespmem:v49+s13+$0x0], $0xffff  }
0x658: {  	v58 =	vor.u32 v15, v54;
	v38 =	vld.idx.msk [tilespmem:v38+s13+$0x0], $0xffff  }
0x659: {  	v33 =	vld.idx.msk [tilespmem:v33+s13+$0x0], $0xffff  }
0x65a: {  	v39 =	vld.idx.msk [tilespmem:v39+s13+$0x0], $0xffff  }
0x65b: {  	s12 =	simm.s32 $0x7;
	v42 =	vor.u32 @p0 v24, v53;
	v36 =	vld.idx.msk [tilespmem:v36+s13+$0x0], $0xffff  }
0x65c: {  	s31 =	simm.s32 $0x2;
	v53 =	vmov s13;
	v41 =	vand.u32 @p0 $0x7F, v48;
	v55 =	vmov s12;
	v35 =	vld.idx.msk [tilespmem:v35+s13+$0x0], $0xffff  }
0x65d: {  	v48 =	vmov s31;
	v41 =	vor.u32 @p0 v24, v41;
	v57 =	vshll.u32 v55, $0x3;
	v59 =	vld.idx.msk [tilespmem:v58+s13+$0x0], $0xffff  }
0x65e: {  	[tilespmem:v46+s10+$0x0] =	vst.idx.add.f32.msk @p0 $0xffff, v2;
	v58 =	vand.u32 $0x7F, v55;
	v34 =	vand.u32 $0x7F, v60;
	v40 =	vand.u32 $0x7F, v61  }
0x65f: {  	[tilespmem:v44+s10+$0x0] =	vst.idx.add.f32.msk @p0 $0xffff, v2;
	v38 =	vand.u32 $0x7F, v38;
	v33 =	vand.u32 $0x7F, v33;
	v34 =	vor.u32 v24, v34  }
0x660: {  	[tilespmem:v43+s10+$0x0] =	vst.idx.add.f32.msk @p0 $0xffff, v2;
	v40 =	vor.u32 v24, v40;
	v38 =	vor.u32 v24, v38;
	v39 =	vand.u32 $0x7F, v39  }
0x661: {  	[tilespmem:v45+s10+$0x0] =	vst.idx.add.f32.msk @p0 $0xffff, v2;
	v36 =	vand.u32 $0x7F, v36;
	v35 =	vand.u32 $0x7F, v35;
	v54 =	vor.u32 v24, v33  }
0x662: {  	[tilespmem:v47+s10+$0x0] =	vst.idx.add.f32.msk @p0 $0xffff, v2;
	v33 =	vshll.u32 v53, $0x3;
	v37 =	vand.u32 $0x7F, v59;
	v62 =	vor.u32 v24, v39  }
0x663: {  	s14 =	simm.s32 $0x6;
	s29 =	simm.s32 $0x5;
	[tilespmem:v42+s10+$0x0] =	vst.idx.add.f32.msk @p0 $0xffff, v2;
	v63 =	vor.u32 v24, v36;
	v52 =	vor.u32 v24, v35;
	v56 =	vand.u32 $0x400, v33  }
0x664: {  	[tilespmem:v41+s10+$0x0] =	vst.idx.add.f32.msk @p0 $0xffff, v2;
	v59 =	vand.u32 $0x400, v57;
	v36 =	vmov s14;
	v39 =	vmov s29  }
0x665: {  	v37 =	vor.u32 v24, v37;
	v24 =	vand.u32 $0x78, v53;
	v43 =	vor.u32 v59, v58;
	[tilespmem:v34+s10+$0x0] =	vst.idx.add.f32.msk $0xffff, v2  }
0x666: {  	v60 =	vshll.u32 v36, $0x3;
	v61 =	vshll.u32 v39, $0x3;
	v42 =	vor.u32 v56, v24;
	[tilespmem:v40+s10+$0x0] =	vst.idx.add.f32.msk $0xffff, v2  }
0x667: {  	s30 =	simm.s32 $0x4;
	v49 =	vor.u32 v16, v43;
	v35 =	vand.u32 $0x400, v60;
	v34 =	vand.u32 $0x7E, v36;
	[tilespmem:v38+s10+$0x0] =	vst.idx.add.f32.msk $0xffff, v2  }
0x668: {  	s15 =	simm.s32 $0x3;
	p1 =	por $0x1, $0x1;
	v50 =	vor.u32 v16, v42;
	v40 =	vmov s30;
	v44 =	vor.u32 v35, v34;
	[tilespmem:v62+s10+$0x0] =	vst.idx.add.f32.msk $0xffff, v2  }
.Ltmp60:
0x669: {  	v35 =	vand.u32 $0x7D, v39;
	v62 =	vmov s15;
	[tilespmem:v63+s10+$0x0] =	vst.idx.add.f32.msk $0xffff, v2;
	v63 =	vshll.u32 v40, $0x3;
	(pc) =	sbr.rel @!p1 .LBB2_86-.Ltmp60, $4  }
0x66a: {  	v38 =	vand.u32 $0x7C, v40;
	[tilespmem:v37+s10+$0x0] =	vst.idx.add.f32.msk $0xffff, v2;
	v37 =	vand.u32 $0x400, v61;
	v51 =	vor.u32 v16, v44  }
0x66b: {  	[tilespmem:v54+s10+$0x0] =	vst.idx.add.f32.msk $0xffff, v2;
	v41 =	vshll.u32 v62, $0x3;
	v46 =	vand.u32 $0x400, v63;
	v45 =	vor.u32 v37, v35  }
0x66c: {  	[tilespmem:v52+s10+$0x0] =	vst.idx.add.f32.msk $0xffff, v2;
	v37 =	vand.u32 $0x7B, v62;
	v47 =	vand.u32 $0x400, v41;
	v46 =	vor.u32 v46, v38  }
0x66d: {  	s16 =	simm.s32 $0x1;
	s14 =	simm.s32 $0x1;
	v54 =	vmovc v48;
	s15 =	simm.s32 $0x8;
	v52 =	vor.u32 v16, v45;
	v55 =	vor.u32 v47, v37;
	v53 =	vor.u32 v16, v46  }
.LBB2_85:
0x66e: {  	p0 =	slt.u32 s15, $0xC0;
	v56 =	vmov s16;
	v57 =	vshll.u32 v54, $0x3;
	v55 =	vor.u32 v16, v55  }
0x66f: {  	v54 =	vand.u32 $0x7A, v54;
	v50 =	vld.idx.msk [tilespmem:v50+s13+$0x0], $0xffff;
	v58 =	vshll.u32 v56, $0x3;
	v57 =	vand.u32 $0x400, v57  }
0x670: {  	v56 =	vand.u32 $0x79, v56;
	v58 =	vand.u32 $0x400, v58;
	v54 =	vor.u32 v57, v54  }
0x671: {  	v57 =	vmov s15;
	v56 =	vor.u32 v58, v56;
	v54 =	vor.u32 v16, v54;
	v58 =	vld.idx.msk [tilespmem:v49+s13+$0x0], $0xffff  }
0x672: {  	s16 =	sadd.s32 $0x7, s15;
	v49 =	vshll.u32 v57, $0x3;
	v56 =	vor.u32 v16, v56;
	v51 =	vld.idx.msk [tilespmem:v51+s13+$0x0], $0xffff  }
0x673: {  	v59 =	vmov s16;
	v57 =	vand.u32 $0x78, v57;
	v49 =	vand.u32 $0x400, v49;
	v52 =	vld.idx.msk [tilespmem:v52+s13+$0x0], $0xffff  }
0x674: {  	v49 =	vor.u32 v49, v57;
	v57 =	vshll.u32 v59, $0x3;
	v53 =	vld.idx.msk [tilespmem:v53+s13+$0x0], $0xffff  }
0x675: {  	v59 =	vand.u32 $0x7F, v59;
	v57 =	vand.u32 $0x400, v57;
	v60 =	vand.u32 $0x7F, v50;
	v55 =	vld.idx.msk [tilespmem:v55+s13+$0x0], $0xffff  }
0x676: {  	s16 =	sadd.s32 $0x6, s15;
	v50 =	vor.u32 v16, v49;
	v49 =	vor.u32 v57, v59;
	v57 =	vor.u32 v27, v60;
	v54 =	vld.idx.msk [tilespmem:v54+s13+$0x0], $0xffff  }
0x677: {  	v59 =	vmov s16;
	v49 =	vor.u32 v16, v49;
	v58 =	vand.u32 $0x7F, v58;
	v56 =	vld.idx.msk [tilespmem:v56+s13+$0x0], $0xffff  }
0x678: {  	v60 =	vand.u32 $0x7E, v59;
	v51 =	vand.u32 $0x7F, v51;
	v58 =	vor.u32 v27, v58  }
0x679: {  	v59 =	vshll.u32 v59, $0x3;
	v52 =	vand.u32 $0x7F, v52;
	v51 =	vor.u32 v27, v51  }
0x67a: {  	v59 =	vand.u32 $0x400, v59;
	v53 =	vand.u32 $0x7F, v53;
	v52 =	vor.u32 v27, v52  }
0x67b: {  	s16 =	sadd.s32 $0x5, s15;
	v59 =	vor.u32 v59, v60;
	v55 =	vand.u32 $0x7F, v55;
	v53 =	vor.u32 v27, v53  }
0x67c: {  	v60 =	vmov s16;
	v54 =	vand.u32 $0x7F, v54;
	v55 =	vor.u32 v27, v55;
	[tilespmem:v57+s10+$0x0] =	vst.idx.add.f32.msk $0xffff, v2  }
0x67d: {  	v57 =	vshll.u32 v60, $0x3;
	v56 =	vand.u32 $0x7F, v56;
	v54 =	vor.u32 v27, v54;
	[tilespmem:v58+s10+$0x0] =	vst.idx.add.f32.msk $0xffff, v2  }
0x67e: {  	s16 =	sadd.s32 $0x4, s15;
	v58 =	vand.u32 $0x7D, v60;
	v57 =	vand.u32 $0x400, v57;
	v56 =	vor.u32 v27, v56;
	[tilespmem:v51+s10+$0x0] =	vst.idx.add.f32.msk $0xffff, v2  }
.Ltmp61:
0x67f: {  	s17 =	sadd.s32 $0x3, s15;
	v60 =	vmov s16;
	v57 =	vor.u32 v57, v58;
	v51 =	vor.u32 v16, v59;
	[tilespmem:v52+s10+$0x0] =	vst.idx.add.f32.msk $0xffff, v2;
	(pc) =	sbr.rel @p0 .LBB2_85-.Ltmp61, $4  }
0x680: {  	v58 =	vmov s17;
	v59 =	vshll.u32 v60, $0x3;
	v52 =	vor.u32 v16, v57;
	[tilespmem:v53+s10+$0x0] =	vst.idx.add.f32.msk $0xffff, v2  }
0x681: {  	v57 =	vand.u32 $0x7C, v60;
	v59 =	vand.u32 $0x400, v59;
	v53 =	vshll.u32 v58, $0x3;
	[tilespmem:v55+s10+$0x0] =	vst.idx.add.f32.msk $0xffff, v2  }
0x682: {  	s17 =	sadd.s32 $0x2, s15;
	v57 =	vor.u32 v59, v57;
	v55 =	vand.u32 $0x7B, v58;
	v53 =	vand.u32 $0x400, v53;
	[tilespmem:v54+s10+$0x0] =	vst.idx.add.f32.msk $0xffff, v2  }
0x683: {  	s16 =	sadd.s32 $0x1, s15;
	s15 =	sadd.s32 $0x8, s15;
	v54 =	vmov s17;
	v55 =	vor.u32 v53, v55;
	v53 =	vor.u32 v16, v57;
	[tilespmem:v56+s10+$0x0] =	vst.idx.add.f32.msk $0xffff, v2  }
.LBB2_86:
0x684: {  	_ =	sdelay $0x1  }
0x685: {  	v56 =	vmov s16;
	v57 =	vshll.u32 v54, $0x3;
	v55 =	vor.u32 v16, v55  }
0x686: {  	v63 =	vand.u32 $0x7A, v54;
	v58 =	vshll.u32 v56, $0x3;
	v57 =	vand.u32 $0x400, v57  }
0x687: {  	v50 =	vld.idx.msk [tilespmem:v50+s13+$0x0], $0xffff;
	v56 =	vand.u32 $0x79, v56;
	v58 =	vand.u32 $0x400, v58;
	v54 =	vor.u32 v57, v63  }
0x688: {  	v49 =	vld.idx.msk [tilespmem:v49+s13+$0x0], $0xffff;
	v56 =	vor.u32 v58, v56;
	v54 =	vor.u32 v16, v54  }
0x689: {  	v51 =	vld.idx.msk [tilespmem:v51+s13+$0x0], $0xffff;
	v56 =	vor.u32 v16, v56  }
0x68a: {  	v52 =	vld.idx.msk [tilespmem:v52+s13+$0x0], $0xffff  }
0x68b: {  	v53 =	vld.idx.msk [tilespmem:v53+s13+$0x0], $0xffff  }
0x68c: {  	v50 =	vand.u32 $0x7F, v50;
	v55 =	vld.idx.msk [tilespmem:v55+s13+$0x0], $0xffff  }
0x68d: {  	v49 =	vand.u32 $0x7F, v49;
	v50 =	vor.u32 v27, v50;
	v54 =	vld.idx.msk [tilespmem:v54+s13+$0x0], $0xffff  }
0x68e: {  	v51 =	vand.u32 $0x7F, v51;
	v49 =	vor.u32 v27, v49;
	v56 =	vld.idx.msk [tilespmem:v56+s13+$0x0], $0xffff  }
0x68f: {  	v52 =	vand.u32 $0x7F, v52;
	v51 =	vor.u32 v27, v51  }
0x690: {  	v53 =	vand.u32 $0x7F, v53;
	v52 =	vor.u32 v27, v52  }
0x691: {  	v53 =	vor.u32 v27, v53;
	v55 =	vand.u32 $0x7F, v55  }
0x692: {  	[tilespmem:v50+s10+$0x0] =	vst.idx.add.f32.msk $0xffff, v2;
	v61 =	vor.u32 v27, v55;
	v60 =	vand.u32 $0x7F, v54  }
0x693: {  	[tilespmem:v49+s10+$0x0] =	vst.idx.add.f32.msk $0xffff, v2;
	v62 =	vand.u32 $0x7F, v56;
	v50 =	vor.u32 v27, v60  }
0x694: {  	[tilespmem:v51+s10+$0x0] =	vst.idx.add.f32.msk $0xffff, v2;
	v27 =	vor.u32 v27, v62  }
.Ltmp62:
0x695: {  	[tilespmem:v52+s10+$0x0] =	vst.idx.add.f32.msk $0xffff, v2;
	(pc) =	sbr.rel @!p1 .LBB2_87-.Ltmp62, $4  }
0x696: {  	[tilespmem:v53+s10+$0x0] =	vst.idx.add.f32.msk $0xffff, v2  }
0x697: {  	v63 =	vmov s14;
	[tilespmem:v61+s10+$0x0] =	vst.idx.add.f32.msk $0xffff, v2  }
0x698: {  	v49 =	vand.u32 $0x79, v63;
	[tilespmem:v50+s10+$0x0] =	vst.idx.add.f32.msk $0xffff, v2  }
0x699: {  	p0 =	por $0x0, $0x0;
	s14 =	simm.s32 $0x8;
	v50 =	vshll.u32 v63, $0x3;
	[tilespmem:v27+s10+$0x0] =	vst.idx.add.f32.msk $0xffff, v2;
	v27 =	vand.u32 $0x7A, v48;
	v48 =	vshll.u32 v48, $0x3  }
0x69a: {  	v24 =	vand.u32 $0x400, v50  }
0x69b: {  	v33 =	vand.u32 $0x400, v48;
	v34 =	vor.u32 v17, v43;
	v24 =	vor.u32 v24, v49  }
0x69c: {  	v27 =	vor.u32 v33, v27;
	v24 =	vor.u32 v17, v24  }
0x69d: {  	v60 =	vor.u32 v47, v37;
	v27 =	vor.u32 v17, v27  }
0x69e: {  	v35 =	vor.u32 v17, v60  }
0x69f: {  	s13 =	simm.s32 $0x0;
	v36 =	vor.u32 v17, v46  }
0x6a0: {  	v61 =	vor.u32 v17, v45;
	v34 =	vld.idx.msk [tilespmem:v34+s13+$0x0], $0xffff  }
0x6a1: {  	v38 =	vor.u32 v17, v44;
	v62 =	vmov s14;
	s12 =	simm.s32 $0x9;
	v44 =	vor.u32 v17, v42;
	s28 =	simm.s32 $0xA;
	v41 =	vld.idx.msk [tilespmem:v24+s13+$0x0], $0xffff  }
0x6a2: {  	s29 =	simm.s32 $0xB;
	s15 =	simm.s32 $0xC;
	s30 =	simm.s32 $0xD;
	v33 =	vshll.u32 v62, $0x3;
	v57 =	vmov s12;
	v59 =	vmov s28;
	v63 =	vld.idx.msk [tilespmem:v27+s13+$0x0], $0xffff  }
0x6a3: {  	v51 =	vmov s29;
	v40 =	vmov s15;
	v39 =	vmov s30;
	v58 =	vld.idx.msk [tilespmem:v35+s13+$0x0], $0xffff  }
0x6a4: {  	s31 =	simm.s32 $0xE;
	v49 =	vand.u32 $0x79, v57;
	v37 =	vand.u32 $0x7B, v51;
	v50 =	vshll.u32 v57, $0x3;
	v52 =	vld.idx.msk [tilespmem:v36+s13+$0x0], $0xffff  }
0x6a5: {  	v48 =	vshll.u32 v59, $0x3;
	v36 =	vmov s31;
	v53 =	vld.idx.msk [tilespmem:v61+s13+$0x0], $0xffff;
	v34 =	vand.u32 $0x7F, v34  }
0x6a6: {  	p1 =	por $0x1, $0x1;
	v54 =	vld.idx.msk [tilespmem:v38+s13+$0x0], $0xffff;
	v38 =	vand.u32 $0x7C, v40;
	v55 =	vor.u32 v25, v34;
	v41 =	vand.u32 $0x7F, v41  }
.Ltmp63:
0x6a7: {  	v47 =	vld.idx.msk [tilespmem:v44+s13+$0x0], $0xffff;
	v35 =	vand.u32 $0x7D, v39;
	v60 =	vand.u32 $0x7F, v63;
	v45 =	vor.u32 v25, v41;
	(pc) =	sbr.rel @!p1 .LBB2_90-.Ltmp63, $4  }
0x6a8: {  	v24 =	vand.u32 $0x78, v62;
	v61 =	vand.u32 $0x7F, v58;
	v43 =	vor.u32 v25, v60  }
0x6a9: {  	v27 =	vand.u32 $0x7A, v59;
	v62 =	vand.u32 $0x7F, v52;
	v42 =	vor.u32 v25, v61  }
0x6aa: {  	v34 =	vand.u32 $0x7E, v36;
	v44 =	vor.u32 v25, v62;
	v63 =	vand.u32 $0x7F, v53  }
0x6ab: {  	s14 =	simm.s32 $0x10;
	p0 =	por $0x1, $0x1;
	s12 =	simm.s32 $0xF;
	v41 =	vshll.u32 v51, $0x3;
	v46 =	vor.u32 v25, v63;
	v51 =	vand.u32 $0x7F, v54;
	[tilespmem:v55+s10+$0x0] =	vst.idx.add.f32.msk $0xffff, v2  }
.LBB2_89:
0x6ac: {  	p1 =	slt.u32 s14, $0xC0;
	v52 =	vmov s12;
	v47 =	vand.u32 $0x7F, v47;
	[tilespmem:v45+s10+$0x0] =	vst.idx.add.f32.msk $0xffff, v2;
	v45 =	vor.u32 v25, v51  }
0x6ad: {  	v40 =	vshll.u32 v40, $0x3;
	v51 =	vshll.u32 v52, $0x3;
	v47 =	vor.u32 v25, v47;
	[tilespmem:v43+s10+$0x0] =	vst.idx.add.f32.msk $0xffff, v2  }
0x6ae: {  	v39 =	vshll.u32 v39, $0x3;
	v43 =	vand.u32 $0x7F, v52;
	v51 =	vand.u32 $0x400, v51;
	[tilespmem:v42+s10+$0x0] =	vst.idx.add.f32.msk $0xffff, v2  }
0x6af: {  	v36 =	vshll.u32 v36, $0x3;
	v42 =	vand.u32 $0x400, v50;
	v43 =	vor.u32 v51, v43;
	[tilespmem:v44+s10+$0x0] =	vst.idx.add.f32.msk $0xffff, v2  }
0x6b0: {  	v42 =	vor.u32 v42, v49;
	v44 =	vand.u32 $0x400, v48;
	v43 =	vor.u32 v17, v43;
	[tilespmem:v46+s10+$0x0] =	vst.idx.add.f32.msk $0xffff, v2  }
0x6b1: {  	v41 =	vand.u32 $0x400, v41;
	v42 =	vor.u32 v17, v42;
	v27 =	vor.u32 v44, v27;
	[tilespmem:v45+s10+$0x0] =	vst.idx.add.f32.msk $0xffff, v2  }
0x6b2: {  	v37 =	vor.u32 v41, v37;
	v40 =	vand.u32 $0x400, v40;
	v27 =	vor.u32 v17, v27;
	[tilespmem:v47+s10+$0x0] =	vst.idx.add.f32.msk $0xffff, v2  }
0x6b3: {  	v39 =	vand.u32 $0x400, v39;
	v37 =	vor.u32 v17, v37;
	v38 =	vor.u32 v40, v38  }
0x6b4: {  	v36 =	vand.u32 $0x400, v36;
	v35 =	vor.u32 v39, v35;
	v38 =	vor.u32 v17, v38  }
0x6b5: {  	v33 =	vand.u32 $0x400, v33;
	v34 =	vor.u32 v36, v34;
	v35 =	vor.u32 v17, v35;
	v41 =	vld.idx.msk [tilespmem:v43+s13+$0x0], $0xffff  }
0x6b6: {  	v24 =	vor.u32 v33, v24;
	v34 =	vor.u32 v17, v34;
	v42 =	vld.idx.msk [tilespmem:v42+s13+$0x0], $0xffff  }
0x6b7: {  	s12 =	sadd.s32 $0x1, s14;
	v33 =	vmov s14;
	v43 =	vor.u32 v17, v24;
	v44 =	vld.idx.msk [tilespmem:v27+s13+$0x0], $0xffff  }
0x6b8: {  	s15 =	sadd.s32 $0x3, s14;
	s16 =	sadd.s32 $0x4, s14;
	v46 =	vmov s12;
	s12 =	sadd.s32 $0x2, s14;
	v24 =	vand.u32 $0x78, v33;
	v33 =	vshll.u32 v33, $0x3;
	v48 =	vld.idx.msk [tilespmem:v37+s13+$0x0], $0xffff  }
0x6b9: {  	v52 =	vmov s15;
	s15 =	sadd.s32 $0x6, s14;
	v40 =	vmov s16;
	v51 =	vmov s12;
	s12 =	sadd.s32 $0x5, s14;
	v53 =	vld.idx.msk [tilespmem:v38+s13+$0x0], $0xffff  }
0x6ba: {  	v36 =	vmov s15;
	v49 =	vand.u32 $0x79, v46;
	v39 =	vmov s12;
	v54 =	vld.idx.msk [tilespmem:v35+s13+$0x0], $0xffff  }
0x6bb: {  	v27 =	vand.u32 $0x7A, v51;
	v37 =	vand.u32 $0x7B, v52;
	v55 =	vld.idx.msk [tilespmem:v34+s13+$0x0], $0xffff;
	v34 =	vand.u32 $0x7F, v41  }
0x6bc: {  	v38 =	vand.u32 $0x7C, v40;
	v41 =	vand.u32 $0x7F, v42;
	v47 =	vld.idx.msk [tilespmem:v43+s13+$0x0], $0xffff;
	v56 =	vor.u32 v25, v34  }
.Ltmp64:
0x6bd: {  	v35 =	vand.u32 $0x7D, v39;
	v45 =	vor.u32 v25, v41;
	v41 =	vand.u32 $0x7F, v44;
	(pc) =	sbr.rel @p1 .LBB2_89-.Ltmp64, $4  }
0x6be: {  	v34 =	vand.u32 $0x7E, v36;
	v43 =	vor.u32 v25, v41;
	v41 =	vand.u32 $0x7F, v48  }
0x6bf: {  	v50 =	vshll.u32 v46, $0x3;
	v42 =	vor.u32 v25, v41;
	v41 =	vand.u32 $0x7F, v53  }
0x6c0: {  	v48 =	vshll.u32 v51, $0x3;
	v44 =	vor.u32 v25, v41;
	v46 =	vand.u32 $0x7F, v54  }
0x6c1: {  	s12 =	sadd.s32 $0x7, s14;
	s14 =	sadd.s32 $0x8, s14;
	v41 =	vshll.u32 v52, $0x3;
	v46 =	vor.u32 v25, v46;
	v51 =	vand.u32 $0x7F, v55;
	[tilespmem:v56+s10+$0x0] =	vst.idx.add.f32.msk $0xffff, v2  }
.LBB2_90:
0x6c2: {  	v52 =	vmov s12;
	v40 =	vshll.u32 v40, $0x3;
	v39 =	vshll.u32 v39, $0x3  }
0x6c3: {  	v50 =	vand.u32 $0x400, v50;
	v36 =	vshll.u32 v36, $0x3;
	v48 =	vand.u32 $0x400, v48  }
0x6c4: {  	v41 =	vand.u32 $0x400, v41;
	v33 =	vand.u32 $0x400, v33;
	v49 =	vor.u32 v50, v49  }
0x6c5: {  	v53 =	vshll.u32 v52, $0x3;
	v27 =	vor.u32 v48, v27;
	v49 =	vor.u32 v17, v49  }
0x6c6: {  	v52 =	vand.u32 $0x7F, v52;
	v37 =	vor.u32 v41, v37;
	v27 =	vor.u32 v17, v27  }
0x6c7: {  	v40 =	vand.u32 $0x400, v40;
	v24 =	vor.u32 v33, v24;
	v37 =	vor.u32 v17, v37  }
0x6c8: {  	v39 =	vand.u32 $0x400, v39;
	v38 =	vor.u32 v40, v38;
	v24 =	vor.u32 v17, v24  }
0x6c9: {  	s13 =	simm.s32 $0x0;
	[tilespmem:v46+s10+$0x0] =	vst.idx.add.f32.msk @p0 $0xffff, v2;
	v36 =	vand.u32 $0x400, v36;
	v35 =	vor.u32 v39, v35;
	v38 =	vor.u32 v17, v38  }
0x6ca: {  	v53 =	vand.u32 $0x400, v53;
	v34 =	vor.u32 v36, v34;
	v35 =	vor.u32 v17, v35;
	v60 =	vld.idx.msk [tilespmem:v49+s13+$0x0], $0xffff  }
0x6cb: {  	v52 =	vor.u32 v53, v52;
	v34 =	vor.u32 v17, v34;
	v27 =	vld.idx.msk [tilespmem:v27+s13+$0x0], $0xffff  }
0x6cc: {  	v58 =	vor.u32 v17, v52;
	v37 =	vld.idx.msk [tilespmem:v37+s13+$0x0], $0xffff  }
0x6cd: {  	v24 =	vld.idx.msk [tilespmem:v24+s13+$0x0], $0xffff  }
0x6ce: {  	s12 =	simm.s32 $0x7;
	v38 =	vld.idx.msk [tilespmem:v38+s13+$0x0], $0xffff  }
0x6cf: {  	s31 =	simm.s32 $0x2;
	v54 =	vmov s12;
	v35 =	vld.idx.msk [tilespmem:v35+s13+$0x0], $0xffff  }
0x6d0: {  	v46 =	vmov s31;
	v39 =	vand.u32 @p0 $0x7F, v47;
	v56 =	vshll.u32 v54, $0x3;
	v34 =	vld.idx.msk [tilespmem:v34+s13+$0x0], $0xffff  }
0x6d1: {  	v40 =	vor.u32 @p0 v25, v51;
	v57 =	vand.u32 $0x7F, v54;
	v59 =	vld.idx.msk [tilespmem:v58+s13+$0x0], $0xffff;
	v58 =	vand.u32 $0x400, v56  }
0x6d2: {  	v39 =	vor.u32 @p0 v25, v39;
	v52 =	vmov s13;
	v41 =	vor.u32 v58, v57  }
0x6d3: {  	[tilespmem:v45+s10+$0x0] =	vst.idx.add.f32.msk @p0 $0xffff, v2;
	v47 =	vor.u32 v18, v41;
	v33 =	vand.u32 $0x7F, v60;
	v27 =	vand.u32 $0x7F, v27  }
0x6d4: {  	[tilespmem:v43+s10+$0x0] =	vst.idx.add.f32.msk @p0 $0xffff, v2;
	v37 =	vand.u32 $0x7F, v37;
	v24 =	vand.u32 $0x7F, v24;
	v33 =	vor.u32 v25, v33  }
0x6d5: {  	[tilespmem:v42+s10+$0x0] =	vst.idx.add.f32.msk @p0 $0xffff, v2;
	v27 =	vor.u32 v25, v27;
	v61 =	vor.u32 v25, v37;
	v62 =	vand.u32 $0x7F, v38  }
0x6d6: {  	[tilespmem:v44+s10+$0x0] =	vst.idx.add.f32.msk @p0 $0xffff, v2;
	s29 =	simm.s32 $0x5;
	v35 =	vand.u32 $0x7F, v35;
	v34 =	vand.u32 $0x7F, v34;
	v53 =	vor.u32 v25, v24  }
0x6d7: {  	[tilespmem:v40+s10+$0x0] =	vst.idx.add.f32.msk @p0 $0xffff, v2;
	v24 =	vand.u32 $0x78, v52;
	v37 =	vmov s29;
	v38 =	vor.u32 v25, v62  }
0x6d8: {  	s14 =	simm.s32 $0x6;
	[tilespmem:v39+s10+$0x0] =	vst.idx.add.f32.msk @p0 $0xffff, v2;
	v36 =	vand.u32 $0x7F, v59;
	v35 =	vor.u32 v25, v35;
	v63 =	vor.u32 v25, v34  }
0x6d9: {  	v34 =	vmov s14;
	v36 =	vor.u32 v25, v36;
	v25 =	vshll.u32 v52, $0x3;
	[tilespmem:v33+s10+$0x0] =	vst.idx.add.f32.msk $0xffff, v2  }
0x6da: {  	v60 =	vshll.u32 v37, $0x3;
	v59 =	vshll.u32 v34, $0x3;
	v55 =	vand.u32 $0x400, v25;
	[tilespmem:v27+s10+$0x0] =	vst.idx.add.f32.msk $0xffff, v2  }
0x6db: {  	s15 =	simm.s32 $0x3;
	v40 =	vor.u32 v55, v24;
	v27 =	vand.u32 $0x7E, v34;
	v33 =	vand.u32 $0x400, v59;
	[tilespmem:v61+s10+$0x0] =	vst.idx.add.f32.msk $0xffff, v2  }
0x6dc: {  	s30 =	simm.s32 $0x4;
	p1 =	por $0x1, $0x1;
	v48 =	vor.u32 v18, v40;
	v61 =	vmov s15;
	v42 =	vor.u32 v33, v27;
	[tilespmem:v38+s10+$0x0] =	vst.idx.add.f32.msk $0xffff, v2  }
.Ltmp65:
0x6dd: {  	v33 =	vand.u32 $0x7D, v37;
	v38 =	vmov s30;
	[tilespmem:v35+s10+$0x0] =	vst.idx.add.f32.msk $0xffff, v2;
	v39 =	vshll.u32 v61, $0x3;
	(pc) =	sbr.rel @!p1 .LBB2_92-.Ltmp65, $4  }
0x6de: {  	v35 =	vand.u32 $0x7B, v61;
	[tilespmem:v36+s10+$0x0] =	vst.idx.add.f32.msk $0xffff, v2;
	v36 =	vand.u32 $0x400, v60;
	v62 =	vshll.u32 v38, $0x3  }
0x6df: {  	[tilespmem:v63+s10+$0x0] =	vst.idx.add.f32.msk $0xffff, v2;
	v43 =	vor.u32 v36, v33;
	v36 =	vand.u32 $0x7C, v38;
	v63 =	vand.u32 $0x400, v62  }
0x6e0: {  	[tilespmem:v53+s10+$0x0] =	vst.idx.add.f32.msk $0xffff, v2;
	v49 =	vor.u32 v18, v42;
	v45 =	vand.u32 $0x400, v39;
	v44 =	vor.u32 v63, v36  }
0x6e1: {  	s16 =	simm.s32 $0x1;
	s14 =	simm.s32 $0x1;
	v52 =	vmovc v46;
	s15 =	simm.s32 $0x8;
	v53 =	vor.u32 v45, v35;
	v50 =	vor.u32 v18, v43;
	v51 =	vor.u32 v18, v44  }
.LBB2_91:
0x6e2: {  	p0 =	slt.u32 s15, $0xC0;
	v54 =	vmov s16;
	v55 =	vshll.u32 v52, $0x3;
	v53 =	vor.u32 v18, v53  }
0x6e3: {  	v52 =	vand.u32 $0x7A, v52;
	v48 =	vld.idx.msk [tilespmem:v48+s13+$0x0], $0xffff;
	v56 =	vshll.u32 v54, $0x3;
	v55 =	vand.u32 $0x400, v55  }
0x6e4: {  	v54 =	vand.u32 $0x79, v54;
	v56 =	vand.u32 $0x400, v56;
	v52 =	vor.u32 v55, v52  }
0x6e5: {  	v55 =	vmov s15;
	v54 =	vor.u32 v56, v54;
	v52 =	vor.u32 v18, v52;
	v56 =	vld.idx.msk [tilespmem:v47+s13+$0x0], $0xffff  }
0x6e6: {  	s16 =	sadd.s32 $0x7, s15;
	v47 =	vshll.u32 v55, $0x3;
	v54 =	vor.u32 v18, v54;
	v49 =	vld.idx.msk [tilespmem:v49+s13+$0x0], $0xffff  }
0x6e7: {  	v57 =	vmov s16;
	v55 =	vand.u32 $0x78, v55;
	v47 =	vand.u32 $0x400, v47;
	v50 =	vld.idx.msk [tilespmem:v50+s13+$0x0], $0xffff  }
0x6e8: {  	v47 =	vor.u32 v47, v55;
	v55 =	vshll.u32 v57, $0x3;
	v51 =	vld.idx.msk [tilespmem:v51+s13+$0x0], $0xffff  }
0x6e9: {  	v57 =	vand.u32 $0x7F, v57;
	v55 =	vand.u32 $0x400, v55;
	v58 =	vand.u32 $0x7F, v48;
	v53 =	vld.idx.msk [tilespmem:v53+s13+$0x0], $0xffff  }
0x6ea: {  	s16 =	sadd.s32 $0x6, s15;
	v48 =	vor.u32 v18, v47;
	v47 =	vor.u32 v55, v57;
	v55 =	vor.u32 v29, v58;
	v52 =	vld.idx.msk [tilespmem:v52+s13+$0x0], $0xffff  }
0x6eb: {  	v57 =	vmov s16;
	v47 =	vor.u32 v18, v47;
	v56 =	vand.u32 $0x7F, v56;
	v54 =	vld.idx.msk [tilespmem:v54+s13+$0x0], $0xffff  }
0x6ec: {  	v58 =	vand.u32 $0x7E, v57;
	v49 =	vand.u32 $0x7F, v49;
	v56 =	vor.u32 v29, v56  }
0x6ed: {  	v57 =	vshll.u32 v57, $0x3;
	v50 =	vand.u32 $0x7F, v50;
	v49 =	vor.u32 v29, v49  }
0x6ee: {  	v57 =	vand.u32 $0x400, v57;
	v51 =	vand.u32 $0x7F, v51;
	v50 =	vor.u32 v29, v50  }
0x6ef: {  	s16 =	sadd.s32 $0x5, s15;
	v57 =	vor.u32 v57, v58;
	v53 =	vand.u32 $0x7F, v53;
	v51 =	vor.u32 v29, v51  }
0x6f0: {  	v58 =	vmov s16;
	v52 =	vand.u32 $0x7F, v52;
	v53 =	vor.u32 v29, v53;
	[tilespmem:v55+s10+$0x0] =	vst.idx.add.f32.msk $0xffff, v2  }
0x6f1: {  	v55 =	vshll.u32 v58, $0x3;
	v54 =	vand.u32 $0x7F, v54;
	v52 =	vor.u32 v29, v52;
	[tilespmem:v56+s10+$0x0] =	vst.idx.add.f32.msk $0xffff, v2  }
0x6f2: {  	s16 =	sadd.s32 $0x4, s15;
	v56 =	vand.u32 $0x7D, v58;
	v55 =	vand.u32 $0x400, v55;
	v54 =	vor.u32 v29, v54;
	[tilespmem:v49+s10+$0x0] =	vst.idx.add.f32.msk $0xffff, v2  }
.Ltmp66:
0x6f3: {  	s17 =	sadd.s32 $0x3, s15;
	v58 =	vmov s16;
	v55 =	vor.u32 v55, v56;
	v49 =	vor.u32 v18, v57;
	[tilespmem:v50+s10+$0x0] =	vst.idx.add.f32.msk $0xffff, v2;
	(pc) =	sbr.rel @p0 .LBB2_91-.Ltmp66, $4  }
0x6f4: {  	v56 =	vmov s17;
	v57 =	vshll.u32 v58, $0x3;
	v50 =	vor.u32 v18, v55;
	[tilespmem:v51+s10+$0x0] =	vst.idx.add.f32.msk $0xffff, v2  }
0x6f5: {  	v55 =	vand.u32 $0x7C, v58;
	v57 =	vand.u32 $0x400, v57;
	v51 =	vshll.u32 v56, $0x3;
	[tilespmem:v53+s10+$0x0] =	vst.idx.add.f32.msk $0xffff, v2  }
0x6f6: {  	s17 =	sadd.s32 $0x2, s15;
	v55 =	vor.u32 v57, v55;
	v53 =	vand.u32 $0x7B, v56;
	v51 =	vand.u32 $0x400, v51;
	[tilespmem:v52+s10+$0x0] =	vst.idx.add.f32.msk $0xffff, v2  }
0x6f7: {  	s16 =	sadd.s32 $0x1, s15;
	s15 =	sadd.s32 $0x8, s15;
	v52 =	vmov s17;
	v53 =	vor.u32 v51, v53;
	v51 =	vor.u32 v18, v55;
	[tilespmem:v54+s10+$0x0] =	vst.idx.add.f32.msk $0xffff, v2  }
.LBB2_92:
0x6f8: {  	_ =	sdelay $0x1  }
0x6f9: {  	v54 =	vmov s16;
	v55 =	vshll.u32 v52, $0x3;
	v53 =	vor.u32 v18, v53  }
0x6fa: {  	v63 =	vand.u32 $0x7A, v52;
	v56 =	vshll.u32 v54, $0x3;
	v55 =	vand.u32 $0x400, v55  }
0x6fb: {  	v48 =	vld.idx.msk [tilespmem:v48+s13+$0x0], $0xffff;
	v54 =	vand.u32 $0x79, v54;
	v56 =	vand.u32 $0x400, v56;
	v52 =	vor.u32 v55, v63  }
0x6fc: {  	v47 =	vld.idx.msk [tilespmem:v47+s13+$0x0], $0xffff;
	v54 =	vor.u32 v56, v54;
	v52 =	vor.u32 v18, v52  }
0x6fd: {  	v49 =	vld.idx.msk [tilespmem:v49+s13+$0x0], $0xffff;
	v54 =	vor.u32 v18, v54  }
0x6fe: {  	v50 =	vld.idx.msk [tilespmem:v50+s13+$0x0], $0xffff  }
0x6ff: {  	v51 =	vld.idx.msk [tilespmem:v51+s13+$0x0], $0xffff  }
0x700: {  	v48 =	vand.u32 $0x7F, v48;
	v53 =	vld.idx.msk [tilespmem:v53+s13+$0x0], $0xffff  }
0x701: {  	v47 =	vand.u32 $0x7F, v47;
	v48 =	vor.u32 v29, v48;
	v52 =	vld.idx.msk [tilespmem:v52+s13+$0x0], $0xffff  }
0x702: {  	v49 =	vand.u32 $0x7F, v49;
	v47 =	vor.u32 v29, v47;
	v54 =	vld.idx.msk [tilespmem:v54+s13+$0x0], $0xffff  }
0x703: {  	v50 =	vand.u32 $0x7F, v50;
	v49 =	vor.u32 v29, v49  }
0x704: {  	v51 =	vand.u32 $0x7F, v51;
	v50 =	vor.u32 v29, v50  }
0x705: {  	v51 =	vor.u32 v29, v51;
	v53 =	vand.u32 $0x7F, v53  }
0x706: {  	[tilespmem:v48+s10+$0x0] =	vst.idx.add.f32.msk $0xffff, v2;
	v61 =	vor.u32 v29, v53;
	v60 =	vand.u32 $0x7F, v52  }
0x707: {  	[tilespmem:v47+s10+$0x0] =	vst.idx.add.f32.msk $0xffff, v2;
	v62 =	vand.u32 $0x7F, v54;
	v48 =	vor.u32 v29, v60  }
0x708: {  	[tilespmem:v49+s10+$0x0] =	vst.idx.add.f32.msk $0xffff, v2;
	v29 =	vor.u32 v29, v62  }
.Ltmp67:
0x709: {  	[tilespmem:v50+s10+$0x0] =	vst.idx.add.f32.msk $0xffff, v2;
	(pc) =	sbr.rel @!p1 .LBB2_93-.Ltmp67, $4  }
0x70a: {  	[tilespmem:v51+s10+$0x0] =	vst.idx.add.f32.msk $0xffff, v2  }
0x70b: {  	v63 =	vmov s14;
	[tilespmem:v61+s10+$0x0] =	vst.idx.add.f32.msk $0xffff, v2  }
0x70c: {  	v47 =	vand.u32 $0x79, v63;
	[tilespmem:v48+s10+$0x0] =	vst.idx.add.f32.msk $0xffff, v2  }
0x70d: {  	p0 =	por $0x0, $0x0;
	s14 =	simm.s32 $0x8;
	v48 =	vshll.u32 v63, $0x3;
	[tilespmem:v29+s10+$0x0] =	vst.idx.add.f32.msk $0xffff, v2;
	v29 =	vand.u32 $0x7A, v46;
	v46 =	vshll.u32 v46, $0x3  }
0x70e: {  	v24 =	vand.u32 $0x400, v48;
	v27 =	vor.u32 v19, v41  }
0x70f: {  	v25 =	vand.u32 $0x400, v46;
	v33 =	vor.u32 v19, v44;
	v24 =	vor.u32 v24, v47  }
0x710: {  	v25 =	vor.u32 v25, v29;
	v24 =	vor.u32 v19, v24  }
0x711: {  	v29 =	vor.u32 v45, v35;
	v25 =	vor.u32 v19, v25  }
0x712: {  	s13 =	simm.s32 $0x0;
	v29 =	vor.u32 v19, v29  }
0x713: {  	v62 =	vor.u32 v19, v43;
	v27 =	vld.idx.msk [tilespmem:v27+s13+$0x0], $0xffff  }
0x714: {  	v36 =	vor.u32 v19, v42;
	v50 =	vld.idx.msk [tilespmem:v33+s13+$0x0], $0xffff  }
0x715: {  	v34 =	vmov s14;
	s12 =	simm.s32 $0x9;
	v63 =	vor.u32 v19, v40;
	s28 =	simm.s32 $0xA;
	s29 =	simm.s32 $0xB;
	v39 =	vld.idx.msk [tilespmem:v24+s13+$0x0], $0xffff  }
0x716: {  	s15 =	simm.s32 $0xC;
	s30 =	simm.s32 $0xD;
	v57 =	vmov s12;
	v59 =	vmov s28;
	v49 =	vmov s29;
	v56 =	vld.idx.msk [tilespmem:v25+s13+$0x0], $0xffff  }
0x717: {  	v38 =	vmov s15;
	v37 =	vmov s30;
	v47 =	vand.u32 $0x79, v57;
	v58 =	vld.idx.msk [tilespmem:v29+s13+$0x0], $0xffff  }
0x718: {  	v35 =	vand.u32 $0x7B, v49;
	v48 =	vshll.u32 v57, $0x3;
	v46 =	vshll.u32 v59, $0x3;
	v51 =	vld.idx.msk [tilespmem:v62+s13+$0x0], $0xffff  }
0x719: {  	v52 =	vld.idx.msk [tilespmem:v36+s13+$0x0], $0xffff;
	v36 =	vand.u32 $0x7C, v38;
	v33 =	vand.u32 $0x7D, v37;
	v27 =	vand.u32 $0x7F, v27  }
0x71a: {  	p1 =	por $0x1, $0x1;
	v24 =	vand.u32 $0x78, v34;
	v53 =	vor.u32 v26, v27;
	v39 =	vand.u32 $0x7F, v39  }
.Ltmp68:
0x71b: {  	s31 =	simm.s32 $0xE;
	v45 =	vld.idx.msk [tilespmem:v63+s13+$0x0], $0xffff;
	v25 =	vshll.u32 v34, $0x3;
	v60 =	vand.u32 $0x7F, v56;
	v43 =	vor.u32 v26, v39;
	(pc) =	sbr.rel @!p1 .LBB2_96-.Ltmp68, $4  }
0x71c: {  	v34 =	vmov s31;
	v61 =	vand.u32 $0x7F, v58;
	v41 =	vor.u32 v26, v60  }
0x71d: {  	v29 =	vand.u32 $0x7A, v59;
	v62 =	vand.u32 $0x7F, v50;
	v40 =	vor.u32 v26, v61  }
0x71e: {  	v63 =	vand.u32 $0x7F, v51;
	v27 =	vand.u32 $0x7E, v34;
	v42 =	vor.u32 v26, v62  }
0x71f: {  	s14 =	simm.s32 $0x10;
	p0 =	por $0x1, $0x1;
	s12 =	simm.s32 $0xF;
	v44 =	vor.u32 v26, v63;
	v39 =	vshll.u32 v49, $0x3;
	v49 =	vand.u32 $0x7F, v52;
	[tilespmem:v53+s10+$0x0] =	vst.idx.add.f32.msk $0xffff, v2  }
.LBB2_95:
0x720: {  	p1 =	slt.u32 s14, $0xC0;
	v50 =	vmov s12;
	v45 =	vand.u32 $0x7F, v45;
	[tilespmem:v43+s10+$0x0] =	vst.idx.add.f32.msk $0xffff, v2;
	v43 =	vor.u32 v26, v49  }
0x721: {  	v38 =	vshll.u32 v38, $0x3;
	v49 =	vshll.u32 v50, $0x3;
	v45 =	vor.u32 v26, v45;
	[tilespmem:v41+s10+$0x0] =	vst.idx.add.f32.msk $0xffff, v2  }
0x722: {  	v37 =	vshll.u32 v37, $0x3;
	v41 =	vand.u32 $0x7F, v50;
	v49 =	vand.u32 $0x400, v49;
	[tilespmem:v40+s10+$0x0] =	vst.idx.add.f32.msk $0xffff, v2  }
0x723: {  	v34 =	vshll.u32 v34, $0x3;
	v40 =	vand.u32 $0x400, v48;
	v41 =	vor.u32 v49, v41;
	[tilespmem:v42+s10+$0x0] =	vst.idx.add.f32.msk $0xffff, v2  }
0x724: {  	v40 =	vor.u32 v40, v47;
	v42 =	vand.u32 $0x400, v46;
	v41 =	vor.u32 v19, v41;
	[tilespmem:v44+s10+$0x0] =	vst.idx.add.f32.msk $0xffff, v2  }
0x725: {  	v39 =	vand.u32 $0x400, v39;
	v40 =	vor.u32 v19, v40;
	v29 =	vor.u32 v42, v29;
	[tilespmem:v43+s10+$0x0] =	vst.idx.add.f32.msk $0xffff, v2  }
0x726: {  	v35 =	vor.u32 v39, v35;
	v38 =	vand.u32 $0x400, v38;
	v29 =	vor.u32 v19, v29;
	[tilespmem:v45+s10+$0x0] =	vst.idx.add.f32.msk $0xffff, v2  }
0x727: {  	v37 =	vand.u32 $0x400, v37;
	v35 =	vor.u32 v19, v35;
	v36 =	vor.u32 v38, v36  }
0x728: {  	v34 =	vand.u32 $0x400, v34;
	v33 =	vor.u32 v37, v33;
	v36 =	vor.u32 v19, v36  }
0x729: {  	v25 =	vand.u32 $0x400, v25;
	v27 =	vor.u32 v34, v27;
	v33 =	vor.u32 v19, v33;
	v39 =	vld.idx.msk [tilespmem:v41+s13+$0x0], $0xffff  }
0x72a: {  	v24 =	vor.u32 v25, v24;
	v27 =	vor.u32 v19, v27;
	v40 =	vld.idx.msk [tilespmem:v40+s13+$0x0], $0xffff  }
0x72b: {  	s12 =	sadd.s32 $0x1, s14;
	v25 =	vmov s14;
	v41 =	vor.u32 v19, v24;
	v42 =	vld.idx.msk [tilespmem:v29+s13+$0x0], $0xffff  }
0x72c: {  	s15 =	sadd.s32 $0x3, s14;
	s16 =	sadd.s32 $0x4, s14;
	v44 =	vmov s12;
	s12 =	sadd.s32 $0x2, s14;
	v24 =	vand.u32 $0x78, v25;
	v25 =	vshll.u32 v25, $0x3;
	v46 =	vld.idx.msk [tilespmem:v35+s13+$0x0], $0xffff  }
0x72d: {  	v50 =	vmov s15;
	s15 =	sadd.s32 $0x6, s14;
	v38 =	vmov s16;
	v49 =	vmov s12;
	s12 =	sadd.s32 $0x5, s14;
	v51 =	vld.idx.msk [tilespmem:v36+s13+$0x0], $0xffff  }
0x72e: {  	v34 =	vmov s15;
	v47 =	vand.u32 $0x79, v44;
	v37 =	vmov s12;
	v52 =	vld.idx.msk [tilespmem:v33+s13+$0x0], $0xffff  }
0x72f: {  	v29 =	vand.u32 $0x7A, v49;
	v35 =	vand.u32 $0x7B, v50;
	v53 =	vld.idx.msk [tilespmem:v27+s13+$0x0], $0xffff;
	v27 =	vand.u32 $0x7F, v39  }
0x730: {  	v36 =	vand.u32 $0x7C, v38;
	v39 =	vand.u32 $0x7F, v40;
	v45 =	vld.idx.msk [tilespmem:v41+s13+$0x0], $0xffff;
	v54 =	vor.u32 v26, v27  }
.Ltmp69:
0x731: {  	v33 =	vand.u32 $0x7D, v37;
	v43 =	vor.u32 v26, v39;
	v39 =	vand.u32 $0x7F, v42;
	(pc) =	sbr.rel @p1 .LBB2_95-.Ltmp69, $4  }
0x732: {  	v27 =	vand.u32 $0x7E, v34;
	v41 =	vor.u32 v26, v39;
	v39 =	vand.u32 $0x7F, v46  }
0x733: {  	v48 =	vshll.u32 v44, $0x3;
	v40 =	vor.u32 v26, v39;
	v39 =	vand.u32 $0x7F, v51  }
0x734: {  	v46 =	vshll.u32 v49, $0x3;
	v42 =	vor.u32 v26, v39;
	v44 =	vand.u32 $0x7F, v52  }
0x735: {  	s12 =	sadd.s32 $0x7, s14;
	s14 =	sadd.s32 $0x8, s14;
	v39 =	vshll.u32 v50, $0x3;
	v44 =	vor.u32 v26, v44;
	v49 =	vand.u32 $0x7F, v53;
	[tilespmem:v54+s10+$0x0] =	vst.idx.add.f32.msk $0xffff, v2  }
.LBB2_96:
0x736: {  	v50 =	vmov s12  }
0x737: {  	v38 =	vshll.u32 v38, $0x3;
	v37 =	vshll.u32 v37, $0x3;
	v48 =	vand.u32 $0x400, v48  }
0x738: {  	v46 =	vand.u32 $0x400, v46;
	v39 =	vand.u32 $0x400, v39;
	v47 =	vor.u32 v48, v47  }
0x739: {  	v25 =	vand.u32 $0x400, v25;
	v29 =	vor.u32 v46, v29;
	v47 =	vor.u32 v19, v47  }
0x73a: {  	v51 =	vshll.u32 v50, $0x3;
	v35 =	vor.u32 v39, v35;
	v29 =	vor.u32 v19, v29  }
0x73b: {  	v38 =	vand.u32 $0x400, v38;
	v24 =	vor.u32 v25, v24;
	v35 =	vor.u32 v19, v35  }
0x73c: {  	v37 =	vand.u32 $0x400, v37;
	v36 =	vor.u32 v38, v36;
	v24 =	vor.u32 v19, v24  }
0x73d: {  	s13 =	simm.s32 $0x0;
	v50 =	vand.u32 $0x7F, v50;
	v33 =	vor.u32 v37, v33;
	v36 =	vor.u32 v19, v36  }
0x73e: {  	v51 =	vand.u32 $0x400, v51;
	v37 =	vand.u32 @p0 $0x7F, v45;
	v33 =	vor.u32 v19, v33;
	v25 =	vld.idx.msk [tilespmem:v47+s13+$0x0], $0xffff  }
0x73f: {  	v34 =	vshll.u32 v34, $0x3;
	v50 =	vor.u32 v51, v50;
	v37 =	vor.u32 @p0 v26, v37;
	v29 =	vld.idx.msk [tilespmem:v29+s13+$0x0], $0xffff  }
0x740: {  	v34 =	vand.u32 $0x400, v34;
	v63 =	vor.u32 v19, v50;
	v35 =	vld.idx.msk [tilespmem:v35+s13+$0x0], $0xffff  }
0x741: {  	v27 =	vor.u32 v34, v27;
	v24 =	vld.idx.msk [tilespmem:v24+s13+$0x0], $0xffff  }
0x742: {  	v27 =	vor.u32 v19, v27;
	v36 =	vld.idx.msk [tilespmem:v36+s13+$0x0], $0xffff  }
0x743: {  	s15 =	simm.s32 $0x3;
	v33 =	vld.idx.msk [tilespmem:v33+s13+$0x0], $0xffff  }
0x744: {  	v61 =	vmov s15;
	[tilespmem:v37+s10+$0x0] =	vst.idx.add.f32.msk @p0 $0xffff, v2  }
0x745: {  	v37 =	vshll.u32 v61, $0x3;
	v52 =	vld.idx.msk [tilespmem:v63+s13+$0x0], $0xffff  }
0x746: {  	[tilespmem:v43+s10+$0x0] =	vst.idx.add.f32.msk @p0 $0xffff, v2;
	v38 =	vor.u32 @p0 v26, v49;
	v43 =	vand.u32 $0x400, v37;
	v25 =	vand.u32 $0x7F, v25  }
0x747: {  	v27 =	vld.idx.msk [tilespmem:v27+s13+$0x0], $0xffff;
	v29 =	vand.u32 $0x7F, v29;
	v24 =	vand.u32 $0x7F, v24;
	v53 =	vor.u32 v26, v25  }
0x748: {  	s29 =	simm.s32 $0x5;
	v54 =	vor.u32 v26, v29;
	v25 =	vand.u32 $0x7F, v35;
	v29 =	vand.u32 $0x7F, v33  }
0x749: {  	[tilespmem:v41+s10+$0x0] =	vst.idx.add.f32.msk @p0 $0xffff, v2;
	v59 =	vor.u32 v26, v24;
	v35 =	vmov s29;
	v33 =	vand.u32 $0x7B, v61  }
0x74a: {  	[tilespmem:v40+s10+$0x0] =	vst.idx.add.f32.msk @p0 $0xffff, v2;
	s30 =	simm.s32 $0x4;
	v34 =	vand.u32 $0x7F, v52;
	v55 =	vor.u32 v26, v25;
	v25 =	vand.u32 $0x7F, v36  }
0x74b: {  	[tilespmem:v42+s10+$0x0] =	vst.idx.add.f32.msk @p0 $0xffff, v2;
	v57 =	vor.u32 v26, v29;
	v60 =	vshll.u32 v35, $0x3;
	v36 =	vmov s30  }
0x74c: {  	[tilespmem:v44+s10+$0x0] =	vst.idx.add.f32.msk @p0 $0xffff, v2;
	v51 =	vor.u32 v43, v33;
	v56 =	vor.u32 v26, v25;
	v25 =	vand.u32 $0x7F, v27  }
0x74d: {  	s12 =	simm.s32 $0x7;
	[tilespmem:v38+s10+$0x0] =	vst.idx.add.f32.msk @p0 $0xffff, v2;
	v34 =	vor.u32 v26, v34;
	v27 =	vmov s13;
	v58 =	vor.u32 v26, v25  }
0x74e: {  	v25 =	vshll.u32 v27, $0x3;
	v26 =	vmov s12;
	v24 =	vand.u32 $0x78, v27;
	[tilespmem:v53+s10+$0x0] =	vst.idx.add.f32.msk $0xffff, v2  }
0x74f: {  	s14 =	simm.s32 $0x6;
	v27 =	vand.u32 $0x400, v25;
	v29 =	vshll.u32 v26, $0x3;
	v26 =	vand.u32 $0x7F, v26;
	[tilespmem:v54+s10+$0x0] =	vst.idx.add.f32.msk $0xffff, v2  }
0x750: {  	v38 =	vor.u32 v27, v24;
	v27 =	vand.u32 $0x400, v29;
	v29 =	vmov s14;
	[tilespmem:v59+s10+$0x0] =	vst.idx.add.f32.msk $0xffff, v2  }
0x751: {  	p1 =	por $0x1, $0x1;
	v62 =	vshll.u32 v36, $0x3;
	v39 =	vor.u32 v27, v26;
	v27 =	vshll.u32 v29, $0x3;
	[tilespmem:v55+s10+$0x0] =	vst.idx.add.f32.msk $0xffff, v2  }
.Ltmp70:
0x752: {  	v46 =	vor.u32 v20, v38;
	v26 =	vand.u32 $0x7E, v29;
	[tilespmem:v57+s10+$0x0] =	vst.idx.add.f32.msk $0xffff, v2;
	v27 =	vand.u32 $0x400, v27;
	(pc) =	sbr.rel @!p1 .LBB2_98-.Ltmp70, $4  }
0x753: {  	[tilespmem:v34+s10+$0x0] =	vst.idx.add.f32.msk $0xffff, v2;
	v34 =	vand.u32 $0x400, v60;
	v40 =	vor.u32 v27, v26;
	v27 =	vand.u32 $0x7D, v35  }
0x754: {  	s31 =	simm.s32 $0x2;
	v63 =	vand.u32 $0x400, v62;
	[tilespmem:v56+s10+$0x0] =	vst.idx.add.f32.msk $0xffff, v2;
	v41 =	vor.u32 v34, v27;
	v34 =	vand.u32 $0x7C, v36  }
0x755: {  	v44 =	vmov s31;
	v45 =	vor.u32 v20, v39;
	[tilespmem:v58+s10+$0x0] =	vst.idx.add.f32.msk $0xffff, v2;
	v42 =	vor.u32 v63, v34  }
0x756: {  	s16 =	simm.s32 $0x1;
	s15 =	simm.s32 $0x8;
	v50 =	vmovc v44;
	s14 =	simm.s32 $0x1;
	v47 =	vor.u32 v20, v40;
	v48 =	vor.u32 v20, v41;
	v49 =	vor.u32 v20, v42  }
.LBB2_97:
0x757: {  	p0 =	slt.u32 s15, $0xC0;
	v52 =	vmov s16;
	v53 =	vshll.u32 v50, $0x3;
	v51 =	vor.u32 v20, v51  }
0x758: {  	v50 =	vand.u32 $0x7A, v50;
	v46 =	vld.idx.msk [tilespmem:v46+s13+$0x0], $0xffff;
	v54 =	vshll.u32 v52, $0x3;
	v53 =	vand.u32 $0x400, v53  }
0x759: {  	v52 =	vand.u32 $0x79, v52;
	v54 =	vand.u32 $0x400, v54;
	v50 =	vor.u32 v53, v50  }
0x75a: {  	v53 =	vmov s15;
	v52 =	vor.u32 v54, v52;
	v50 =	vor.u32 v20, v50;
	v54 =	vld.idx.msk [tilespmem:v45+s13+$0x0], $0xffff  }
0x75b: {  	s16 =	sadd.s32 $0x7, s15;
	v45 =	vshll.u32 v53, $0x3;
	v52 =	vor.u32 v20, v52;
	v47 =	vld.idx.msk [tilespmem:v47+s13+$0x0], $0xffff  }
0x75c: {  	v55 =	vmov s16;
	v53 =	vand.u32 $0x78, v53;
	v45 =	vand.u32 $0x400, v45;
	v48 =	vld.idx.msk [tilespmem:v48+s13+$0x0], $0xffff  }
0x75d: {  	v45 =	vor.u32 v45, v53;
	v53 =	vshll.u32 v55, $0x3;
	v49 =	vld.idx.msk [tilespmem:v49+s13+$0x0], $0xffff  }
0x75e: {  	v55 =	vand.u32 $0x7F, v55;
	v53 =	vand.u32 $0x400, v53;
	v56 =	vand.u32 $0x7F, v46;
	v51 =	vld.idx.msk [tilespmem:v51+s13+$0x0], $0xffff  }
0x75f: {  	s16 =	sadd.s32 $0x6, s15;
	v46 =	vor.u32 v20, v45;
	v45 =	vor.u32 v53, v55;
	v53 =	vor.u32 v30, v56;
	v50 =	vld.idx.msk [tilespmem:v50+s13+$0x0], $0xffff  }
0x760: {  	v55 =	vmov s16;
	v45 =	vor.u32 v20, v45;
	v54 =	vand.u32 $0x7F, v54;
	v52 =	vld.idx.msk [tilespmem:v52+s13+$0x0], $0xffff  }
0x761: {  	v56 =	vand.u32 $0x7E, v55;
	v47 =	vand.u32 $0x7F, v47;
	v54 =	vor.u32 v30, v54  }
0x762: {  	v55 =	vshll.u32 v55, $0x3;
	v48 =	vand.u32 $0x7F, v48;
	v47 =	vor.u32 v30, v47  }
0x763: {  	v55 =	vand.u32 $0x400, v55;
	v49 =	vand.u32 $0x7F, v49;
	v48 =	vor.u32 v30, v48  }
0x764: {  	s16 =	sadd.s32 $0x5, s15;
	v55 =	vor.u32 v55, v56;
	v51 =	vand.u32 $0x7F, v51;
	v49 =	vor.u32 v30, v49  }
0x765: {  	v56 =	vmov s16;
	v50 =	vand.u32 $0x7F, v50;
	v51 =	vor.u32 v30, v51;
	[tilespmem:v53+s10+$0x0] =	vst.idx.add.f32.msk $0xffff, v2  }
0x766: {  	v53 =	vshll.u32 v56, $0x3;
	v52 =	vand.u32 $0x7F, v52;
	v50 =	vor.u32 v30, v50;
	[tilespmem:v54+s10+$0x0] =	vst.idx.add.f32.msk $0xffff, v2  }
0x767: {  	s16 =	sadd.s32 $0x4, s15;
	v54 =	vand.u32 $0x7D, v56;
	v53 =	vand.u32 $0x400, v53;
	v52 =	vor.u32 v30, v52;
	[tilespmem:v47+s10+$0x0] =	vst.idx.add.f32.msk $0xffff, v2  }
.Ltmp71:
0x768: {  	s17 =	sadd.s32 $0x3, s15;
	v56 =	vmov s16;
	v53 =	vor.u32 v53, v54;
	v47 =	vor.u32 v20, v55;
	[tilespmem:v48+s10+$0x0] =	vst.idx.add.f32.msk $0xffff, v2;
	(pc) =	sbr.rel @p0 .LBB2_97-.Ltmp71, $4  }
0x769: {  	v54 =	vmov s17;
	v55 =	vshll.u32 v56, $0x3;
	v48 =	vor.u32 v20, v53;
	[tilespmem:v49+s10+$0x0] =	vst.idx.add.f32.msk $0xffff, v2  }
0x76a: {  	v53 =	vand.u32 $0x7C, v56;
	v55 =	vand.u32 $0x400, v55;
	v49 =	vshll.u32 v54, $0x3;
	[tilespmem:v51+s10+$0x0] =	vst.idx.add.f32.msk $0xffff, v2  }
0x76b: {  	s17 =	sadd.s32 $0x2, s15;
	v53 =	vor.u32 v55, v53;
	v51 =	vand.u32 $0x7B, v54;
	v49 =	vand.u32 $0x400, v49;
	[tilespmem:v50+s10+$0x0] =	vst.idx.add.f32.msk $0xffff, v2  }
0x76c: {  	s16 =	sadd.s32 $0x1, s15;
	s15 =	sadd.s32 $0x8, s15;
	v50 =	vmov s17;
	v51 =	vor.u32 v49, v51;
	v49 =	vor.u32 v20, v53;
	[tilespmem:v52+s10+$0x0] =	vst.idx.add.f32.msk $0xffff, v2  }
.LBB2_98:
0x76d: {  	_ =	sdelay $0x1  }
0x76e: {  	v52 =	vmov s16;
	v53 =	vshll.u32 v50, $0x3;
	v51 =	vor.u32 v20, v51  }
0x76f: {  	v59 =	vand.u32 $0x7A, v50;
	v54 =	vshll.u32 v52, $0x3;
	v53 =	vand.u32 $0x400, v53  }
0x770: {  	v46 =	vld.idx.msk [tilespmem:v46+s13+$0x0], $0xffff;
	v52 =	vand.u32 $0x79, v52;
	v54 =	vand.u32 $0x400, v54;
	v50 =	vor.u32 v53, v59  }
0x771: {  	v45 =	vld.idx.msk [tilespmem:v45+s13+$0x0], $0xffff;
	v52 =	vor.u32 v54, v52;
	v50 =	vor.u32 v20, v50  }
0x772: {  	v47 =	vld.idx.msk [tilespmem:v47+s13+$0x0], $0xffff;
	v52 =	vor.u32 v20, v52  }
0x773: {  	v48 =	vld.idx.msk [tilespmem:v48+s13+$0x0], $0xffff  }
0x774: {  	v49 =	vld.idx.msk [tilespmem:v49+s13+$0x0], $0xffff  }
0x775: {  	v46 =	vand.u32 $0x7F, v46;
	v51 =	vld.idx.msk [tilespmem:v51+s13+$0x0], $0xffff  }
0x776: {  	v45 =	vand.u32 $0x7F, v45;
	v46 =	vor.u32 v30, v46;
	v50 =	vld.idx.msk [tilespmem:v50+s13+$0x0], $0xffff  }
0x777: {  	v47 =	vand.u32 $0x7F, v47;
	v45 =	vor.u32 v30, v45;
	v52 =	vld.idx.msk [tilespmem:v52+s13+$0x0], $0xffff  }
0x778: {  	v48 =	vand.u32 $0x7F, v48;
	v47 =	vor.u32 v30, v47  }
0x779: {  	v49 =	vand.u32 $0x7F, v49;
	v48 =	vor.u32 v30, v48  }
0x77a: {  	v49 =	vor.u32 v30, v49;
	v51 =	vand.u32 $0x7F, v51  }
0x77b: {  	[tilespmem:v46+s10+$0x0] =	vst.idx.add.f32.msk $0xffff, v2;
	v61 =	vor.u32 v30, v51;
	v60 =	vand.u32 $0x7F, v50  }
0x77c: {  	[tilespmem:v45+s10+$0x0] =	vst.idx.add.f32.msk $0xffff, v2;
	v62 =	vand.u32 $0x7F, v52;
	v46 =	vor.u32 v30, v60  }
0x77d: {  	[tilespmem:v47+s10+$0x0] =	vst.idx.add.f32.msk $0xffff, v2;
	v30 =	vor.u32 v30, v62  }
.Ltmp72:
0x77e: {  	[tilespmem:v48+s10+$0x0] =	vst.idx.add.f32.msk $0xffff, v2;
	(pc) =	sbr.rel @!p1 .LBB2_99-.Ltmp72, $4  }
0x77f: {  	[tilespmem:v49+s10+$0x0] =	vst.idx.add.f32.msk $0xffff, v2  }
0x780: {  	v63 =	vmov s14;
	[tilespmem:v61+s10+$0x0] =	vst.idx.add.f32.msk $0xffff, v2  }
0x781: {  	v45 =	vand.u32 $0x79, v63;
	[tilespmem:v46+s10+$0x0] =	vst.idx.add.f32.msk $0xffff, v2  }
0x782: {  	s14 =	simm.s32 $0x8;
	p0 =	por $0x0, $0x0;
	v46 =	vshll.u32 v63, $0x3;
	[tilespmem:v30+s10+$0x0] =	vst.idx.add.f32.msk $0xffff, v2;
	v30 =	vand.u32 $0x7A, v44;
	v44 =	vshll.u32 v44, $0x3  }
0x783: {  	v24 =	vand.u32 $0x400, v46;
	v26 =	vor.u32 v21, v39  }
0x784: {  	v25 =	vand.u32 $0x400, v44;
	v29 =	vor.u32 v21, v42;
	v24 =	vor.u32 v24, v45  }
0x785: {  	v25 =	vor.u32 v25, v30;
	v24 =	vor.u32 v21, v24  }
0x786: {  	v27 =	vor.u32 v43, v33;
	v25 =	vor.u32 v21, v25  }
0x787: {  	s13 =	simm.s32 $0x0;
	v27 =	vor.u32 v21, v27  }
0x788: {  	v34 =	vor.u32 v21, v40;
	v26 =	vld.idx.msk [tilespmem:v26+s13+$0x0], $0xffff  }
0x789: {  	v30 =	vor.u32 v21, v41;
	v48 =	vld.idx.msk [tilespmem:v29+s13+$0x0], $0xffff  }
0x78a: {  	v54 =	vmov s14;
	s12 =	simm.s32 $0x9;
	v55 =	vor.u32 v21, v38;
	s28 =	simm.s32 $0xA;
	s29 =	simm.s32 $0xB;
	v37 =	vld.idx.msk [tilespmem:v24+s13+$0x0], $0xffff  }
0x78b: {  	s15 =	simm.s32 $0xC;
	s30 =	simm.s32 $0xD;
	v57 =	vmov s12;
	v59 =	vmov s28;
	v47 =	vmov s29;
	v56 =	vld.idx.msk [tilespmem:v25+s13+$0x0], $0xffff  }
0x78c: {  	v36 =	vmov s15;
	v35 =	vmov s30;
	v45 =	vand.u32 $0x79, v57;
	v58 =	vld.idx.msk [tilespmem:v27+s13+$0x0], $0xffff  }
0x78d: {  	s31 =	simm.s32 $0xE;
	v33 =	vand.u32 $0x7B, v47;
	v46 =	vshll.u32 v57, $0x3;
	v44 =	vshll.u32 v59, $0x3;
	v50 =	vld.idx.msk [tilespmem:v34+s13+$0x0], $0xffff  }
0x78e: {  	v29 =	vmov s31;
	v34 =	vand.u32 $0x7C, v36;
	v49 =	vld.idx.msk [tilespmem:v30+s13+$0x0], $0xffff;
	v26 =	vand.u32 $0x7F, v26  }
0x78f: {  	p1 =	por $0x1, $0x1;
	v30 =	vand.u32 $0x7A, v59;
	v51 =	vor.u32 v28, v26;
	v37 =	vand.u32 $0x7F, v37  }
.Ltmp73:
0x790: {  	v43 =	vld.idx.msk [tilespmem:v55+s13+$0x0], $0xffff;
	v27 =	vand.u32 $0x7D, v35;
	v60 =	vand.u32 $0x7F, v56;
	v41 =	vor.u32 v28, v37;
	(pc) =	sbr.rel @!p1 .LBB2_102-.Ltmp73, $4  }
0x791: {  	v24 =	vand.u32 $0x78, v54;
	v61 =	vand.u32 $0x7F, v58;
	v39 =	vor.u32 v28, v60  }
0x792: {  	v25 =	vshll.u32 v54, $0x3;
	v62 =	vand.u32 $0x7F, v48;
	v38 =	vor.u32 v28, v61  }
0x793: {  	v26 =	vand.u32 $0x7E, v29;
	v40 =	vor.u32 v28, v62;
	v63 =	vand.u32 $0x7F, v49  }
0x794: {  	s14 =	simm.s32 $0x10;
	p0 =	por $0x1, $0x1;
	s12 =	simm.s32 $0xF;
	v42 =	vor.u32 v28, v63;
	v37 =	vshll.u32 v47, $0x3;
	v47 =	vand.u32 $0x7F, v50;
	[tilespmem:v51+s10+$0x0] =	vst.idx.add.f32.msk $0xffff, v2  }
.LBB2_101:
0x795: {  	p1 =	slt.u32 s14, $0xC0;
	v48 =	vmov s12;
	v43 =	vand.u32 $0x7F, v43;
	[tilespmem:v41+s10+$0x0] =	vst.idx.add.f32.msk $0xffff, v2;
	v41 =	vor.u32 v28, v47  }
0x796: {  	v36 =	vshll.u32 v36, $0x3;
	v47 =	vshll.u32 v48, $0x3;
	v43 =	vor.u32 v28, v43;
	[tilespmem:v39+s10+$0x0] =	vst.idx.add.f32.msk $0xffff, v2  }
0x797: {  	v35 =	vshll.u32 v35, $0x3;
	v39 =	vand.u32 $0x7F, v48;
	v47 =	vand.u32 $0x400, v47;
	[tilespmem:v38+s10+$0x0] =	vst.idx.add.f32.msk $0xffff, v2  }
0x798: {  	v29 =	vshll.u32 v29, $0x3;
	v38 =	vand.u32 $0x400, v46;
	v39 =	vor.u32 v47, v39;
	[tilespmem:v40+s10+$0x0] =	vst.idx.add.f32.msk $0xffff, v2  }
0x799: {  	v38 =	vor.u32 v38, v45;
	v40 =	vand.u32 $0x400, v44;
	v39 =	vor.u32 v21, v39;
	[tilespmem:v42+s10+$0x0] =	vst.idx.add.f32.msk $0xffff, v2  }
0x79a: {  	v37 =	vand.u32 $0x400, v37;
	v38 =	vor.u32 v21, v38;
	v30 =	vor.u32 v40, v30;
	[tilespmem:v41+s10+$0x0] =	vst.idx.add.f32.msk $0xffff, v2  }
0x79b: {  	v33 =	vor.u32 v37, v33;
	v36 =	vand.u32 $0x400, v36;
	v30 =	vor.u32 v21, v30;
	[tilespmem:v43+s10+$0x0] =	vst.idx.add.f32.msk $0xffff, v2  }
0x79c: {  	v35 =	vand.u32 $0x400, v35;
	v33 =	vor.u32 v21, v33;
	v34 =	vor.u32 v36, v34  }
0x79d: {  	v29 =	vand.u32 $0x400, v29;
	v27 =	vor.u32 v35, v27;
	v34 =	vor.u32 v21, v34  }
0x79e: {  	v25 =	vand.u32 $0x400, v25;
	v26 =	vor.u32 v29, v26;
	v27 =	vor.u32 v21, v27;
	v37 =	vld.idx.msk [tilespmem:v39+s13+$0x0], $0xffff  }
0x79f: {  	v24 =	vor.u32 v25, v24;
	v26 =	vor.u32 v21, v26;
	v38 =	vld.idx.msk [tilespmem:v38+s13+$0x0], $0xffff  }
0x7a0: {  	s12 =	sadd.s32 $0x1, s14;
	v25 =	vmov s14;
	v39 =	vor.u32 v21, v24;
	v40 =	vld.idx.msk [tilespmem:v30+s13+$0x0], $0xffff  }
0x7a1: {  	s15 =	sadd.s32 $0x3, s14;
	s16 =	sadd.s32 $0x4, s14;
	v42 =	vmov s12;
	s12 =	sadd.s32 $0x2, s14;
	v24 =	vand.u32 $0x78, v25;
	v25 =	vshll.u32 v25, $0x3;
	v44 =	vld.idx.msk [tilespmem:v33+s13+$0x0], $0xffff  }
0x7a2: {  	v48 =	vmov s15;
	s15 =	sadd.s32 $0x6, s14;
	v36 =	vmov s16;
	v47 =	vmov s12;
	s12 =	sadd.s32 $0x5, s14;
	v49 =	vld.idx.msk [tilespmem:v34+s13+$0x0], $0xffff  }
0x7a3: {  	v29 =	vmov s15;
	v45 =	vand.u32 $0x79, v42;
	v35 =	vmov s12;
	v50 =	vld.idx.msk [tilespmem:v27+s13+$0x0], $0xffff  }
0x7a4: {  	v30 =	vand.u32 $0x7A, v47;
	v33 =	vand.u32 $0x7B, v48;
	v51 =	vld.idx.msk [tilespmem:v26+s13+$0x0], $0xffff;
	v26 =	vand.u32 $0x7F, v37  }
0x7a5: {  	v34 =	vand.u32 $0x7C, v36;
	v37 =	vand.u32 $0x7F, v38;
	v43 =	vld.idx.msk [tilespmem:v39+s13+$0x0], $0xffff;
	v52 =	vor.u32 v28, v26  }
.Ltmp74:
0x7a6: {  	v27 =	vand.u32 $0x7D, v35;
	v41 =	vor.u32 v28, v37;
	v37 =	vand.u32 $0x7F, v40;
	(pc) =	sbr.rel @p1 .LBB2_101-.Ltmp74, $4  }
0x7a7: {  	v26 =	vand.u32 $0x7E, v29;
	v39 =	vor.u32 v28, v37;
	v37 =	vand.u32 $0x7F, v44  }
0x7a8: {  	v46 =	vshll.u32 v42, $0x3;
	v38 =	vor.u32 v28, v37;
	v37 =	vand.u32 $0x7F, v49  }
0x7a9: {  	v44 =	vshll.u32 v47, $0x3;
	v40 =	vor.u32 v28, v37;
	v42 =	vand.u32 $0x7F, v50  }
0x7aa: {  	s12 =	sadd.s32 $0x7, s14;
	s14 =	sadd.s32 $0x8, s14;
	v37 =	vshll.u32 v48, $0x3;
	v42 =	vor.u32 v28, v42;
	v47 =	vand.u32 $0x7F, v51;
	[tilespmem:v52+s10+$0x0] =	vst.idx.add.f32.msk $0xffff, v2  }
.LBB2_102:
0x7ab: {  	v48 =	vmov s12;
	v36 =	vshll.u32 v36, $0x3;
	v35 =	vshll.u32 v35, $0x3  }
0x7ac: {  	v46 =	vand.u32 $0x400, v46;
	v29 =	vshll.u32 v29, $0x3;
	v44 =	vand.u32 $0x400, v44  }
0x7ad: {  	v37 =	vand.u32 $0x400, v37;
	v25 =	vand.u32 $0x400, v25;
	v45 =	vor.u32 v46, v45  }
0x7ae: {  	v49 =	vshll.u32 v48, $0x3;
	v30 =	vor.u32 v44, v30;
	v45 =	vor.u32 v21, v45  }
0x7af: {  	v48 =	vand.u32 $0x7F, v48;
	v33 =	vor.u32 v37, v33;
	v30 =	vor.u32 v21, v30  }
0x7b0: {  	v36 =	vand.u32 $0x400, v36;
	v24 =	vor.u32 v25, v24;
	v33 =	vor.u32 v21, v33  }
0x7b1: {  	v35 =	vand.u32 $0x400, v35;
	v34 =	vor.u32 v36, v34;
	v24 =	vor.u32 v21, v24  }
0x7b2: {  	s12 =	simm.s32 $0x0;
	v49 =	vand.u32 $0x400, v49;
	v27 =	vor.u32 v35, v27;
	v34 =	vor.u32 v21, v34  }
0x7b3: {  	v29 =	vand.u32 $0x400, v29;
	v48 =	vor.u32 v49, v48;
	v27 =	vor.u32 v21, v27;
	v25 =	vld.idx.msk [tilespmem:v45+s12+$0x0], $0xffff  }
0x7b4: {  	v26 =	vor.u32 v29, v26;
	v53 =	vor.u32 v21, v48;
	v30 =	vld.idx.msk [tilespmem:v30+s12+$0x0], $0xffff  }
0x7b5: {  	v26 =	vor.u32 v21, v26;
	v33 =	vld.idx.msk [tilespmem:v33+s12+$0x0], $0xffff  }
0x7b6: {  	v24 =	vld.idx.msk [tilespmem:v24+s12+$0x0], $0xffff  }
0x7b7: {  	v34 =	vld.idx.msk [tilespmem:v34+s12+$0x0], $0xffff  }
0x7b8: {  	v27 =	vld.idx.msk [tilespmem:v27+s12+$0x0], $0xffff  }
0x7b9: {  	s29 =	simm.s32 $0x5;
	v29 =	vld.idx.msk [tilespmem:v53+s12+$0x0], $0xffff  }
0x7ba: {  	v59 =	vmov s29;
	v35 =	vand.u32 @p0 $0x7F, v43;
	v26 =	vld.idx.msk [tilespmem:v26+s12+$0x0], $0xffff  }
0x7bb: {  	v36 =	vor.u32 @p0 v28, v47;
	v35 =	vor.u32 @p0 v28, v35;
	v25 =	vand.u32 $0x7F, v25  }
0x7bc: {  	v30 =	vand.u32 $0x7F, v30;
	v24 =	vand.u32 $0x7F, v24;
	v54 =	vor.u32 v28, v25  }
0x7bd: {  	[tilespmem:v41+s10+$0x0] =	vst.idx.add.f32.msk @p0 $0xffff, v2;
	v30 =	vor.u32 v28, v30;
	v25 =	vand.u32 $0x7F, v33;
	v27 =	vand.u32 $0x7F, v27  }
0x7be: {  	[tilespmem:v39+s10+$0x0] =	vst.idx.add.f32.msk @p0 $0xffff, v2;
	v29 =	vand.u32 $0x7F, v29;
	v55 =	vor.u32 v28, v25;
	v25 =	vand.u32 $0x7F, v34  }
0x7bf: {  	[tilespmem:v38+s10+$0x0] =	vst.idx.add.f32.msk @p0 $0xffff, v2;
	v57 =	vor.u32 v28, v27;
	v56 =	vor.u32 v28, v25;
	v25 =	vand.u32 $0x7F, v26  }
0x7c0: {  	[tilespmem:v40+s10+$0x0] =	vst.idx.add.f32.msk @p0 $0xffff, v2;
	s13 =	simm.s32 $0x7;
	v29 =	vor.u32 v28, v29;
	v26 =	vor.u32 v28, v25;
	v25 =	vmov s12  }
0x7c1: {  	[tilespmem:v42+s10+$0x0] =	vst.idx.add.f32.msk @p0 $0xffff, v2;
	v27 =	vmov s13;
	v28 =	vor.u32 v28, v24;
	v24 =	vshll.u32 v25, $0x3  }
0x7c2: {  	[tilespmem:v36+s10+$0x0] =	vst.idx.add.f32.msk @p0 $0xffff, v2;
	v58 =	vshll.u32 v27, $0x3;
	v25 =	vand.u32 $0x78, v25;
	v24 =	vand.u32 $0x400, v24  }
0x7c3: {  	s28 =	simm.s32 $0x6;
	s30 =	simm.s32 $0x4;
	[tilespmem:v35+s10+$0x0] =	vst.idx.add.f32.msk @p0 $0xffff, v2;
	v24 =	vor.u32 v24, v25;
	v25 =	vand.u32 $0x7F, v27;
	v27 =	vand.u32 $0x400, v58  }
0x7c4: {  	v60 =	vmov s30;
	[tilespmem:v54+s10+$0x0] =	vst.idx.add.f32.msk $0xffff, v2;
	v25 =	vor.u32 v27, v25;
	v27 =	vmov s28  }
0x7c5: {  	v61 =	vshll.u32 v60, $0x3;
	v35 =	vand.u32 $0x7C, v60;
	[tilespmem:v29+s10+$0x0] =	vst.idx.add.f32.msk $0xffff, v2;
	v29 =	vshll.u32 v27, $0x3  }
0x7c6: {  	[tilespmem:v30+s10+$0x0] =	vst.idx.add.f32.msk $0xffff, v2;
	v30 =	vshll.u32 v59, $0x3;
	v27 =	vand.u32 $0x7E, v27;
	v29 =	vand.u32 $0x400, v29  }
0x7c7: {  	s14 =	simm.s32 $0x3;
	p0 =	por $0x1, $0x1;
	[tilespmem:v55+s10+$0x0] =	vst.idx.add.f32.msk $0xffff, v2;
	v30 =	vand.u32 $0x400, v30;
	v27 =	vor.u32 v29, v27;
	v29 =	vand.u32 $0x7D, v59  }
.Ltmp75:
0x7c8: {  	[tilespmem:v57+s10+$0x0] =	vst.idx.add.f32.msk $0xffff, v2;
	v34 =	vor.u32 v22, v24;
	v29 =	vor.u32 v30, v29;
	v30 =	vmov s14;
	(pc) =	sbr.rel @!p0 .LBB2_104-.Ltmp75, $4  }
0x7c9: {  	v33 =	vor.u32 v22, v25;
	[tilespmem:v26+s10+$0x0] =	vst.idx.add.f32.msk $0xffff, v2;
	v26 =	vand.u32 $0x400, v61;
	v62 =	vshll.u32 v30, $0x3  }
0x7ca: {  	s31 =	simm.s32 $0x2;
	[tilespmem:v56+s10+$0x0] =	vst.idx.add.f32.msk $0xffff, v2;
	v63 =	vand.u32 $0x7B, v30;
	v30 =	vor.u32 v26, v35;
	v37 =	vand.u32 $0x400, v62  }
0x7cb: {  	[tilespmem:v28+s10+$0x0] =	vst.idx.add.f32.msk $0xffff, v2;
	v26 =	vmov s31;
	v35 =	vor.u32 v22, v27;
	v28 =	vor.u32 v37, v63  }
0x7cc: {  	s15 =	simm.s32 $0x1;
	s13 =	simm.s32 $0x1;
	s14 =	simm.s32 $0x8;
	v36 =	vor.u32 v22, v29;
	v38 =	vmovc v26;
	v37 =	vor.u32 v22, v30;
	v39 =	vmov v28  }
.LBB2_103:
0x7cd: {  	p1 =	slt.u32 s14, $0xC0;
	v40 =	vmov s15;
	v41 =	vshll.u32 v38, $0x3;
	v39 =	vor.u32 v22, v39  }
0x7ce: {  	v38 =	vand.u32 $0x7A, v38;
	v34 =	vld.idx.msk [tilespmem:v34+s12+$0x0], $0xffff;
	v42 =	vshll.u32 v40, $0x3;
	v41 =	vand.u32 $0x400, v41  }
0x7cf: {  	v40 =	vand.u32 $0x79, v40;
	v42 =	vand.u32 $0x400, v42;
	v38 =	vor.u32 v41, v38  }
0x7d0: {  	v41 =	vmov s14;
	v40 =	vor.u32 v42, v40;
	v38 =	vor.u32 v22, v38;
	v42 =	vld.idx.msk [tilespmem:v33+s12+$0x0], $0xffff  }
0x7d1: {  	s15 =	sadd.s32 $0x7, s14;
	v33 =	vshll.u32 v41, $0x3;
	v40 =	vor.u32 v22, v40;
	v35 =	vld.idx.msk [tilespmem:v35+s12+$0x0], $0xffff  }
0x7d2: {  	v43 =	vmov s15;
	v41 =	vand.u32 $0x78, v41;
	v33 =	vand.u32 $0x400, v33;
	v36 =	vld.idx.msk [tilespmem:v36+s12+$0x0], $0xffff  }
0x7d3: {  	v33 =	vor.u32 v33, v41;
	v41 =	vshll.u32 v43, $0x3;
	v37 =	vld.idx.msk [tilespmem:v37+s12+$0x0], $0xffff  }
0x7d4: {  	v43 =	vand.u32 $0x7F, v43;
	v41 =	vand.u32 $0x400, v41;
	v44 =	vand.u32 $0x7F, v34;
	v39 =	vld.idx.msk [tilespmem:v39+s12+$0x0], $0xffff  }
0x7d5: {  	s15 =	sadd.s32 $0x6, s14;
	v34 =	vor.u32 v22, v33;
	v33 =	vor.u32 v41, v43;
	v41 =	vor.u32 v32, v44;
	v38 =	vld.idx.msk [tilespmem:v38+s12+$0x0], $0xffff  }
0x7d6: {  	v43 =	vmov s15;
	v33 =	vor.u32 v22, v33;
	v42 =	vand.u32 $0x7F, v42;
	v40 =	vld.idx.msk [tilespmem:v40+s12+$0x0], $0xffff  }
0x7d7: {  	v44 =	vand.u32 $0x7E, v43;
	v35 =	vand.u32 $0x7F, v35;
	v42 =	vor.u32 v32, v42  }
0x7d8: {  	v43 =	vshll.u32 v43, $0x3;
	v36 =	vand.u32 $0x7F, v36;
	v35 =	vor.u32 v32, v35  }
0x7d9: {  	v43 =	vand.u32 $0x400, v43;
	v37 =	vand.u32 $0x7F, v37;
	v36 =	vor.u32 v32, v36  }
0x7da: {  	s15 =	sadd.s32 $0x5, s14;
	v43 =	vor.u32 v43, v44;
	v39 =	vand.u32 $0x7F, v39;
	v37 =	vor.u32 v32, v37  }
0x7db: {  	v44 =	vmov s15;
	v38 =	vand.u32 $0x7F, v38;
	v39 =	vor.u32 v32, v39;
	[tilespmem:v41+s10+$0x0] =	vst.idx.add.f32.msk $0xffff, v2  }
0x7dc: {  	v41 =	vshll.u32 v44, $0x3;
	v40 =	vand.u32 $0x7F, v40;
	v38 =	vor.u32 v32, v38;
	[tilespmem:v42+s10+$0x0] =	vst.idx.add.f32.msk $0xffff, v2  }
0x7dd: {  	s15 =	sadd.s32 $0x4, s14;
	v42 =	vand.u32 $0x7D, v44;
	v41 =	vand.u32 $0x400, v41;
	v40 =	vor.u32 v32, v40;
	[tilespmem:v35+s10+$0x0] =	vst.idx.add.f32.msk $0xffff, v2  }
.Ltmp76:
0x7de: {  	s16 =	sadd.s32 $0x3, s14;
	v44 =	vmov s15;
	v41 =	vor.u32 v41, v42;
	v35 =	vor.u32 v22, v43;
	[tilespmem:v36+s10+$0x0] =	vst.idx.add.f32.msk $0xffff, v2;
	(pc) =	sbr.rel @p1 .LBB2_103-.Ltmp76, $4  }
0x7df: {  	v42 =	vmov s16;
	v43 =	vshll.u32 v44, $0x3;
	v36 =	vor.u32 v22, v41;
	[tilespmem:v37+s10+$0x0] =	vst.idx.add.f32.msk $0xffff, v2  }
0x7e0: {  	v41 =	vand.u32 $0x7C, v44;
	v43 =	vand.u32 $0x400, v43;
	v37 =	vshll.u32 v42, $0x3;
	[tilespmem:v39+s10+$0x0] =	vst.idx.add.f32.msk $0xffff, v2  }
0x7e1: {  	s16 =	sadd.s32 $0x2, s14;
	v41 =	vor.u32 v43, v41;
	v39 =	vand.u32 $0x7B, v42;
	v37 =	vand.u32 $0x400, v37;
	[tilespmem:v38+s10+$0x0] =	vst.idx.add.f32.msk $0xffff, v2  }
0x7e2: {  	s15 =	sadd.s32 $0x1, s14;
	s14 =	sadd.s32 $0x8, s14;
	v38 =	vmov s16;
	v39 =	vor.u32 v37, v39;
	v37 =	vor.u32 v22, v41;
	[tilespmem:v40+s10+$0x0] =	vst.idx.add.f32.msk $0xffff, v2  }
.LBB2_104:
0x7e3: {  	_ =	sdelay $0x1  }
0x7e4: {  	v40 =	vmov s15;
	v41 =	vshll.u32 v38, $0x3;
	v39 =	vor.u32 v22, v39  }
0x7e5: {  	v59 =	vand.u32 $0x7A, v38;
	v42 =	vshll.u32 v40, $0x3;
	v41 =	vand.u32 $0x400, v41  }
0x7e6: {  	v34 =	vld.idx.msk [tilespmem:v34+s12+$0x0], $0xffff;
	v40 =	vand.u32 $0x79, v40;
	v42 =	vand.u32 $0x400, v42;
	v38 =	vor.u32 v41, v59  }
0x7e7: {  	v33 =	vld.idx.msk [tilespmem:v33+s12+$0x0], $0xffff;
	v40 =	vor.u32 v42, v40;
	v38 =	vor.u32 v22, v38  }
0x7e8: {  	v35 =	vld.idx.msk [tilespmem:v35+s12+$0x0], $0xffff;
	v40 =	vor.u32 v22, v40  }
0x7e9: {  	v36 =	vld.idx.msk [tilespmem:v36+s12+$0x0], $0xffff  }
0x7ea: {  	v37 =	vld.idx.msk [tilespmem:v37+s12+$0x0], $0xffff  }
0x7eb: {  	v34 =	vand.u32 $0x7F, v34;
	v39 =	vld.idx.msk [tilespmem:v39+s12+$0x0], $0xffff  }
0x7ec: {  	v33 =	vand.u32 $0x7F, v33;
	v34 =	vor.u32 v32, v34;
	v38 =	vld.idx.msk [tilespmem:v38+s12+$0x0], $0xffff  }
0x7ed: {  	v35 =	vand.u32 $0x7F, v35;
	v33 =	vor.u32 v32, v33;
	v40 =	vld.idx.msk [tilespmem:v40+s12+$0x0], $0xffff  }
0x7ee: {  	v36 =	vand.u32 $0x7F, v36;
	v35 =	vor.u32 v32, v35  }
0x7ef: {  	v37 =	vand.u32 $0x7F, v37;
	v36 =	vor.u32 v32, v36  }
0x7f0: {  	v37 =	vor.u32 v32, v37;
	v39 =	vand.u32 $0x7F, v39  }
0x7f1: {  	[tilespmem:v34+s10+$0x0] =	vst.idx.add.f32.msk $0xffff, v2;
	v61 =	vor.u32 v32, v39;
	v60 =	vand.u32 $0x7F, v38  }
0x7f2: {  	[tilespmem:v33+s10+$0x0] =	vst.idx.add.f32.msk $0xffff, v2;
	v62 =	vand.u32 $0x7F, v40;
	v34 =	vor.u32 v32, v60  }
0x7f3: {  	[tilespmem:v35+s10+$0x0] =	vst.idx.add.f32.msk $0xffff, v2;
	v63 =	vor.u32 v32, v62  }
.Ltmp77:
0x7f4: {  	[tilespmem:v36+s10+$0x0] =	vst.idx.add.f32.msk $0xffff, v2;
	(pc) =	sbr.rel @!p0 .LBB2_106-.Ltmp77, $4  }
0x7f5: {  	[tilespmem:v37+s10+$0x0] =	vst.idx.add.f32.msk $0xffff, v2;
	v32 =	vor.u32 v23, v24  }
0x7f6: {  	[tilespmem:v61+s10+$0x0] =	vst.idx.add.f32.msk $0xffff, v2  }
0x7f7: {  	v24 =	vor.u32 v23, v25;
	v25 =	vor.u32 v23, v27;
	[tilespmem:v34+s10+$0x0] =	vst.idx.add.f32.msk $0xffff, v2  }
0x7f8: {  	s12 =	simm.s32 $0x8;
	v27 =	vor.u32 v23, v29;
	v29 =	vor.u32 v23, v30;
	[tilespmem:v63+s10+$0x0] =	vst.idx.add.f32.msk $0xffff, v2  }
.LBB2_105:
0x7f9: {  	p0 =	slt.u32 s12, $0xC0;
	v30 =	vmov s13;
	v33 =	vshll.u32 v26, $0x3;
	v28 =	vor.u32 v23, v28  }
0x7fa: {  	v26 =	vand.u32 $0x7A, v26;
	v32 =	vld.idx.msk [tilespmem:v32+s1+$0x0], $0xffff;
	v34 =	vshll.u32 v30, $0x3;
	v33 =	vand.u32 $0x400, v33  }
0x7fb: {  	v30 =	vand.u32 $0x79, v30;
	v34 =	vand.u32 $0x400, v34;
	v26 =	vor.u32 v33, v26  }
0x7fc: {  	v33 =	vmov s12;
	v30 =	vor.u32 v34, v30;
	v26 =	vor.u32 v23, v26;
	v34 =	vld.idx.msk [tilespmem:v24+s1+$0x0], $0xffff  }
0x7fd: {  	s13 =	sadd.s32 $0x7, s12;
	v24 =	vshll.u32 v33, $0x3;
	v30 =	vor.u32 v23, v30;
	v25 =	vld.idx.msk [tilespmem:v25+s1+$0x0], $0xffff  }
0x7fe: {  	v35 =	vmov s13;
	v33 =	vand.u32 $0x78, v33;
	v24 =	vand.u32 $0x400, v24;
	v27 =	vld.idx.msk [tilespmem:v27+s1+$0x0], $0xffff  }
0x7ff: {  	v24 =	vor.u32 v24, v33;
	v33 =	vshll.u32 v35, $0x3;
	v29 =	vld.idx.msk [tilespmem:v29+s1+$0x0], $0xffff  }
0x800: {  	v35 =	vand.u32 $0x7F, v35;
	v33 =	vand.u32 $0x400, v33;
	v36 =	vand.u32 $0x7F, v32;
	v28 =	vld.idx.msk [tilespmem:v28+s1+$0x0], $0xffff  }
0x801: {  	s13 =	sadd.s32 $0x6, s12;
	v32 =	vor.u32 v23, v24;
	v24 =	vor.u32 v33, v35;
	v33 =	vor.u32 v31, v36;
	v26 =	vld.idx.msk [tilespmem:v26+s1+$0x0], $0xffff  }
0x802: {  	v35 =	vmov s13;
	v24 =	vor.u32 v23, v24;
	v34 =	vand.u32 $0x7F, v34;
	v30 =	vld.idx.msk [tilespmem:v30+s1+$0x0], $0xffff  }
0x803: {  	v36 =	vand.u32 $0x7E, v35;
	v25 =	vand.u32 $0x7F, v25;
	v34 =	vor.u32 v31, v34  }
0x804: {  	v35 =	vshll.u32 v35, $0x3;
	v27 =	vand.u32 $0x7F, v27;
	v25 =	vor.u32 v31, v25  }
0x805: {  	v35 =	vand.u32 $0x400, v35;
	v29 =	vand.u32 $0x7F, v29;
	v27 =	vor.u32 v31, v27  }
0x806: {  	s13 =	sadd.s32 $0x5, s12;
	v35 =	vor.u32 v35, v36;
	v28 =	vand.u32 $0x7F, v28;
	v29 =	vor.u32 v31, v29  }
0x807: {  	v36 =	vmov s13;
	v26 =	vand.u32 $0x7F, v26;
	v28 =	vor.u32 v31, v28;
	[tilespmem:v33+s10+$0x0] =	vst.idx.add.f32.msk $0xffff, v2  }
0x808: {  	v33 =	vshll.u32 v36, $0x3;
	v30 =	vand.u32 $0x7F, v30;
	v26 =	vor.u32 v31, v26;
	[tilespmem:v34+s10+$0x0] =	vst.idx.add.f32.msk $0xffff, v2  }
0x809: {  	s13 =	sadd.s32 $0x4, s12;
	v34 =	vand.u32 $0x7D, v36;
	v33 =	vand.u32 $0x400, v33;
	v30 =	vor.u32 v31, v30;
	[tilespmem:v25+s10+$0x0] =	vst.idx.add.f32.msk $0xffff, v2  }
.Ltmp78:
0x80a: {  	s14 =	sadd.s32 $0x3, s12;
	v36 =	vmov s13;
	v33 =	vor.u32 v33, v34;
	v25 =	vor.u32 v23, v35;
	[tilespmem:v27+s10+$0x0] =	vst.idx.add.f32.msk $0xffff, v2;
	(pc) =	sbr.rel @p0 .LBB2_105-.Ltmp78, $4  }
0x80b: {  	v34 =	vmov s14;
	v35 =	vshll.u32 v36, $0x3;
	v27 =	vor.u32 v23, v33;
	[tilespmem:v29+s10+$0x0] =	vst.idx.add.f32.msk $0xffff, v2  }
0x80c: {  	v33 =	vand.u32 $0x7C, v36;
	v35 =	vand.u32 $0x400, v35;
	v29 =	vshll.u32 v34, $0x3;
	[tilespmem:v28+s10+$0x0] =	vst.idx.add.f32.msk $0xffff, v2  }
0x80d: {  	s14 =	sadd.s32 $0x2, s12;
	v33 =	vor.u32 v35, v33;
	v28 =	vand.u32 $0x7B, v34;
	v29 =	vand.u32 $0x400, v29;
	[tilespmem:v26+s10+$0x0] =	vst.idx.add.f32.msk $0xffff, v2  }
0x80e: {  	s13 =	sadd.s32 $0x1, s12;
	s12 =	sadd.s32 $0x8, s12;
	v26 =	vmov s14;
	v28 =	vor.u32 v29, v28;
	v29 =	vor.u32 v23, v33;
	[tilespmem:v30+s10+$0x0] =	vst.idx.add.f32.msk $0xffff, v2  }
.LBB2_106:
0x80f: {  	_ =	sdelay $0x1  }
0x810: {  	v30 =	vmov s13;
	v33 =	vshll.u32 v26, $0x3;
	v28 =	vor.u32 v23, v28  }
0x811: {  	v62 =	vand.u32 $0x7A, v26;
	v34 =	vshll.u32 v30, $0x3;
	v33 =	vand.u32 $0x400, v33  }
0x812: {  	v32 =	vld.idx.msk [tilespmem:v32+s1+$0x0], $0xffff;
	v30 =	vand.u32 $0x79, v30;
	v34 =	vand.u32 $0x400, v34;
	v26 =	vor.u32 v33, v62  }
0x813: {  	v24 =	vld.idx.msk [tilespmem:v24+s1+$0x0], $0xffff;
	v30 =	vor.u32 v34, v30;
	v26 =	vor.u32 v23, v26  }
0x814: {  	v25 =	vld.idx.msk [tilespmem:v25+s1+$0x0], $0xffff;
	v30 =	vor.u32 v23, v30  }
0x815: {  	v27 =	vld.idx.msk [tilespmem:v27+s1+$0x0], $0xffff  }
0x816: {  	v29 =	vld.idx.msk [tilespmem:v29+s1+$0x0], $0xffff  }
0x817: {  	v32 =	vand.u32 $0x7F, v32;
	v28 =	vld.idx.msk [tilespmem:v28+s1+$0x0], $0xffff  }
0x818: {  	v24 =	vand.u32 $0x7F, v24;
	v32 =	vor.u32 v31, v32;
	v26 =	vld.idx.msk [tilespmem:v26+s1+$0x0], $0xffff  }
0x819: {  	v25 =	vand.u32 $0x7F, v25;
	v24 =	vor.u32 v31, v24;
	v30 =	vld.idx.msk [tilespmem:v30+s1+$0x0], $0xffff  }
0x81a: {  	v27 =	vand.u32 $0x7F, v27;
	v25 =	vor.u32 v31, v25  }
0x81b: {  	v29 =	vand.u32 $0x7F, v29;
	v27 =	vor.u32 v31, v27  }
0x81c: {  	v29 =	vor.u32 v31, v29;
	v28 =	vand.u32 $0x7F, v28  }
0x81d: {  	[tilespmem:v32+s10+$0x0] =	vst.idx.add.f32.msk $0xffff, v2;
	v28 =	vor.u32 v31, v28;
	v26 =	vand.u32 $0x7F, v26  }
0x81e: {  	[tilespmem:v24+s10+$0x0] =	vst.idx.add.f32.msk $0xffff, v2;
	v30 =	vand.u32 $0x7F, v30;
	v26 =	vor.u32 v31, v26  }
0x81f: {  	[tilespmem:v25+s10+$0x0] =	vst.idx.add.f32.msk $0xffff, v2;
	v63 =	vor.u32 v31, v30  }
0x820: {  	[tilespmem:v27+s10+$0x0] =	vst.idx.add.f32.msk $0xffff, v2  }
0x821: {  	[tilespmem:v29+s10+$0x0] =	vst.idx.add.f32.msk $0xffff, v2  }
0x822: {  	[tilespmem:v28+s10+$0x0] =	vst.idx.add.f32.msk $0xffff, v2  }
0x823: {  	s11 =	sadd.s32 $0x1, s11;
	[tilespmem:v26+s10+$0x0] =	vst.idx.add.f32.msk $0xffff, v2  }
0x824: {  	p0 =	sne.s32 s11, s8;
	[tilespmem:v63+s10+$0x0] =	vst.idx.add.f32.msk $0xffff, v2  }
0x825: {  	[hbm4b:s7+s1] =	stream.linear.scatter [tilespmem:s10], [sflag:$0x1], $0x8000, $0x38;
	[tilespmem:$0x18000] =	vst v63  }
.Ltmp79:
0x826: {  	_ = 	snop;
	(pc) =	sbr.rel @p0 .LBB2_1-.Ltmp79, $4  }
.Ltmp80:
0x827: {  	_ = 	snop;
	(pc) =	sbr.rel @!p0 .LBB2_107-.Ltmp80, $4  }
0x828: {  	_ =	swait.ge [sflag:s9], $0x8000  }
0x829: {  	[sflag:s9] =	ssyncset.done $0x0  }
0x82a: {  	[sflag:s9] =	ssyncadd.s32 $0xFFFF8000  }
0x82b: {  	_ = 	snop  }
.LBB2_6:
.Ltmp81:
0x82c: {  	(pc) =	sbr.rel .LBB2_9-.Ltmp81, $2  }
0x82d: {  	_ =	sdelay $0x2  }
0x82e: {  	_ = 	snop  }
.LBB2_12:
.Ltmp82:
0x82f: {  	(pc) =	sbr.rel .LBB2_15-.Ltmp82, $2  }
0x830: {  	_ =	sdelay $0x2  }
0x831: {  	_ = 	snop  }
.LBB2_18:
.Ltmp83:
0x832: {  	(pc) =	sbr.rel .LBB2_21-.Ltmp83, $2  }
0x833: {  	_ =	sdelay $0x2  }
0x834: {  	p1 =	por $0x0, $0x0  }
.LBB2_22:
.Ltmp84:
0x835: {  	(pc) =	sbr.rel .LBB2_26-.Ltmp84, $2  }
0x836: {  	_ =	sdelay $0x2  }
0x837: {  	s14 =	simm.s32 $0x0;
	v43 =	vmov v31  }
.LBB2_27:
.Ltmp85:
0x838: {  	(pc) =	sbr.rel .LBB2_30-.Ltmp85, $2  }
0x839: {  	_ =	sdelay $0x2  }
0x83a: {  	p1 =	por $0x0, $0x0  }
.LBB2_31:
.Ltmp86:
0x83b: {  	(pc) =	sbr.rel .LBB2_35-.Ltmp86, $2  }
0x83c: {  	_ =	sdelay $0x2  }
0x83d: {  	s14 =	simm.s32 $0x0;
	v45 =	vmov v33  }
.LBB2_36:
.Ltmp87:
0x83e: {  	(pc) =	sbr.rel .LBB2_39-.Ltmp87, $2  }
0x83f: {  	_ =	sdelay $0x2  }
0x840: {  	p1 =	por $0x0, $0x0  }
.LBB2_40:
.Ltmp88:
0x841: {  	(pc) =	sbr.rel .LBB2_44-.Ltmp88, $2  }
0x842: {  	_ =	sdelay $0x2  }
0x843: {  	s14 =	simm.s32 $0x0;
	v47 =	vmov v35  }
.LBB2_45:
.Ltmp89:
0x844: {  	(pc) =	sbr.rel .LBB2_48-.Ltmp89, $2  }
0x845: {  	_ =	sdelay $0x2  }
0x846: {  	p1 =	por $0x0, $0x0  }
.LBB2_49:
.Ltmp90:
0x847: {  	(pc) =	sbr.rel .LBB2_53-.Ltmp90, $2  }
0x848: {  	_ =	sdelay $0x2  }
0x849: {  	s14 =	simm.s32 $0x0;
	v49 =	vmov v37  }
.LBB2_54:
.Ltmp91:
0x84a: {  	(pc) =	sbr.rel .LBB2_57-.Ltmp91, $2  }
0x84b: {  	_ =	sdelay $0x2  }
0x84c: {  	p1 =	por $0x0, $0x0  }
.LBB2_58:
.Ltmp92:
0x84d: {  	(pc) =	sbr.rel .LBB2_62-.Ltmp92, $2  }
0x84e: {  	_ =	sdelay $0x2  }
0x84f: {  	s16 =	simm.s32 $0x0;
	v46 =	vmov v34  }
.LBB2_69:
.Ltmp93:
0x850: {  	(pc) =	sbr.rel .LBB2_72-.Ltmp93, $2  }
0x851: {  	_ =	sdelay $0x2  }
0x852: {  	_ = 	snop  }
.LBB2_75:
.Ltmp94:
0x853: {  	(pc) =	sbr.rel .LBB2_78-.Ltmp94, $2  }
0x854: {  	_ =	sdelay $0x2  }
0x855: {  	_ = 	snop  }
.LBB2_81:
.Ltmp95:
0x856: {  	(pc) =	sbr.rel .LBB2_84-.Ltmp95, $2  }
0x857: {  	_ =	sdelay $0x2  }
0x858: {  	_ = 	snop  }
.LBB2_87:
.Ltmp96:
0x859: {  	(pc) =	sbr.rel .LBB2_90-.Ltmp96, $2  }
0x85a: {  	_ =	sdelay $0x2  }
0x85b: {  	_ = 	snop  }
.LBB2_93:
.Ltmp97:
0x85c: {  	(pc) =	sbr.rel .LBB2_96-.Ltmp97, $2  }
0x85d: {  	_ =	sdelay $0x2  }
0x85e: {  	_ = 	snop  }
.LBB2_99:
.Ltmp98:
0x85f: {  	(pc) =	sbr.rel .LBB2_102-.Ltmp98, $2  }
0x860: {  	_ =	sdelay $0x2  }
0x861: {  	_ = 	snop  }
.LBB2_24:
.Ltmp99:
0x862: {  	(pc) =	sbr.rel .LBB2_26-.Ltmp99, $2  }
0x863: {  	_ =	sdelay $0x2  }
0x864: {  	s14 =	simm.s32 $0x8;
	v35 =	vmov v24  }
.LBB2_33:
.Ltmp100:
0x865: {  	(pc) =	sbr.rel .LBB2_35-.Ltmp100, $2  }
0x866: {  	_ =	sdelay $0x2  }
0x867: {  	s14 =	simm.s32 $0x8;
	v37 =	vmov v25  }
.LBB2_42:
.Ltmp101:
0x868: {  	(pc) =	sbr.rel .LBB2_44-.Ltmp101, $2  }
0x869: {  	_ =	sdelay $0x2  }
0x86a: {  	s14 =	simm.s32 $0x8;
	v39 =	vmov v26  }
.LBB2_51:
.Ltmp102:
0x86b: {  	(pc) =	sbr.rel .LBB2_53-.Ltmp102, $2  }
0x86c: {  	_ =	sdelay $0x2  }
0x86d: {  	s14 =	simm.s32 $0x8;
	v41 =	vmov v28  }
.LBB2_60:
.Ltmp103:
0x86e: {  	(pc) =	sbr.rel .LBB2_62-.Ltmp103, $2  }
0x86f: {  	_ =	sdelay $0x2  }
0x870: {  	s16 =	simm.s32 $0x8;
	v38 =	vmov v31  }
.LBB2_107:
0x871: {  	_ =	sfence.sel $0x180000  }
0x872: {  	[bflag:$0x0] =	sbarrier.arrive $0xFFFF  }
0x873: {  	p0 =	sne.s32 s2, $0x0;
	_ =	strace $0x90000047  }
0x874: {  	s0 =	sadd.s32 @!p0 $0x100000, s0;
	[bflag:$0x2] =	sbarrier.arrive $0xFFFF  }
0x875: {  	[sflag:s0] =	ssyncadd.tile.s32 @!p0 $0x1;
	_ =	shalt  }
.Lfunc_end2:
_tile_overlayer_lowered:
.L_overlay_start_2:
0x876: {  	(tag) =	ssettag $0x2  }
0x877: {  	s0 =	rddreg [dreg:$0x0];
	s2 =	stileid.u32  }
0x878: {  	s1 =	rddreg [dreg:$0x1];
	p0 =	sne.s32 s2, $0x0  }
0x879: {  	s3 =	rddreg [dreg:$0x2];
	[bflag:$0x3] =	sbarrier.arrive $0xFFFF;
	s2 =	simm.s32 @!p0 $0x1C01  }
0x87a: {  	[timem:s3], [sflag:s2] =	dma.local @!p0 [hbm:s0], s1  }
0x87b: {  	s0 =	simm.s32 @!p0 $0x1  }
0x87c: {  	_ =	swait.ge @!p0 [sflag:s0], s1  }
0x87d: {  	s1 =	ssub.s32 @!p0 $0x0, s1;
	[sflag:s0] =	ssyncset.done @!p0 $0x0  }
0x87e: {  	[sflag:s0] =	ssyncadd.s32 @!p0 s1  }
0x87f: {  	[bflag:$0x3] =	sbarrier.arrive $0xFFFF  }
0x880: {  	_ =	shalt  }

</sc_bundles>
